<compile_context>
chip_gen: v7x
topology: tpu7x:2x2x1
jax: 0.10.2.dev20260603
libtpu: 0.0.44.dev20260713+nightly
codegen_flags: <defaults>
</compile_context>

<pallas_src>
import functools

import jax
import jax.numpy as jnp
import numpy as np
from jax import lax
from jax.experimental import pallas as pl
from jax.experimental.pallas import tpu as pltpu
from jax.experimental.pallas import tpu_sc as plsc

N = 10000
E = 320000
D = 128
H = 128
OUT = 256
L = 5
B = 64
BN_EPS = 1e-5

NC = 2
NS = 16
NW = NC * NS
CHUNK = 128
NBUF = 2
EPW = E // NW
EPW_CH = -(-EPW // CHUNK)
PCH = 40
EPW_PAD = EPW_CH * CHUNK - EPW
NPAD = 10240
RPS = NPAD // NS

R = 1000
G = N // R


def _sc_scatter_add(h, src3, dst3, zeros_blk):
    mesh = plsc.VectorSubcoreMesh(core_axis_name="c", subcore_axis_name="s")

    @functools.partial(
        pl.kernel,
        mesh=mesh,
        out_type=jax.ShapeDtypeStruct((NC, NPAD, D), jnp.float32),
        scratch_types=[
            pltpu.VMEM((PCH, CHUNK), jnp.int32),
            pltpu.VMEM((PCH, CHUNK), jnp.int32),
            pltpu.VMEM((NBUF * CHUNK, D), jnp.float32),
            pltpu.VMEM_SHARED((NPAD, D), jnp.float32),
            pltpu.SemaphoreType.DMA,
            pltpu.SemaphoreType.DMA,
            pltpu.SemaphoreType.DMA,
            pltpu.SemaphoreType.DMA,
        ],
    )
    def k(
        h_hbm, src_hbm, dst_hbm, z_hbm, out_hbm,
        src_v, dst_v, rows_v, agg_sh, sga, sgb, ssa, ssb,
    ):
        c = lax.axis_index("c")
        s = lax.axis_index("s")
        wid = s * NC + c
        ra = rows_v.at[pl.ds(0, CHUNK)]
        rb = rows_v.at[pl.ds(CHUNK, CHUNK)]

        def drain(sem, buf):
            pltpu.make_async_copy(z_hbm, buf, sem).wait()

        pltpu.sync_copy(z_hbm, ra)

        def zc(q, carry):
            pltpu.async_copy(ra, agg_sh.at[pl.ds(s * RPS + q * CHUNK, CHUNK)], ssa)
            return carry

        lax.fori_loop(0, RPS // CHUNK, zc, 0)

        for ph in range(2):
            npairs = PCH // 2 if ph == 0 else (EPW_CH - PCH) // 2
            base = 0 if ph == 0 else PCH
            nch = PCH if ph == 0 else EPW_CH - base
            pltpu.sync_copy(src_hbm.at[wid, pl.ds(base, nch)], src_v.at[pl.ds(0, nch)])
            pltpu.sync_copy(dst_hbm.at[wid, pl.ds(base, nch)], dst_v.at[pl.ds(0, nch)])

            if ph == 0:
                def zdrain(q, carry):
                    drain(ssa, ra)
                    return carry

                lax.fori_loop(0, RPS // CHUNK, zdrain, 0)
                plsc.subcore_barrier()

            def edge_pair(t, carry):
                j = t * 2
                pltpu.async_copy(h_hbm.at[src_v.at[j]], ra, sga)
                pltpu.async_copy(h_hbm.at[src_v.at[j + 1]], rb, sgb)
                drain(sga, ra)
                pltpu.async_copy(ra, agg_sh.at[dst_v.at[j]], ssa, add=True)
                drain(sgb, rb)
                pltpu.async_copy(rb, agg_sh.at[dst_v.at[j + 1]], ssb, add=True)
                drain(ssa, ra)
                drain(ssb, rb)
                return carry

            lax.fori_loop(0, npairs, edge_pair, 0)
            if nch % 2 == 1:
                jt = nch - 1
                pltpu.async_copy(h_hbm.at[src_v.at[jt]], ra, sga)
                drain(sga, ra)
                pltpu.async_copy(ra, agg_sh.at[dst_v.at[jt]], ssa, add=True)
                drain(ssa, ra)

        plsc.subcore_barrier()

        pltpu.sync_copy(
            agg_sh.at[pl.ds(s * RPS, RPS)], out_hbm.at[c, pl.ds(s * RPS, RPS)]
        )

    return k(h, src3, dst3, zeros_blk)


def _mlp_mid(h, aggs, W1, b1, W2, b2):
    def body(h_ref, a_ref, w1_ref, b1_ref, w2_ref, b2_ref, out_ref):
        z = h_ref[...] + a_ref[0] + a_ref[1]
        z = jnp.dot(z, w1_ref[...], preferred_element_type=jnp.float32) + b1_ref[...]
        z = jnp.maximum(z, 0.0)
        z = jnp.dot(z, w2_ref[...], preferred_element_type=jnp.float32) + b2_ref[...]
        z = jnp.maximum(z, 0.0)
        out_ref[...] = h_ref[...] + z

    return pl.pallas_call(
        body,
        grid=(G,),
        in_specs=[
            pl.BlockSpec((R, D), lambda i: (i, 0)),
            pl.BlockSpec((NC, R, D), lambda i: (0, i, 0)),
            pl.BlockSpec((D, H), lambda i: (0, 0)),
            pl.BlockSpec((1, H), lambda i: (0, 0)),
            pl.BlockSpec((H, H), lambda i: (0, 0)),
            pl.BlockSpec((1, H), lambda i: (0, 0)),
        ],
        out_specs=pl.BlockSpec((R, D), lambda i: (i, 0)),
        out_shape=jax.ShapeDtypeStruct((N, D), jnp.float32),
    )(h, aggs, W1, b1, W2, b2)


def _mlp_last(h, aggs, W1, b1, W2, b2, batch2, Wout, bout):
    def body(
        h_ref, a_ref, w1_ref, b1_ref, w2_ref, b2_ref, bt_ref, wo_ref, bo_ref,
        out_ref, g_ref, sums_ref, cnts_ref,
    ):
        i = pl.program_id(0)
        z = h_ref[...] + a_ref[0] + a_ref[1]
        z = jnp.dot(z, w1_ref[...], preferred_element_type=jnp.float32) + b1_ref[...]
        z = jnp.maximum(z, 0.0)
        z = jnp.dot(z, w2_ref[...], preferred_element_type=jnp.float32) + b2_ref[...]
        z = jnp.maximum(z, 0.0)
        hnew = h_ref[...] + z
        out_ref[...] = hnew

        onehot = (
            bt_ref[...] == lax.broadcasted_iota(jnp.int32, (R, B), 1)
        ).astype(jnp.float32)
        part = lax.dot_general(
            onehot, hnew, (((0,), (0,)), ((), ())),
            preferred_element_type=jnp.float32,
        )
        cnt = lax.dot_general(
            onehot, jnp.ones((R, 1), jnp.float32), (((0,), (0,)), ((), ())),
            preferred_element_type=jnp.float32,
        )

        @pl.when(i == 0)
        def _():
            sums_ref[...] = part
            cnts_ref[...] = cnt

        @pl.when(i > 0)
        def _():
            sums_ref[...] += part
            cnts_ref[...] += cnt

        @pl.when(i == G - 1)
        def _():
            mean = sums_ref[...] / jnp.maximum(cnts_ref[...], 1.0)
            g_ref[...] = (
                jnp.dot(mean, wo_ref[...], preferred_element_type=jnp.float32)
                + bo_ref[...]
            )

    return pl.pallas_call(
        body,
        grid=(G,),
        in_specs=[
            pl.BlockSpec((R, D), lambda i: (i, 0)),
            pl.BlockSpec((NC, R, D), lambda i: (0, i, 0)),
            pl.BlockSpec((D, H), lambda i: (0, 0)),
            pl.BlockSpec((1, H), lambda i: (0, 0)),
            pl.BlockSpec((H, H), lambda i: (0, 0)),
            pl.BlockSpec((1, H), lambda i: (0, 0)),
            pl.BlockSpec((R, 1), lambda i: (i, 0)),
            pl.BlockSpec((H, OUT), lambda i: (0, 0)),
            pl.BlockSpec((1, OUT), lambda i: (0, 0)),
        ],
        out_specs=[
            pl.BlockSpec((R, D), lambda i: (i, 0)),
            pl.BlockSpec((B, OUT), lambda i: (0, 0)),
        ],
        out_shape=[
            jax.ShapeDtypeStruct((N, D), jnp.float32),
            jax.ShapeDtypeStruct((B, OUT), jnp.float32),
        ],
        scratch_shapes=[
            pltpu.VMEM((B, H), jnp.float32),
            pltpu.VMEM((B, 1), jnp.float32),
        ],
    )(h, aggs, W1, b1, W2, b2, batch2, Wout, bout)


def kernel(x, edge_index, batch, params):
    inv = np.float32(1.0 / np.sqrt(1.0 + BN_EPS))

    src = edge_index[0].reshape(NW, EPW)
    dst = edge_index[1].reshape(NW, EPW)
    src3 = jnp.concatenate(
        [src, jnp.zeros((NW, EPW_PAD), jnp.int32)], axis=1
    ).reshape(NW, EPW_CH, CHUNK)
    dpad = N + (jnp.arange(EPW_PAD, dtype=jnp.int32) % (NPAD - N))
    dst3 = jnp.concatenate(
        [dst, jnp.broadcast_to(dpad[None, :], (NW, EPW_PAD))], axis=1
    ).reshape(NW, EPW_CH, CHUNK)
    zeros_blk = jnp.zeros((CHUNK, D), jnp.float32)
    batch2 = batch.reshape(N, 1)

    Ws1, bs1, Ws2, bs2 = [], [], [], []
    for i in range(L):
        g1 = params["l%d_g1" % i] * inv
        Ws1.append(params["l%d_W1" % i] * g1[None, :])
        bs1.append((params["l%d_b1" % i] * g1 + params["l%d_be1" % i]).reshape(1, H))
        g2 = params["l%d_bng" % i] * inv
        Ws2.append(params["l%d_W2" % i] * g2[None, :])
        bs2.append((params["l%d_b2" % i] * g2 + params["l%d_bnb" % i]).reshape(1, H))

    h = x
    for i in range(L):
        aggs = _sc_scatter_add(h, src3, dst3, zeros_blk)
        if i < L - 1:
            h = _mlp_mid(h, aggs, Ws1[i], bs1[i], Ws2[i], bs2[i])
        else:
            h, graph = _mlp_last(
                h, aggs, Ws1[i], bs1[i], Ws2[i], bs2[i], batch2,
                params["Wout"], params["bout"].reshape(1, OUT),
            )
    return (graph, h)

# --- scband reference (transcript-rebuilt; emitter-appended) ---
"""Pipeline reference for scband-ginencoder-14912126452117 (READ-ONLY COPY).

The authoritative reference and input builder live on the scoring server;
editing this copy changes nothing except your own understanding.
"""

import jax, jax.numpy as jnp
import numpy as np

N = 10000
E = 320000
D = 128
H = 128
OUT = 256
L = 5
B = 64
BN_EPS = 1e-5


def setup_inputs(seed: int = 0) -> dict:
    key = jax.random.key(seed)
    ks = jax.random.split(key, 4 + 2 * L + 2)
    x = jax.random.normal(ks[0], (N, D), dtype=jnp.float32)
    edge_index = jax.random.randint(ks[1], (2, E), 0, N, dtype=jnp.int32)
    batch = jnp.sort(jax.random.randint(ks[2], (N,), 0, B, dtype=jnp.int32))
    params = {}
    kidx = 3
    for i in range(L):
        in_dim = D if i == 0 else H
        params['l%d_W1' % i] = jax.random.normal(ks[kidx], (in_dim, H), dtype=jnp.float32) * (1.0 / np.sqrt(in_dim)); kidx += 1
        params['l%d_b1' % i] = jnp.zeros((H,), dtype=jnp.float32)
        params['l%d_g1' % i] = jnp.ones((H,), dtype=jnp.float32)
        params['l%d_be1' % i] = jnp.zeros((H,), dtype=jnp.float32)
        params['l%d_W2' % i] = jax.random.normal(ks[kidx], (H, H), dtype=jnp.float32) * (1.0 / np.sqrt(H)); kidx += 1
        params['l%d_b2' % i] = jnp.zeros((H,), dtype=jnp.float32)
        params['l%d_bng' % i] = jnp.ones((H,), dtype=jnp.float32)
        params['l%d_bnb' % i] = jnp.zeros((H,), dtype=jnp.float32)
    params['Wout'] = jax.random.normal(ks[kidx], (H, OUT), dtype=jnp.float32) * (1.0 / np.sqrt(H))
    params['bout'] = jnp.zeros((OUT,), dtype=jnp.float32)
    return {'x': x, 'edge_index': edge_index, 'batch': batch, 'params': params}


def _forward(x, params, edge_index, batch):
    src = edge_index[0]
    dst = edge_index[1]
    inv = np.float32(1.0 / np.sqrt(1.0 + BN_EPS))
    h = x
    for i in range(L):
        # GINConv with eps=0: mlp((1+eps)*h + sum_{j in N(i)} h_j), scatter-add over dst
        agg = jnp.zeros_like(h).at[dst].add(h[src])
        z = h + agg
        # MLP: Linear -> BatchNorm1d(eval, running mean=0/var=1) -> ReLU -> Linear
        z = z @ params['l%d_W1' % i] + params['l%d_b1' % i]
        z = (z * inv) * params['l%d_g1' % i] + params['l%d_be1' % i]
        z = jax.nn.relu(z)
        z = z @ params['l%d_W2' % i] + params['l%d_b2' % i]
        # outer BatchNorm1d (eval) + ReLU (dropout is identity in eval)
        z = (z * inv) * params['l%d_bng' % i] + params['l%d_bnb' % i]
        z = jax.nn.relu(z)
        if h.shape[-1] == z.shape[-1]:
            h = h + z
        else:
            h = z
    node_emb = h
    # global mean pool
    sums = jax.ops.segment_sum(node_emb, batch, num_segments=B)
    counts = jax.ops.segment_sum(jnp.ones((node_emb.shape[0],), dtype=node_emb.dtype), batch, num_segments=B)
    graph_emb = sums / jnp.maximum(counts, 1.0)[:, None]
    graph_emb = graph_emb @ params['Wout'] + params['bout']
    return (graph_emb, node_emb)


def reference(x, edge_index, batch, params):
    return _forward(x, params, edge_index, batch)

if __name__ == "__main__":
    import jax
    _d = setup_inputs()
    print(jax.jit(kernel)(*tuple(_d.values())))

</pallas_src>

<mosaic_0001>
#map = affine_map<(d0, d1) -> (0, 0)>
#map1 = affine_map<(d0, d1) -> (0, 0, 0)>
module attributes {stable_mosaic.version = 14 : i64} {
  func.func @k(%arg0: i32, %arg1: i32, %arg2: memref<10000x128xf32, #tpu.memory_space<hbm>>, %arg3: memref<32x79x128xi32, #tpu.memory_space<hbm>>, %arg4: memref<32x79x128xi32, #tpu.memory_space<hbm>>, %arg5: memref<128x128xf32, #tpu.memory_space<hbm>>, %arg6: memref<2x10240x128xf32, #tpu.memory_space<hbm>>, %arg7: memref<40x128xi32, #tpu.memory_space<vmem>>, %arg8: memref<40x128xi32, #tpu.memory_space<vmem>>, %arg9: memref<256x128xf32, #tpu.memory_space<vmem>>, %arg10: memref<10240x128xf32, #tpu.memory_space<vmem_shared>>, %arg11: memref<!tpu.dma_semaphore, #tpu.memory_space<semaphore_mem>>, %arg12: memref<!tpu.dma_semaphore, #tpu.memory_space<semaphore_mem>>, %arg13: memref<!tpu.dma_semaphore, #tpu.memory_space<semaphore_mem>>, %arg14: memref<!tpu.dma_semaphore, #tpu.memory_space<semaphore_mem>>) attributes {dimension_semantics = [#tpu.dimension_semantics<core_parallel>, #tpu.dimension_semantics<subcore_parallel>], iteration_bounds = array<i64: 2, 16>, scalar_prefetch = 0 : i64, scratch_operands = 8 : i64, tpu.core_type = #tpu.core_type<sc_vector_subcore>, window_params = [{transform_indices = #map}, {transform_indices = #map1}, {transform_indices = #map1}, {transform_indices = #map}, {transform_indices = #map1}]} {
    %mul3A = arith.constant 2 : i32
    %mul3A_0 = arith.muli %arg1, %mul3A : i32
    %add3A = arith.addi %mul3A_0, %arg0 : i32
    "tpu.region"() ({
      %run_scoped3A = tpu.sem_alloc : memref<!tpu.dma_semaphore, #tpu.memory_space<semaphore_mem>>
      %dma_start3A_59 = arith.constant 0 : i32
      %dma_start3A_60 = arith.constant 0 : i32
      %dma_start3A_61 = tpu.memref_slice %arg9[%dma_start3A_59, %dma_start3A_60] : memref<256x128xf32, #tpu.memory_space<vmem>> -> memref<128x128xf32, #tpu.memory_space<vmem>>
      %dma_start3A_62 = arith.constant 0 : i32
      %dma_start3A_63 = arith.constant 0 : i32
      %dma_start3A_64 = tpu.memref_slice %arg9[%dma_start3A_62, %dma_start3A_63] : memref<256x128xf32, #tpu.memory_space<vmem>> -> memref<128x128xf32, #tpu.memory_space<vmem>>
      tpu.enqueue_dma source(%arg5 : memref<128x128xf32, #tpu.memory_space<hbm>>) target(%dma_start3A_64 : memref<128x128xf32, #tpu.memory_space<vmem>>) target_semaphore(%run_scoped3A : memref<!tpu.dma_semaphore, #tpu.memory_space<semaphore_mem>>)
      %dma_wait3A_65 = arith.constant 0 : i32
      %dma_wait3A_66 = arith.constant 0 : i32
      %dma_wait3A_67 = tpu.memref_slice %arg9[%dma_wait3A_65, %dma_wait3A_66] : memref<256x128xf32, #tpu.memory_space<vmem>> -> memref<128x128xf32, #tpu.memory_space<vmem>>
      %dma_wait3A_68 = arith.constant 0 : i32
      %dma_wait3A_69 = arith.constant 0 : i32
      %dma_wait3A_70 = tpu.memref_slice %arg9[%dma_wait3A_68, %dma_wait3A_69] : memref<256x128xf32, #tpu.memory_space<vmem>> -> memref<128x128xf32, #tpu.memory_space<vmem>>
      tpu.wait_dma2 semaphore(%run_scoped3A : memref<!tpu.dma_semaphore, #tpu.memory_space<semaphore_mem>>) src(%arg5 : memref<128x128xf32, #tpu.memory_space<hbm>>) dst(%dma_wait3A_70 : memref<128x128xf32, #tpu.memory_space<vmem>>)
      tpu.yield
    }) : () -> ()
    %scan3A = arith.constant 0 : i32
    %scan3A_1 = arith.constant 0 : i32
    %scan3A_2 = arith.constant 5 : i32
    %scan3A_3 = arith.addi %scan3A_1, %scan3A_2 : i32
    %scan3A_4 = arith.constant 1 : i32
    scf.for %scan3A_59 = %scan3A_1 to %scan3A_3 step %scan3A_4  : i32 {
      %mul3A_60 = arith.constant 640 : i32
      %mul3A_61 = arith.muli %arg1, %mul3A_60 : i32
      %mul3A_62 = arith.constant 128 : i32
      %mul3A_63 = arith.muli %scan3A_59, %mul3A_62 : i32
      %add3A_64 = arith.addi %mul3A_61, %mul3A_63 : i32
      %dma_start3A_65 = arith.constant 0 : i32
      %dma_start3A_66 = arith.constant 0 : i32
      %dma_start3A_67 = tpu.memref_slice %arg9[%dma_start3A_65, %dma_start3A_66] : memref<256x128xf32, #tpu.memory_space<vmem>> -> memref<128x128xf32, #tpu.memory_space<vmem>>
      %dma_start3A_68 = arith.constant 0 : i32
      %dma_start3A_69 = tpu.memref_slice %arg10[%add3A_64, %dma_start3A_68] : memref<10240x128xf32, #tpu.memory_space<vmem_shared>> -> memref<128x128xf32, #tpu.memory_space<vmem_shared>>
      %dma_start3A_70 = arith.constant 0 : i32
      %dma_start3A_71 = tpu.memref_slice %arg10[%add3A_64, %dma_start3A_70] : memref<10240x128xf32, #tpu.memory_space<vmem_shared>> -> memref<128x128xf32, #tpu.memory_space<vmem_shared>>
      %dma_start3A_72 = arith.constant 0 : i32
      %dma_start3A_73 = arith.constant 0 : i32
      %dma_start3A_74 = tpu.memref_slice %arg9[%dma_start3A_72, %dma_start3A_73] : memref<256x128xf32, #tpu.memory_space<vmem>> -> memref<128x128xf32, #tpu.memory_space<vmem>>
      tpu.enqueue_dma source(%dma_start3A_74 : memref<128x128xf32, #tpu.memory_space<vmem>>) target(%dma_start3A_71 : memref<128x128xf32, #tpu.memory_space<vmem_shared>>) target_semaphore(%arg13 : memref<!tpu.dma_semaphore, #tpu.memory_space<semaphore_mem>>)
    }
    %scan3A_5 = arith.constant 5 : i32
    "tpu.region"() ({
      %run_scoped3A = tpu.sem_alloc : memref<!tpu.dma_semaphore, #tpu.memory_space<semaphore_mem>>
      %dma_start3A_59 = arith.constant 0 : i32
      %dma_start3A_60 = arith.constant 0 : i32
      %dma_start3A_61 = tpu.memref_slice %arg7[%dma_start3A_59, %dma_start3A_60] : memref<40x128xi32, #tpu.memory_space<vmem>> -> memref<40x128xi32, #tpu.memory_space<vmem>>
      %dma_start3A_62 = arith.constant 0 : i32
      %dma_start3A_63 = arith.constant 0 : i32
      %dma_start3A_64 = tpu.memref_slice %arg3[%add3A, %dma_start3A_62, %dma_start3A_63] : memref<32x79x128xi32, #tpu.memory_space<hbm>> -> memref<1x40x128xi32, #tpu.memory_space<hbm>>
      %dma_start3A_65 = tpu.memref_squeeze %dma_start3A_64 : memref<1x40x128xi32, #tpu.memory_space<hbm>> -> memref<40x128xi32, #tpu.memory_space<hbm>>
      %dma_start3A_66 = arith.constant 0 : i32
      %dma_start3A_67 = arith.constant 0 : i32
      %dma_start3A_68 = tpu.memref_slice %arg7[%dma_start3A_66, %dma_start3A_67] : memref<40x128xi32, #tpu.memory_space<vmem>> -> memref<40x128xi32, #tpu.memory_space<vmem>>
      %dma_start3A_69 = arith.constant 0 : i32
      %dma_start3A_70 = arith.constant 0 : i32
      %dma_start3A_71 = tpu.memref_slice %arg3[%add3A, %dma_start3A_69, %dma_start3A_70] : memref<32x79x128xi32, #tpu.memory_space<hbm>> -> memref<1x40x128xi32, #tpu.memory_space<hbm>>
      %dma_start3A_72 = tpu.memref_squeeze %dma_start3A_71 : memref<1x40x128xi32, #tpu.memory_space<hbm>> -> memref<40x128xi32, #tpu.memory_space<hbm>>
      tpu.enqueue_dma source(%dma_start3A_72 : memref<40x128xi32, #tpu.memory_space<hbm>>) target(%dma_start3A_68 : memref<40x128xi32, #tpu.memory_space<vmem>>) target_semaphore(%run_scoped3A : memref<!tpu.dma_semaphore, #tpu.memory_space<semaphore_mem>>)
      %dma_wait3A_73 = arith.constant 0 : i32
      %dma_wait3A_74 = arith.constant 0 : i32
      %dma_wait3A_75 = tpu.memref_slice %arg7[%dma_wait3A_73, %dma_wait3A_74] : memref<40x128xi32, #tpu.memory_space<vmem>> -> memref<40x128xi32, #tpu.memory_space<vmem>>
      %dma_wait3A_76 = arith.constant 0 : i32
      %dma_wait3A_77 = arith.constant 0 : i32
      %dma_wait3A_78 = tpu.memref_slice %arg3[%add3A, %dma_wait3A_76, %dma_wait3A_77] : memref<32x79x128xi32, #tpu.memory_space<hbm>> -> memref<1x40x128xi32, #tpu.memory_space<hbm>>
      %dma_wait3A_79 = tpu.memref_squeeze %dma_wait3A_78 : memref<1x40x128xi32, #tpu.memory_space<hbm>> -> memref<40x128xi32, #tpu.memory_space<hbm>>
      %dma_wait3A_80 = arith.constant 0 : i32
      %dma_wait3A_81 = arith.constant 0 : i32
      %dma_wait3A_82 = tpu.memref_slice %arg7[%dma_wait3A_80, %dma_wait3A_81] : memref<40x128xi32, #tpu.memory_space<vmem>> -> memref<40x128xi32, #tpu.memory_space<vmem>>
      %dma_wait3A_83 = arith.constant 0 : i32
      %dma_wait3A_84 = arith.constant 0 : i32
      %dma_wait3A_85 = tpu.memref_slice %arg3[%add3A, %dma_wait3A_83, %dma_wait3A_84] : memref<32x79x128xi32, #tpu.memory_space<hbm>> -> memref<1x40x128xi32, #tpu.memory_space<hbm>>
      %dma_wait3A_86 = tpu.memref_squeeze %dma_wait3A_85 : memref<1x40x128xi32, #tpu.memory_space<hbm>> -> memref<40x128xi32, #tpu.memory_space<hbm>>
      tpu.wait_dma2 semaphore(%run_scoped3A : memref<!tpu.dma_semaphore, #tpu.memory_space<semaphore_mem>>) src(%dma_wait3A_86 : memref<40x128xi32, #tpu.memory_space<hbm>>) dst(%dma_wait3A_82 : memref<40x128xi32, #tpu.memory_space<vmem>>)
      tpu.yield
    }) : () -> ()
    "tpu.region"() ({
      %run_scoped3A = tpu.sem_alloc : memref<!tpu.dma_semaphore, #tpu.memory_space<semaphore_mem>>
      %dma_start3A_59 = arith.constant 0 : i32
      %dma_start3A_60 = arith.constant 0 : i32
      %dma_start3A_61 = tpu.memref_slice %arg8[%dma_start3A_59, %dma_start3A_60] : memref<40x128xi32, #tpu.memory_space<vmem>> -> memref<40x128xi32, #tpu.memory_space<vmem>>
      %dma_start3A_62 = arith.constant 0 : i32
      %dma_start3A_63 = arith.constant 0 : i32
      %dma_start3A_64 = tpu.memref_slice %arg4[%add3A, %dma_start3A_62, %dma_start3A_63] : memref<32x79x128xi32, #tpu.memory_space<hbm>> -> memref<1x40x128xi32, #tpu.memory_space<hbm>>
      %dma_start3A_65 = tpu.memref_squeeze %dma_start3A_64 : memref<1x40x128xi32, #tpu.memory_space<hbm>> -> memref<40x128xi32, #tpu.memory_space<hbm>>
      %dma_start3A_66 = arith.constant 0 : i32
      %dma_start3A_67 = arith.constant 0 : i32
      %dma_start3A_68 = tpu.memref_slice %arg8[%dma_start3A_66, %dma_start3A_67] : memref<40x128xi32, #tpu.memory_space<vmem>> -> memref<40x128xi32, #tpu.memory_space<vmem>>
      %dma_start3A_69 = arith.constant 0 : i32
      %dma_start3A_70 = arith.constant 0 : i32
      %dma_start3A_71 = tpu.memref_slice %arg4[%add3A, %dma_start3A_69, %dma_start3A_70] : memref<32x79x128xi32, #tpu.memory_space<hbm>> -> memref<1x40x128xi32, #tpu.memory_space<hbm>>
      %dma_start3A_72 = tpu.memref_squeeze %dma_start3A_71 : memref<1x40x128xi32, #tpu.memory_space<hbm>> -> memref<40x128xi32, #tpu.memory_space<hbm>>
      tpu.enqueue_dma source(%dma_start3A_72 : memref<40x128xi32, #tpu.memory_space<hbm>>) target(%dma_start3A_68 : memref<40x128xi32, #tpu.memory_space<vmem>>) target_semaphore(%run_scoped3A : memref<!tpu.dma_semaphore, #tpu.memory_space<semaphore_mem>>)
      %dma_wait3A_73 = arith.constant 0 : i32
      %dma_wait3A_74 = arith.constant 0 : i32
      %dma_wait3A_75 = tpu.memref_slice %arg8[%dma_wait3A_73, %dma_wait3A_74] : memref<40x128xi32, #tpu.memory_space<vmem>> -> memref<40x128xi32, #tpu.memory_space<vmem>>
      %dma_wait3A_76 = arith.constant 0 : i32
      %dma_wait3A_77 = arith.constant 0 : i32
      %dma_wait3A_78 = tpu.memref_slice %arg4[%add3A, %dma_wait3A_76, %dma_wait3A_77] : memref<32x79x128xi32, #tpu.memory_space<hbm>> -> memref<1x40x128xi32, #tpu.memory_space<hbm>>
      %dma_wait3A_79 = tpu.memref_squeeze %dma_wait3A_78 : memref<1x40x128xi32, #tpu.memory_space<hbm>> -> memref<40x128xi32, #tpu.memory_space<hbm>>
      %dma_wait3A_80 = arith.constant 0 : i32
      %dma_wait3A_81 = arith.constant 0 : i32
      %dma_wait3A_82 = tpu.memref_slice %arg8[%dma_wait3A_80, %dma_wait3A_81] : memref<40x128xi32, #tpu.memory_space<vmem>> -> memref<40x128xi32, #tpu.memory_space<vmem>>
      %dma_wait3A_83 = arith.constant 0 : i32
      %dma_wait3A_84 = arith.constant 0 : i32
      %dma_wait3A_85 = tpu.memref_slice %arg4[%add3A, %dma_wait3A_83, %dma_wait3A_84] : memref<32x79x128xi32, #tpu.memory_space<hbm>> -> memref<1x40x128xi32, #tpu.memory_space<hbm>>
      %dma_wait3A_86 = tpu.memref_squeeze %dma_wait3A_85 : memref<1x40x128xi32, #tpu.memory_space<hbm>> -> memref<40x128xi32, #tpu.memory_space<hbm>>
      tpu.wait_dma2 semaphore(%run_scoped3A : memref<!tpu.dma_semaphore, #tpu.memory_space<semaphore_mem>>) src(%dma_wait3A_86 : memref<40x128xi32, #tpu.memory_space<hbm>>) dst(%dma_wait3A_82 : memref<40x128xi32, #tpu.memory_space<vmem>>)
      tpu.yield
    }) : () -> ()
    %scan3A_6 = arith.constant 0 : i32
    %scan3A_7 = arith.constant 0 : i32
    %scan3A_8 = arith.constant 5 : i32
    %scan3A_9 = arith.addi %scan3A_7, %scan3A_8 : i32
    %scan3A_10 = arith.constant 1 : i32
    scf.for %scan3A_59 = %scan3A_7 to %scan3A_9 step %scan3A_10  : i32 {
      %dma_wait3A_60 = arith.constant 0 : i32
      %dma_wait3A_61 = arith.constant 0 : i32
      %dma_wait3A_62 = tpu.memref_slice %arg9[%dma_wait3A_60, %dma_wait3A_61] : memref<256x128xf32, #tpu.memory_space<vmem>> -> memref<128x128xf32, #tpu.memory_space<vmem>>
      %dma_wait3A_63 = arith.constant 0 : i32
      %dma_wait3A_64 = arith.constant 0 : i32
      %dma_wait3A_65 = tpu.memref_slice %arg9[%dma_wait3A_63, %dma_wait3A_64] : memref<256x128xf32, #tpu.memory_space<vmem>> -> memref<128x128xf32, #tpu.memory_space<vmem>>
      tpu.wait_dma2 semaphore(%arg13 : memref<!tpu.dma_semaphore, #tpu.memory_space<semaphore_mem>>) src(%arg5 : memref<128x128xf32, #tpu.memory_space<hbm>>) dst(%dma_wait3A_65 : memref<128x128xf32, #tpu.memory_space<vmem>>)
    }
    %scan3A_11 = arith.constant 5 : i32
    %barrier3A = arith.constant 0 : index
    tpu.barrier barrier_id(%barrier3A)
    %scan3A_12 = arith.constant 0 : i32
    %scan3A_13 = arith.constant 0 : i32
    %scan3A_14 = arith.constant 20 : i32
    %scan3A_15 = arith.addi %scan3A_13, %scan3A_14 : i32
    %scan3A_16 = arith.constant 1 : i32
    scf.for %scan3A_59 = %scan3A_13 to %scan3A_15 step %scan3A_16  : i32 {
      %mul3A_60 = arith.constant 2 : i32
      %mul3A_61 = arith.muli %scan3A_59, %mul3A_60 : i32
      %dma_start3A_62 = arith.constant 0 : i32
      %dma_start3A_63 = arith.constant 0 : i32
      %dma_start3A_64 = tpu.memref_slice %arg9[%dma_start3A_62, %dma_start3A_63] : memref<256x128xf32, #tpu.memory_space<vmem>> -> memref<128x128xf32, #tpu.memory_space<vmem>>
      %dma_start3A_65 = arith.constant 0 : i32
      %dma_start3A_66 = tpu.memref_slice %arg7[%mul3A_61, %dma_start3A_65] : memref<40x128xi32, #tpu.memory_space<vmem>> -> memref<1x128xi32, #tpu.memory_space<vmem>>
      %dma_start3A_67 = tpu.memref_squeeze %dma_start3A_66 : memref<1x128xi32, #tpu.memory_space<vmem>> -> memref<128xi32, #tpu.memory_space<vmem>>
      %dma_start3A_68 = arith.constant 0 : i32
      %dma_start3A_69 = arith.constant 0 : i32
      %dma_start3A_70 = tpu.memref_slice %arg2[%dma_start3A_68, %dma_start3A_69] : memref<10000x128xf32, #tpu.memory_space<hbm>> -> memref<10000x128xf32, #tpu.memory_space<hbm>>
      tpu.enqueue_indirect_dma source(%dma_start3A_70 : memref<10000x128xf32, #tpu.memory_space<hbm>>) target(%dma_start3A_64 : memref<128x128xf32, #tpu.memory_space<vmem>>) offsets(%dma_start3A_67 : memref<128xi32, #tpu.memory_space<vmem>>) semaphore(%arg11 : memref<!tpu.dma_semaphore, #tpu.memory_space<semaphore_mem>>)
      %add3A_71 = arith.constant 1 : i32
      %add3A_72 = arith.addi %mul3A_61, %add3A_71 : i32
      %dma_start3A_73 = arith.constant 128 : i32
      %dma_start3A_74 = arith.constant 0 : i32
      %dma_start3A_75 = tpu.memref_slice %arg9[%dma_start3A_73, %dma_start3A_74] : memref<256x128xf32, #tpu.memory_space<vmem>> -> memref<128x128xf32, #tpu.memory_space<vmem>>
      %dma_start3A_76 = arith.constant 0 : i32
      %dma_start3A_77 = tpu.memref_slice %arg7[%add3A_72, %dma_start3A_76] : memref<40x128xi32, #tpu.memory_space<vmem>> -> memref<1x128xi32, #tpu.memory_space<vmem>>
      %dma_start3A_78 = tpu.memref_squeeze %dma_start3A_77 : memref<1x128xi32, #tpu.memory_space<vmem>> -> memref<128xi32, #tpu.memory_space<vmem>>
      %dma_start3A_79 = arith.constant 0 : i32
      %dma_start3A_80 = arith.constant 0 : i32
      %dma_start3A_81 = tpu.memref_slice %arg2[%dma_start3A_79, %dma_start3A_80] : memref<10000x128xf32, #tpu.memory_space<hbm>> -> memref<10000x128xf32, #tpu.memory_space<hbm>>
      tpu.enqueue_indirect_dma source(%dma_start3A_81 : memref<10000x128xf32, #tpu.memory_space<hbm>>) target(%dma_start3A_75 : memref<128x128xf32, #tpu.memory_space<vmem>>) offsets(%dma_start3A_78 : memref<128xi32, #tpu.memory_space<vmem>>) semaphore(%arg12 : memref<!tpu.dma_semaphore, #tpu.memory_space<semaphore_mem>>)
      %dma_wait3A_82 = arith.constant 0 : i32
      %dma_wait3A_83 = arith.constant 0 : i32
      %dma_wait3A_84 = tpu.memref_slice %arg9[%dma_wait3A_82, %dma_wait3A_83] : memref<256x128xf32, #tpu.memory_space<vmem>> -> memref<128x128xf32, #tpu.memory_space<vmem>>
      %dma_wait3A_85 = arith.constant 0 : i32
      %dma_wait3A_86 = arith.constant 0 : i32
      %dma_wait3A_87 = tpu.memref_slice %arg9[%dma_wait3A_85, %dma_wait3A_86] : memref<256x128xf32, #tpu.memory_space<vmem>> -> memref<128x128xf32, #tpu.memory_space<vmem>>
      tpu.wait_dma2 semaphore(%arg11 : memref<!tpu.dma_semaphore, #tpu.memory_space<semaphore_mem>>) src(%arg5 : memref<128x128xf32, #tpu.memory_space<hbm>>) dst(%dma_wait3A_87 : memref<128x128xf32, #tpu.memory_space<vmem>>)
      %dma_start3A_88 = arith.constant 0 : i32
      %dma_start3A_89 = arith.constant 0 : i32
      %dma_start3A_90 = tpu.memref_slice %arg9[%dma_start3A_88, %dma_start3A_89] : memref<256x128xf32, #tpu.memory_space<vmem>> -> memref<128x128xf32, #tpu.memory_space<vmem>>
      %dma_start3A_91 = arith.constant 0 : i32
      %dma_start3A_92 = tpu.memref_slice %arg8[%mul3A_61, %dma_start3A_91] : memref<40x128xi32, #tpu.memory_space<vmem>> -> memref<1x128xi32, #tpu.memory_space<vmem>>
      %dma_start3A_93 = tpu.memref_squeeze %dma_start3A_92 : memref<1x128xi32, #tpu.memory_space<vmem>> -> memref<128xi32, #tpu.memory_space<vmem>>
      %dma_start3A_94 = arith.constant 0 : i32
      %dma_start3A_95 = arith.constant 0 : i32
      %dma_start3A_96 = tpu.memref_slice %arg10[%dma_start3A_94, %dma_start3A_95] : memref<10240x128xf32, #tpu.memory_space<vmem_shared>> -> memref<10240x128xf32, #tpu.memory_space<vmem_shared>>
      tpu.enqueue_indirect_dma source(%dma_start3A_90 : memref<128x128xf32, #tpu.memory_space<vmem>>) target(%dma_start3A_96 : memref<10240x128xf32, #tpu.memory_space<vmem_shared>>) offsets(%dma_start3A_93 : memref<128xi32, #tpu.memory_space<vmem>>) semaphore(%arg13 : memref<!tpu.dma_semaphore, #tpu.memory_space<semaphore_mem>>) {add = true}
      %dma_wait3A_97 = arith.constant 128 : i32
      %dma_wait3A_98 = arith.constant 0 : i32
      %dma_wait3A_99 = tpu.memref_slice %arg9[%dma_wait3A_97, %dma_wait3A_98] : memref<256x128xf32, #tpu.memory_space<vmem>> -> memref<128x128xf32, #tpu.memory_space<vmem>>
      %dma_wait3A_100 = arith.constant 128 : i32
      %dma_wait3A_101 = arith.constant 0 : i32
      %dma_wait3A_102 = tpu.memref_slice %arg9[%dma_wait3A_100, %dma_wait3A_101] : memref<256x128xf32, #tpu.memory_space<vmem>> -> memref<128x128xf32, #tpu.memory_space<vmem>>
      tpu.wait_dma2 semaphore(%arg12 : memref<!tpu.dma_semaphore, #tpu.memory_space<semaphore_mem>>) src(%arg5 : memref<128x128xf32, #tpu.memory_space<hbm>>) dst(%dma_wait3A_102 : memref<128x128xf32, #tpu.memory_space<vmem>>)
      %add3A_103 = arith.constant 1 : i32
      %add3A_104 = arith.addi %mul3A_61, %add3A_103 : i32
      %dma_start3A_105 = arith.constant 128 : i32
      %dma_start3A_106 = arith.constant 0 : i32
      %dma_start3A_107 = tpu.memref_slice %arg9[%dma_start3A_105, %dma_start3A_106] : memref<256x128xf32, #tpu.memory_space<vmem>> -> memref<128x128xf32, #tpu.memory_space<vmem>>
      %dma_start3A_108 = arith.constant 0 : i32
      %dma_start3A_109 = tpu.memref_slice %arg8[%add3A_104, %dma_start3A_108] : memref<40x128xi32, #tpu.memory_space<vmem>> -> memref<1x128xi32, #tpu.memory_space<vmem>>
      %dma_start3A_110 = tpu.memref_squeeze %dma_start3A_109 : memref<1x128xi32, #tpu.memory_space<vmem>> -> memref<128xi32, #tpu.memory_space<vmem>>
      %dma_start3A_111 = arith.constant 0 : i32
      %dma_start3A_112 = arith.constant 0 : i32
      %dma_start3A_113 = tpu.memref_slice %arg10[%dma_start3A_111, %dma_start3A_112] : memref<10240x128xf32, #tpu.memory_space<vmem_shared>> -> memref<10240x128xf32, #tpu.memory_space<vmem_shared>>
      tpu.enqueue_indirect_dma source(%dma_start3A_107 : memref<128x128xf32, #tpu.memory_space<vmem>>) target(%dma_start3A_113 : memref<10240x128xf32, #tpu.memory_space<vmem_shared>>) offsets(%dma_start3A_110 : memref<128xi32, #tpu.memory_space<vmem>>) semaphore(%arg14 : memref<!tpu.dma_semaphore, #tpu.memory_space<semaphore_mem>>) {add = true}
      %dma_wait3A_114 = arith.constant 0 : i32
      %dma_wait3A_115 = arith.constant 0 : i32
      %dma_wait3A_116 = tpu.memref_slice %arg9[%dma_wait3A_114, %dma_wait3A_115] : memref<256x128xf32, #tpu.memory_space<vmem>> -> memref<128x128xf32, #tpu.memory_space<vmem>>
      %dma_wait3A_117 = arith.constant 0 : i32
      %dma_wait3A_118 = arith.constant 0 : i32
      %dma_wait3A_119 = tpu.memref_slice %arg9[%dma_wait3A_117, %dma_wait3A_118] : memref<256x128xf32, #tpu.memory_space<vmem>> -> memref<128x128xf32, #tpu.memory_space<vmem>>
      tpu.wait_dma2 semaphore(%arg13 : memref<!tpu.dma_semaphore, #tpu.memory_space<semaphore_mem>>) src(%arg5 : memref<128x128xf32, #tpu.memory_space<hbm>>) dst(%dma_wait3A_119 : memref<128x128xf32, #tpu.memory_space<vmem>>)
      %dma_wait3A_120 = arith.constant 128 : i32
      %dma_wait3A_121 = arith.constant 0 : i32
      %dma_wait3A_122 = tpu.memref_slice %arg9[%dma_wait3A_120, %dma_wait3A_121] : memref<256x128xf32, #tpu.memory_space<vmem>> -> memref<128x128xf32, #tpu.memory_space<vmem>>
      %dma_wait3A_123 = arith.constant 128 : i32
      %dma_wait3A_124 = arith.constant 0 : i32
      %dma_wait3A_125 = tpu.memref_slice %arg9[%dma_wait3A_123, %dma_wait3A_124] : memref<256x128xf32, #tpu.memory_space<vmem>> -> memref<128x128xf32, #tpu.memory_space<vmem>>
      tpu.wait_dma2 semaphore(%arg14 : memref<!tpu.dma_semaphore, #tpu.memory_space<semaphore_mem>>) src(%arg5 : memref<128x128xf32, #tpu.memory_space<hbm>>) dst(%dma_wait3A_125 : memref<128x128xf32, #tpu.memory_space<vmem>>)
    }
    %scan3A_17 = arith.constant 20 : i32
    "tpu.region"() ({
      %run_scoped3A = tpu.sem_alloc : memref<!tpu.dma_semaphore, #tpu.memory_space<semaphore_mem>>
      %dma_start3A_59 = arith.constant 0 : i32
      %dma_start3A_60 = arith.constant 0 : i32
      %dma_start3A_61 = tpu.memref_slice %arg7[%dma_start3A_59, %dma_start3A_60] : memref<40x128xi32, #tpu.memory_space<vmem>> -> memref<39x128xi32, #tpu.memory_space<vmem>>
      %dma_start3A_62 = arith.constant 40 : i32
      %dma_start3A_63 = arith.constant 0 : i32
      %dma_start3A_64 = tpu.memref_slice %arg3[%add3A, %dma_start3A_62, %dma_start3A_63] : memref<32x79x128xi32, #tpu.memory_space<hbm>> -> memref<1x39x128xi32, #tpu.memory_space<hbm>>
      %dma_start3A_65 = tpu.memref_squeeze %dma_start3A_64 : memref<1x39x128xi32, #tpu.memory_space<hbm>> -> memref<39x128xi32, #tpu.memory_space<hbm>>
      %dma_start3A_66 = arith.constant 0 : i32
      %dma_start3A_67 = arith.constant 0 : i32
      %dma_start3A_68 = tpu.memref_slice %arg7[%dma_start3A_66, %dma_start3A_67] : memref<40x128xi32, #tpu.memory_space<vmem>> -> memref<39x128xi32, #tpu.memory_space<vmem>>
      %dma_start3A_69 = arith.constant 40 : i32
      %dma_start3A_70 = arith.constant 0 : i32
      %dma_start3A_71 = tpu.memref_slice %arg3[%add3A, %dma_start3A_69, %dma_start3A_70] : memref<32x79x128xi32, #tpu.memory_space<hbm>> -> memref<1x39x128xi32, #tpu.memory_space<hbm>>
      %dma_start3A_72 = tpu.memref_squeeze %dma_start3A_71 : memref<1x39x128xi32, #tpu.memory_space<hbm>> -> memref<39x128xi32, #tpu.memory_space<hbm>>
      tpu.enqueue_dma source(%dma_start3A_72 : memref<39x128xi32, #tpu.memory_space<hbm>>) target(%dma_start3A_68 : memref<39x128xi32, #tpu.memory_space<vmem>>) target_semaphore(%run_scoped3A : memref<!tpu.dma_semaphore, #tpu.memory_space<semaphore_mem>>)
      %dma_wait3A_73 = arith.constant 0 : i32
      %dma_wait3A_74 = arith.constant 0 : i32
      %dma_wait3A_75 = tpu.memref_slice %arg7[%dma_wait3A_73, %dma_wait3A_74] : memref<40x128xi32, #tpu.memory_space<vmem>> -> memref<39x128xi32, #tpu.memory_space<vmem>>
      %dma_wait3A_76 = arith.constant 40 : i32
      %dma_wait3A_77 = arith.constant 0 : i32
      %dma_wait3A_78 = tpu.memref_slice %arg3[%add3A, %dma_wait3A_76, %dma_wait3A_77] : memref<32x79x128xi32, #tpu.memory_space<hbm>> -> memref<1x39x128xi32, #tpu.memory_space<hbm>>
      %dma_wait3A_79 = tpu.memref_squeeze %dma_wait3A_78 : memref<1x39x128xi32, #tpu.memory_space<hbm>> -> memref<39x128xi32, #tpu.memory_space<hbm>>
      %dma_wait3A_80 = arith.constant 0 : i32
      %dma_wait3A_81 = arith.constant 0 : i32
      %dma_wait3A_82 = tpu.memref_slice %arg7[%dma_wait3A_80, %dma_wait3A_81] : memref<40x128xi32, #tpu.memory_space<vmem>> -> memref<39x128xi32, #tpu.memory_space<vmem>>
      %dma_wait3A_83 = arith.constant 40 : i32
      %dma_wait3A_84 = arith.constant 0 : i32
      %dma_wait3A_85 = tpu.memref_slice %arg3[%add3A, %dma_wait3A_83, %dma_wait3A_84] : memref<32x79x128xi32, #tpu.memory_space<hbm>> -> memref<1x39x128xi32, #tpu.memory_space<hbm>>
      %dma_wait3A_86 = tpu.memref_squeeze %dma_wait3A_85 : memref<1x39x128xi32, #tpu.memory_space<hbm>> -> memref<39x128xi32, #tpu.memory_space<hbm>>
      tpu.wait_dma2 semaphore(%run_scoped3A : memref<!tpu.dma_semaphore, #tpu.memory_space<semaphore_mem>>) src(%dma_wait3A_86 : memref<39x128xi32, #tpu.memory_space<hbm>>) dst(%dma_wait3A_82 : memref<39x128xi32, #tpu.memory_space<vmem>>)
      tpu.yield
    }) : () -> ()
    "tpu.region"() ({
      %run_scoped3A = tpu.sem_alloc : memref<!tpu.dma_semaphore, #tpu.memory_space<semaphore_mem>>
      %dma_start3A_59 = arith.constant 0 : i32
      %dma_start3A_60 = arith.constant 0 : i32
      %dma_start3A_61 = tpu.memref_slice %arg8[%dma_start3A_59, %dma_start3A_60] : memref<40x128xi32, #tpu.memory_space<vmem>> -> memref<39x128xi32, #tpu.memory_space<vmem>>
      %dma_start3A_62 = arith.constant 40 : i32
      %dma_start3A_63 = arith.constant 0 : i32
      %dma_start3A_64 = tpu.memref_slice %arg4[%add3A, %dma_start3A_62, %dma_start3A_63] : memref<32x79x128xi32, #tpu.memory_space<hbm>> -> memref<1x39x128xi32, #tpu.memory_space<hbm>>
      %dma_start3A_65 = tpu.memref_squeeze %dma_start3A_64 : memref<1x39x128xi32, #tpu.memory_space<hbm>> -> memref<39x128xi32, #tpu.memory_space<hbm>>
      %dma_start3A_66 = arith.constant 0 : i32
      %dma_start3A_67 = arith.constant 0 : i32
      %dma_start3A_68 = tpu.memref_slice %arg8[%dma_start3A_66, %dma_start3A_67] : memref<40x128xi32, #tpu.memory_space<vmem>> -> memref<39x128xi32, #tpu.memory_space<vmem>>
      %dma_start3A_69 = arith.constant 40 : i32
      %dma_start3A_70 = arith.constant 0 : i32
      %dma_start3A_71 = tpu.memref_slice %arg4[%add3A, %dma_start3A_69, %dma_start3A_70] : memref<32x79x128xi32, #tpu.memory_space<hbm>> -> memref<1x39x128xi32, #tpu.memory_space<hbm>>
      %dma_start3A_72 = tpu.memref_squeeze %dma_start3A_71 : memref<1x39x128xi32, #tpu.memory_space<hbm>> -> memref<39x128xi32, #tpu.memory_space<hbm>>
      tpu.enqueue_dma source(%dma_start3A_72 : memref<39x128xi32, #tpu.memory_space<hbm>>) target(%dma_start3A_68 : memref<39x128xi32, #tpu.memory_space<vmem>>) target_semaphore(%run_scoped3A : memref<!tpu.dma_semaphore, #tpu.memory_space<semaphore_mem>>)
      %dma_wait3A_73 = arith.constant 0 : i32
      %dma_wait3A_74 = arith.constant 0 : i32
      %dma_wait3A_75 = tpu.memref_slice %arg8[%dma_wait3A_73, %dma_wait3A_74] : memref<40x128xi32, #tpu.memory_space<vmem>> -> memref<39x128xi32, #tpu.memory_space<vmem>>
      %dma_wait3A_76 = arith.constant 40 : i32
      %dma_wait3A_77 = arith.constant 0 : i32
      %dma_wait3A_78 = tpu.memref_slice %arg4[%add3A, %dma_wait3A_76, %dma_wait3A_77] : memref<32x79x128xi32, #tpu.memory_space<hbm>> -> memref<1x39x128xi32, #tpu.memory_space<hbm>>
      %dma_wait3A_79 = tpu.memref_squeeze %dma_wait3A_78 : memref<1x39x128xi32, #tpu.memory_space<hbm>> -> memref<39x128xi32, #tpu.memory_space<hbm>>
      %dma_wait3A_80 = arith.constant 0 : i32
      %dma_wait3A_81 = arith.constant 0 : i32
      %dma_wait3A_82 = tpu.memref_slice %arg8[%dma_wait3A_80, %dma_wait3A_81] : memref<40x128xi32, #tpu.memory_space<vmem>> -> memref<39x128xi32, #tpu.memory_space<vmem>>
      %dma_wait3A_83 = arith.constant 40 : i32
      %dma_wait3A_84 = arith.constant 0 : i32
      %dma_wait3A_85 = tpu.memref_slice %arg4[%add3A, %dma_wait3A_83, %dma_wait3A_84] : memref<32x79x128xi32, #tpu.memory_space<hbm>> -> memref<1x39x128xi32, #tpu.memory_space<hbm>>
      %dma_wait3A_86 = tpu.memref_squeeze %dma_wait3A_85 : memref<1x39x128xi32, #tpu.memory_space<hbm>> -> memref<39x128xi32, #tpu.memory_space<hbm>>
      tpu.wait_dma2 semaphore(%run_scoped3A : memref<!tpu.dma_semaphore, #tpu.memory_space<semaphore_mem>>) src(%dma_wait3A_86 : memref<39x128xi32, #tpu.memory_space<hbm>>) dst(%dma_wait3A_82 : memref<39x128xi32, #tpu.memory_space<vmem>>)
      tpu.yield
    }) : () -> ()
    %scan3A_18 = arith.constant 0 : i32
    %scan3A_19 = arith.constant 0 : i32
    %scan3A_20 = arith.constant 19 : i32
    %scan3A_21 = arith.addi %scan3A_19, %scan3A_20 : i32
    %scan3A_22 = arith.constant 1 : i32
    scf.for %scan3A_59 = %scan3A_19 to %scan3A_21 step %scan3A_22  : i32 {
      %mul3A_60 = arith.constant 2 : i32
      %mul3A_61 = arith.muli %scan3A_59, %mul3A_60 : i32
      %dma_start3A_62 = arith.constant 0 : i32
      %dma_start3A_63 = arith.constant 0 : i32
      %dma_start3A_64 = tpu.memref_slice %arg9[%dma_start3A_62, %dma_start3A_63] : memref<256x128xf32, #tpu.memory_space<vmem>> -> memref<128x128xf32, #tpu.memory_space<vmem>>
      %dma_start3A_65 = arith.constant 0 : i32
      %dma_start3A_66 = tpu.memref_slice %arg7[%mul3A_61, %dma_start3A_65] : memref<40x128xi32, #tpu.memory_space<vmem>> -> memref<1x128xi32, #tpu.memory_space<vmem>>
      %dma_start3A_67 = tpu.memref_squeeze %dma_start3A_66 : memref<1x128xi32, #tpu.memory_space<vmem>> -> memref<128xi32, #tpu.memory_space<vmem>>
      %dma_start3A_68 = arith.constant 0 : i32
      %dma_start3A_69 = arith.constant 0 : i32
      %dma_start3A_70 = tpu.memref_slice %arg2[%dma_start3A_68, %dma_start3A_69] : memref<10000x128xf32, #tpu.memory_space<hbm>> -> memref<10000x128xf32, #tpu.memory_space<hbm>>
      tpu.enqueue_indirect_dma source(%dma_start3A_70 : memref<10000x128xf32, #tpu.memory_space<hbm>>) target(%dma_start3A_64 : memref<128x128xf32, #tpu.memory_space<vmem>>) offsets(%dma_start3A_67 : memref<128xi32, #tpu.memory_space<vmem>>) semaphore(%arg11 : memref<!tpu.dma_semaphore, #tpu.memory_space<semaphore_mem>>)
      %add3A_71 = arith.constant 1 : i32
      %add3A_72 = arith.addi %mul3A_61, %add3A_71 : i32
      %dma_start3A_73 = arith.constant 128 : i32
      %dma_start3A_74 = arith.constant 0 : i32
      %dma_start3A_75 = tpu.memref_slice %arg9[%dma_start3A_73, %dma_start3A_74] : memref<256x128xf32, #tpu.memory_space<vmem>> -> memref<128x128xf32, #tpu.memory_space<vmem>>
      %dma_start3A_76 = arith.constant 0 : i32
      %dma_start3A_77 = tpu.memref_slice %arg7[%add3A_72, %dma_start3A_76] : memref<40x128xi32, #tpu.memory_space<vmem>> -> memref<1x128xi32, #tpu.memory_space<vmem>>
      %dma_start3A_78 = tpu.memref_squeeze %dma_start3A_77 : memref<1x128xi32, #tpu.memory_space<vmem>> -> memref<128xi32, #tpu.memory_space<vmem>>
      %dma_start3A_79 = arith.constant 0 : i32
      %dma_start3A_80 = arith.constant 0 : i32
      %dma_start3A_81 = tpu.memref_slice %arg2[%dma_start3A_79, %dma_start3A_80] : memref<10000x128xf32, #tpu.memory_space<hbm>> -> memref<10000x128xf32, #tpu.memory_space<hbm>>
      tpu.enqueue_indirect_dma source(%dma_start3A_81 : memref<10000x128xf32, #tpu.memory_space<hbm>>) target(%dma_start3A_75 : memref<128x128xf32, #tpu.memory_space<vmem>>) offsets(%dma_start3A_78 : memref<128xi32, #tpu.memory_space<vmem>>) semaphore(%arg12 : memref<!tpu.dma_semaphore, #tpu.memory_space<semaphore_mem>>)
      %dma_wait3A_82 = arith.constant 0 : i32
      %dma_wait3A_83 = arith.constant 0 : i32
      %dma_wait3A_84 = tpu.memref_slice %arg9[%dma_wait3A_82, %dma_wait3A_83] : memref<256x128xf32, #tpu.memory_space<vmem>> -> memref<128x128xf32, #tpu.memory_space<vmem>>
      %dma_wait3A_85 = arith.constant 0 : i32
      %dma_wait3A_86 = arith.constant 0 : i32
      %dma_wait3A_87 = tpu.memref_slice %arg9[%dma_wait3A_85, %dma_wait3A_86] : memref<256x128xf32, #tpu.memory_space<vmem>> -> memref<128x128xf32, #tpu.memory_space<vmem>>
      tpu.wait_dma2 semaphore(%arg11 : memref<!tpu.dma_semaphore, #tpu.memory_space<semaphore_mem>>) src(%arg5 : memref<128x128xf32, #tpu.memory_space<hbm>>) dst(%dma_wait3A_87 : memref<128x128xf32, #tpu.memory_space<vmem>>)
      %dma_start3A_88 = arith.constant 0 : i32
      %dma_start3A_89 = arith.constant 0 : i32
      %dma_start3A_90 = tpu.memref_slice %arg9[%dma_start3A_88, %dma_start3A_89] : memref<256x128xf32, #tpu.memory_space<vmem>> -> memref<128x128xf32, #tpu.memory_space<vmem>>
      %dma_start3A_91 = arith.constant 0 : i32
      %dma_start3A_92 = tpu.memref_slice %arg8[%mul3A_61, %dma_start3A_91] : memref<40x128xi32, #tpu.memory_space<vmem>> -> memref<1x128xi32, #tpu.memory_space<vmem>>
      %dma_start3A_93 = tpu.memref_squeeze %dma_start3A_92 : memref<1x128xi32, #tpu.memory_space<vmem>> -> memref<128xi32, #tpu.memory_space<vmem>>
      %dma_start3A_94 = arith.constant 0 : i32
      %dma_start3A_95 = arith.constant 0 : i32
      %dma_start3A_96 = tpu.memref_slice %arg10[%dma_start3A_94, %dma_start3A_95] : memref<10240x128xf32, #tpu.memory_space<vmem_shared>> -> memref<10240x128xf32, #tpu.memory_space<vmem_shared>>
      tpu.enqueue_indirect_dma source(%dma_start3A_90 : memref<128x128xf32, #tpu.memory_space<vmem>>) target(%dma_start3A_96 : memref<10240x128xf32, #tpu.memory_space<vmem_shared>>) offsets(%dma_start3A_93 : memref<128xi32, #tpu.memory_space<vmem>>) semaphore(%arg13 : memref<!tpu.dma_semaphore, #tpu.memory_space<semaphore_mem>>) {add = true}
      %dma_wait3A_97 = arith.constant 128 : i32
      %dma_wait3A_98 = arith.constant 0 : i32
      %dma_wait3A_99 = tpu.memref_slice %arg9[%dma_wait3A_97, %dma_wait3A_98] : memref<256x128xf32, #tpu.memory_space<vmem>> -> memref<128x128xf32, #tpu.memory_space<vmem>>
      %dma_wait3A_100 = arith.constant 128 : i32
      %dma_wait3A_101 = arith.constant 0 : i32
      %dma_wait3A_102 = tpu.memref_slice %arg9[%dma_wait3A_100, %dma_wait3A_101] : memref<256x128xf32, #tpu.memory_space<vmem>> -> memref<128x128xf32, #tpu.memory_space<vmem>>
      tpu.wait_dma2 semaphore(%arg12 : memref<!tpu.dma_semaphore, #tpu.memory_space<semaphore_mem>>) src(%arg5 : memref<128x128xf32, #tpu.memory_space<hbm>>) dst(%dma_wait3A_102 : memref<128x128xf32, #tpu.memory_space<vmem>>)
      %add3A_103 = arith.constant 1 : i32
      %add3A_104 = arith.addi %mul3A_61, %add3A_103 : i32
      %dma_start3A_105 = arith.constant 128 : i32
      %dma_start3A_106 = arith.constant 0 : i32
      %dma_start3A_107 = tpu.memref_slice %arg9[%dma_start3A_105, %dma_start3A_106] : memref<256x128xf32, #tpu.memory_space<vmem>> -> memref<128x128xf32, #tpu.memory_space<vmem>>
      %dma_start3A_108 = arith.constant 0 : i32
      %dma_start3A_109 = tpu.memref_slice %arg8[%add3A_104, %dma_start3A_108] : memref<40x128xi32, #tpu.memory_space<vmem>> -> memref<1x128xi32, #tpu.memory_space<vmem>>
      %dma_start3A_110 = tpu.memref_squeeze %dma_start3A_109 : memref<1x128xi32, #tpu.memory_space<vmem>> -> memref<128xi32, #tpu.memory_space<vmem>>
      %dma_start3A_111 = arith.constant 0 : i32
      %dma_start3A_112 = arith.constant 0 : i32
      %dma_start3A_113 = tpu.memref_slice %arg10[%dma_start3A_111, %dma_start3A_112] : memref<10240x128xf32, #tpu.memory_space<vmem_shared>> -> memref<10240x128xf32, #tpu.memory_space<vmem_shared>>
      tpu.enqueue_indirect_dma source(%dma_start3A_107 : memref<128x128xf32, #tpu.memory_space<vmem>>) target(%dma_start3A_113 : memref<10240x128xf32, #tpu.memory_space<vmem_shared>>) offsets(%dma_start3A_110 : memref<128xi32, #tpu.memory_space<vmem>>) semaphore(%arg14 : memref<!tpu.dma_semaphore, #tpu.memory_space<semaphore_mem>>) {add = true}
      %dma_wait3A_114 = arith.constant 0 : i32
      %dma_wait3A_115 = arith.constant 0 : i32
      %dma_wait3A_116 = tpu.memref_slice %arg9[%dma_wait3A_114, %dma_wait3A_115] : memref<256x128xf32, #tpu.memory_space<vmem>> -> memref<128x128xf32, #tpu.memory_space<vmem>>
      %dma_wait3A_117 = arith.constant 0 : i32
      %dma_wait3A_118 = arith.constant 0 : i32
      %dma_wait3A_119 = tpu.memref_slice %arg9[%dma_wait3A_117, %dma_wait3A_118] : memref<256x128xf32, #tpu.memory_space<vmem>> -> memref<128x128xf32, #tpu.memory_space<vmem>>
      tpu.wait_dma2 semaphore(%arg13 : memref<!tpu.dma_semaphore, #tpu.memory_space<semaphore_mem>>) src(%arg5 : memref<128x128xf32, #tpu.memory_space<hbm>>) dst(%dma_wait3A_119 : memref<128x128xf32, #tpu.memory_space<vmem>>)
      %dma_wait3A_120 = arith.constant 128 : i32
      %dma_wait3A_121 = arith.constant 0 : i32
      %dma_wait3A_122 = tpu.memref_slice %arg9[%dma_wait3A_120, %dma_wait3A_121] : memref<256x128xf32, #tpu.memory_space<vmem>> -> memref<128x128xf32, #tpu.memory_space<vmem>>
      %dma_wait3A_123 = arith.constant 128 : i32
      %dma_wait3A_124 = arith.constant 0 : i32
      %dma_wait3A_125 = tpu.memref_slice %arg9[%dma_wait3A_123, %dma_wait3A_124] : memref<256x128xf32, #tpu.memory_space<vmem>> -> memref<128x128xf32, #tpu.memory_space<vmem>>
      tpu.wait_dma2 semaphore(%arg14 : memref<!tpu.dma_semaphore, #tpu.memory_space<semaphore_mem>>) src(%arg5 : memref<128x128xf32, #tpu.memory_space<hbm>>) dst(%dma_wait3A_125 : memref<128x128xf32, #tpu.memory_space<vmem>>)
    }
    %scan3A_23 = arith.constant 19 : i32
    %dma_start3A = arith.constant 38 : i32
    %dma_start3A_24 = arith.constant 0 : i32
    %dma_start3A_25 = arith.constant 0 : i32
    %dma_start3A_26 = tpu.memref_slice %arg9[%dma_start3A_24, %dma_start3A_25] : memref<256x128xf32, #tpu.memory_space<vmem>> -> memref<128x128xf32, #tpu.memory_space<vmem>>
    %dma_start3A_27 = arith.constant 0 : i32
    %dma_start3A_28 = tpu.memref_slice %arg7[%dma_start3A, %dma_start3A_27] : memref<40x128xi32, #tpu.memory_space<vmem>> -> memref<1x128xi32, #tpu.memory_space<vmem>>
    %dma_start3A_29 = tpu.memref_squeeze %dma_start3A_28 : memref<1x128xi32, #tpu.memory_space<vmem>> -> memref<128xi32, #tpu.memory_space<vmem>>
    %dma_start3A_30 = arith.constant 0 : i32
    %dma_start3A_31 = arith.constant 0 : i32
    %dma_start3A_32 = tpu.memref_slice %arg2[%dma_start3A_30, %dma_start3A_31] : memref<10000x128xf32, #tpu.memory_space<hbm>> -> memref<10000x128xf32, #tpu.memory_space<hbm>>
    tpu.enqueue_indirect_dma source(%dma_start3A_32 : memref<10000x128xf32, #tpu.memory_space<hbm>>) target(%dma_start3A_26 : memref<128x128xf32, #tpu.memory_space<vmem>>) offsets(%dma_start3A_29 : memref<128xi32, #tpu.memory_space<vmem>>) semaphore(%arg11 : memref<!tpu.dma_semaphore, #tpu.memory_space<semaphore_mem>>)
    %dma_wait3A = arith.constant 0 : i32
    %dma_wait3A_33 = arith.constant 0 : i32
    %dma_wait3A_34 = tpu.memref_slice %arg9[%dma_wait3A, %dma_wait3A_33] : memref<256x128xf32, #tpu.memory_space<vmem>> -> memref<128x128xf32, #tpu.memory_space<vmem>>
    %dma_wait3A_35 = arith.constant 0 : i32
    %dma_wait3A_36 = arith.constant 0 : i32
    %dma_wait3A_37 = tpu.memref_slice %arg9[%dma_wait3A_35, %dma_wait3A_36] : memref<256x128xf32, #tpu.memory_space<vmem>> -> memref<128x128xf32, #tpu.memory_space<vmem>>
    tpu.wait_dma2 semaphore(%arg11 : memref<!tpu.dma_semaphore, #tpu.memory_space<semaphore_mem>>) src(%arg5 : memref<128x128xf32, #tpu.memory_space<hbm>>) dst(%dma_wait3A_37 : memref<128x128xf32, #tpu.memory_space<vmem>>)
    %dma_start3A_38 = arith.constant 38 : i32
    %dma_start3A_39 = arith.constant 0 : i32
    %dma_start3A_40 = arith.constant 0 : i32
    %dma_start3A_41 = tpu.memref_slice %arg9[%dma_start3A_39, %dma_start3A_40] : memref<256x128xf32, #tpu.memory_space<vmem>> -> memref<128x128xf32, #tpu.memory_space<vmem>>
    %dma_start3A_42 = arith.constant 0 : i32
    %dma_start3A_43 = tpu.memref_slice %arg8[%dma_start3A_38, %dma_start3A_42] : memref<40x128xi32, #tpu.memory_space<vmem>> -> memref<1x128xi32, #tpu.memory_space<vmem>>
    %dma_start3A_44 = tpu.memref_squeeze %dma_start3A_43 : memref<1x128xi32, #tpu.memory_space<vmem>> -> memref<128xi32, #tpu.memory_space<vmem>>
    %dma_start3A_45 = arith.constant 0 : i32
    %dma_start3A_46 = arith.constant 0 : i32
    %dma_start3A_47 = tpu.memref_slice %arg10[%dma_start3A_45, %dma_start3A_46] : memref<10240x128xf32, #tpu.memory_space<vmem_shared>> -> memref<10240x128xf32, #tpu.memory_space<vmem_shared>>
    tpu.enqueue_indirect_dma source(%dma_start3A_41 : memref<128x128xf32, #tpu.memory_space<vmem>>) target(%dma_start3A_47 : memref<10240x128xf32, #tpu.memory_space<vmem_shared>>) offsets(%dma_start3A_44 : memref<128xi32, #tpu.memory_space<vmem>>) semaphore(%arg13 : memref<!tpu.dma_semaphore, #tpu.memory_space<semaphore_mem>>) {add = true}
    %dma_wait3A_48 = arith.constant 0 : i32
    %dma_wait3A_49 = arith.constant 0 : i32
    %dma_wait3A_50 = tpu.memref_slice %arg9[%dma_wait3A_48, %dma_wait3A_49] : memref<256x128xf32, #tpu.memory_space<vmem>> -> memref<128x128xf32, #tpu.memory_space<vmem>>
    %dma_wait3A_51 = arith.constant 0 : i32
    %dma_wait3A_52 = arith.constant 0 : i32
    %dma_wait3A_53 = tpu.memref_slice %arg9[%dma_wait3A_51, %dma_wait3A_52] : memref<256x128xf32, #tpu.memory_space<vmem>> -> memref<128x128xf32, #tpu.memory_space<vmem>>
    tpu.wait_dma2 semaphore(%arg13 : memref<!tpu.dma_semaphore, #tpu.memory_space<semaphore_mem>>) src(%arg5 : memref<128x128xf32, #tpu.memory_space<hbm>>) dst(%dma_wait3A_53 : memref<128x128xf32, #tpu.memory_space<vmem>>)
    %barrier3A_54 = arith.constant 0 : index
    tpu.barrier barrier_id(%barrier3A_54)
    %mul3A_55 = arith.constant 640 : i32
    %mul3A_56 = arith.muli %arg1, %mul3A_55 : i32
    %mul3A_57 = arith.constant 640 : i32
    %mul3A_58 = arith.muli %arg1, %mul3A_57 : i32
    "tpu.region"() ({
      %run_scoped3A = tpu.sem_alloc : memref<!tpu.dma_semaphore, #tpu.memory_space<semaphore_mem>>
      %dma_start3A_59 = arith.constant 0 : i32
      %dma_start3A_60 = tpu.memref_slice %arg6[%arg0, %mul3A_58, %dma_start3A_59] : memref<2x10240x128xf32, #tpu.memory_space<hbm>> -> memref<1x640x128xf32, #tpu.memory_space<hbm>>
      %dma_start3A_61 = tpu.memref_squeeze %dma_start3A_60 : memref<1x640x128xf32, #tpu.memory_space<hbm>> -> memref<640x128xf32, #tpu.memory_space<hbm>>
      %dma_start3A_62 = arith.constant 0 : i32
      %dma_start3A_63 = tpu.memref_slice %arg10[%mul3A_56, %dma_start3A_62] : memref<10240x128xf32, #tpu.memory_space<vmem_shared>> -> memref<640x128xf32, #tpu.memory_space<vmem_shared>>
      tpu.enqueue_dma source(%dma_start3A_63 : memref<640x128xf32, #tpu.memory_space<vmem_shared>>) target(%dma_start3A_61 : memref<640x128xf32, #tpu.memory_space<hbm>>) target_semaphore(%run_scoped3A : memref<!tpu.dma_semaphore, #tpu.memory_space<semaphore_mem>>)
      %dma_wait3A_64 = arith.constant 0 : i32
      %dma_wait3A_65 = tpu.memref_slice %arg6[%arg0, %mul3A_58, %dma_wait3A_64] : memref<2x10240x128xf32, #tpu.memory_space<hbm>> -> memref<1x640x128xf32, #tpu.memory_space<hbm>>
      %dma_wait3A_66 = tpu.memref_squeeze %dma_wait3A_65 : memref<1x640x128xf32, #tpu.memory_space<hbm>> -> memref<640x128xf32, #tpu.memory_space<hbm>>
      %dma_wait3A_67 = arith.constant 0 : i32
      %dma_wait3A_68 = tpu.memref_slice %arg10[%mul3A_56, %dma_wait3A_67] : memref<10240x128xf32, #tpu.memory_space<vmem_shared>> -> memref<640x128xf32, #tpu.memory_space<vmem_shared>>
      tpu.wait_dma2 semaphore(%run_scoped3A : memref<!tpu.dma_semaphore, #tpu.memory_space<semaphore_mem>>) src(%dma_wait3A_68 : memref<640x128xf32, #tpu.memory_space<vmem_shared>>) dst(%dma_wait3A_66 : memref<640x128xf32, #tpu.memory_space<hbm>>)
      tpu.yield
    }) : () -> ()
    return
  }
}

#map = affine_map<(d0, d1) -> (0, 0)>
#map1 = affine_map<(d0, d1) -> (0, 0, 0)>
module attributes {stable_mosaic.version = 14 : i64} {
  func.func @k(%arg0: i32, %arg1: i32, %arg2: memref<10000x128xf32, #tpu.memory_space<hbm>>, %arg3: memref<32x79x128xi32, #tpu.memory_space<hbm>>, %arg4: memref<32x79x128xi32, #tpu.memory_space<hbm>>, %arg5: memref<128x128xf32, #tpu.memory_space<hbm>>, %arg6: memref<2x10240x128xf32, #tpu.memory_space<hbm>>, %arg7: memref<40x128xi32, #tpu.memory_space<vmem>>, %arg8: memref<40x128xi32, #tpu.memory_space<vmem>>, %arg9: memref<256x128xf32, #tpu.memory_space<vmem>>, %arg10: memref<10240x128xf32, #tpu.memory_space<vmem_shared>>, %arg11: memref<!tpu.dma_semaphore, #tpu.memory_space<semaphore_mem>>, %arg12: memref<!tpu.dma_semaphore, #tpu.memory_space<semaphore_mem>>, %arg13: memref<!tpu.dma_semaphore, #tpu.memory_space<semaphore_mem>>, %arg14: memref<!tpu.dma_semaphore, #tpu.memory_space<semaphore_mem>>) attributes {dimension_semantics = [#tpu.dimension_semantics<core_parallel>, #tpu.dimension_semantics<subcore_parallel>], iteration_bounds = array<i64: 2, 16>, scalar_prefetch = 0 : i64, scratch_operands = 8 : i64, tpu.core_type = #tpu.core_type<sc_vector_subcore>, window_params = [{transform_indices = #map}, {transform_indices = #map1}, {transform_indices = #map1}, {transform_indices = #map}, {transform_indices = #map1}]} {
    %mul3A = arith.constant 2 : i32
    %mul3A_0 = arith.muli %arg1, %mul3A : i32
    %add3A = arith.addi %mul3A_0, %arg0 : i32
    "tpu.region"() ({
      %run_scoped3A = tpu.sem_alloc : memref<!tpu.dma_semaphore, #tpu.memory_space<semaphore_mem>>
      %dma_start3A_59 = arith.constant 0 : i32
      %dma_start3A_60 = arith.constant 0 : i32
      %dma_start3A_61 = tpu.memref_slice %arg9[%dma_start3A_59, %dma_start3A_60] : memref<256x128xf32, #tpu.memory_space<vmem>> -> memref<128x128xf32, #tpu.memory_space<vmem>>
      %dma_start3A_62 = arith.constant 0 : i32
      %dma_start3A_63 = arith.constant 0 : i32
      %dma_start3A_64 = tpu.memref_slice %arg9[%dma_start3A_62, %dma_start3A_63] : memref<256x128xf32, #tpu.memory_space<vmem>> -> memref<128x128xf32, #tpu.memory_space<vmem>>
      tpu.enqueue_dma source(%arg5 : memref<128x128xf32, #tpu.memory_space<hbm>>) target(%dma_start3A_64 : memref<128x128xf32, #tpu.memory_space<vmem>>) target_semaphore(%run_scoped3A : memref<!tpu.dma_semaphore, #tpu.memory_space<semaphore_mem>>)
      %dma_wait3A_65 = arith.constant 0 : i32
      %dma_wait3A_66 = arith.constant 0 : i32
      %dma_wait3A_67 = tpu.memref_slice %arg9[%dma_wait3A_65, %dma_wait3A_66] : memref<256x128xf32, #tpu.memory_space<vmem>> -> memref<128x128xf32, #tpu.memory_space<vmem>>
      %dma_wait3A_68 = arith.constant 0 : i32
      %dma_wait3A_69 = arith.constant 0 : i32
      %dma_wait3A_70 = tpu.memref_slice %arg9[%dma_wait3A_68, %dma_wait3A_69] : memref<256x128xf32, #tpu.memory_space<vmem>> -> memref<128x128xf32, #tpu.memory_space<vmem>>
      tpu.wait_dma2 semaphore(%run_scoped3A : memref<!tpu.dma_semaphore, #tpu.memory_space<semaphore_mem>>) src(%arg5 : memref<128x128xf32, #tpu.memory_space<hbm>>) dst(%dma_wait3A_70 : memref<128x128xf32, #tpu.memory_space<vmem>>)
      tpu.yield
    }) : () -> ()
    %scan3A = arith.constant 0 : i32
    %scan3A_1 = arith.constant 0 : i32
    %scan3A_2 = arith.constant 5 : i32
    %scan3A_3 = arith.addi %scan3A_1, %scan3A_2 : i32
    %scan3A_4 = arith.constant 1 : i32
    scf.for %scan3A_59 = %scan3A_1 to %scan3A_3 step %scan3A_4  : i32 {
      %mul3A_60 = arith.constant 640 : i32
      %mul3A_61 = arith.muli %arg1, %mul3A_60 : i32
      %mul3A_62 = arith.constant 128 : i32
      %mul3A_63 = arith.muli %scan3A_59, %mul3A_62 : i32
      %add3A_64 = arith.addi %mul3A_61, %mul3A_63 : i32
      %dma_start3A_65 = arith.constant 0 : i32
      %dma_start3A_66 = arith.constant 0 : i32
      %dma_start3A_67 = tpu.memref_slice %arg9[%dma_start3A_65, %dma_start3A_66] : memref<256x128xf32, #tpu.memory_space<vmem>> -> memref<128x128xf32, #tpu.memory_space<vmem>>
      %dma_start3A_68 = arith.constant 0 : i32
      %dma_start3A_69 = tpu.memref_slice %arg10[%add3A_64, %dma_start3A_68] : memref<10240x128xf32, #tpu.memory_space<vmem_shared>> -> memref<128x128xf32, #tpu.memory_space<vmem_shared>>
      %dma_start3A_70 = arith.constant 0 : i32
      %dma_start3A_71 = tpu.memref_slice %arg10[%add3A_64, %dma_start3A_70] : memref<10240x128xf32, #tpu.memory_space<vmem_shared>> -> memref<128x128xf32, #tpu.memory_space<vmem_shared>>
      %dma_start3A_72 = arith.constant 0 : i32
      %dma_start3A_73 = arith.constant 0 : i32
      %dma_start3A_74 = tpu.memref_slice %arg9[%dma_start3A_72, %dma_start3A_73] : memref<256x128xf32, #tpu.memory_space<vmem>> -> memref<128x128xf32, #tpu.memory_space<vmem>>
      tpu.enqueue_dma source(%dma_start3A_74 : memref<128x128xf32, #tpu.memory_space<vmem>>) target(%dma_start3A_71 : memref<128x128xf32, #tpu.memory_space<vmem_shared>>) target_semaphore(%arg13 : memref<!tpu.dma_semaphore, #tpu.memory_space<semaphore_mem>>)
    }
    %scan3A_5 = arith.constant 5 : i32
    "tpu.region"() ({
      %run_scoped3A = tpu.sem_alloc : memref<!tpu.dma_semaphore, #tpu.memory_space<semaphore_mem>>
      %dma_start3A_59 = arith.constant 0 : i32
      %dma_start3A_60 = arith.constant 0 : i32
      %dma_start3A_61 = tpu.memref_slice %arg7[%dma_start3A_59, %dma_start3A_60] : memref<40x128xi32, #tpu.memory_space<vmem>> -> memref<40x128xi32, #tpu.memory_space<vmem>>
      %dma_start3A_62 = arith.constant 0 : i32
      %dma_start3A_63 = arith.constant 0 : i32
      %dma_start3A_64 = tpu.memref_slice %arg3[%add3A, %dma_start3A_62, %dma_start3A_63] : memref<32x79x128xi32, #tpu.memory_space<hbm>> -> memref<1x40x128xi32, #tpu.memory_space<hbm>>
      %dma_start3A_65 = tpu.memref_squeeze %dma_start3A_64 : memref<1x40x128xi32, #tpu.memory_space<hbm>> -> memref<40x128xi32, #tpu.memory_space<hbm>>
      %dma_start3A_66 = arith.constant 0 : i32
      %dma_start3A_67 = arith.constant 0 : i32
      %dma_start3A_68 = tpu.memref_slice %arg7[%dma_start3A_66, %dma_start3A_67] : memref<40x128xi32, #tpu.memory_space<vmem>> -> memref<40x128xi32, #tpu.memory_space<vmem>>
      %dma_start3A_69 = arith.constant 0 : i32
      %dma_start3A_70 = arith.constant 0 : i32
      %dma_start3A_71 = tpu.memref_slice %arg3[%add3A, %dma_start3A_69, %dma_start3A_70] : memref<32x79x128xi32, #tpu.memory_space<hbm>> -> memref<1x40x128xi32, #tpu.memory_space<hbm>>
      %dma_start3A_72 = tpu.memref_squeeze %dma_start3A_71 : memref<1x40x128xi32, #tpu.memory_space<hbm>> -> memref<40x128xi32, #tpu.memory_space<hbm>>
      tpu.enqueue_dma source(%dma_start3A_72 : memref<40x128xi32, #tpu.memory_space<hbm>>) target(%dma_start3A_68 : memref<40x128xi32, #tpu.memory_space<vmem>>) target_semaphore(%run_scoped3A : memref<!tpu.dma_semaphore, #tpu.memory_space<semaphore_mem>>)
      %dma_wait3A_73 = arith.constant 0 : i32
      %dma_wait3A_74 = arith.constant 0 : i32
      %dma_wait3A_75 = tpu.memref_slice %arg7[%dma_wait3A_73, %dma_wait3A_74] : memref<40x128xi32, #tpu.memory_space<vmem>> -> memref<40x128xi32, #tpu.memory_space<vmem>>
      %dma_wait3A_76 = arith.constant 0 : i32
      %dma_wait3A_77 = arith.constant 0 : i32
      %dma_wait3A_78 = tpu.memref_slice %arg3[%add3A, %dma_wait3A_76, %dma_wait3A_77] : memref<32x79x128xi32, #tpu.memory_space<hbm>> -> memref<1x40x128xi32, #tpu.memory_space<hbm>>
      %dma_wait3A_79 = tpu.memref_squeeze %dma_wait3A_78 : memref<1x40x128xi32, #tpu.memory_space<hbm>> -> memref<40x128xi32, #tpu.memory_space<hbm>>
      %dma_wait3A_80 = arith.constant 0 : i32
      %dma_wait3A_81 = arith.constant 0 : i32
      %dma_wait3A_82 = tpu.memref_slice %arg7[%dma_wait3A_80, %dma_wait3A_81] : memref<40x128xi32, #tpu.memory_space<vmem>> -> memref<40x128xi32, #tpu.memory_space<vmem>>
      %dma_wait3A_83 = arith.constant 0 : i32
      %dma_wait3A_84 = arith.constant 0 : i32
      %dma_wait3A_85 = tpu.memref_slice %arg3[%add3A, %dma_wait3A_83, %dma_wait3A_84] : memref<32x79x128xi32, #tpu.memory_space<hbm>> -> memref<1x40x128xi32, #tpu.memory_space<hbm>>
      %dma_wait3A_86 = tpu.memref_squeeze %dma_wait3A_85 : memref<1x40x128xi32, #tpu.memory_space<hbm>> -> memref<40x128xi32, #tpu.memory_space<hbm>>
      tpu.wait_dma2 semaphore(%run_scoped3A : memref<!tpu.dma_semaphore, #tpu.memory_space<semaphore_mem>>) src(%dma_wait3A_86 : memref<40x128xi32, #tpu.memory_space<hbm>>) dst(%dma_wait3A_82 : memref<40x128xi32, #tpu.memory_space<vmem>>)
      tpu.yield
    }) : () -> ()
    "tpu.region"() ({
      %run_scoped3A = tpu.sem_alloc : memref<!tpu.dma_semaphore, #tpu.memory_space<semaphore_mem>>
      %dma_start3A_59 = arith.constant 0 : i32
      %dma_start3A_60 = arith.constant 0 : i32
      %dma_start3A_61 = tpu.memref_slice %arg8[%dma_start3A_59, %dma_start3A_60] : memref<40x128xi32, #tpu.memory_space<vmem>> -> memref<40x128xi32, #tpu.memory_space<vmem>>
      %dma_start3A_62 = arith.constant 0 : i32
      %dma_start3A_63 = arith.constant 0 : i32
      %dma_start3A_64 = tpu.memref_slice %arg4[%add3A, %dma_start3A_62, %dma_start3A_63] : memref<32x79x128xi32, #tpu.memory_space<hbm>> -> memref<1x40x128xi32, #tpu.memory_space<hbm>>
      %dma_start3A_65 = tpu.memref_squeeze %dma_start3A_64 : memref<1x40x128xi32, #tpu.memory_space<hbm>> -> memref<40x128xi32, #tpu.memory_space<hbm>>
      %dma_start3A_66 = arith.constant 0 : i32
      %dma_start3A_67 = arith.constant 0 : i32
      %dma_start3A_68 = tpu.memref_slice %arg8[%dma_start3A_66, %dma_start3A_67] : memref<40x128xi32, #tpu.memory_space<vmem>> -> memref<40x128xi32, #tpu.memory_space<vmem>>
      %dma_start3A_69 = arith.constant 0 : i32
      %dma_start3A_70 = arith.constant 0 : i32
      %dma_start3A_71 = tpu.memref_slice %arg4[%add3A, %dma_start3A_69, %dma_start3A_70] : memref<32x79x128xi32, #tpu.memory_space<hbm>> -> memref<1x40x128xi32, #tpu.memory_space<hbm>>
      %dma_start3A_72 = tpu.memref_squeeze %dma_start3A_71 : memref<1x40x128xi32, #tpu.memory_space<hbm>> -> memref<40x128xi32, #tpu.memory_space<hbm>>
      tpu.enqueue_dma source(%dma_start3A_72 : memref<40x128xi32, #tpu.memory_space<hbm>>) target(%dma_start3A_68 : memref<40x128xi32, #tpu.memory_space<vmem>>) target_semaphore(%run_scoped3A : memref<!tpu.dma_semaphore, #tpu.memory_space<semaphore_mem>>)
      %dma_wait3A_73 = arith.constant 0 : i32
      %dma_wait3A_74 = arith.constant 0 : i32
      %dma_wait3A_75 = tpu.memref_slice %arg8[%dma_wait3A_73, %dma_wait3A_74] : memref<40x128xi32, #tpu.memory_space<vmem>> -> memref<40x128xi32, #tpu.memory_space<vmem>>
      %dma_wait3A_76 = arith.constant 0 : i32
      %dma_wait3A_77 = arith.constant 0 : i32
      %dma_wait3A_78 = tpu.memref_slice %arg4[%add3A, %dma_wait3A_76, %dma_wait3A_77] : memref<32x79x128xi32, #tpu.memory_space<hbm>> -> memref<1x40x128xi32, #tpu.memory_space<hbm>>
      %dma_wait3A_79 = tpu.memref_squeeze %dma_wait3A_78 : memref<1x40x128xi32, #tpu.memory_space<hbm>> -> memref<40x128xi32, #tpu.memory_space<hbm>>
      %dma_wait3A_80 = arith.constant 0 : i32
      %dma_wait3A_81 = arith.constant 0 : i32
      %dma_wait3A_82 = tpu.memref_slice %arg8[%dma_wait3A_80, %dma_wait3A_81] : memref<40x128xi32, #tpu.memory_space<vmem>> -> memref<40x128xi32, #tpu.memory_space<vmem>>
      %dma_wait3A_83 = arith.constant 0 : i32
      %dma_wait3A_84 = arith.constant 0 : i32
      %dma_wait3A_85 = tpu.memref_slice %arg4[%add3A, %dma_wait3A_83, %dma_wait3A_84] : memref<32x79x128xi32, #tpu.memory_space<hbm>> -> memref<1x40x128xi32, #tpu.memory_space<hbm>>
      %dma_wait3A_86 = tpu.memref_squeeze %dma_wait3A_85 : memref<1x40x128xi32, #tpu.memory_space<hbm>> -> memref<40x128xi32, #tpu.memory_space<hbm>>
      tpu.wait_dma2 semaphore(%run_scoped3A : memref<!tpu.dma_semaphore, #tpu.memory_space<semaphore_mem>>) src(%dma_wait3A_86 : memref<40x128xi32, #tpu.memory_space<hbm>>) dst(%dma_wait3A_82 : memref<40x128xi32, #tpu.memory_space<vmem>>)
      tpu.yield
    }) : () -> ()
    %scan3A_6 = arith.constant 0 : i32
    %scan3A_7 = arith.constant 0 : i32
    %scan3A_8 = arith.constant 5 : i32
    %scan3A_9 = arith.addi %scan3A_7, %scan3A_8 : i32
    %scan3A_10 = arith.constant 1 : i32
    scf.for %scan3A_59 = %scan3A_7 to %scan3A_9 step %scan3A_10  : i32 {
      %dma_wait3A_60 = arith.constant 0 : i32
      %dma_wait3A_61 = arith.constant 0 : i32
      %dma_wait3A_62 = tpu.memref_slice %arg9[%dma_wait3A_60, %dma_wait3A_61] : memref<256x128xf32, #tpu.memory_space<vmem>> -> memref<128x128xf32, #tpu.memory_space<vmem>>
      %dma_wait3A_63 = arith.constant 0 : i32
      %dma_wait3A_64 = arith.constant 0 : i32
      %dma_wait3A_65 = tpu.memref_slice %arg9[%dma_wait3A_63, %dma_wait3A_64] : memref<256x128xf32, #tpu.memory_space<vmem>> -> memref<128x128xf32, #tpu.memory_space<vmem>>
      tpu.wait_dma2 semaphore(%arg13 : memref<!tpu.dma_semaphore, #tpu.memory_space<semaphore_mem>>) src(%arg5 : memref<128x128xf32, #tpu.memory_space<hbm>>) dst(%dma_wait3A_65 : memref<128x128xf32, #tpu.memory_space<vmem>>)
    }
    %scan3A_11 = arith.constant 5 : i32
    %barrier3A = arith.constant 0 : index
    tpu.barrier barrier_id(%barrier3A)
    %scan3A_12 = arith.constant 0 : i32
    %scan3A_13 = arith.constant 0 : i32
    %scan3A_14 = arith.constant 20 : i32
    %scan3A_15 = arith.addi %scan3A_13, %scan3A_14 : i32
    %scan3A_16 = arith.constant 1 : i32
    scf.for %scan3A_59 = %scan3A_13 to %scan3A_15 step %scan3A_16  : i32 {
      %mul3A_60 = arith.constant 2 : i32
      %mul3A_61 = arith.muli %scan3A_59, %mul3A_60 : i32
      %dma_start3A_62 = arith.constant 0 : i32
      %dma_start3A_63 = arith.constant 0 : i32
      %dma_start3A_64 = tpu.memref_slice %arg9[%dma_start3A_62, %dma_start3A_63] : memref<256x128xf32, #tpu.memory_space<vmem>> -> memref<128x128xf32, #tpu.memory_space<vmem>>
      %dma_start3A_65 = arith.constant 0 : i32
      %dma_start3A_66 = tpu.memref_slice %arg7[%mul3A_61, %dma_start3A_65] : memref<40x128xi32, #tpu.memory_space<vmem>> -> memref<1x128xi32, #tpu.memory_space<vmem>>
      %dma_start3A_67 = tpu.memref_squeeze %dma_start3A_66 : memref<1x128xi32, #tpu.memory_space<vmem>> -> memref<128xi32, #tpu.memory_space<vmem>>
      %dma_start3A_68 = arith.constant 0 : i32
      %dma_start3A_69 = arith.constant 0 : i32
      %dma_start3A_70 = tpu.memref_slice %arg2[%dma_start3A_68, %dma_start3A_69] : memref<10000x128xf32, #tpu.memory_space<hbm>> -> memref<10000x128xf32, #tpu.memory_space<hbm>>
      tpu.enqueue_indirect_dma source(%dma_start3A_70 : memref<10000x128xf32, #tpu.memory_space<hbm>>) target(%dma_start3A_64 : memref<128x128xf32, #tpu.memory_space<vmem>>) offsets(%dma_start3A_67 : memref<128xi32, #tpu.memory_space<vmem>>) semaphore(%arg11 : memref<!tpu.dma_semaphore, #tpu.memory_space<semaphore_mem>>)
      %add3A_71 = arith.constant 1 : i32
      %add3A_72 = arith.addi %mul3A_61, %add3A_71 : i32
      %dma_start3A_73 = arith.constant 128 : i32
      %dma_start3A_74 = arith.constant 0 : i32
      %dma_start3A_75 = tpu.memref_slice %arg9[%dma_start3A_73, %dma_start3A_74] : memref<256x128xf32, #tpu.memory_space<vmem>> -> memref<128x128xf32, #tpu.memory_space<vmem>>
      %dma_start3A_76 = arith.constant 0 : i32
      %dma_start3A_77 = tpu.memref_slice %arg7[%add3A_72, %dma_start3A_76] : memref<40x128xi32, #tpu.memory_space<vmem>> -> memref<1x128xi32, #tpu.memory_space<vmem>>
      %dma_start3A_78 = tpu.memref_squeeze %dma_start3A_77 : memref<1x128xi32, #tpu.memory_space<vmem>> -> memref<128xi32, #tpu.memory_space<vmem>>
      %dma_start3A_79 = arith.constant 0 : i32
      %dma_start3A_80 = arith.constant 0 : i32
      %dma_start3A_81 = tpu.memref_slice %arg2[%dma_start3A_79, %dma_start3A_80] : memref<10000x128xf32, #tpu.memory_space<hbm>> -> memref<10000x128xf32, #tpu.memory_space<hbm>>
      tpu.enqueue_indirect_dma source(%dma_start3A_81 : memref<10000x128xf32, #tpu.memory_space<hbm>>) target(%dma_start3A_75 : memref<128x128xf32, #tpu.memory_space<vmem>>) offsets(%dma_start3A_78 : memref<128xi32, #tpu.memory_space<vmem>>) semaphore(%arg12 : memref<!tpu.dma_semaphore, #tpu.memory_space<semaphore_mem>>)
      %dma_wait3A_82 = arith.constant 0 : i32
      %dma_wait3A_83 = arith.constant 0 : i32
      %dma_wait3A_84 = tpu.memref_slice %arg9[%dma_wait3A_82, %dma_wait3A_83] : memref<256x128xf32, #tpu.memory_space<vmem>> -> memref<128x128xf32, #tpu.memory_space<vmem>>
      %dma_wait3A_85 = arith.constant 0 : i32
      %dma_wait3A_86 = arith.constant 0 : i32
      %dma_wait3A_87 = tpu.memref_slice %arg9[%dma_wait3A_85, %dma_wait3A_86] : memref<256x128xf32, #tpu.memory_space<vmem>> -> memref<128x128xf32, #tpu.memory_space<vmem>>
      tpu.wait_dma2 semaphore(%arg11 : memref<!tpu.dma_semaphore, #tpu.memory_space<semaphore_mem>>) src(%arg5 : memref<128x128xf32, #tpu.memory_space<hbm>>) dst(%dma_wait3A_87 : memref<128x128xf32, #tpu.memory_space<vmem>>)
      %dma_start3A_88 = arith.constant 0 : i32
      %dma_start3A_89 = arith.constant 0 : i32
      %dma_start3A_90 = tpu.memref_slice %arg9[%dma_start3A_88, %dma_start3A_89] : memref<256x128xf32, #tpu.memory_space<vmem>> -> memref<128x128xf32, #tpu.memory_space<vmem>>
      %dma_start3A_91 = arith.constant 0 : i32
      %dma_start3A_92 = tpu.memref_slice %arg8[%mul3A_61, %dma_start3A_91] : memref<40x128xi32, #tpu.memory_space<vmem>> -> memref<1x128xi32, #tpu.memory_space<vmem>>
      %dma_start3A_93 = tpu.memref_squeeze %dma_start3A_92 : memref<1x128xi32, #tpu.memory_space<vmem>> -> memref<128xi32, #tpu.memory_space<vmem>>
      %dma_start3A_94 = arith.constant 0 : i32
      %dma_start3A_95 = arith.constant 0 : i32
      %dma_start3A_96 = tpu.memref_slice %arg10[%dma_start3A_94, %dma_start3A_95] : memref<10240x128xf32, #tpu.memory_space<vmem_shared>> -> memref<10240x128xf32, #tpu.memory_space<vmem_shared>>
      tpu.enqueue_indirect_dma source(%dma_start3A_90 : memref<128x128xf32, #tpu.memory_space<vmem>>) target(%dma_start3A_96 : memref<10240x128xf32, #tpu.memory_space<vmem_shared>>) offsets(%dma_start3A_93 : memref<128xi32, #tpu.memory_space<vmem>>) semaphore(%arg13 : memref<!tpu.dma_semaphore, #tpu.memory_space<semaphore_mem>>) {add = true}
      %dma_wait3A_97 = arith.constant 128 : i32
      %dma_wait3A_98 = arith.constant 0 : i32
      %dma_wait3A_99 = tpu.memref_slice %arg9[%dma_wait3A_97, %dma_wait3A_98] : memref<256x128xf32, #tpu.memory_space<vmem>> -> memref<128x128xf32, #tpu.memory_space<vmem>>
      %dma_wait3A_100 = arith.constant 128 : i32
      %dma_wait3A_101 = arith.constant 0 : i32
      %dma_wait3A_102 = tpu.memref_slice %arg9[%dma_wait3A_100, %dma_wait3A_101] : memref<256x128xf32, #tpu.memory_space<vmem>> -> memref<128x128xf32, #tpu.memory_space<vmem>>
      tpu.wait_dma2 semaphore(%arg12 : memref<!tpu.dma_semaphore, #tpu.memory_space<semaphore_mem>>) src(%arg5 : memref<128x128xf32, #tpu.memory_space<hbm>>) dst(%dma_wait3A_102 : memref<128x128xf32, #tpu.memory_space<vmem>>)
      %add3A_103 = arith.constant 1 : i32
      %add3A_104 = arith.addi %mul3A_61, %add3A_103 : i32
      %dma_start3A_105 = arith.constant 128 : i32
      %dma_start3A_106 = arith.constant 0 : i32
      %dma_start3A_107 = tpu.memref_slice %arg9[%dma_start3A_105, %dma_start3A_106] : memref<256x128xf32, #tpu.memory_space<vmem>> -> memref<128x128xf32, #tpu.memory_space<vmem>>
      %dma_start3A_108 = arith.constant 0 : i32
      %dma_start3A_109 = tpu.memref_slice %arg8[%add3A_104, %dma_start3A_108] : memref<40x128xi32, #tpu.memory_space<vmem>> -> memref<1x128xi32, #tpu.memory_space<vmem>>
      %dma_start3A_110 = tpu.memref_squeeze %dma_start3A_109 : memref<1x128xi32, #tpu.memory_space<vmem>> -> memref<128xi32, #tpu.memory_space<vmem>>
      %dma_start3A_111 = arith.constant 0 : i32
      %dma_start3A_112 = arith.constant 0 : i32
      %dma_start3A_113 = tpu.memref_slice %arg10[%dma_start3A_111, %dma_start3A_112] : memref<10240x128xf32, #tpu.memory_space<vmem_shared>> -> memref<10240x128xf32, #tpu.memory_space<vmem_shared>>
      tpu.enqueue_indirect_dma source(%dma_start3A_107 : memref<128x128xf32, #tpu.memory_space<vmem>>) target(%dma_start3A_113 : memref<10240x128xf32, #tpu.memory_space<vmem_shared>>) offsets(%dma_start3A_110 : memref<128xi32, #tpu.memory_space<vmem>>) semaphore(%arg14 : memref<!tpu.dma_semaphore, #tpu.memory_space<semaphore_mem>>) {add = true}
      %dma_wait3A_114 = arith.constant 0 : i32
      %dma_wait3A_115 = arith.constant 0 : i32
      %dma_wait3A_116 = tpu.memref_slice %arg9[%dma_wait3A_114, %dma_wait3A_115] : memref<256x128xf32, #tpu.memory_space<vmem>> -> memref<128x128xf32, #tpu.memory_space<vmem>>
      %dma_wait3A_117 = arith.constant 0 : i32
      %dma_wait3A_118 = arith.constant 0 : i32
      %dma_wait3A_119 = tpu.memref_slice %arg9[%dma_wait3A_117, %dma_wait3A_118] : memref<256x128xf32, #tpu.memory_space<vmem>> -> memref<128x128xf32, #tpu.memory_space<vmem>>
      tpu.wait_dma2 semaphore(%arg13 : memref<!tpu.dma_semaphore, #tpu.memory_space<semaphore_mem>>) src(%arg5 : memref<128x128xf32, #tpu.memory_space<hbm>>) dst(%dma_wait3A_119 : memref<128x128xf32, #tpu.memory_space<vmem>>)
      %dma_wait3A_120 = arith.constant 128 : i32
      %dma_wait3A_121 = arith.constant 0 : i32
      %dma_wait3A_122 = tpu.memref_slice %arg9[%dma_wait3A_120, %dma_wait3A_121] : memref<256x128xf32, #tpu.memory_space<vmem>> -> memref<128x128xf32, #tpu.memory_space<vmem>>
      %dma_wait3A_123 = arith.constant 128 : i32
      %dma_wait3A_124 = arith.constant 0 : i32
      %dma_wait3A_125 = tpu.memref_slice %arg9[%dma_wait3A_123, %dma_wait3A_124] : memref<256x128xf32, #tpu.memory_space<vmem>> -> memref<128x128xf32, #tpu.memory_space<vmem>>
      tpu.wait_dma2 semaphore(%arg14 : memref<!tpu.dma_semaphore, #tpu.memory_space<semaphore_mem>>) src(%arg5 : memref<128x128xf32, #tpu.memory_space<hbm>>) dst(%dma_wait3A_125 : memref<128x128xf32, #tpu.memory_space<vmem>>)
    }
    %scan3A_17 = arith.constant 20 : i32
    "tpu.region"() ({
      %run_scoped3A = tpu.sem_alloc : memref<!tpu.dma_semaphore, #tpu.memory_space<semaphore_mem>>
      %dma_start3A_59 = arith.constant 0 : i32
      %dma_start3A_60 = arith.constant 0 : i32
      %dma_start3A_61 = tpu.memref_slice %arg7[%dma_start3A_59, %dma_start3A_60] : memref<40x128xi32, #tpu.memory_space<vmem>> -> memref<39x128xi32, #tpu.memory_space<vmem>>
      %dma_start3A_62 = arith.constant 40 : i32
      %dma_start3A_63 = arith.constant 0 : i32
      %dma_start3A_64 = tpu.memref_slice %arg3[%add3A, %dma_start3A_62, %dma_start3A_63] : memref<32x79x128xi32, #tpu.memory_space<hbm>> -> memref<1x39x128xi32, #tpu.memory_space<hbm>>
      %dma_start3A_65 = tpu.memref_squeeze %dma_start3A_64 : memref<1x39x128xi32, #tpu.memory_space<hbm>> -> memref<39x128xi32, #tpu.memory_space<hbm>>
      %dma_start3A_66 = arith.constant 0 : i32
      %dma_start3A_67 = arith.constant 0 : i32
      %dma_start3A_68 = tpu.memref_slice %arg7[%dma_start3A_66, %dma_start3A_67] : memref<40x128xi32, #tpu.memory_space<vmem>> -> memref<39x128xi32, #tpu.memory_space<vmem>>
      %dma_start3A_69 = arith.constant 40 : i32
      %dma_start3A_70 = arith.constant 0 : i32
      %dma_start3A_71 = tpu.memref_slice %arg3[%add3A, %dma_start3A_69, %dma_start3A_70] : memref<32x79x128xi32, #tpu.memory_space<hbm>> -> memref<1x39x128xi32, #tpu.memory_space<hbm>>
      %dma_start3A_72 = tpu.memref_squeeze %dma_start3A_71 : memref<1x39x128xi32, #tpu.memory_space<hbm>> -> memref<39x128xi32, #tpu.memory_space<hbm>>
      tpu.enqueue_dma source(%dma_start3A_72 : memref<39x128xi32, #tpu.memory_space<hbm>>) target(%dma_start3A_68 : memref<39x128xi32, #tpu.memory_space<vmem>>) target_semaphore(%run_scoped3A : memref<!tpu.dma_semaphore, #tpu.memory_space<semaphore_mem>>)
      %dma_wait3A_73 = arith.constant 0 : i32
      %dma_wait3A_74 = arith.constant 0 : i32
      %dma_wait3A_75 = tpu.memref_slice %arg7[%dma_wait3A_73, %dma_wait3A_74] : memref<40x128xi32, #tpu.memory_space<vmem>> -> memref<39x128xi32, #tpu.memory_space<vmem>>
      %dma_wait3A_76 = arith.constant 40 : i32
      %dma_wait3A_77 = arith.constant 0 : i32
      %dma_wait3A_78 = tpu.memref_slice %arg3[%add3A, %dma_wait3A_76, %dma_wait3A_77] : memref<32x79x128xi32, #tpu.memory_space<hbm>> -> memref<1x39x128xi32, #tpu.memory_space<hbm>>
      %dma_wait3A_79 = tpu.memref_squeeze %dma_wait3A_78 : memref<1x39x128xi32, #tpu.memory_space<hbm>> -> memref<39x128xi32, #tpu.memory_space<hbm>>
      %dma_wait3A_80 = arith.constant 0 : i32
      %dma_wait3A_81 = arith.constant 0 : i32
      %dma_wait3A_82 = tpu.memref_slice %arg7[%dma_wait3A_80, %dma_wait3A_81] : memref<40x128xi32, #tpu.memory_space<vmem>> -> memref<39x128xi32, #tpu.memory_space<vmem>>
      %dma_wait3A_83 = arith.constant 40 : i32
      %dma_wait3A_84 = arith.constant 0 : i32
      %dma_wait3A_85 = tpu.memref_slice %arg3[%add3A, %dma_wait3A_83, %dma_wait3A_84] : memref<32x79x128xi32, #tpu.memory_space<hbm>> -> memref<1x39x128xi32, #tpu.memory_space<hbm>>
      %dma_wait3A_86 = tpu.memref_squeeze %dma_wait3A_85 : memref<1x39x128xi32, #tpu.memory_space<hbm>> -> memref<39x128xi32, #tpu.memory_space<hbm>>
      tpu.wait_dma2 semaphore(%run_scoped3A : memref<!tpu.dma_semaphore, #tpu.memory_space<semaphore_mem>>) src(%dma_wait3A_86 : memref<39x128xi32, #tpu.memory_space<hbm>>) dst(%dma_wait3A_82 : memref<39x128xi32, #tpu.memory_space<vmem>>)
      tpu.yield
    }) : () -> ()
    "tpu.region"() ({
      %run_scoped3A = tpu.sem_alloc : memref<!tpu.dma_semaphore, #tpu.memory_space<semaphore_mem>>
      %dma_start3A_59 = arith.constant 0 : i32
      %dma_start3A_60 = arith.constant 0 : i32
      %dma_start3A_61 = tpu.memref_slice %arg8[%dma_start3A_59, %dma_start3A_60] : memref<40x128xi32, #tpu.memory_space<vmem>> -> memref<39x128xi32, #tpu.memory_space<vmem>>
      %dma_start3A_62 = arith.constant 40 : i32
      %dma_start3A_63 = arith.constant 0 : i32
      %dma_start3A_64 = tpu.memref_slice %arg4[%add3A, %dma_start3A_62, %dma_start3A_63] : memref<32x79x128xi32, #tpu.memory_space<hbm>> -> memref<1x39x128xi32, #tpu.memory_space<hbm>>
      %dma_start3A_65 = tpu.memref_squeeze %dma_start3A_64 : memref<1x39x128xi32, #tpu.memory_space<hbm>> -> memref<39x128xi32, #tpu.memory_space<hbm>>
      %dma_start3A_66 = arith.constant 0 : i32
      %dma_start3A_67 = arith.constant 0 : i32
      %dma_start3A_68 = tpu.memref_slice %arg8[%dma_start3A_66, %dma_start3A_67] : memref<40x128xi32, #tpu.memory_space<vmem>> -> memref<39x128xi32, #tpu.memory_space<vmem>>
      %dma_start3A_69 = arith.constant 40 : i32
      %dma_start3A_70 = arith.constant 0 : i32
      %dma_start3A_71 = tpu.memref_slice %arg4[%add3A, %dma_start3A_69, %dma_start3A_70] : memref<32x79x128xi32, #tpu.memory_space<hbm>> -> memref<1x39x128xi32, #tpu.memory_space<hbm>>
      %dma_start3A_72 = tpu.memref_squeeze %dma_start3A_71 : memref<1x39x128xi32, #tpu.memory_space<hbm>> -> memref<39x128xi32, #tpu.memory_space<hbm>>
      tpu.enqueue_dma source(%dma_start3A_72 : memref<39x128xi32, #tpu.memory_space<hbm>>) target(%dma_start3A_68 : memref<39x128xi32, #tpu.memory_space<vmem>>) target_semaphore(%run_scoped3A : memref<!tpu.dma_semaphore, #tpu.memory_space<semaphore_mem>>)
      %dma_wait3A_73 = arith.constant 0 : i32
      %dma_wait3A_74 = arith.constant 0 : i32
      %dma_wait3A_75 = tpu.memref_slice %arg8[%dma_wait3A_73, %dma_wait3A_74] : memref<40x128xi32, #tpu.memory_space<vmem>> -> memref<39x128xi32, #tpu.memory_space<vmem>>
      %dma_wait3A_76 = arith.constant 40 : i32
      %dma_wait3A_77 = arith.constant 0 : i32
      %dma_wait3A_78 = tpu.memref_slice %arg4[%add3A, %dma_wait3A_76, %dma_wait3A_77] : memref<32x79x128xi32, #tpu.memory_space<hbm>> -> memref<1x39x128xi32, #tpu.memory_space<hbm>>
      %dma_wait3A_79 = tpu.memref_squeeze %dma_wait3A_78 : memref<1x39x128xi32, #tpu.memory_space<hbm>> -> memref<39x128xi32, #tpu.memory_space<hbm>>
      %dma_wait3A_80 = arith.constant 0 : i32
      %dma_wait3A_81 = arith.constant 0 : i32
      %dma_wait3A_82 = tpu.memref_slice %arg8[%dma_wait3A_80, %dma_wait3A_81] : memref<40x128xi32, #tpu.memory_space<vmem>> -> memref<39x128xi32, #tpu.memory_space<vmem>>
      %dma_wait3A_83 = arith.constant 40 : i32
      %dma_wait3A_84 = arith.constant 0 : i32
      %dma_wait3A_85 = tpu.memref_slice %arg4[%add3A, %dma_wait3A_83, %dma_wait3A_84] : memref<32x79x128xi32, #tpu.memory_space<hbm>> -> memref<1x39x128xi32, #tpu.memory_space<hbm>>
      %dma_wait3A_86 = tpu.memref_squeeze %dma_wait3A_85 : memref<1x39x128xi32, #tpu.memory_space<hbm>> -> memref<39x128xi32, #tpu.memory_space<hbm>>
      tpu.wait_dma2 semaphore(%run_scoped3A : memref<!tpu.dma_semaphore, #tpu.memory_space<semaphore_mem>>) src(%dma_wait3A_86 : memref<39x128xi32, #tpu.memory_space<hbm>>) dst(%dma_wait3A_82 : memref<39x128xi32, #tpu.memory_space<vmem>>)
      tpu.yield
    }) : () -> ()
    %scan3A_18 = arith.constant 0 : i32
    %scan3A_19 = arith.constant 0 : i32
    %scan3A_20 = arith.constant 19 : i32
    %scan3A_21 = arith.addi %scan3A_19, %scan3A_20 : i32
    %scan3A_22 = arith.constant 1 : i32
    scf.for %scan3A_59 = %scan3A_19 to %scan3A_21 step %scan3A_22  : i32 {
      %mul3A_60 = arith.constant 2 : i32
      %mul3A_61 = arith.muli %scan3A_59, %mul3A_60 : i32
      %dma_start3A_62 = arith.constant 0 : i32
      %dma_start3A_63 = arith.constant 0 : i32
      %dma_start3A_64 = tpu.memref_slice %arg9[%dma_start3A_62, %dma_start3A_63] : memref<256x128xf32, #tpu.memory_space<vmem>> -> memref<128x128xf32, #tpu.memory_space<vmem>>
      %dma_start3A_65 = arith.constant 0 : i32
      %dma_start3A_66 = tpu.memref_slice %arg7[%mul3A_61, %dma_start3A_65] : memref<40x128xi32, #tpu.memory_space<vmem>> -> memref<1x128xi32, #tpu.memory_space<vmem>>
      %dma_start3A_67 = tpu.memref_squeeze %dma_start3A_66 : memref<1x128xi32, #tpu.memory_space<vmem>> -> memref<128xi32, #tpu.memory_space<vmem>>
      %dma_start3A_68 = arith.constant 0 : i32
      %dma_start3A_69 = arith.constant 0 : i32
      %dma_start3A_70 = tpu.memref_slice %arg2[%dma_start3A_68, %dma_start3A_69] : memref<10000x128xf32, #tpu.memory_space<hbm>> -> memref<10000x128xf32, #tpu.memory_space<hbm>>
      tpu.enqueue_indirect_dma source(%dma_start3A_70 : memref<10000x128xf32, #tpu.memory_space<hbm>>) target(%dma_start3A_64 : memref<128x128xf32, #tpu.memory_space<vmem>>) offsets(%dma_start3A_67 : memref<128xi32, #tpu.memory_space<vmem>>) semaphore(%arg11 : memref<!tpu.dma_semaphore, #tpu.memory_space<semaphore_mem>>)
      %add3A_71 = arith.constant 1 : i32
      %add3A_72 = arith.addi %mul3A_61, %add3A_71 : i32
      %dma_start3A_73 = arith.constant 128 : i32
      %dma_start3A_74 = arith.constant 0 : i32
      %dma_start3A_75 = tpu.memref_slice %arg9[%dma_start3A_73, %dma_start3A_74] : memref<256x128xf32, #tpu.memory_space<vmem>> -> memref<128x128xf32, #tpu.memory_space<vmem>>
      %dma_start3A_76 = arith.constant 0 : i32
      %dma_start3A_77 = tpu.memref_slice %arg7[%add3A_72, %dma_start3A_76] : memref<40x128xi32, #tpu.memory_space<vmem>> -> memref<1x128xi32, #tpu.memory_space<vmem>>
      %dma_start3A_78 = tpu.memref_squeeze %dma_start3A_77 : memref<1x128xi32, #tpu.memory_space<vmem>> -> memref<128xi32, #tpu.memory_space<vmem>>
      %dma_start3A_79 = arith.constant 0 : i32
      %dma_start3A_80 = arith.constant 0 : i32
      %dma_start3A_81 = tpu.memref_slice %arg2[%dma_start3A_79, %dma_start3A_80] : memref<10000x128xf32, #tpu.memory_space<hbm>> -> memref<10000x128xf32, #tpu.memory_space<hbm>>
      tpu.enqueue_indirect_dma source(%dma_start3A_81 : memref<10000x128xf32, #tpu.memory_space<hbm>>) target(%dma_start3A_75 : memref<128x128xf32, #tpu.memory_space<vmem>>) offsets(%dma_start3A_78 : memref<128xi32, #tpu.memory_space<vmem>>) semaphore(%arg12 : memref<!tpu.dma_semaphore, #tpu.memory_space<semaphore_mem>>)
      %dma_wait3A_82 = arith.constant 0 : i32
      %dma_wait3A_83 = arith.constant 0 : i32
      %dma_wait3A_84 = tpu.memref_slice %arg9[%dma_wait3A_82, %dma_wait3A_83] : memref<256x128xf32, #tpu.memory_space<vmem>> -> memref<128x128xf32, #tpu.memory_space<vmem>>
      %dma_wait3A_85 = arith.constant 0 : i32
      %dma_wait3A_86 = arith.constant 0 : i32
      %dma_wait3A_87 = tpu.memref_slice %arg9[%dma_wait3A_85, %dma_wait3A_86] : memref<256x128xf32, #tpu.memory_space<vmem>> -> memref<128x128xf32, #tpu.memory_space<vmem>>
      tpu.wait_dma2 semaphore(%arg11 : memref<!tpu.dma_semaphore, #tpu.memory_space<semaphore_mem>>) src(%arg5 : memref<128x128xf32, #tpu.memory_space<hbm>>) dst(%dma_wait3A_87 : memref<128x128xf32, #tpu.memory_space<vmem>>)
      %dma_start3A_88 = arith.constant 0 : i32
      %dma_start3A_89 = arith.constant 0 : i32
      %dma_start3A_90 = tpu.memref_slice %arg9[%dma_start3A_88, %dma_start3A_89] : memref<256x128xf32, #tpu.memory_space<vmem>> -> memref<128x128xf32, #tpu.memory_space<vmem>>
      %dma_start3A_91 = arith.constant 0 : i32
      %dma_start3A_92 = tpu.memref_slice %arg8[%mul3A_61, %dma_start3A_91] : memref<40x128xi32, #tpu.memory_space<vmem>> -> memref<1x128xi32, #tpu.memory_space<vmem>>
      %dma_start3A_93 = tpu.memref_squeeze %dma_start3A_92 : memref<1x128xi32, #tpu.memory_space<vmem>> -> memref<128xi32, #tpu.memory_space<vmem>>
      %dma_start3A_94 = arith.constant 0 : i32
      %dma_start3A_95 = arith.constant 0 : i32
      %dma_start3A_96 = tpu.memref_slice %arg10[%dma_start3A_94, %dma_start3A_95] : memref<10240x128xf32, #tpu.memory_space<vmem_shared>> -> memref<10240x128xf32, #tpu.memory_space<vmem_shared>>
      tpu.enqueue_indirect_dma source(%dma_start3A_90 : memref<128x128xf32, #tpu.memory_space<vmem>>) target(%dma_start3A_96 : memref<10240x128xf32, #tpu.memory_space<vmem_shared>>) offsets(%dma_start3A_93 : memref<128xi32, #tpu.memory_space<vmem>>) semaphore(%arg13 : memref<!tpu.dma_semaphore, #tpu.memory_space<semaphore_mem>>) {add = true}
      %dma_wait3A_97 = arith.constant 128 : i32
      %dma_wait3A_98 = arith.constant 0 : i32
      %dma_wait3A_99 = tpu.memref_slice %arg9[%dma_wait3A_97, %dma_wait3A_98] : memref<256x128xf32, #tpu.memory_space<vmem>> -> memref<128x128xf32, #tpu.memory_space<vmem>>
      %dma_wait3A_100 = arith.constant 128 : i32
      %dma_wait3A_101 = arith.constant 0 : i32
      %dma_wait3A_102 = tpu.memref_slice %arg9[%dma_wait3A_100, %dma_wait3A_101] : memref<256x128xf32, #tpu.memory_space<vmem>> -> memref<128x128xf32, #tpu.memory_space<vmem>>
      tpu.wait_dma2 semaphore(%arg12 : memref<!tpu.dma_semaphore, #tpu.memory_space<semaphore_mem>>) src(%arg5 : memref<128x128xf32, #tpu.memory_space<hbm>>) dst(%dma_wait3A_102 : memref<128x128xf32, #tpu.memory_space<vmem>>)
      %add3A_103 = arith.constant 1 : i32
      %add3A_104 = arith.addi %mul3A_61, %add3A_103 : i32
      %dma_start3A_105 = arith.constant 128 : i32
      %dma_start3A_106 = arith.constant 0 : i32
      %dma_start3A_107 = tpu.memref_slice %arg9[%dma_start3A_105, %dma_start3A_106] : memref<256x128xf32, #tpu.memory_space<vmem>> -> memref<128x128xf32, #tpu.memory_space<vmem>>
      %dma_start3A_108 = arith.constant 0 : i32
      %dma_start3A_109 = tpu.memref_slice %arg8[%add3A_104, %dma_start3A_108] : memref<40x128xi32, #tpu.memory_space<vmem>> -> memref<1x128xi32, #tpu.memory_space<vmem>>
      %dma_start3A_110 = tpu.memref_squeeze %dma_start3A_109 : memref<1x128xi32, #tpu.memory_space<vmem>> -> memref<128xi32, #tpu.memory_space<vmem>>
      %dma_start3A_111 = arith.constant 0 : i32
      %dma_start3A_112 = arith.constant 0 : i32
      %dma_start3A_113 = tpu.memref_slice %arg10[%dma_start3A_111, %dma_start3A_112] : memref<10240x128xf32, #tpu.memory_space<vmem_shared>> -> memref<10240x128xf32, #tpu.memory_space<vmem_shared>>
      tpu.enqueue_indirect_dma source(%dma_start3A_107 : memref<128x128xf32, #tpu.memory_space<vmem>>) target(%dma_start3A_113 : memref<10240x128xf32, #tpu.memory_space<vmem_shared>>) offsets(%dma_start3A_110 : memref<128xi32, #tpu.memory_space<vmem>>) semaphore(%arg14 : memref<!tpu.dma_semaphore, #tpu.memory_space<semaphore_mem>>) {add = true}
      %dma_wait3A_114 = arith.constant 0 : i32
      %dma_wait3A_115 = arith.constant 0 : i32
      %dma_wait3A_116 = tpu.memref_slice %arg9[%dma_wait3A_114, %dma_wait3A_115] : memref<256x128xf32, #tpu.memory_space<vmem>> -> memref<128x128xf32, #tpu.memory_space<vmem>>
      %dma_wait3A_117 = arith.constant 0 : i32
      %dma_wait3A_118 = arith.constant 0 : i32
      %dma_wait3A_119 = tpu.memref_slice %arg9[%dma_wait3A_117, %dma_wait3A_118] : memref<256x128xf32, #tpu.memory_space<vmem>> -> memref<128x128xf32, #tpu.memory_space<vmem>>
      tpu.wait_dma2 semaphore(%arg13 : memref<!tpu.dma_semaphore, #tpu.memory_space<semaphore_mem>>) src(%arg5 : memref<128x128xf32, #tpu.memory_space<hbm>>) dst(%dma_wait3A_119 : memref<128x128xf32, #tpu.memory_space<vmem>>)
      %dma_wait3A_120 = arith.constant 128 : i32
      %dma_wait3A_121 = arith.constant 0 : i32
      %dma_wait3A_122 = tpu.memref_slice %arg9[%dma_wait3A_120, %dma_wait3A_121] : memref<256x128xf32, #tpu.memory_space<vmem>> -> memref<128x128xf32, #tpu.memory_space<vmem>>
      %dma_wait3A_123 = arith.constant 128 : i32
      %dma_wait3A_124 = arith.constant 0 : i32
      %dma_wait3A_125 = tpu.memref_slice %arg9[%dma_wait3A_123, %dma_wait3A_124] : memref<256x128xf32, #tpu.memory_space<vmem>> -> memref<128x128xf32, #tpu.memory_space<vmem>>
      tpu.wait_dma2 semaphore(%arg14 : memref<!tpu.dma_semaphore, #tpu.memory_space<semaphore_mem>>) src(%arg5 : memref<128x128xf32, #tpu.memory_space<hbm>>) dst(%dma_wait3A_125 : memref<128x128xf32, #tpu.memory_space<vmem>>)
    }
    %scan3A_23 = arith.constant 19 : i32
    %dma_start3A = arith.constant 38 : i32
    %dma_start3A_24 = arith.constant 0 : i32
    %dma_start3A_25 = arith.constant 0 : i32
    %dma_start3A_26 = tpu.memref_slice %arg9[%dma_start3A_24, %dma_start3A_25] : memref<256x128xf32, #tpu.memory_space<vmem>> -> memref<128x128xf32, #tpu.memory_space<vmem>>
    %dma_start3A_27 = arith.constant 0 : i32
    %dma_start3A_28 = tpu.memref_slice %arg7[%dma_start3A, %dma_start3A_27] : memref<40x128xi32, #tpu.memory_space<vmem>> -> memref<1x128xi32, #tpu.memory_space<vmem>>
    %dma_start3A_29 = tpu.memref_squeeze %dma_start3A_28 : memref<1x128xi32, #tpu.memory_space<vmem>> -> memref<128xi32, #tpu.memory_space<vmem>>
    %dma_start3A_30 = arith.constant 0 : i32
    %dma_start3A_31 = arith.constant 0 : i32
    %dma_start3A_32 = tpu.memref_slice %arg2[%dma_start3A_30, %dma_start3A_31] : memref<10000x128xf32, #tpu.memory_space<hbm>> -> memref<10000x128xf32, #tpu.memory_space<hbm>>
    tpu.enqueue_indirect_dma source(%dma_start3A_32 : memref<10000x128xf32, #tpu.memory_space<hbm>>) target(%dma_start3A_26 : memref<128x128xf32, #tpu.memory_space<vmem>>) offsets(%dma_start3A_29 : memref<128xi32, #tpu.memory_space<vmem>>) semaphore(%arg11 : memref<!tpu.dma_semaphore, #tpu.memory_space<semaphore_mem>>)
    %dma_wait3A = arith.constant 0 : i32
    %dma_wait3A_33 = arith.constant 0 : i32
    %dma_wait3A_34 = tpu.memref_slice %arg9[%dma_wait3A, %dma_wait3A_33] : memref<256x128xf32, #tpu.memory_space<vmem>> -> memref<128x128xf32, #tpu.memory_space<vmem>>
    %dma_wait3A_35 = arith.constant 0 : i32
    %dma_wait3A_36 = arith.constant 0 : i32
    %dma_wait3A_37 = tpu.memref_slice %arg9[%dma_wait3A_35, %dma_wait3A_36] : memref<256x128xf32, #tpu.memory_space<vmem>> -> memref<128x128xf32, #tpu.memory_space<vmem>>
    tpu.wait_dma2 semaphore(%arg11 : memref<!tpu.dma_semaphore, #tpu.memory_space<semaphore_mem>>) src(%arg5 : memref<128x128xf32, #tpu.memory_space<hbm>>) dst(%dma_wait3A_37 : memref<128x128xf32, #tpu.memory_space<vmem>>)
    %dma_start3A_38 = arith.constant 38 : i32
    %dma_start3A_39 = arith.constant 0 : i32
    %dma_start3A_40 = arith.constant 0 : i32
    %dma_start3A_41 = tpu.memref_slice %arg9[%dma_start3A_39, %dma_start3A_40] : memref<256x128xf32, #tpu.memory_space<vmem>> -> memref<128x128xf32, #tpu.memory_space<vmem>>
    %dma_start3A_42 = arith.constant 0 : i32
    %dma_start3A_43 = tpu.memref_slice %arg8[%dma_start3A_38, %dma_start3A_42] : memref<40x128xi32, #tpu.memory_space<vmem>> -> memref<1x128xi32, #tpu.memory_space<vmem>>
    %dma_start3A_44 = tpu.memref_squeeze %dma_start3A_43 : memref<1x128xi32, #tpu.memory_space<vmem>> -> memref<128xi32, #tpu.memory_space<vmem>>
    %dma_start3A_45 = arith.constant 0 : i32
    %dma_start3A_46 = arith.constant 0 : i32
    %dma_start3A_47 = tpu.memref_slice %arg10[%dma_start3A_45, %dma_start3A_46] : memref<10240x128xf32, #tpu.memory_space<vmem_shared>> -> memref<10240x128xf32, #tpu.memory_space<vmem_shared>>
    tpu.enqueue_indirect_dma source(%dma_start3A_41 : memref<128x128xf32, #tpu.memory_space<vmem>>) target(%dma_start3A_47 : memref<10240x128xf32, #tpu.memory_space<vmem_shared>>) offsets(%dma_start3A_44 : memref<128xi32, #tpu.memory_space<vmem>>) semaphore(%arg13 : memref<!tpu.dma_semaphore, #tpu.memory_space<semaphore_mem>>) {add = true}
    %dma_wait3A_48 = arith.constant 0 : i32
    %dma_wait3A_49 = arith.constant 0 : i32
    %dma_wait3A_50 = tpu.memref_slice %arg9[%dma_wait3A_48, %dma_wait3A_49] : memref<256x128xf32, #tpu.memory_space<vmem>> -> memref<128x128xf32, #tpu.memory_space<vmem>>
    %dma_wait3A_51 = arith.constant 0 : i32
    %dma_wait3A_52 = arith.constant 0 : i32
    %dma_wait3A_53 = tpu.memref_slice %arg9[%dma_wait3A_51, %dma_wait3A_52] : memref<256x128xf32, #tpu.memory_space<vmem>> -> memref<128x128xf32, #tpu.memory_space<vmem>>
    tpu.wait_dma2 semaphore(%arg13 : memref<!tpu.dma_semaphore, #tpu.memory_space<semaphore_mem>>) src(%arg5 : memref<128x128xf32, #tpu.memory_space<hbm>>) dst(%dma_wait3A_53 : memref<128x128xf32, #tpu.memory_space<vmem>>)
    %barrier3A_54 = arith.constant 0 : index
    tpu.barrier barrier_id(%barrier3A_54)
    %mul3A_55 = arith.constant 640 : i32
    %mul3A_56 = arith.muli %arg1, %mul3A_55 : i32
    %mul3A_57 = arith.constant 640 : i32
    %mul3A_58 = arith.muli %arg1, %mul3A_57 : i32
    "tpu.region"() ({
      %run_scoped3A = tpu.sem_alloc : memref<!tpu.dma_semaphore, #tpu.memory_space<semaphore_mem>>
      %dma_start3A_59 = arith.constant 0 : i32
      %dma_start3A_60 = tpu.memref_slice %arg6[%arg0, %mul3A_58, %dma_start3A_59] : memref<2x10240x128xf32, #tpu.memory_space<hbm>> -> memref<1x640x128xf32, #tpu.memory_space<hbm>>
      %dma_start3A_61 = tpu.memref_squeeze %dma_start3A_60 : memref<1x640x128xf32, #tpu.memory_space<hbm>> -> memref<640x128xf32, #tpu.memory_space<hbm>>
      %dma_start3A_62 = arith.constant 0 : i32
      %dma_start3A_63 = tpu.memref_slice %arg10[%mul3A_56, %dma_start3A_62] : memref<10240x128xf32, #tpu.memory_space<vmem_shared>> -> memref<640x128xf32, #tpu.memory_space<vmem_shared>>
      tpu.enqueue_dma source(%dma_start3A_63 : memref<640x128xf32, #tpu.memory_space<vmem_shared>>) target(%dma_start3A_61 : memref<640x128xf32, #tpu.memory_space<hbm>>) target_semaphore(%run_scoped3A : memref<!tpu.dma_semaphore, #tpu.memory_space<semaphore_mem>>)
      %dma_wait3A_64 = arith.constant 0 : i32
      %dma_wait3A_65 = tpu.memref_slice %arg6[%arg0, %mul3A_58, %dma_wait3A_64] : memref<2x10240x128xf32, #tpu.memory_space<hbm>> -> memref<1x640x128xf32, #tpu.memory_space<hbm>>
      %dma_wait3A_66 = tpu.memref_squeeze %dma_wait3A_65 : memref<1x640x128xf32, #tpu.memory_space<hbm>> -> memref<640x128xf32, #tpu.memory_space<hbm>>
      %dma_wait3A_67 = arith.constant 0 : i32
      %dma_wait3A_68 = tpu.memref_slice %arg10[%mul3A_56, %dma_wait3A_67] : memref<10240x128xf32, #tpu.memory_space<vmem_shared>> -> memref<640x128xf32, #tpu.memory_space<vmem_shared>>
      tpu.wait_dma2 semaphore(%run_scoped3A : memref<!tpu.dma_semaphore, #tpu.memory_space<semaphore_mem>>) src(%dma_wait3A_68 : memref<640x128xf32, #tpu.memory_space<vmem_shared>>) dst(%dma_wait3A_66 : memref<640x128xf32, #tpu.memory_space<hbm>>)
      tpu.yield
    }) : () -> ()
    return
  }
}

#map = affine_map<(d0, d1) -> (0, 0)>
#map1 = affine_map<(d0, d1) -> (0, 0, 0)>
module attributes {stable_mosaic.version = 14 : i64} {
  func.func @k(%arg0: i32, %arg1: i32, %arg2: memref<10000x128xf32, #tpu.memory_space<hbm>>, %arg3: memref<32x79x128xi32, #tpu.memory_space<hbm>>, %arg4: memref<32x79x128xi32, #tpu.memory_space<hbm>>, %arg5: memref<128x128xf32, #tpu.memory_space<hbm>>, %arg6: memref<2x10240x128xf32, #tpu.memory_space<hbm>>, %arg7: memref<40x128xi32, #tpu.memory_space<vmem>>, %arg8: memref<40x128xi32, #tpu.memory_space<vmem>>, %arg9: memref<256x128xf32, #tpu.memory_space<vmem>>, %arg10: memref<10240x128xf32, #tpu.memory_space<vmem_shared>>, %arg11: memref<!tpu.dma_semaphore, #tpu.memory_space<semaphore_mem>>, %arg12: memref<!tpu.dma_semaphore, #tpu.memory_space<semaphore_mem>>, %arg13: memref<!tpu.dma_semaphore, #tpu.memory_space<semaphore_mem>>, %arg14: memref<!tpu.dma_semaphore, #tpu.memory_space<semaphore_mem>>) attributes {dimension_semantics = [#tpu.dimension_semantics<core_parallel>, #tpu.dimension_semantics<subcore_parallel>], iteration_bounds = array<i64: 2, 16>, scalar_prefetch = 0 : i64, scratch_operands = 8 : i64, tpu.core_type = #tpu.core_type<sc_vector_subcore>, window_params = [{transform_indices = #map}, {transform_indices = #map1}, {transform_indices = #map1}, {transform_indices = #map}, {transform_indices = #map1}]} {
    %mul3A = arith.constant 2 : i32
    %mul3A_0 = arith.muli %arg1, %mul3A : i32
    %add3A = arith.addi %mul3A_0, %arg0 : i32
    "tpu.region"() ({
      %run_scoped3A = tpu.sem_alloc : memref<!tpu.dma_semaphore, #tpu.memory_space<semaphore_mem>>
      %dma_start3A_59 = arith.constant 0 : i32
      %dma_start3A_60 = arith.constant 0 : i32
      %dma_start3A_61 = tpu.memref_slice %arg9[%dma_start3A_59, %dma_start3A_60] : memref<256x128xf32, #tpu.memory_space<vmem>> -> memref<128x128xf32, #tpu.memory_space<vmem>>
      %dma_start3A_62 = arith.constant 0 : i32
      %dma_start3A_63 = arith.constant 0 : i32
      %dma_start3A_64 = tpu.memref_slice %arg9[%dma_start3A_62, %dma_start3A_63] : memref<256x128xf32, #tpu.memory_space<vmem>> -> memref<128x128xf32, #tpu.memory_space<vmem>>
      tpu.enqueue_dma source(%arg5 : memref<128x128xf32, #tpu.memory_space<hbm>>) target(%dma_start3A_64 : memref<128x128xf32, #tpu.memory_space<vmem>>) target_semaphore(%run_scoped3A : memref<!tpu.dma_semaphore, #tpu.memory_space<semaphore_mem>>)
      %dma_wait3A_65 = arith.constant 0 : i32
      %dma_wait3A_66 = arith.constant 0 : i32
      %dma_wait3A_67 = tpu.memref_slice %arg9[%dma_wait3A_65, %dma_wait3A_66] : memref<256x128xf32, #tpu.memory_space<vmem>> -> memref<128x128xf32, #tpu.memory_space<vmem>>
      %dma_wait3A_68 = arith.constant 0 : i32
      %dma_wait3A_69 = arith.constant 0 : i32
      %dma_wait3A_70 = tpu.memref_slice %arg9[%dma_wait3A_68, %dma_wait3A_69] : memref<256x128xf32, #tpu.memory_space<vmem>> -> memref<128x128xf32, #tpu.memory_space<vmem>>
      tpu.wait_dma2 semaphore(%run_scoped3A : memref<!tpu.dma_semaphore, #tpu.memory_space<semaphore_mem>>) src(%arg5 : memref<128x128xf32, #tpu.memory_space<hbm>>) dst(%dma_wait3A_70 : memref<128x128xf32, #tpu.memory_space<vmem>>)
      tpu.yield
    }) : () -> ()
    %scan3A = arith.constant 0 : i32
    %scan3A_1 = arith.constant 0 : i32
    %scan3A_2 = arith.constant 5 : i32
    %scan3A_3 = arith.addi %scan3A_1, %scan3A_2 : i32
    %scan3A_4 = arith.constant 1 : i32
    scf.for %scan3A_59 = %scan3A_1 to %scan3A_3 step %scan3A_4  : i32 {
      %mul3A_60 = arith.constant 640 : i32
      %mul3A_61 = arith.muli %arg1, %mul3A_60 : i32
      %mul3A_62 = arith.constant 128 : i32
      %mul3A_63 = arith.muli %scan3A_59, %mul3A_62 : i32
      %add3A_64 = arith.addi %mul3A_61, %mul3A_63 : i32
      %dma_start3A_65 = arith.constant 0 : i32
      %dma_start3A_66 = arith.constant 0 : i32
      %dma_start3A_67 = tpu.memref_slice %arg9[%dma_start3A_65, %dma_start3A_66] : memref<256x128xf32, #tpu.memory_space<vmem>> -> memref<128x128xf32, #tpu.memory_space<vmem>>
      %dma_start3A_68 = arith.constant 0 : i32
      %dma_start3A_69 = tpu.memref_slice %arg10[%add3A_64, %dma_start3A_68] : memref<10240x128xf32, #tpu.memory_space<vmem_shared>> -> memref<128x128xf32, #tpu.memory_space<vmem_shared>>
      %dma_start3A_70 = arith.constant 0 : i32
      %dma_start3A_71 = tpu.memref_slice %arg10[%add3A_64, %dma_start3A_70] : memref<10240x128xf32, #tpu.memory_space<vmem_shared>> -> memref<128x128xf32, #tpu.memory_space<vmem_shared>>
      %dma_start3A_72 = arith.constant 0 : i32
      %dma_start3A_73 = arith.constant 0 : i32
      %dma_start3A_74 = tpu.memref_slice %arg9[%dma_start3A_72, %dma_start3A_73] : memref<256x128xf32, #tpu.memory_space<vmem>> -> memref<128x128xf32, #tpu.memory_space<vmem>>
      tpu.enqueue_dma source(%dma_start3A_74 : memref<128x128xf32, #tpu.memory_space<vmem>>) target(%dma_start3A_71 : memref<128x128xf32, #tpu.memory_space<vmem_shared>>) target_semaphore(%arg13 : memref<!tpu.dma_semaphore, #tpu.memory_space<semaphore_mem>>)
    }
    %scan3A_5 = arith.constant 5 : i32
    "tpu.region"() ({
      %run_scoped3A = tpu.sem_alloc : memref<!tpu.dma_semaphore, #tpu.memory_space<semaphore_mem>>
      %dma_start3A_59 = arith.constant 0 : i32
      %dma_start3A_60 = arith.constant 0 : i32
      %dma_start3A_61 = tpu.memref_slice %arg7[%dma_start3A_59, %dma_start3A_60] : memref<40x128xi32, #tpu.memory_space<vmem>> -> memref<40x128xi32, #tpu.memory_space<vmem>>
      %dma_start3A_62 = arith.constant 0 : i32
      %dma_start3A_63 = arith.constant 0 : i32
      %dma_start3A_64 = tpu.memref_slice %arg3[%add3A, %dma_start3A_62, %dma_start3A_63] : memref<32x79x128xi32, #tpu.memory_space<hbm>> -> memref<1x40x128xi32, #tpu.memory_space<hbm>>
      %dma_start3A_65 = tpu.memref_squeeze %dma_start3A_64 : memref<1x40x128xi32, #tpu.memory_space<hbm>> -> memref<40x128xi32, #tpu.memory_space<hbm>>
      %dma_start3A_66 = arith.constant 0 : i32
      %dma_start3A_67 = arith.constant 0 : i32
      %dma_start3A_68 = tpu.memref_slice %arg7[%dma_start3A_66, %dma_start3A_67] : memref<40x128xi32, #tpu.memory_space<vmem>> -> memref<40x128xi32, #tpu.memory_space<vmem>>
      %dma_start3A_69 = arith.constant 0 : i32
      %dma_start3A_70 = arith.constant 0 : i32
      %dma_start3A_71 = tpu.memref_slice %arg3[%add3A, %dma_start3A_69, %dma_start3A_70] : memref<32x79x128xi32, #tpu.memory_space<hbm>> -> memref<1x40x128xi32, #tpu.memory_space<hbm>>
      %dma_start3A_72 = tpu.memref_squeeze %dma_start3A_71 : memref<1x40x128xi32, #tpu.memory_space<hbm>> -> memref<40x128xi32, #tpu.memory_space<hbm>>
      tpu.enqueue_dma source(%dma_start3A_72 : memref<40x128xi32, #tpu.memory_space<hbm>>) target(%dma_start3A_68 : memref<40x128xi32, #tpu.memory_space<vmem>>) target_semaphore(%run_scoped3A : memref<!tpu.dma_semaphore, #tpu.memory_space<semaphore_mem>>)
      %dma_wait3A_73 = arith.constant 0 : i32
      %dma_wait3A_74 = arith.constant 0 : i32
      %dma_wait3A_75 = tpu.memref_slice %arg7[%dma_wait3A_73, %dma_wait3A_74] : memref<40x128xi32, #tpu.memory_space<vmem>> -> memref<40x128xi32, #tpu.memory_space<vmem>>
      %dma_wait3A_76 = arith.constant 0 : i32
      %dma_wait3A_77 = arith.constant 0 : i32
      %dma_wait3A_78 = tpu.memref_slice %arg3[%add3A, %dma_wait3A_76, %dma_wait3A_77] : memref<32x79x128xi32, #tpu.memory_space<hbm>> -> memref<1x40x128xi32, #tpu.memory_space<hbm>>
      %dma_wait3A_79 = tpu.memref_squeeze %dma_wait3A_78 : memref<1x40x128xi32, #tpu.memory_space<hbm>> -> memref<40x128xi32, #tpu.memory_space<hbm>>
      %dma_wait3A_80 = arith.constant 0 : i32
      %dma_wait3A_81 = arith.constant 0 : i32
      %dma_wait3A_82 = tpu.memref_slice %arg7[%dma_wait3A_80, %dma_wait3A_81] : memref<40x128xi32, #tpu.memory_space<vmem>> -> memref<40x128xi32, #tpu.memory_space<vmem>>
      %dma_wait3A_83 = arith.constant 0 : i32
      %dma_wait3A_84 = arith.constant 0 : i32
      %dma_wait3A_85 = tpu.memref_slice %arg3[%add3A, %dma_wait3A_83, %dma_wait3A_84] : memref<32x79x128xi32, #tpu.memory_space<hbm>> -> memref<1x40x128xi32, #tpu.memory_space<hbm>>
      %dma_wait3A_86 = tpu.memref_squeeze %dma_wait3A_85 : memref<1x40x128xi32, #tpu.memory_space<hbm>> -> memref<40x128xi32, #tpu.memory_space<hbm>>
      tpu.wait_dma2 semaphore(%run_scoped3A : memref<!tpu.dma_semaphore, #tpu.memory_space<semaphore_mem>>) src(%dma_wait3A_86 : memref<40x128xi32, #tpu.memory_space<hbm>>) dst(%dma_wait3A_82 : memref<40x128xi32, #tpu.memory_space<vmem>>)
      tpu.yield
    }) : () -> ()
    "tpu.region"() ({
      %run_scoped3A = tpu.sem_alloc : memref<!tpu.dma_semaphore, #tpu.memory_space<semaphore_mem>>
      %dma_start3A_59 = arith.constant 0 : i32
      %dma_start3A_60 = arith.constant 0 : i32
      %dma_start3A_61 = tpu.memref_slice %arg8[%dma_start3A_59, %dma_start3A_60] : memref<40x128xi32, #tpu.memory_space<vmem>> -> memref<40x128xi32, #tpu.memory_space<vmem>>
      %dma_start3A_62 = arith.constant 0 : i32
      %dma_start3A_63 = arith.constant 0 : i32
      %dma_start3A_64 = tpu.memref_slice %arg4[%add3A, %dma_start3A_62, %dma_start3A_63] : memref<32x79x128xi32, #tpu.memory_space<hbm>> -> memref<1x40x128xi32, #tpu.memory_space<hbm>>
      %dma_start3A_65 = tpu.memref_squeeze %dma_start3A_64 : memref<1x40x128xi32, #tpu.memory_space<hbm>> -> memref<40x128xi32, #tpu.memory_space<hbm>>
      %dma_start3A_66 = arith.constant 0 : i32
      %dma_start3A_67 = arith.constant 0 : i32
      %dma_start3A_68 = tpu.memref_slice %arg8[%dma_start3A_66, %dma_start3A_67] : memref<40x128xi32, #tpu.memory_space<vmem>> -> memref<40x128xi32, #tpu.memory_space<vmem>>
      %dma_start3A_69 = arith.constant 0 : i32
      %dma_start3A_70 = arith.constant 0 : i32
      %dma_start3A_71 = tpu.memref_slice %arg4[%add3A, %dma_start3A_69, %dma_start3A_70] : memref<32x79x128xi32, #tpu.memory_space<hbm>> -> memref<1x40x128xi32, #tpu.memory_space<hbm>>
      %dma_start3A_72 = tpu.memref_squeeze %dma_start3A_71 : memref<1x40x128xi32, #tpu.memory_space<hbm>> -> memref<40x128xi32, #tpu.memory_space<hbm>>
      tpu.enqueue_dma source(%dma_start3A_72 : memref<40x128xi32, #tpu.memory_space<hbm>>) target(%dma_start3A_68 : memref<40x128xi32, #tpu.memory_space<vmem>>) target_semaphore(%run_scoped3A : memref<!tpu.dma_semaphore, #tpu.memory_space<semaphore_mem>>)
      %dma_wait3A_73 = arith.constant 0 : i32
      %dma_wait3A_74 = arith.constant 0 : i32
      %dma_wait3A_75 = tpu.memref_slice %arg8[%dma_wait3A_73, %dma_wait3A_74] : memref<40x128xi32, #tpu.memory_space<vmem>> -> memref<40x128xi32, #tpu.memory_space<vmem>>
      %dma_wait3A_76 = arith.constant 0 : i32
      %dma_wait3A_77 = arith.constant 0 : i32
      %dma_wait3A_78 = tpu.memref_slice %arg4[%add3A, %dma_wait3A_76, %dma_wait3A_77] : memref<32x79x128xi32, #tpu.memory_space<hbm>> -> memref<1x40x128xi32, #tpu.memory_space<hbm>>
      %dma_wait3A_79 = tpu.memref_squeeze %dma_wait3A_78 : memref<1x40x128xi32, #tpu.memory_space<hbm>> -> memref<40x128xi32, #tpu.memory_space<hbm>>
      %dma_wait3A_80 = arith.constant 0 : i32
      %dma_wait3A_81 = arith.constant 0 : i32
      %dma_wait3A_82 = tpu.memref_slice %arg8[%dma_wait3A_80, %dma_wait3A_81] : memref<40x128xi32, #tpu.memory_space<vmem>> -> memref<40x128xi32, #tpu.memory_space<vmem>>
      %dma_wait3A_83 = arith.constant 0 : i32
      %dma_wait3A_84 = arith.constant 0 : i32
      %dma_wait3A_85 = tpu.memref_slice %arg4[%add3A, %dma_wait3A_83, %dma_wait3A_84] : memref<32x79x128xi32, #tpu.memory_space<hbm>> -> memref<1x40x128xi32, #tpu.memory_space<hbm>>
      %dma_wait3A_86 = tpu.memref_squeeze %dma_wait3A_85 : memref<1x40x128xi32, #tpu.memory_space<hbm>> -> memref<40x128xi32, #tpu.memory_space<hbm>>
      tpu.wait_dma2 semaphore(%run_scoped3A : memref<!tpu.dma_semaphore, #tpu.memory_space<semaphore_mem>>) src(%dma_wait3A_86 : memref<40x128xi32, #tpu.memory_space<hbm>>) dst(%dma_wait3A_82 : memref<40x128xi32, #tpu.memory_space<vmem>>)
      tpu.yield
    }) : () -> ()
    %scan3A_6 = arith.constant 0 : i32
    %scan3A_7 = arith.constant 0 : i32
    %scan3A_8 = arith.constant 5 : i32
    %scan3A_9 = arith.addi %scan3A_7, %scan3A_8 : i32
    %scan3A_10 = arith.constant 1 : i32
    scf.for %scan3A_59 = %scan3A_7 to %scan3A_9 step %scan3A_10  : i32 {
      %dma_wait3A_60 = arith.constant 0 : i32
      %dma_wait3A_61 = arith.constant 0 : i32
      %dma_wait3A_62 = tpu.memref_slice %arg9[%dma_wait3A_60, %dma_wait3A_61] : memref<256x128xf32, #tpu.memory_space<vmem>> -> memref<128x128xf32, #tpu.memory_space<vmem>>
      %dma_wait3A_63 = arith.constant 0 : i32
      %dma_wait3A_64 = arith.constant 0 : i32
      %dma_wait3A_65 = tpu.memref_slice %arg9[%dma_wait3A_63, %dma_wait3A_64] : memref<256x128xf32, #tpu.memory_space<vmem>> -> memref<128x128xf32, #tpu.memory_space<vmem>>
      tpu.wait_dma2 semaphore(%arg13 : memref<!tpu.dma_semaphore, #tpu.memory_space<semaphore_mem>>) src(%arg5 : memref<128x128xf32, #tpu.memory_space<hbm>>) dst(%dma_wait3A_65 : memref<128x128xf32, #tpu.memory_space<vmem>>)
    }
    %scan3A_11 = arith.constant 5 : i32
    %barrier3A = arith.constant 0 : index
    tpu.barrier barrier_id(%barrier3A)
    %scan3A_12 = arith.constant 0 : i32
    %scan3A_13 = arith.constant 0 : i32
    %scan3A_14 = arith.constant 20 : i32
    %scan3A_15 = arith.addi %scan3A_13, %scan3A_14 : i32
    %scan3A_16 = arith.constant 1 : i32
    scf.for %scan3A_59 = %scan3A_13 to %scan3A_15 step %scan3A_16  : i32 {
      %mul3A_60 = arith.constant 2 : i32
      %mul3A_61 = arith.muli %scan3A_59, %mul3A_60 : i32
      %dma_start3A_62 = arith.constant 0 : i32
      %dma_start3A_63 = arith.constant 0 : i32
      %dma_start3A_64 = tpu.memref_slice %arg9[%dma_start3A_62, %dma_start3A_63] : memref<256x128xf32, #tpu.memory_space<vmem>> -> memref<128x128xf32, #tpu.memory_space<vmem>>
      %dma_start3A_65 = arith.constant 0 : i32
      %dma_start3A_66 = tpu.memref_slice %arg7[%mul3A_61, %dma_start3A_65] : memref<40x128xi32, #tpu.memory_space<vmem>> -> memref<1x128xi32, #tpu.memory_space<vmem>>
      %dma_start3A_67 = tpu.memref_squeeze %dma_start3A_66 : memref<1x128xi32, #tpu.memory_space<vmem>> -> memref<128xi32, #tpu.memory_space<vmem>>
      %dma_start3A_68 = arith.constant 0 : i32
      %dma_start3A_69 = arith.constant 0 : i32
      %dma_start3A_70 = tpu.memref_slice %arg2[%dma_start3A_68, %dma_start3A_69] : memref<10000x128xf32, #tpu.memory_space<hbm>> -> memref<10000x128xf32, #tpu.memory_space<hbm>>
      tpu.enqueue_indirect_dma source(%dma_start3A_70 : memref<10000x128xf32, #tpu.memory_space<hbm>>) target(%dma_start3A_64 : memref<128x128xf32, #tpu.memory_space<vmem>>) offsets(%dma_start3A_67 : memref<128xi32, #tpu.memory_space<vmem>>) semaphore(%arg11 : memref<!tpu.dma_semaphore, #tpu.memory_space<semaphore_mem>>)
      %add3A_71 = arith.constant 1 : i32
      %add3A_72 = arith.addi %mul3A_61, %add3A_71 : i32
      %dma_start3A_73 = arith.constant 128 : i32
      %dma_start3A_74 = arith.constant 0 : i32
      %dma_start3A_75 = tpu.memref_slice %arg9[%dma_start3A_73, %dma_start3A_74] : memref<256x128xf32, #tpu.memory_space<vmem>> -> memref<128x128xf32, #tpu.memory_space<vmem>>
      %dma_start3A_76 = arith.constant 0 : i32
      %dma_start3A_77 = tpu.memref_slice %arg7[%add3A_72, %dma_start3A_76] : memref<40x128xi32, #tpu.memory_space<vmem>> -> memref<1x128xi32, #tpu.memory_space<vmem>>
      %dma_start3A_78 = tpu.memref_squeeze %dma_start3A_77 : memref<1x128xi32, #tpu.memory_space<vmem>> -> memref<128xi32, #tpu.memory_space<vmem>>
      %dma_start3A_79 = arith.constant 0 : i32
      %dma_start3A_80 = arith.constant 0 : i32
      %dma_start3A_81 = tpu.memref_slice %arg2[%dma_start3A_79, %dma_start3A_80] : memref<10000x128xf32, #tpu.memory_space<hbm>> -> memref<10000x128xf32, #tpu.memory_space<hbm>>
      tpu.enqueue_indirect_dma source(%dma_start3A_81 : memref<10000x128xf32, #tpu.memory_space<hbm>>) target(%dma_start3A_75 : memref<128x128xf32, #tpu.memory_space<vmem>>) offsets(%dma_start3A_78 : memref<128xi32, #tpu.memory_space<vmem>>) semaphore(%arg12 : memref<!tpu.dma_semaphore, #tpu.memory_space<semaphore_mem>>)
      %dma_wait3A_82 = arith.constant 0 : i32
      %dma_wait3A_83 = arith.constant 0 : i32
      %dma_wait3A_84 = tpu.memref_slice %arg9[%dma_wait3A_82, %dma_wait3A_83] : memref<256x128xf32, #tpu.memory_space<vmem>> -> memref<128x128xf32, #tpu.memory_space<vmem>>
      %dma_wait3A_85 = arith.constant 0 : i32
      %dma_wait3A_86 = arith.constant 0 : i32
      %dma_wait3A_87 = tpu.memref_slice %arg9[%dma_wait3A_85, %dma_wait3A_86] : memref<256x128xf32, #tpu.memory_space<vmem>> -> memref<128x128xf32, #tpu.memory_space<vmem>>
      tpu.wait_dma2 semaphore(%arg11 : memref<!tpu.dma_semaphore, #tpu.memory_space<semaphore_mem>>) src(%arg5 : memref<128x128xf32, #tpu.memory_space<hbm>>) dst(%dma_wait3A_87 : memref<128x128xf32, #tpu.memory_space<vmem>>)
      %dma_start3A_88 = arith.constant 0 : i32
      %dma_start3A_89 = arith.constant 0 : i32
      %dma_start3A_90 = tpu.memref_slice %arg9[%dma_start3A_88, %dma_start3A_89] : memref<256x128xf32, #tpu.memory_space<vmem>> -> memref<128x128xf32, #tpu.memory_space<vmem>>
      %dma_start3A_91 = arith.constant 0 : i32
      %dma_start3A_92 = tpu.memref_slice %arg8[%mul3A_61, %dma_start3A_91] : memref<40x128xi32, #tpu.memory_space<vmem>> -> memref<1x128xi32, #tpu.memory_space<vmem>>
      %dma_start3A_93 = tpu.memref_squeeze %dma_start3A_92 : memref<1x128xi32, #tpu.memory_space<vmem>> -> memref<128xi32, #tpu.memory_space<vmem>>
      %dma_start3A_94 = arith.constant 0 : i32
      %dma_start3A_95 = arith.constant 0 : i32
      %dma_start3A_96 = tpu.memref_slice %arg10[%dma_start3A_94, %dma_start3A_95] : memref<10240x128xf32, #tpu.memory_space<vmem_shared>> -> memref<10240x128xf32, #tpu.memory_space<vmem_shared>>
      tpu.enqueue_indirect_dma source(%dma_start3A_90 : memref<128x128xf32, #tpu.memory_space<vmem>>) target(%dma_start3A_96 : memref<10240x128xf32, #tpu.memory_space<vmem_shared>>) offsets(%dma_start3A_93 : memref<128xi32, #tpu.memory_space<vmem>>) semaphore(%arg13 : memref<!tpu.dma_semaphore, #tpu.memory_space<semaphore_mem>>) {add = true}
      %dma_wait3A_97 = arith.constant 128 : i32
      %dma_wait3A_98 = arith.constant 0 : i32
      %dma_wait3A_99 = tpu.memref_slice %arg9[%dma_wait3A_97, %dma_wait3A_98] : memref<256x128xf32, #tpu.memory_space<vmem>> -> memref<128x128xf32, #tpu.memory_space<vmem>>
      %dma_wait3A_100 = arith.constant 128 : i32
      %dma_wait3A_101 = arith.constant 0 : i32
      %dma_wait3A_102 = tpu.memref_slice %arg9[%dma_wait3A_100, %dma_wait3A_101] : memref<256x128xf32, #tpu.memory_space<vmem>> -> memref<128x128xf32, #tpu.memory_space<vmem>>
      tpu.wait_dma2 semaphore(%arg12 : memref<!tpu.dma_semaphore, #tpu.memory_space<semaphore_mem>>) src(%arg5 : memref<128x128xf32, #tpu.memory_space<hbm>>) dst(%dma_wait3A_102 : memref<128x128xf32, #tpu.memory_space<vmem>>)
      %add3A_103 = arith.constant 1 : i32
      %add3A_104 = arith.addi %mul3A_61, %add3A_103 : i32
      %dma_start3A_105 = arith.constant 128 : i32
      %dma_start3A_106 = arith.constant 0 : i32
      %dma_start3A_107 = tpu.memref_slice %arg9[%dma_start3A_105, %dma_start3A_106] : memref<256x128xf32, #tpu.memory_space<vmem>> -> memref<128x128xf32, #tpu.memory_space<vmem>>
      %dma_start3A_108 = arith.constant 0 : i32
      %dma_start3A_109 = tpu.memref_slice %arg8[%add3A_104, %dma_start3A_108] : memref<40x128xi32, #tpu.memory_space<vmem>> -> memref<1x128xi32, #tpu.memory_space<vmem>>
      %dma_start3A_110 = tpu.memref_squeeze %dma_start3A_109 : memref<1x128xi32, #tpu.memory_space<vmem>> -> memref<128xi32, #tpu.memory_space<vmem>>
      %dma_start3A_111 = arith.constant 0 : i32
      %dma_start3A_112 = arith.constant 0 : i32
      %dma_start3A_113 = tpu.memref_slice %arg10[%dma_start3A_111, %dma_start3A_112] : memref<10240x128xf32, #tpu.memory_space<vmem_shared>> -> memref<10240x128xf32, #tpu.memory_space<vmem_shared>>
      tpu.enqueue_indirect_dma source(%dma_start3A_107 : memref<128x128xf32, #tpu.memory_space<vmem>>) target(%dma_start3A_113 : memref<10240x128xf32, #tpu.memory_space<vmem_shared>>) offsets(%dma_start3A_110 : memref<128xi32, #tpu.memory_space<vmem>>) semaphore(%arg14 : memref<!tpu.dma_semaphore, #tpu.memory_space<semaphore_mem>>) {add = true}
      %dma_wait3A_114 = arith.constant 0 : i32
      %dma_wait3A_115 = arith.constant 0 : i32
      %dma_wait3A_116 = tpu.memref_slice %arg9[%dma_wait3A_114, %dma_wait3A_115] : memref<256x128xf32, #tpu.memory_space<vmem>> -> memref<128x128xf32, #tpu.memory_space<vmem>>
      %dma_wait3A_117 = arith.constant 0 : i32
      %dma_wait3A_118 = arith.constant 0 : i32
      %dma_wait3A_119 = tpu.memref_slice %arg9[%dma_wait3A_117, %dma_wait3A_118] : memref<256x128xf32, #tpu.memory_space<vmem>> -> memref<128x128xf32, #tpu.memory_space<vmem>>
      tpu.wait_dma2 semaphore(%arg13 : memref<!tpu.dma_semaphore, #tpu.memory_space<semaphore_mem>>) src(%arg5 : memref<128x128xf32, #tpu.memory_space<hbm>>) dst(%dma_wait3A_119 : memref<128x128xf32, #tpu.memory_space<vmem>>)
      %dma_wait3A_120 = arith.constant 128 : i32
      %dma_wait3A_121 = arith.constant 0 : i32
      %dma_wait3A_122 = tpu.memref_slice %arg9[%dma_wait3A_120, %dma_wait3A_121] : memref<256x128xf32, #tpu.memory_space<vmem>> -> memref<128x128xf32, #tpu.memory_space<vmem>>
      %dma_wait3A_123 = arith.constant 128 : i32
      %dma_wait3A_124 = arith.constant 0 : i32
      %dma_wait3A_125 = tpu.memref_slice %arg9[%dma_wait3A_123, %dma_wait3A_124] : memref<256x128xf32, #tpu.memory_space<vmem>> -> memref<128x128xf32, #tpu.memory_space<vmem>>
      tpu.wait_dma2 semaphore(%arg14 : memref<!tpu.dma_semaphore, #tpu.memory_space<semaphore_mem>>) src(%arg5 : memref<128x128xf32, #tpu.memory_space<hbm>>) dst(%dma_wait3A_125 : memref<128x128xf32, #tpu.memory_space<vmem>>)
    }
    %scan3A_17 = arith.constant 20 : i32
    "tpu.region"() ({
      %run_scoped3A = tpu.sem_alloc : memref<!tpu.dma_semaphore, #tpu.memory_space<semaphore_mem>>
      %dma_start3A_59 = arith.constant 0 : i32
      %dma_start3A_60 = arith.constant 0 : i32
      %dma_start3A_61 = tpu.memref_slice %arg7[%dma_start3A_59, %dma_start3A_60] : memref<40x128xi32, #tpu.memory_space<vmem>> -> memref<39x128xi32, #tpu.memory_space<vmem>>
      %dma_start3A_62 = arith.constant 40 : i32
      %dma_start3A_63 = arith.constant 0 : i32
      %dma_start3A_64 = tpu.memref_slice %arg3[%add3A, %dma_start3A_62, %dma_start3A_63] : memref<32x79x128xi32, #tpu.memory_space<hbm>> -> memref<1x39x128xi32, #tpu.memory_space<hbm>>
      %dma_start3A_65 = tpu.memref_squeeze %dma_start3A_64 : memref<1x39x128xi32, #tpu.memory_space<hbm>> -> memref<39x128xi32, #tpu.memory_space<hbm>>
      %dma_start3A_66 = arith.constant 0 : i32
      %dma_start3A_67 = arith.constant 0 : i32
      %dma_start3A_68 = tpu.memref_slice %arg7[%dma_start3A_66, %dma_start3A_67] : memref<40x128xi32, #tpu.memory_space<vmem>> -> memref<39x128xi32, #tpu.memory_space<vmem>>
      %dma_start3A_69 = arith.constant 40 : i32
      %dma_start3A_70 = arith.constant 0 : i32
      %dma_start3A_71 = tpu.memref_slice %arg3[%add3A, %dma_start3A_69, %dma_start3A_70] : memref<32x79x128xi32, #tpu.memory_space<hbm>> -> memref<1x39x128xi32, #tpu.memory_space<hbm>>
      %dma_start3A_72 = tpu.memref_squeeze %dma_start3A_71 : memref<1x39x128xi32, #tpu.memory_space<hbm>> -> memref<39x128xi32, #tpu.memory_space<hbm>>
      tpu.enqueue_dma source(%dma_start3A_72 : memref<39x128xi32, #tpu.memory_space<hbm>>) target(%dma_start3A_68 : memref<39x128xi32, #tpu.memory_space<vmem>>) target_semaphore(%run_scoped3A : memref<!tpu.dma_semaphore, #tpu.memory_space<semaphore_mem>>)
      %dma_wait3A_73 = arith.constant 0 : i32
      %dma_wait3A_74 = arith.constant 0 : i32
      %dma_wait3A_75 = tpu.memref_slice %arg7[%dma_wait3A_73, %dma_wait3A_74] : memref<40x128xi32, #tpu.memory_space<vmem>> -> memref<39x128xi32, #tpu.memory_space<vmem>>
      %dma_wait3A_76 = arith.constant 40 : i32
      %dma_wait3A_77 = arith.constant 0 : i32
      %dma_wait3A_78 = tpu.memref_slice %arg3[%add3A, %dma_wait3A_76, %dma_wait3A_77] : memref<32x79x128xi32, #tpu.memory_space<hbm>> -> memref<1x39x128xi32, #tpu.memory_space<hbm>>
      %dma_wait3A_79 = tpu.memref_squeeze %dma_wait3A_78 : memref<1x39x128xi32, #tpu.memory_space<hbm>> -> memref<39x128xi32, #tpu.memory_space<hbm>>
      %dma_wait3A_80 = arith.constant 0 : i32
      %dma_wait3A_81 = arith.constant 0 : i32
      %dma_wait3A_82 = tpu.memref_slice %arg7[%dma_wait3A_80, %dma_wait3A_81] : memref<40x128xi32, #tpu.memory_space<vmem>> -> memref<39x128xi32, #tpu.memory_space<vmem>>
      %dma_wait3A_83 = arith.constant 40 : i32
      %dma_wait3A_84 = arith.constant 0 : i32
      %dma_wait3A_85 = tpu.memref_slice %arg3[%add3A, %dma_wait3A_83, %dma_wait3A_84] : memref<32x79x128xi32, #tpu.memory_space<hbm>> -> memref<1x39x128xi32, #tpu.memory_space<hbm>>
      %dma_wait3A_86 = tpu.memref_squeeze %dma_wait3A_85 : memref<1x39x128xi32, #tpu.memory_space<hbm>> -> memref<39x128xi32, #tpu.memory_space<hbm>>
      tpu.wait_dma2 semaphore(%run_scoped3A : memref<!tpu.dma_semaphore, #tpu.memory_space<semaphore_mem>>) src(%dma_wait3A_86 : memref<39x128xi32, #tpu.memory_space<hbm>>) dst(%dma_wait3A_82 : memref<39x128xi32, #tpu.memory_space<vmem>>)
      tpu.yield
    }) : () -> ()
    "tpu.region"() ({
      %run_scoped3A = tpu.sem_alloc : memref<!tpu.dma_semaphore, #tpu.memory_space<semaphore_mem>>
      %dma_start3A_59 = arith.constant 0 : i32
      %dma_start3A_60 = arith.constant 0 : i32
      %dma_start3A_61 = tpu.memref_slice %arg8[%dma_start3A_59, %dma_start3A_60] : memref<40x128xi32, #tpu.memory_space<vmem>> -> memref<39x128xi32, #tpu.memory_space<vmem>>
      %dma_start3A_62 = arith.constant 40 : i32
      %dma_start3A_63 = arith.constant 0 : i32
      %dma_start3A_64 = tpu.memref_slice %arg4[%add3A, %dma_start3A_62, %dma_start3A_63] : memref<32x79x128xi32, #tpu.memory_space<hbm>> -> memref<1x39x128xi32, #tpu.memory_space<hbm>>
      %dma_start3A_65 = tpu.memref_squeeze %dma_start3A_64 : memref<1x39x128xi32, #tpu.memory_space<hbm>> -> memref<39x128xi32, #tpu.memory_space<hbm>>
      %dma_start3A_66 = arith.constant 0 : i32
      %dma_start3A_67 = arith.constant 0 : i32
      %dma_start3A_68 = tpu.memref_slice %arg8[%dma_start3A_66, %dma_start3A_67] : memref<40x128xi32, #tpu.memory_space<vmem>> -> memref<39x128xi32, #tpu.memory_space<vmem>>
      %dma_start3A_69 = arith.constant 40 : i32
      %dma_start3A_70 = arith.constant 0 : i32
      %dma_start3A_71 = tpu.memref_slice %arg4[%add3A, %dma_start3A_69, %dma_start3A_70] : memref<32x79x128xi32, #tpu.memory_space<hbm>> -> memref<1x39x128xi32, #tpu.memory_space<hbm>>
      %dma_start3A_72 = tpu.memref_squeeze %dma_start3A_71 : memref<1x39x128xi32, #tpu.memory_space<hbm>> -> memref<39x128xi32, #tpu.memory_space<hbm>>
      tpu.enqueue_dma source(%dma_start3A_72 : memref<39x128xi32, #tpu.memory_space<hbm>>) target(%dma_start3A_68 : memref<39x128xi32, #tpu.memory_space<vmem>>) target_semaphore(%run_scoped3A : memref<!tpu.dma_semaphore, #tpu.memory_space<semaphore_mem>>)
      %dma_wait3A_73 = arith.constant 0 : i32
      %dma_wait3A_74 = arith.constant 0 : i32
      %dma_wait3A_75 = tpu.memref_slice %arg8[%dma_wait3A_73, %dma_wait3A_74] : memref<40x128xi32, #tpu.memory_space<vmem>> -> memref<39x128xi32, #tpu.memory_space<vmem>>
      %dma_wait3A_76 = arith.constant 40 : i32
      %dma_wait3A_77 = arith.constant 0 : i32
      %dma_wait3A_78 = tpu.memref_slice %arg4[%add3A, %dma_wait3A_76, %dma_wait3A_77] : memref<32x79x128xi32, #tpu.memory_space<hbm>> -> memref<1x39x128xi32, #tpu.memory_space<hbm>>
      %dma_wait3A_79 = tpu.memref_squeeze %dma_wait3A_78 : memref<1x39x128xi32, #tpu.memory_space<hbm>> -> memref<39x128xi32, #tpu.memory_space<hbm>>
      %dma_wait3A_80 = arith.constant 0 : i32
      %dma_wait3A_81 = arith.constant 0 : i32
      %dma_wait3A_82 = tpu.memref_slice %arg8[%dma_wait3A_80, %dma_wait3A_81] : memref<40x128xi32, #tpu.memory_space<vmem>> -> memref<39x128xi32, #tpu.memory_space<vmem>>
      %dma_wait3A_83 = arith.constant 40 : i32
      %dma_wait3A_84 = arith.constant 0 : i32
      %dma_wait3A_85 = tpu.memref_slice %arg4[%add3A, %dma_wait3A_83, %dma_wait3A_84] : memref<32x79x128xi32, #tpu.memory_space<hbm>> -> memref<1x39x128xi32, #tpu.memory_space<hbm>>
      %dma_wait3A_86 = tpu.memref_squeeze %dma_wait3A_85 : memref<1x39x128xi32, #tpu.memory_space<hbm>> -> memref<39x128xi32, #tpu.memory_space<hbm>>
      tpu.wait_dma2 semaphore(%run_scoped3A : memref<!tpu.dma_semaphore, #tpu.memory_space<semaphore_mem>>) src(%dma_wait3A_86 : memref<39x128xi32, #tpu.memory_space<hbm>>) dst(%dma_wait3A_82 : memref<39x128xi32, #tpu.memory_space<vmem>>)
      tpu.yield
    }) : () -> ()
    %scan3A_18 = arith.constant 0 : i32
    %scan3A_19 = arith.constant 0 : i32
    %scan3A_20 = arith.constant 19 : i32
    %scan3A_21 = arith.addi %scan3A_19, %scan3A_20 : i32
    %scan3A_22 = arith.constant 1 : i32
    scf.for %scan3A_59 = %scan3A_19 to %scan3A_21 step %scan3A_22  : i32 {
      %mul3A_60 = arith.constant 2 : i32
      %mul3A_61 = arith.muli %scan3A_59, %mul3A_60 : i32
      %dma_start3A_62 = arith.constant 0 : i32
      %dma_start3A_63 = arith.constant 0 : i32
      %dma_start3A_64 = tpu.memref_slice %arg9[%dma_start3A_62, %dma_start3A_63] : memref<256x128xf32, #tpu.memory_space<vmem>> -> memref<128x128xf32, #tpu.memory_space<vmem>>
      %dma_start3A_65 = arith.constant 0 : i32
      %dma_start3A_66 = tpu.memref_slice %arg7[%mul3A_61, %dma_start3A_65] : memref<40x128xi32, #tpu.memory_space<vmem>> -> memref<1x128xi32, #tpu.memory_space<vmem>>
      %dma_start3A_67 = tpu.memref_squeeze %dma_start3A_66 : memref<1x128xi32, #tpu.memory_space<vmem>> -> memref<128xi32, #tpu.memory_space<vmem>>
      %dma_start3A_68 = arith.constant 0 : i32
      %dma_start3A_69 = arith.constant 0 : i32
      %dma_start3A_70 = tpu.memref_slice %arg2[%dma_start3A_68, %dma_start3A_69] : memref<10000x128xf32, #tpu.memory_space<hbm>> -> memref<10000x128xf32, #tpu.memory_space<hbm>>
      tpu.enqueue_indirect_dma source(%dma_start3A_70 : memref<10000x128xf32, #tpu.memory_space<hbm>>) target(%dma_start3A_64 : memref<128x128xf32, #tpu.memory_space<vmem>>) offsets(%dma_start3A_67 : memref<128xi32, #tpu.memory_space<vmem>>) semaphore(%arg11 : memref<!tpu.dma_semaphore, #tpu.memory_space<semaphore_mem>>)
      %add3A_71 = arith.constant 1 : i32
      %add3A_72 = arith.addi %mul3A_61, %add3A_71 : i32
      %dma_start3A_73 = arith.constant 128 : i32
      %dma_start3A_74 = arith.constant 0 : i32
      %dma_start3A_75 = tpu.memref_slice %arg9[%dma_start3A_73, %dma_start3A_74] : memref<256x128xf32, #tpu.memory_space<vmem>> -> memref<128x128xf32, #tpu.memory_space<vmem>>
      %dma_start3A_76 = arith.constant 0 : i32
      %dma_start3A_77 = tpu.memref_slice %arg7[%add3A_72, %dma_start3A_76] : memref<40x128xi32, #tpu.memory_space<vmem>> -> memref<1x128xi32, #tpu.memory_space<vmem>>
      %dma_start3A_78 = tpu.memref_squeeze %dma_start3A_77 : memref<1x128xi32, #tpu.memory_space<vmem>> -> memref<128xi32, #tpu.memory_space<vmem>>
      %dma_start3A_79 = arith.constant 0 : i32
      %dma_start3A_80 = arith.constant 0 : i32
      %dma_start3A_81 = tpu.memref_slice %arg2[%dma_start3A_79, %dma_start3A_80] : memref<10000x128xf32, #tpu.memory_space<hbm>> -> memref<10000x128xf32, #tpu.memory_space<hbm>>
      tpu.enqueue_indirect_dma source(%dma_start3A_81 : memref<10000x128xf32, #tpu.memory_space<hbm>>) target(%dma_start3A_75 : memref<128x128xf32, #tpu.memory_space<vmem>>) offsets(%dma_start3A_78 : memref<128xi32, #tpu.memory_space<vmem>>) semaphore(%arg12 : memref<!tpu.dma_semaphore, #tpu.memory_space<semaphore_mem>>)
      %dma_wait3A_82 = arith.constant 0 : i32
      %dma_wait3A_83 = arith.constant 0 : i32
      %dma_wait3A_84 = tpu.memref_slice %arg9[%dma_wait3A_82, %dma_wait3A_83] : memref<256x128xf32, #tpu.memory_space<vmem>> -> memref<128x128xf32, #tpu.memory_space<vmem>>
      %dma_wait3A_85 = arith.constant 0 : i32
      %dma_wait3A_86 = arith.constant 0 : i32
      %dma_wait3A_87 = tpu.memref_slice %arg9[%dma_wait3A_85, %dma_wait3A_86] : memref<256x128xf32, #tpu.memory_space<vmem>> -> memref<128x128xf32, #tpu.memory_space<vmem>>
      tpu.wait_dma2 semaphore(%arg11 : memref<!tpu.dma_semaphore, #tpu.memory_space<semaphore_mem>>) src(%arg5 : memref<128x128xf32, #tpu.memory_space<hbm>>) dst(%dma_wait3A_87 : memref<128x128xf32, #tpu.memory_space<vmem>>)
      %dma_start3A_88 = arith.constant 0 : i32
      %dma_start3A_89 = arith.constant 0 : i32
      %dma_start3A_90 = tpu.memref_slice %arg9[%dma_start3A_88, %dma_start3A_89] : memref<256x128xf32, #tpu.memory_space<vmem>> -> memref<128x128xf32, #tpu.memory_space<vmem>>
      %dma_start3A_91 = arith.constant 0 : i32
      %dma_start3A_92 = tpu.memref_slice %arg8[%mul3A_61, %dma_start3A_91] : memref<40x128xi32, #tpu.memory_space<vmem>> -> memref<1x128xi32, #tpu.memory_space<vmem>>
      %dma_start3A_93 = tpu.memref_squeeze %dma_start3A_92 : memref<1x128xi32, #tpu.memory_space<vmem>> -> memref<128xi32, #tpu.memory_space<vmem>>
      %dma_start3A_94 = arith.constant 0 : i32
      %dma_start3A_95 = arith.constant 0 : i32
      %dma_start3A_96 = tpu.memref_slice %arg10[%dma_start3A_94, %dma_start3A_95] : memref<10240x128xf32, #tpu.memory_space<vmem_shared>> -> memref<10240x128xf32, #tpu.memory_space<vmem_shared>>
      tpu.enqueue_indirect_dma source(%dma_start3A_90 : memref<128x128xf32, #tpu.memory_space<vmem>>) target(%dma_start3A_96 : memref<10240x128xf32, #tpu.memory_space<vmem_shared>>) offsets(%dma_start3A_93 : memref<128xi32, #tpu.memory_space<vmem>>) semaphore(%arg13 : memref<!tpu.dma_semaphore, #tpu.memory_space<semaphore_mem>>) {add = true}
      %dma_wait3A_97 = arith.constant 128 : i32
      %dma_wait3A_98 = arith.constant 0 : i32
      %dma_wait3A_99 = tpu.memref_slice %arg9[%dma_wait3A_97, %dma_wait3A_98] : memref<256x128xf32, #tpu.memory_space<vmem>> -> memref<128x128xf32, #tpu.memory_space<vmem>>
      %dma_wait3A_100 = arith.constant 128 : i32
      %dma_wait3A_101 = arith.constant 0 : i32
      %dma_wait3A_102 = tpu.memref_slice %arg9[%dma_wait3A_100, %dma_wait3A_101] : memref<256x128xf32, #tpu.memory_space<vmem>> -> memref<128x128xf32, #tpu.memory_space<vmem>>
      tpu.wait_dma2 semaphore(%arg12 : memref<!tpu.dma_semaphore, #tpu.memory_space<semaphore_mem>>) src(%arg5 : memref<128x128xf32, #tpu.memory_space<hbm>>) dst(%dma_wait3A_102 : memref<128x128xf32, #tpu.memory_space<vmem>>)
      %add3A_103 = arith.constant 1 : i32
      %add3A_104 = arith.addi %mul3A_61, %add3A_103 : i32
      %dma_start3A_105 = arith.constant 128 : i32
      %dma_start3A_106 = arith.constant 0 : i32
      %dma_start3A_107 = tpu.memref_slice %arg9[%dma_start3A_105, %dma_start3A_106] : memref<256x128xf32, #tpu.memory_space<vmem>> -> memref<128x128xf32, #tpu.memory_space<vmem>>
      %dma_start3A_108 = arith.constant 0 : i32
      %dma_start3A_109 = tpu.memref_slice %arg8[%add3A_104, %dma_start3A_108] : memref<40x128xi32, #tpu.memory_space<vmem>> -> memref<1x128xi32, #tpu.memory_space<vmem>>
      %dma_start3A_110 = tpu.memref_squeeze %dma_start3A_109 : memref<1x128xi32, #tpu.memory_space<vmem>> -> memref<128xi32, #tpu.memory_space<vmem>>
      %dma_start3A_111 = arith.constant 0 : i32
      %dma_start3A_112 = arith.constant 0 : i32
      %dma_start3A_113 = tpu.memref_slice %arg10[%dma_start3A_111, %dma_start3A_112] : memref<10240x128xf32, #tpu.memory_space<vmem_shared>> -> memref<10240x128xf32, #tpu.memory_space<vmem_shared>>
      tpu.enqueue_indirect_dma source(%dma_start3A_107 : memref<128x128xf32, #tpu.memory_space<vmem>>) target(%dma_start3A_113 : memref<10240x128xf32, #tpu.memory_space<vmem_shared>>) offsets(%dma_start3A_110 : memref<128xi32, #tpu.memory_space<vmem>>) semaphore(%arg14 : memref<!tpu.dma_semaphore, #tpu.memory_space<semaphore_mem>>) {add = true}
      %dma_wait3A_114 = arith.constant 0 : i32
      %dma_wait3A_115 = arith.constant 0 : i32
      %dma_wait3A_116 = tpu.memref_slice %arg9[%dma_wait3A_114, %dma_wait3A_115] : memref<256x128xf32, #tpu.memory_space<vmem>> -> memref<128x128xf32, #tpu.memory_space<vmem>>
      %dma_wait3A_117 = arith.constant 0 : i32
      %dma_wait3A_118 = arith.constant 0 : i32
      %dma_wait3A_119 = tpu.memref_slice %arg9[%dma_wait3A_117, %dma_wait3A_118] : memref<256x128xf32, #tpu.memory_space<vmem>> -> memref<128x128xf32, #tpu.memory_space<vmem>>
      tpu.wait_dma2 semaphore(%arg13 : memref<!tpu.dma_semaphore, #tpu.memory_space<semaphore_mem>>) src(%arg5 : memref<128x128xf32, #tpu.memory_space<hbm>>) dst(%dma_wait3A_119 : memref<128x128xf32, #tpu.memory_space<vmem>>)
      %dma_wait3A_120 = arith.constant 128 : i32
      %dma_wait3A_121 = arith.constant 0 : i32
      %dma_wait3A_122 = tpu.memref_slice %arg9[%dma_wait3A_120, %dma_wait3A_121] : memref<256x128xf32, #tpu.memory_space<vmem>> -> memref<128x128xf32, #tpu.memory_space<vmem>>
      %dma_wait3A_123 = arith.constant 128 : i32
      %dma_wait3A_124 = arith.constant 0 : i32
      %dma_wait3A_125 = tpu.memref_slice %arg9[%dma_wait3A_123, %dma_wait3A_124] : memref<256x128xf32, #tpu.memory_space<vmem>> -> memref<128x128xf32, #tpu.memory_space<vmem>>
      tpu.wait_dma2 semaphore(%arg14 : memref<!tpu.dma_semaphore, #tpu.memory_space<semaphore_mem>>) src(%arg5 : memref<128x128xf32, #tpu.memory_space<hbm>>) dst(%dma_wait3A_125 : memref<128x128xf32, #tpu.memory_space<vmem>>)
    }
    %scan3A_23 = arith.constant 19 : i32
    %dma_start3A = arith.constant 38 : i32
    %dma_start3A_24 = arith.constant 0 : i32
    %dma_start3A_25 = arith.constant 0 : i32
    %dma_start3A_26 = tpu.memref_slice %arg9[%dma_start3A_24, %dma_start3A_25] : memref<256x128xf32, #tpu.memory_space<vmem>> -> memref<128x128xf32, #tpu.memory_space<vmem>>
    %dma_start3A_27 = arith.constant 0 : i32
    %dma_start3A_28 = tpu.memref_slice %arg7[%dma_start3A, %dma_start3A_27] : memref<40x128xi32, #tpu.memory_space<vmem>> -> memref<1x128xi32, #tpu.memory_space<vmem>>
    %dma_start3A_29 = tpu.memref_squeeze %dma_start3A_28 : memref<1x128xi32, #tpu.memory_space<vmem>> -> memref<128xi32, #tpu.memory_space<vmem>>
    %dma_start3A_30 = arith.constant 0 : i32
    %dma_start3A_31 = arith.constant 0 : i32
    %dma_start3A_32 = tpu.memref_slice %arg2[%dma_start3A_30, %dma_start3A_31] : memref<10000x128xf32, #tpu.memory_space<hbm>> -> memref<10000x128xf32, #tpu.memory_space<hbm>>
    tpu.enqueue_indirect_dma source(%dma_start3A_32 : memref<10000x128xf32, #tpu.memory_space<hbm>>) target(%dma_start3A_26 : memref<128x128xf32, #tpu.memory_space<vmem>>) offsets(%dma_start3A_29 : memref<128xi32, #tpu.memory_space<vmem>>) semaphore(%arg11 : memref<!tpu.dma_semaphore, #tpu.memory_space<semaphore_mem>>)
    %dma_wait3A = arith.constant 0 : i32
    %dma_wait3A_33 = arith.constant 0 : i32
    %dma_wait3A_34 = tpu.memref_slice %arg9[%dma_wait3A, %dma_wait3A_33] : memref<256x128xf32, #tpu.memory_space<vmem>> -> memref<128x128xf32, #tpu.memory_space<vmem>>
    %dma_wait3A_35 = arith.constant 0 : i32
    %dma_wait3A_36 = arith.constant 0 : i32
    %dma_wait3A_37 = tpu.memref_slice %arg9[%dma_wait3A_35, %dma_wait3A_36] : memref<256x128xf32, #tpu.memory_space<vmem>> -> memref<128x128xf32, #tpu.memory_space<vmem>>
    tpu.wait_dma2 semaphore(%arg11 : memref<!tpu.dma_semaphore, #tpu.memory_space<semaphore_mem>>) src(%arg5 : memref<128x128xf32, #tpu.memory_space<hbm>>) dst(%dma_wait3A_37 : memref<128x128xf32, #tpu.memory_space<vmem>>)
    %dma_start3A_38 = arith.constant 38 : i32
    %dma_start3A_39 = arith.constant 0 : i32
    %dma_start3A_40 = arith.constant 0 : i32
    %dma_start3A_41 = tpu.memref_slice %arg9[%dma_start3A_39, %dma_start3A_40] : memref<256x128xf32, #tpu.memory_space<vmem>> -> memref<128x128xf32, #tpu.memory_space<vmem>>
    %dma_start3A_42 = arith.constant 0 : i32
    %dma_start3A_43 = tpu.memref_slice %arg8[%dma_start3A_38, %dma_start3A_42] : memref<40x128xi32, #tpu.memory_space<vmem>> -> memref<1x128xi32, #tpu.memory_space<vmem>>
    %dma_start3A_44 = tpu.memref_squeeze %dma_start3A_43 : memref<1x128xi32, #tpu.memory_space<vmem>> -> memref<128xi32, #tpu.memory_space<vmem>>
    %dma_start3A_45 = arith.constant 0 : i32
    %dma_start3A_46 = arith.constant 0 : i32
    %dma_start3A_47 = tpu.memref_slice %arg10[%dma_start3A_45, %dma_start3A_46] : memref<10240x128xf32, #tpu.memory_space<vmem_shared>> -> memref<10240x128xf32, #tpu.memory_space<vmem_shared>>
    tpu.enqueue_indirect_dma source(%dma_start3A_41 : memref<128x128xf32, #tpu.memory_space<vmem>>) target(%dma_start3A_47 : memref<10240x128xf32, #tpu.memory_space<vmem_shared>>) offsets(%dma_start3A_44 : memref<128xi32, #tpu.memory_space<vmem>>) semaphore(%arg13 : memref<!tpu.dma_semaphore, #tpu.memory_space<semaphore_mem>>) {add = true}
    %dma_wait3A_48 = arith.constant 0 : i32
    %dma_wait3A_49 = arith.constant 0 : i32
    %dma_wait3A_50 = tpu.memref_slice %arg9[%dma_wait3A_48, %dma_wait3A_49] : memref<256x128xf32, #tpu.memory_space<vmem>> -> memref<128x128xf32, #tpu.memory_space<vmem>>
    %dma_wait3A_51 = arith.constant 0 : i32
    %dma_wait3A_52 = arith.constant 0 : i32
    %dma_wait3A_53 = tpu.memref_slice %arg9[%dma_wait3A_51, %dma_wait3A_52] : memref<256x128xf32, #tpu.memory_space<vmem>> -> memref<128x128xf32, #tpu.memory_space<vmem>>
    tpu.wait_dma2 semaphore(%arg13 : memref<!tpu.dma_semaphore, #tpu.memory_space<semaphore_mem>>) src(%arg5 : memref<128x128xf32, #tpu.memory_space<hbm>>) dst(%dma_wait3A_53 : memref<128x128xf32, #tpu.memory_space<vmem>>)
    %barrier3A_54 = arith.constant 0 : index
    tpu.barrier barrier_id(%barrier3A_54)
    %mul3A_55 = arith.constant 640 : i32
    %mul3A_56 = arith.muli %arg1, %mul3A_55 : i32
    %mul3A_57 = arith.constant 640 : i32
    %mul3A_58 = arith.muli %arg1, %mul3A_57 : i32
    "tpu.region"() ({
      %run_scoped3A = tpu.sem_alloc : memref<!tpu.dma_semaphore, #tpu.memory_space<semaphore_mem>>
      %dma_start3A_59 = arith.constant 0 : i32
      %dma_start3A_60 = tpu.memref_slice %arg6[%arg0, %mul3A_58, %dma_start3A_59] : memref<2x10240x128xf32, #tpu.memory_space<hbm>> -> memref<1x640x128xf32, #tpu.memory_space<hbm>>
      %dma_start3A_61 = tpu.memref_squeeze %dma_start3A_60 : memref<1x640x128xf32, #tpu.memory_space<hbm>> -> memref<640x128xf32, #tpu.memory_space<hbm>>
      %dma_start3A_62 = arith.constant 0 : i32
      %dma_start3A_63 = tpu.memref_slice %arg10[%mul3A_56, %dma_start3A_62] : memref<10240x128xf32, #tpu.memory_space<vmem_shared>> -> memref<640x128xf32, #tpu.memory_space<vmem_shared>>
      tpu.enqueue_dma source(%dma_start3A_63 : memref<640x128xf32, #tpu.memory_space<vmem_shared>>) target(%dma_start3A_61 : memref<640x128xf32, #tpu.memory_space<hbm>>) target_semaphore(%run_scoped3A : memref<!tpu.dma_semaphore, #tpu.memory_space<semaphore_mem>>)
      %dma_wait3A_64 = arith.constant 0 : i32
      %dma_wait3A_65 = tpu.memref_slice %arg6[%arg0, %mul3A_58, %dma_wait3A_64] : memref<2x10240x128xf32, #tpu.memory_space<hbm>> -> memref<1x640x128xf32, #tpu.memory_space<hbm>>
      %dma_wait3A_66 = tpu.memref_squeeze %dma_wait3A_65 : memref<1x640x128xf32, #tpu.memory_space<hbm>> -> memref<640x128xf32, #tpu.memory_space<hbm>>
      %dma_wait3A_67 = arith.constant 0 : i32
      %dma_wait3A_68 = tpu.memref_slice %arg10[%mul3A_56, %dma_wait3A_67] : memref<10240x128xf32, #tpu.memory_space<vmem_shared>> -> memref<640x128xf32, #tpu.memory_space<vmem_shared>>
      tpu.wait_dma2 semaphore(%run_scoped3A : memref<!tpu.dma_semaphore, #tpu.memory_space<semaphore_mem>>) src(%dma_wait3A_68 : memref<640x128xf32, #tpu.memory_space<vmem_shared>>) dst(%dma_wait3A_66 : memref<640x128xf32, #tpu.memory_space<hbm>>)
      tpu.yield
    }) : () -> ()
    return
  }
}

#map = affine_map<(d0, d1) -> (0, 0)>
#map1 = affine_map<(d0, d1) -> (0, 0, 0)>
module attributes {stable_mosaic.version = 14 : i64} {
  func.func @k(%arg0: i32, %arg1: i32, %arg2: memref<10000x128xf32, #tpu.memory_space<hbm>>, %arg3: memref<32x79x128xi32, #tpu.memory_space<hbm>>, %arg4: memref<32x79x128xi32, #tpu.memory_space<hbm>>, %arg5: memref<128x128xf32, #tpu.memory_space<hbm>>, %arg6: memref<2x10240x128xf32, #tpu.memory_space<hbm>>, %arg7: memref<40x128xi32, #tpu.memory_space<vmem>>, %arg8: memref<40x128xi32, #tpu.memory_space<vmem>>, %arg9: memref<256x128xf32, #tpu.memory_space<vmem>>, %arg10: memref<10240x128xf32, #tpu.memory_space<vmem_shared>>, %arg11: memref<!tpu.dma_semaphore, #tpu.memory_space<semaphore_mem>>, %arg12: memref<!tpu.dma_semaphore, #tpu.memory_space<semaphore_mem>>, %arg13: memref<!tpu.dma_semaphore, #tpu.memory_space<semaphore_mem>>, %arg14: memref<!tpu.dma_semaphore, #tpu.memory_space<semaphore_mem>>) attributes {dimension_semantics = [#tpu.dimension_semantics<core_parallel>, #tpu.dimension_semantics<subcore_parallel>], iteration_bounds = array<i64: 2, 16>, scalar_prefetch = 0 : i64, scratch_operands = 8 : i64, tpu.core_type = #tpu.core_type<sc_vector_subcore>, window_params = [{transform_indices = #map}, {transform_indices = #map1}, {transform_indices = #map1}, {transform_indices = #map}, {transform_indices = #map1}]} {
    %mul3A = arith.constant 2 : i32
    %mul3A_0 = arith.muli %arg1, %mul3A : i32
    %add3A = arith.addi %mul3A_0, %arg0 : i32
    "tpu.region"() ({
      %run_scoped3A = tpu.sem_alloc : memref<!tpu.dma_semaphore, #tpu.memory_space<semaphore_mem>>
      %dma_start3A_59 = arith.constant 0 : i32
      %dma_start3A_60 = arith.constant 0 : i32
      %dma_start3A_61 = tpu.memref_slice %arg9[%dma_start3A_59, %dma_start3A_60] : memref<256x128xf32, #tpu.memory_space<vmem>> -> memref<128x128xf32, #tpu.memory_space<vmem>>
      %dma_start3A_62 = arith.constant 0 : i32
      %dma_start3A_63 = arith.constant 0 : i32
      %dma_start3A_64 = tpu.memref_slice %arg9[%dma_start3A_62, %dma_start3A_63] : memref<256x128xf32, #tpu.memory_space<vmem>> -> memref<128x128xf32, #tpu.memory_space<vmem>>
      tpu.enqueue_dma source(%arg5 : memref<128x128xf32, #tpu.memory_space<hbm>>) target(%dma_start3A_64 : memref<128x128xf32, #tpu.memory_space<vmem>>) target_semaphore(%run_scoped3A : memref<!tpu.dma_semaphore, #tpu.memory_space<semaphore_mem>>)
      %dma_wait3A_65 = arith.constant 0 : i32
      %dma_wait3A_66 = arith.constant 0 : i32
      %dma_wait3A_67 = tpu.memref_slice %arg9[%dma_wait3A_65, %dma_wait3A_66] : memref<256x128xf32, #tpu.memory_space<vmem>> -> memref<128x128xf32, #tpu.memory_space<vmem>>
      %dma_wait3A_68 = arith.constant 0 : i32
      %dma_wait3A_69 = arith.constant 0 : i32
      %dma_wait3A_70 = tpu.memref_slice %arg9[%dma_wait3A_68, %dma_wait3A_69] : memref<256x128xf32, #tpu.memory_space<vmem>> -> memref<128x128xf32, #tpu.memory_space<vmem>>
      tpu.wait_dma2 semaphore(%run_scoped3A : memref<!tpu.dma_semaphore, #tpu.memory_space<semaphore_mem>>) src(%arg5 : memref<128x128xf32, #tpu.memory_space<hbm>>) dst(%dma_wait3A_70 : memref<128x128xf32, #tpu.memory_space<vmem>>)
      tpu.yield
    }) : () -> ()
    %scan3A = arith.constant 0 : i32
    %scan3A_1 = arith.constant 0 : i32
    %scan3A_2 = arith.constant 5 : i32
    %scan3A_3 = arith.addi %scan3A_1, %scan3A_2 : i32
    %scan3A_4 = arith.constant 1 : i32
    scf.for %scan3A_59 = %scan3A_1 to %scan3A_3 step %scan3A_4  : i32 {
      %mul3A_60 = arith.constant 640 : i32
      %mul3A_61 = arith.muli %arg1, %mul3A_60 : i32
      %mul3A_62 = arith.constant 128 : i32
      %mul3A_63 = arith.muli %scan3A_59, %mul3A_62 : i32
      %add3A_64 = arith.addi %mul3A_61, %mul3A_63 : i32
      %dma_start3A_65 = arith.constant 0 : i32
      %dma_start3A_66 = arith.constant 0 : i32
      %dma_start3A_67 = tpu.memref_slice %arg9[%dma_start3A_65, %dma_start3A_66] : memref<256x128xf32, #tpu.memory_space<vmem>> -> memref<128x128xf32, #tpu.memory_space<vmem>>
      %dma_start3A_68 = arith.constant 0 : i32
      %dma_start3A_69 = tpu.memref_slice %arg10[%add3A_64, %dma_start3A_68] : memref<10240x128xf32, #tpu.memory_space<vmem_shared>> -> memref<128x128xf32, #tpu.memory_space<vmem_shared>>
      %dma_start3A_70 = arith.constant 0 : i32
      %dma_start3A_71 = tpu.memref_slice %arg10[%add3A_64, %dma_start3A_70] : memref<10240x128xf32, #tpu.memory_space<vmem_shared>> -> memref<128x128xf32, #tpu.memory_space<vmem_shared>>
      %dma_start3A_72 = arith.constant 0 : i32
      %dma_start3A_73 = arith.constant 0 : i32
      %dma_start3A_74 = tpu.memref_slice %arg9[%dma_start3A_72, %dma_start3A_73] : memref<256x128xf32, #tpu.memory_space<vmem>> -> memref<128x128xf32, #tpu.memory_space<vmem>>
      tpu.enqueue_dma source(%dma_start3A_74 : memref<128x128xf32, #tpu.memory_space<vmem>>) target(%dma_start3A_71 : memref<128x128xf32, #tpu.memory_space<vmem_shared>>) target_semaphore(%arg13 : memref<!tpu.dma_semaphore, #tpu.memory_space<semaphore_mem>>)
    }
    %scan3A_5 = arith.constant 5 : i32
    "tpu.region"() ({
      %run_scoped3A = tpu.sem_alloc : memref<!tpu.dma_semaphore, #tpu.memory_space<semaphore_mem>>
      %dma_start3A_59 = arith.constant 0 : i32
      %dma_start3A_60 = arith.constant 0 : i32
      %dma_start3A_61 = tpu.memref_slice %arg7[%dma_start3A_59, %dma_start3A_60] : memref<40x128xi32, #tpu.memory_space<vmem>> -> memref<40x128xi32, #tpu.memory_space<vmem>>
      %dma_start3A_62 = arith.constant 0 : i32
      %dma_start3A_63 = arith.constant 0 : i32
      %dma_start3A_64 = tpu.memref_slice %arg3[%add3A, %dma_start3A_62, %dma_start3A_63] : memref<32x79x128xi32, #tpu.memory_space<hbm>> -> memref<1x40x128xi32, #tpu.memory_space<hbm>>
      %dma_start3A_65 = tpu.memref_squeeze %dma_start3A_64 : memref<1x40x128xi32, #tpu.memory_space<hbm>> -> memref<40x128xi32, #tpu.memory_space<hbm>>
      %dma_start3A_66 = arith.constant 0 : i32
      %dma_start3A_67 = arith.constant 0 : i32
      %dma_start3A_68 = tpu.memref_slice %arg7[%dma_start3A_66, %dma_start3A_67] : memref<40x128xi32, #tpu.memory_space<vmem>> -> memref<40x128xi32, #tpu.memory_space<vmem>>
      %dma_start3A_69 = arith.constant 0 : i32
      %dma_start3A_70 = arith.constant 0 : i32
      %dma_start3A_71 = tpu.memref_slice %arg3[%add3A, %dma_start3A_69, %dma_start3A_70] : memref<32x79x128xi32, #tpu.memory_space<hbm>> -> memref<1x40x128xi32, #tpu.memory_space<hbm>>
      %dma_start3A_72 = tpu.memref_squeeze %dma_start3A_71 : memref<1x40x128xi32, #tpu.memory_space<hbm>> -> memref<40x128xi32, #tpu.memory_space<hbm>>
      tpu.enqueue_dma source(%dma_start3A_72 : memref<40x128xi32, #tpu.memory_space<hbm>>) target(%dma_start3A_68 : memref<40x128xi32, #tpu.memory_space<vmem>>) target_semaphore(%run_scoped3A : memref<!tpu.dma_semaphore, #tpu.memory_space<semaphore_mem>>)
      %dma_wait3A_73 = arith.constant 0 : i32
      %dma_wait3A_74 = arith.constant 0 : i32
      %dma_wait3A_75 = tpu.memref_slice %arg7[%dma_wait3A_73, %dma_wait3A_74] : memref<40x128xi32, #tpu.memory_space<vmem>> -> memref<40x128xi32, #tpu.memory_space<vmem>>
      %dma_wait3A_76 = arith.constant 0 : i32
      %dma_wait3A_77 = arith.constant 0 : i32
      %dma_wait3A_78 = tpu.memref_slice %arg3[%add3A, %dma_wait3A_76, %dma_wait3A_77] : memref<32x79x128xi32, #tpu.memory_space<hbm>> -> memref<1x40x128xi32, #tpu.memory_space<hbm>>
      %dma_wait3A_79 = tpu.memref_squeeze %dma_wait3A_78 : memref<1x40x128xi32, #tpu.memory_space<hbm>> -> memref<40x128xi32, #tpu.memory_space<hbm>>
      %dma_wait3A_80 = arith.constant 0 : i32
      %dma_wait3A_81 = arith.constant 0 : i32
      %dma_wait3A_82 = tpu.memref_slice %arg7[%dma_wait3A_80, %dma_wait3A_81] : memref<40x128xi32, #tpu.memory_space<vmem>> -> memref<40x128xi32, #tpu.memory_space<vmem>>
      %dma_wait3A_83 = arith.constant 0 : i32
      %dma_wait3A_84 = arith.constant 0 : i32
      %dma_wait3A_85 = tpu.memref_slice %arg3[%add3A, %dma_wait3A_83, %dma_wait3A_84] : memref<32x79x128xi32, #tpu.memory_space<hbm>> -> memref<1x40x128xi32, #tpu.memory_space<hbm>>
      %dma_wait3A_86 = tpu.memref_squeeze %dma_wait3A_85 : memref<1x40x128xi32, #tpu.memory_space<hbm>> -> memref<40x128xi32, #tpu.memory_space<hbm>>
      tpu.wait_dma2 semaphore(%run_scoped3A : memref<!tpu.dma_semaphore, #tpu.memory_space<semaphore_mem>>) src(%dma_wait3A_86 : memref<40x128xi32, #tpu.memory_space<hbm>>) dst(%dma_wait3A_82 : memref<40x128xi32, #tpu.memory_space<vmem>>)
      tpu.yield
    }) : () -> ()
    "tpu.region"() ({
      %run_scoped3A = tpu.sem_alloc : memref<!tpu.dma_semaphore, #tpu.memory_space<semaphore_mem>>
      %dma_start3A_59 = arith.constant 0 : i32
      %dma_start3A_60 = arith.constant 0 : i32
      %dma_start3A_61 = tpu.memref_slice %arg8[%dma_start3A_59, %dma_start3A_60] : memref<40x128xi32, #tpu.memory_space<vmem>> -> memref<40x128xi32, #tpu.memory_space<vmem>>
      %dma_start3A_62 = arith.constant 0 : i32
      %dma_start3A_63 = arith.constant 0 : i32
      %dma_start3A_64 = tpu.memref_slice %arg4[%add3A, %dma_start3A_62, %dma_start3A_63] : memref<32x79x128xi32, #tpu.memory_space<hbm>> -> memref<1x40x128xi32, #tpu.memory_space<hbm>>
      %dma_start3A_65 = tpu.memref_squeeze %dma_start3A_64 : memref<1x40x128xi32, #tpu.memory_space<hbm>> -> memref<40x128xi32, #tpu.memory_space<hbm>>
      %dma_start3A_66 = arith.constant 0 : i32
      %dma_start3A_67 = arith.constant 0 : i32
      %dma_start3A_68 = tpu.memref_slice %arg8[%dma_start3A_66, %dma_start3A_67] : memref<40x128xi32, #tpu.memory_space<vmem>> -> memref<40x128xi32, #tpu.memory_space<vmem>>
      %dma_start3A_69 = arith.constant 0 : i32
      %dma_start3A_70 = arith.constant 0 : i32
      %dma_start3A_71 = tpu.memref_slice %arg4[%add3A, %dma_start3A_69, %dma_start3A_70] : memref<32x79x128xi32, #tpu.memory_space<hbm>> -> memref<1x40x128xi32, #tpu.memory_space<hbm>>
      %dma_start3A_72 = tpu.memref_squeeze %dma_start3A_71 : memref<1x40x128xi32, #tpu.memory_space<hbm>> -> memref<40x128xi32, #tpu.memory_space<hbm>>
      tpu.enqueue_dma source(%dma_start3A_72 : memref<40x128xi32, #tpu.memory_space<hbm>>) target(%dma_start3A_68 : memref<40x128xi32, #tpu.memory_space<vmem>>) target_semaphore(%run_scoped3A : memref<!tpu.dma_semaphore, #tpu.memory_space<semaphore_mem>>)
      %dma_wait3A_73 = arith.constant 0 : i32
      %dma_wait3A_74 = arith.constant 0 : i32
      %dma_wait3A_75 = tpu.memref_slice %arg8[%dma_wait3A_73, %dma_wait3A_74] : memref<40x128xi32, #tpu.memory_space<vmem>> -> memref<40x128xi32, #tpu.memory_space<vmem>>
      %dma_wait3A_76 = arith.constant 0 : i32
      %dma_wait3A_77 = arith.constant 0 : i32
      %dma_wait3A_78 = tpu.memref_slice %arg4[%add3A, %dma_wait3A_76, %dma_wait3A_77] : memref<32x79x128xi32, #tpu.memory_space<hbm>> -> memref<1x40x128xi32, #tpu.memory_space<hbm>>
      %dma_wait3A_79 = tpu.memref_squeeze %dma_wait3A_78 : memref<1x40x128xi32, #tpu.memory_space<hbm>> -> memref<40x128xi32, #tpu.memory_space<hbm>>
      %dma_wait3A_80 = arith.constant 0 : i32
      %dma_wait3A_81 = arith.constant 0 : i32
      %dma_wait3A_82 = tpu.memref_slice %arg8[%dma_wait3A_80, %dma_wait3A_81] : memref<40x128xi32, #tpu.memory_space<vmem>> -> memref<40x128xi32, #tpu.memory_space<vmem>>
      %dma_wait3A_83 = arith.constant 0 : i32
      %dma_wait3A_84 = arith.constant 0 : i32
      %dma_wait3A_85 = tpu.memref_slice %arg4[%add3A, %dma_wait3A_83, %dma_wait3A_84] : memref<32x79x128xi32, #tpu.memory_space<hbm>> -> memref<1x40x128xi32, #tpu.memory_space<hbm>>
      %dma_wait3A_86 = tpu.memref_squeeze %dma_wait3A_85 : memref<1x40x128xi32, #tpu.memory_space<hbm>> -> memref<40x128xi32, #tpu.memory_space<hbm>>
      tpu.wait_dma2 semaphore(%run_scoped3A : memref<!tpu.dma_semaphore, #tpu.memory_space<semaphore_mem>>) src(%dma_wait3A_86 : memref<40x128xi32, #tpu.memory_space<hbm>>) dst(%dma_wait3A_82 : memref<40x128xi32, #tpu.memory_space<vmem>>)
      tpu.yield
    }) : () -> ()
    %scan3A_6 = arith.constant 0 : i32
    %scan3A_7 = arith.constant 0 : i32
    %scan3A_8 = arith.constant 5 : i32
    %scan3A_9 = arith.addi %scan3A_7, %scan3A_8 : i32
    %scan3A_10 = arith.constant 1 : i32
    scf.for %scan3A_59 = %scan3A_7 to %scan3A_9 step %scan3A_10  : i32 {
      %dma_wait3A_60 = arith.constant 0 : i32
      %dma_wait3A_61 = arith.constant 0 : i32
      %dma_wait3A_62 = tpu.memref_slice %arg9[%dma_wait3A_60, %dma_wait3A_61] : memref<256x128xf32, #tpu.memory_space<vmem>> -> memref<128x128xf32, #tpu.memory_space<vmem>>
      %dma_wait3A_63 = arith.constant 0 : i32
      %dma_wait3A_64 = arith.constant 0 : i32
      %dma_wait3A_65 = tpu.memref_slice %arg9[%dma_wait3A_63, %dma_wait3A_64] : memref<256x128xf32, #tpu.memory_space<vmem>> -> memref<128x128xf32, #tpu.memory_space<vmem>>
      tpu.wait_dma2 semaphore(%arg13 : memref<!tpu.dma_semaphore, #tpu.memory_space<semaphore_mem>>) src(%arg5 : memref<128x128xf32, #tpu.memory_space<hbm>>) dst(%dma_wait3A_65 : memref<128x128xf32, #tpu.memory_space<vmem>>)
    }
    %scan3A_11 = arith.constant 5 : i32
    %barrier3A = arith.constant 0 : index
    tpu.barrier barrier_id(%barrier3A)
    %scan3A_12 = arith.constant 0 : i32
    %scan3A_13 = arith.constant 0 : i32
    %scan3A_14 = arith.constant 20 : i32
    %scan3A_15 = arith.addi %scan3A_13, %scan3A_14 : i32
    %scan3A_16 = arith.constant 1 : i32
    scf.for %scan3A_59 = %scan3A_13 to %scan3A_15 step %scan3A_16  : i32 {
      %mul3A_60 = arith.constant 2 : i32
      %mul3A_61 = arith.muli %scan3A_59, %mul3A_60 : i32
      %dma_start3A_62 = arith.constant 0 : i32
      %dma_start3A_63 = arith.constant 0 : i32
      %dma_start3A_64 = tpu.memref_slice %arg9[%dma_start3A_62, %dma_start3A_63] : memref<256x128xf32, #tpu.memory_space<vmem>> -> memref<128x128xf32, #tpu.memory_space<vmem>>
      %dma_start3A_65 = arith.constant 0 : i32
      %dma_start3A_66 = tpu.memref_slice %arg7[%mul3A_61, %dma_start3A_65] : memref<40x128xi32, #tpu.memory_space<vmem>> -> memref<1x128xi32, #tpu.memory_space<vmem>>
      %dma_start3A_67 = tpu.memref_squeeze %dma_start3A_66 : memref<1x128xi32, #tpu.memory_space<vmem>> -> memref<128xi32, #tpu.memory_space<vmem>>
      %dma_start3A_68 = arith.constant 0 : i32
      %dma_start3A_69 = arith.constant 0 : i32
      %dma_start3A_70 = tpu.memref_slice %arg2[%dma_start3A_68, %dma_start3A_69] : memref<10000x128xf32, #tpu.memory_space<hbm>> -> memref<10000x128xf32, #tpu.memory_space<hbm>>
      tpu.enqueue_indirect_dma source(%dma_start3A_70 : memref<10000x128xf32, #tpu.memory_space<hbm>>) target(%dma_start3A_64 : memref<128x128xf32, #tpu.memory_space<vmem>>) offsets(%dma_start3A_67 : memref<128xi32, #tpu.memory_space<vmem>>) semaphore(%arg11 : memref<!tpu.dma_semaphore, #tpu.memory_space<semaphore_mem>>)
      %add3A_71 = arith.constant 1 : i32
      %add3A_72 = arith.addi %mul3A_61, %add3A_71 : i32
      %dma_start3A_73 = arith.constant 128 : i32
      %dma_start3A_74 = arith.constant 0 : i32
      %dma_start3A_75 = tpu.memref_slice %arg9[%dma_start3A_73, %dma_start3A_74] : memref<256x128xf32, #tpu.memory_space<vmem>> -> memref<128x128xf32, #tpu.memory_space<vmem>>
      %dma_start3A_76 = arith.constant 0 : i32
      %dma_start3A_77 = tpu.memref_slice %arg7[%add3A_72, %dma_start3A_76] : memref<40x128xi32, #tpu.memory_space<vmem>> -> memref<1x128xi32, #tpu.memory_space<vmem>>
      %dma_start3A_78 = tpu.memref_squeeze %dma_start3A_77 : memref<1x128xi32, #tpu.memory_space<vmem>> -> memref<128xi32, #tpu.memory_space<vmem>>
      %dma_start3A_79 = arith.constant 0 : i32
      %dma_start3A_80 = arith.constant 0 : i32
      %dma_start3A_81 = tpu.memref_slice %arg2[%dma_start3A_79, %dma_start3A_80] : memref<10000x128xf32, #tpu.memory_space<hbm>> -> memref<10000x128xf32, #tpu.memory_space<hbm>>
      tpu.enqueue_indirect_dma source(%dma_start3A_81 : memref<10000x128xf32, #tpu.memory_space<hbm>>) target(%dma_start3A_75 : memref<128x128xf32, #tpu.memory_space<vmem>>) offsets(%dma_start3A_78 : memref<128xi32, #tpu.memory_space<vmem>>) semaphore(%arg12 : memref<!tpu.dma_semaphore, #tpu.memory_space<semaphore_mem>>)
      %dma_wait3A_82 = arith.constant 0 : i32
      %dma_wait3A_83 = arith.constant 0 : i32
      %dma_wait3A_84 = tpu.memref_slice %arg9[%dma_wait3A_82, %dma_wait3A_83] : memref<256x128xf32, #tpu.memory_space<vmem>> -> memref<128x128xf32, #tpu.memory_space<vmem>>
      %dma_wait3A_85 = arith.constant 0 : i32
      %dma_wait3A_86 = arith.constant 0 : i32
      %dma_wait3A_87 = tpu.memref_slice %arg9[%dma_wait3A_85, %dma_wait3A_86] : memref<256x128xf32, #tpu.memory_space<vmem>> -> memref<128x128xf32, #tpu.memory_space<vmem>>
      tpu.wait_dma2 semaphore(%arg11 : memref<!tpu.dma_semaphore, #tpu.memory_space<semaphore_mem>>) src(%arg5 : memref<128x128xf32, #tpu.memory_space<hbm>>) dst(%dma_wait3A_87 : memref<128x128xf32, #tpu.memory_space<vmem>>)
      %dma_start3A_88 = arith.constant 0 : i32
      %dma_start3A_89 = arith.constant 0 : i32
      %dma_start3A_90 = tpu.memref_slice %arg9[%dma_start3A_88, %dma_start3A_89] : memref<256x128xf32, #tpu.memory_space<vmem>> -> memref<128x128xf32, #tpu.memory_space<vmem>>
      %dma_start3A_91 = arith.constant 0 : i32
      %dma_start3A_92 = tpu.memref_slice %arg8[%mul3A_61, %dma_start3A_91] : memref<40x128xi32, #tpu.memory_space<vmem>> -> memref<1x128xi32, #tpu.memory_space<vmem>>
      %dma_start3A_93 = tpu.memref_squeeze %dma_start3A_92 : memref<1x128xi32, #tpu.memory_space<vmem>> -> memref<128xi32, #tpu.memory_space<vmem>>
      %dma_start3A_94 = arith.constant 0 : i32
      %dma_start3A_95 = arith.constant 0 : i32
      %dma_start3A_96 = tpu.memref_slice %arg10[%dma_start3A_94, %dma_start3A_95] : memref<10240x128xf32, #tpu.memory_space<vmem_shared>> -> memref<10240x128xf32, #tpu.memory_space<vmem_shared>>
      tpu.enqueue_indirect_dma source(%dma_start3A_90 : memref<128x128xf32, #tpu.memory_space<vmem>>) target(%dma_start3A_96 : memref<10240x128xf32, #tpu.memory_space<vmem_shared>>) offsets(%dma_start3A_93 : memref<128xi32, #tpu.memory_space<vmem>>) semaphore(%arg13 : memref<!tpu.dma_semaphore, #tpu.memory_space<semaphore_mem>>) {add = true}
      %dma_wait3A_97 = arith.constant 128 : i32
      %dma_wait3A_98 = arith.constant 0 : i32
      %dma_wait3A_99 = tpu.memref_slice %arg9[%dma_wait3A_97, %dma_wait3A_98] : memref<256x128xf32, #tpu.memory_space<vmem>> -> memref<128x128xf32, #tpu.memory_space<vmem>>
      %dma_wait3A_100 = arith.constant 128 : i32
      %dma_wait3A_101 = arith.constant 0 : i32
      %dma_wait3A_102 = tpu.memref_slice %arg9[%dma_wait3A_100, %dma_wait3A_101] : memref<256x128xf32, #tpu.memory_space<vmem>> -> memref<128x128xf32, #tpu.memory_space<vmem>>
      tpu.wait_dma2 semaphore(%arg12 : memref<!tpu.dma_semaphore, #tpu.memory_space<semaphore_mem>>) src(%arg5 : memref<128x128xf32, #tpu.memory_space<hbm>>) dst(%dma_wait3A_102 : memref<128x128xf32, #tpu.memory_space<vmem>>)
      %add3A_103 = arith.constant 1 : i32
      %add3A_104 = arith.addi %mul3A_61, %add3A_103 : i32
      %dma_start3A_105 = arith.constant 128 : i32
      %dma_start3A_106 = arith.constant 0 : i32
      %dma_start3A_107 = tpu.memref_slice %arg9[%dma_start3A_105, %dma_start3A_106] : memref<256x128xf32, #tpu.memory_space<vmem>> -> memref<128x128xf32, #tpu.memory_space<vmem>>
      %dma_start3A_108 = arith.constant 0 : i32
      %dma_start3A_109 = tpu.memref_slice %arg8[%add3A_104, %dma_start3A_108] : memref<40x128xi32, #tpu.memory_space<vmem>> -> memref<1x128xi32, #tpu.memory_space<vmem>>
      %dma_start3A_110 = tpu.memref_squeeze %dma_start3A_109 : memref<1x128xi32, #tpu.memory_space<vmem>> -> memref<128xi32, #tpu.memory_space<vmem>>
      %dma_start3A_111 = arith.constant 0 : i32
      %dma_start3A_112 = arith.constant 0 : i32
      %dma_start3A_113 = tpu.memref_slice %arg10[%dma_start3A_111, %dma_start3A_112] : memref<10240x128xf32, #tpu.memory_space<vmem_shared>> -> memref<10240x128xf32, #tpu.memory_space<vmem_shared>>
      tpu.enqueue_indirect_dma source(%dma_start3A_107 : memref<128x128xf32, #tpu.memory_space<vmem>>) target(%dma_start3A_113 : memref<10240x128xf32, #tpu.memory_space<vmem_shared>>) offsets(%dma_start3A_110 : memref<128xi32, #tpu.memory_space<vmem>>) semaphore(%arg14 : memref<!tpu.dma_semaphore, #tpu.memory_space<semaphore_mem>>) {add = true}
      %dma_wait3A_114 = arith.constant 0 : i32
      %dma_wait3A_115 = arith.constant 0 : i32
      %dma_wait3A_116 = tpu.memref_slice %arg9[%dma_wait3A_114, %dma_wait3A_115] : memref<256x128xf32, #tpu.memory_space<vmem>> -> memref<128x128xf32, #tpu.memory_space<vmem>>
      %dma_wait3A_117 = arith.constant 0 : i32
      %dma_wait3A_118 = arith.constant 0 : i32
      %dma_wait3A_119 = tpu.memref_slice %arg9[%dma_wait3A_117, %dma_wait3A_118] : memref<256x128xf32, #tpu.memory_space<vmem>> -> memref<128x128xf32, #tpu.memory_space<vmem>>
      tpu.wait_dma2 semaphore(%arg13 : memref<!tpu.dma_semaphore, #tpu.memory_space<semaphore_mem>>) src(%arg5 : memref<128x128xf32, #tpu.memory_space<hbm>>) dst(%dma_wait3A_119 : memref<128x128xf32, #tpu.memory_space<vmem>>)
      %dma_wait3A_120 = arith.constant 128 : i32
      %dma_wait3A_121 = arith.constant 0 : i32
      %dma_wait3A_122 = tpu.memref_slice %arg9[%dma_wait3A_120, %dma_wait3A_121] : memref<256x128xf32, #tpu.memory_space<vmem>> -> memref<128x128xf32, #tpu.memory_space<vmem>>
      %dma_wait3A_123 = arith.constant 128 : i32
      %dma_wait3A_124 = arith.constant 0 : i32
      %dma_wait3A_125 = tpu.memref_slice %arg9[%dma_wait3A_123, %dma_wait3A_124] : memref<256x128xf32, #tpu.memory_space<vmem>> -> memref<128x128xf32, #tpu.memory_space<vmem>>
      tpu.wait_dma2 semaphore(%arg14 : memref<!tpu.dma_semaphore, #tpu.memory_space<semaphore_mem>>) src(%arg5 : memref<128x128xf32, #tpu.memory_space<hbm>>) dst(%dma_wait3A_125 : memref<128x128xf32, #tpu.memory_space<vmem>>)
    }
    %scan3A_17 = arith.constant 20 : i32
    "tpu.region"() ({
      %run_scoped3A = tpu.sem_alloc : memref<!tpu.dma_semaphore, #tpu.memory_space<semaphore_mem>>
      %dma_start3A_59 = arith.constant 0 : i32
      %dma_start3A_60 = arith.constant 0 : i32
      %dma_start3A_61 = tpu.memref_slice %arg7[%dma_start3A_59, %dma_start3A_60] : memref<40x128xi32, #tpu.memory_space<vmem>> -> memref<39x128xi32, #tpu.memory_space<vmem>>
      %dma_start3A_62 = arith.constant 40 : i32
      %dma_start3A_63 = arith.constant 0 : i32
      %dma_start3A_64 = tpu.memref_slice %arg3[%add3A, %dma_start3A_62, %dma_start3A_63] : memref<32x79x128xi32, #tpu.memory_space<hbm>> -> memref<1x39x128xi32, #tpu.memory_space<hbm>>
      %dma_start3A_65 = tpu.memref_squeeze %dma_start3A_64 : memref<1x39x128xi32, #tpu.memory_space<hbm>> -> memref<39x128xi32, #tpu.memory_space<hbm>>
      %dma_start3A_66 = arith.constant 0 : i32
      %dma_start3A_67 = arith.constant 0 : i32
      %dma_start3A_68 = tpu.memref_slice %arg7[%dma_start3A_66, %dma_start3A_67] : memref<40x128xi32, #tpu.memory_space<vmem>> -> memref<39x128xi32, #tpu.memory_space<vmem>>
      %dma_start3A_69 = arith.constant 40 : i32
      %dma_start3A_70 = arith.constant 0 : i32
      %dma_start3A_71 = tpu.memref_slice %arg3[%add3A, %dma_start3A_69, %dma_start3A_70] : memref<32x79x128xi32, #tpu.memory_space<hbm>> -> memref<1x39x128xi32, #tpu.memory_space<hbm>>
      %dma_start3A_72 = tpu.memref_squeeze %dma_start3A_71 : memref<1x39x128xi32, #tpu.memory_space<hbm>> -> memref<39x128xi32, #tpu.memory_space<hbm>>
      tpu.enqueue_dma source(%dma_start3A_72 : memref<39x128xi32, #tpu.memory_space<hbm>>) target(%dma_start3A_68 : memref<39x128xi32, #tpu.memory_space<vmem>>) target_semaphore(%run_scoped3A : memref<!tpu.dma_semaphore, #tpu.memory_space<semaphore_mem>>)
      %dma_wait3A_73 = arith.constant 0 : i32
      %dma_wait3A_74 = arith.constant 0 : i32
      %dma_wait3A_75 = tpu.memref_slice %arg7[%dma_wait3A_73, %dma_wait3A_74] : memref<40x128xi32, #tpu.memory_space<vmem>> -> memref<39x128xi32, #tpu.memory_space<vmem>>
      %dma_wait3A_76 = arith.constant 40 : i32
      %dma_wait3A_77 = arith.constant 0 : i32
      %dma_wait3A_78 = tpu.memref_slice %arg3[%add3A, %dma_wait3A_76, %dma_wait3A_77] : memref<32x79x128xi32, #tpu.memory_space<hbm>> -> memref<1x39x128xi32, #tpu.memory_space<hbm>>
      %dma_wait3A_79 = tpu.memref_squeeze %dma_wait3A_78 : memref<1x39x128xi32, #tpu.memory_space<hbm>> -> memref<39x128xi32, #tpu.memory_space<hbm>>
      %dma_wait3A_80 = arith.constant 0 : i32
      %dma_wait3A_81 = arith.constant 0 : i32
      %dma_wait3A_82 = tpu.memref_slice %arg7[%dma_wait3A_80, %dma_wait3A_81] : memref<40x128xi32, #tpu.memory_space<vmem>> -> memref<39x128xi32, #tpu.memory_space<vmem>>
      %dma_wait3A_83 = arith.constant 40 : i32
      %dma_wait3A_84 = arith.constant 0 : i32
      %dma_wait3A_85 = tpu.memref_slice %arg3[%add3A, %dma_wait3A_83, %dma_wait3A_84] : memref<32x79x128xi32, #tpu.memory_space<hbm>> -> memref<1x39x128xi32, #tpu.memory_space<hbm>>
      %dma_wait3A_86 = tpu.memref_squeeze %dma_wait3A_85 : memref<1x39x128xi32, #tpu.memory_space<hbm>> -> memref<39x128xi32, #tpu.memory_space<hbm>>
      tpu.wait_dma2 semaphore(%run_scoped3A : memref<!tpu.dma_semaphore, #tpu.memory_space<semaphore_mem>>) src(%dma_wait3A_86 : memref<39x128xi32, #tpu.memory_space<hbm>>) dst(%dma_wait3A_82 : memref<39x128xi32, #tpu.memory_space<vmem>>)
      tpu.yield
    }) : () -> ()
    "tpu.region"() ({
      %run_scoped3A = tpu.sem_alloc : memref<!tpu.dma_semaphore, #tpu.memory_space<semaphore_mem>>
      %dma_start3A_59 = arith.constant 0 : i32
      %dma_start3A_60 = arith.constant 0 : i32
      %dma_start3A_61 = tpu.memref_slice %arg8[%dma_start3A_59, %dma_start3A_60] : memref<40x128xi32, #tpu.memory_space<vmem>> -> memref<39x128xi32, #tpu.memory_space<vmem>>
      %dma_start3A_62 = arith.constant 40 : i32
      %dma_start3A_63 = arith.constant 0 : i32
      %dma_start3A_64 = tpu.memref_slice %arg4[%add3A, %dma_start3A_62, %dma_start3A_63] : memref<32x79x128xi32, #tpu.memory_space<hbm>> -> memref<1x39x128xi32, #tpu.memory_space<hbm>>
      %dma_start3A_65 = tpu.memref_squeeze %dma_start3A_64 : memref<1x39x128xi32, #tpu.memory_space<hbm>> -> memref<39x128xi32, #tpu.memory_space<hbm>>
      %dma_start3A_66 = arith.constant 0 : i32
      %dma_start3A_67 = arith.constant 0 : i32
      %dma_start3A_68 = tpu.memref_slice %arg8[%dma_start3A_66, %dma_start3A_67] : memref<40x128xi32, #tpu.memory_space<vmem>> -> memref<39x128xi32, #tpu.memory_space<vmem>>
      %dma_start3A_69 = arith.constant 40 : i32
      %dma_start3A_70 = arith.constant 0 : i32
      %dma_start3A_71 = tpu.memref_slice %arg4[%add3A, %dma_start3A_69, %dma_start3A_70] : memref<32x79x128xi32, #tpu.memory_space<hbm>> -> memref<1x39x128xi32, #tpu.memory_space<hbm>>
      %dma_start3A_72 = tpu.memref_squeeze %dma_start3A_71 : memref<1x39x128xi32, #tpu.memory_space<hbm>> -> memref<39x128xi32, #tpu.memory_space<hbm>>
      tpu.enqueue_dma source(%dma_start3A_72 : memref<39x128xi32, #tpu.memory_space<hbm>>) target(%dma_start3A_68 : memref<39x128xi32, #tpu.memory_space<vmem>>) target_semaphore(%run_scoped3A : memref<!tpu.dma_semaphore, #tpu.memory_space<semaphore_mem>>)
      %dma_wait3A_73 = arith.constant 0 : i32
      %dma_wait3A_74 = arith.constant 0 : i32
      %dma_wait3A_75 = tpu.memref_slice %arg8[%dma_wait3A_73, %dma_wait3A_74] : memref<40x128xi32, #tpu.memory_space<vmem>> -> memref<39x128xi32, #tpu.memory_space<vmem>>
      %dma_wait3A_76 = arith.constant 40 : i32
      %dma_wait3A_77 = arith.constant 0 : i32
      %dma_wait3A_78 = tpu.memref_slice %arg4[%add3A, %dma_wait3A_76, %dma_wait3A_77] : memref<32x79x128xi32, #tpu.memory_space<hbm>> -> memref<1x39x128xi32, #tpu.memory_space<hbm>>
      %dma_wait3A_79 = tpu.memref_squeeze %dma_wait3A_78 : memref<1x39x128xi32, #tpu.memory_space<hbm>> -> memref<39x128xi32, #tpu.memory_space<hbm>>
      %dma_wait3A_80 = arith.constant 0 : i32
      %dma_wait3A_81 = arith.constant 0 : i32
      %dma_wait3A_82 = tpu.memref_slice %arg8[%dma_wait3A_80, %dma_wait3A_81] : memref<40x128xi32, #tpu.memory_space<vmem>> -> memref<39x128xi32, #tpu.memory_space<vmem>>
      %dma_wait3A_83 = arith.constant 40 : i32
      %dma_wait3A_84 = arith.constant 0 : i32
      %dma_wait3A_85 = tpu.memref_slice %arg4[%add3A, %dma_wait3A_83, %dma_wait3A_84] : memref<32x79x128xi32, #tpu.memory_space<hbm>> -> memref<1x39x128xi32, #tpu.memory_space<hbm>>
      %dma_wait3A_86 = tpu.memref_squeeze %dma_wait3A_85 : memref<1x39x128xi32, #tpu.memory_space<hbm>> -> memref<39x128xi32, #tpu.memory_space<hbm>>
      tpu.wait_dma2 semaphore(%run_scoped3A : memref<!tpu.dma_semaphore, #tpu.memory_space<semaphore_mem>>) src(%dma_wait3A_86 : memref<39x128xi32, #tpu.memory_space<hbm>>) dst(%dma_wait3A_82 : memref<39x128xi32, #tpu.memory_space<vmem>>)
      tpu.yield
    }) : () -> ()
    %scan3A_18 = arith.constant 0 : i32
    %scan3A_19 = arith.constant 0 : i32
    %scan3A_20 = arith.constant 19 : i32
    %scan3A_21 = arith.addi %scan3A_19, %scan3A_20 : i32
    %scan3A_22 = arith.constant 1 : i32
    scf.for %scan3A_59 = %scan3A_19 to %scan3A_21 step %scan3A_22  : i32 {
      %mul3A_60 = arith.constant 2 : i32
      %mul3A_61 = arith.muli %scan3A_59, %mul3A_60 : i32
      %dma_start3A_62 = arith.constant 0 : i32
      %dma_start3A_63 = arith.constant 0 : i32
      %dma_start3A_64 = tpu.memref_slice %arg9[%dma_start3A_62, %dma_start3A_63] : memref<256x128xf32, #tpu.memory_space<vmem>> -> memref<128x128xf32, #tpu.memory_space<vmem>>
      %dma_start3A_65 = arith.constant 0 : i32
      %dma_start3A_66 = tpu.memref_slice %arg7[%mul3A_61, %dma_start3A_65] : memref<40x128xi32, #tpu.memory_space<vmem>> -> memref<1x128xi32, #tpu.memory_space<vmem>>
      %dma_start3A_67 = tpu.memref_squeeze %dma_start3A_66 : memref<1x128xi32, #tpu.memory_space<vmem>> -> memref<128xi32, #tpu.memory_space<vmem>>
      %dma_start3A_68 = arith.constant 0 : i32
      %dma_start3A_69 = arith.constant 0 : i32
      %dma_start3A_70 = tpu.memref_slice %arg2[%dma_start3A_68, %dma_start3A_69] : memref<10000x128xf32, #tpu.memory_space<hbm>> -> memref<10000x128xf32, #tpu.memory_space<hbm>>
      tpu.enqueue_indirect_dma source(%dma_start3A_70 : memref<10000x128xf32, #tpu.memory_space<hbm>>) target(%dma_start3A_64 : memref<128x128xf32, #tpu.memory_space<vmem>>) offsets(%dma_start3A_67 : memref<128xi32, #tpu.memory_space<vmem>>) semaphore(%arg11 : memref<!tpu.dma_semaphore, #tpu.memory_space<semaphore_mem>>)
      %add3A_71 = arith.constant 1 : i32
      %add3A_72 = arith.addi %mul3A_61, %add3A_71 : i32
      %dma_start3A_73 = arith.constant 128 : i32
      %dma_start3A_74 = arith.constant 0 : i32
      %dma_start3A_75 = tpu.memref_slice %arg9[%dma_start3A_73, %dma_start3A_74] : memref<256x128xf32, #tpu.memory_space<vmem>> -> memref<128x128xf32, #tpu.memory_space<vmem>>
      %dma_start3A_76 = arith.constant 0 : i32
      %dma_start3A_77 = tpu.memref_slice %arg7[%add3A_72, %dma_start3A_76] : memref<40x128xi32, #tpu.memory_space<vmem>> -> memref<1x128xi32, #tpu.memory_space<vmem>>
      %dma_start3A_78 = tpu.memref_squeeze %dma_start3A_77 : memref<1x128xi32, #tpu.memory_space<vmem>> -> memref<128xi32, #tpu.memory_space<vmem>>
      %dma_start3A_79 = arith.constant 0 : i32
      %dma_start3A_80 = arith.constant 0 : i32
      %dma_start3A_81 = tpu.memref_slice %arg2[%dma_start3A_79, %dma_start3A_80] : memref<10000x128xf32, #tpu.memory_space<hbm>> -> memref<10000x128xf32, #tpu.memory_space<hbm>>
      tpu.enqueue_indirect_dma source(%dma_start3A_81 : memref<10000x128xf32, #tpu.memory_space<hbm>>) target(%dma_start3A_75 : memref<128x128xf32, #tpu.memory_space<vmem>>) offsets(%dma_start3A_78 : memref<128xi32, #tpu.memory_space<vmem>>) semaphore(%arg12 : memref<!tpu.dma_semaphore, #tpu.memory_space<semaphore_mem>>)
      %dma_wait3A_82 = arith.constant 0 : i32
      %dma_wait3A_83 = arith.constant 0 : i32
      %dma_wait3A_84 = tpu.memref_slice %arg9[%dma_wait3A_82, %dma_wait3A_83] : memref<256x128xf32, #tpu.memory_space<vmem>> -> memref<128x128xf32, #tpu.memory_space<vmem>>
      %dma_wait3A_85 = arith.constant 0 : i32
      %dma_wait3A_86 = arith.constant 0 : i32
      %dma_wait3A_87 = tpu.memref_slice %arg9[%dma_wait3A_85, %dma_wait3A_86] : memref<256x128xf32, #tpu.memory_space<vmem>> -> memref<128x128xf32, #tpu.memory_space<vmem>>
      tpu.wait_dma2 semaphore(%arg11 : memref<!tpu.dma_semaphore, #tpu.memory_space<semaphore_mem>>) src(%arg5 : memref<128x128xf32, #tpu.memory_space<hbm>>) dst(%dma_wait3A_87 : memref<128x128xf32, #tpu.memory_space<vmem>>)
      %dma_start3A_88 = arith.constant 0 : i32
      %dma_start3A_89 = arith.constant 0 : i32
      %dma_start3A_90 = tpu.memref_slice %arg9[%dma_start3A_88, %dma_start3A_89] : memref<256x128xf32, #tpu.memory_space<vmem>> -> memref<128x128xf32, #tpu.memory_space<vmem>>
      %dma_start3A_91 = arith.constant 0 : i32
      %dma_start3A_92 = tpu.memref_slice %arg8[%mul3A_61, %dma_start3A_91] : memref<40x128xi32, #tpu.memory_space<vmem>> -> memref<1x128xi32, #tpu.memory_space<vmem>>
      %dma_start3A_93 = tpu.memref_squeeze %dma_start3A_92 : memref<1x128xi32, #tpu.memory_space<vmem>> -> memref<128xi32, #tpu.memory_space<vmem>>
      %dma_start3A_94 = arith.constant 0 : i32
      %dma_start3A_95 = arith.constant 0 : i32
      %dma_start3A_96 = tpu.memref_slice %arg10[%dma_start3A_94, %dma_start3A_95] : memref<10240x128xf32, #tpu.memory_space<vmem_shared>> -> memref<10240x128xf32, #tpu.memory_space<vmem_shared>>
      tpu.enqueue_indirect_dma source(%dma_start3A_90 : memref<128x128xf32, #tpu.memory_space<vmem>>) target(%dma_start3A_96 : memref<10240x128xf32, #tpu.memory_space<vmem_shared>>) offsets(%dma_start3A_93 : memref<128xi32, #tpu.memory_space<vmem>>) semaphore(%arg13 : memref<!tpu.dma_semaphore, #tpu.memory_space<semaphore_mem>>) {add = true}
      %dma_wait3A_97 = arith.constant 128 : i32
      %dma_wait3A_98 = arith.constant 0 : i32
      %dma_wait3A_99 = tpu.memref_slice %arg9[%dma_wait3A_97, %dma_wait3A_98] : memref<256x128xf32, #tpu.memory_space<vmem>> -> memref<128x128xf32, #tpu.memory_space<vmem>>
      %dma_wait3A_100 = arith.constant 128 : i32
      %dma_wait3A_101 = arith.constant 0 : i32
      %dma_wait3A_102 = tpu.memref_slice %arg9[%dma_wait3A_100, %dma_wait3A_101] : memref<256x128xf32, #tpu.memory_space<vmem>> -> memref<128x128xf32, #tpu.memory_space<vmem>>
      tpu.wait_dma2 semaphore(%arg12 : memref<!tpu.dma_semaphore, #tpu.memory_space<semaphore_mem>>) src(%arg5 : memref<128x128xf32, #tpu.memory_space<hbm>>) dst(%dma_wait3A_102 : memref<128x128xf32, #tpu.memory_space<vmem>>)
      %add3A_103 = arith.constant 1 : i32
      %add3A_104 = arith.addi %mul3A_61, %add3A_103 : i32
      %dma_start3A_105 = arith.constant 128 : i32
      %dma_start3A_106 = arith.constant 0 : i32
      %dma_start3A_107 = tpu.memref_slice %arg9[%dma_start3A_105, %dma_start3A_106] : memref<256x128xf32, #tpu.memory_space<vmem>> -> memref<128x128xf32, #tpu.memory_space<vmem>>
      %dma_start3A_108 = arith.constant 0 : i32
      %dma_start3A_109 = tpu.memref_slice %arg8[%add3A_104, %dma_start3A_108] : memref<40x128xi32, #tpu.memory_space<vmem>> -> memref<1x128xi32, #tpu.memory_space<vmem>>
      %dma_start3A_110 = tpu.memref_squeeze %dma_start3A_109 : memref<1x128xi32, #tpu.memory_space<vmem>> -> memref<128xi32, #tpu.memory_space<vmem>>
      %dma_start3A_111 = arith.constant 0 : i32
      %dma_start3A_112 = arith.constant 0 : i32
      %dma_start3A_113 = tpu.memref_slice %arg10[%dma_start3A_111, %dma_start3A_112] : memref<10240x128xf32, #tpu.memory_space<vmem_shared>> -> memref<10240x128xf32, #tpu.memory_space<vmem_shared>>
      tpu.enqueue_indirect_dma source(%dma_start3A_107 : memref<128x128xf32, #tpu.memory_space<vmem>>) target(%dma_start3A_113 : memref<10240x128xf32, #tpu.memory_space<vmem_shared>>) offsets(%dma_start3A_110 : memref<128xi32, #tpu.memory_space<vmem>>) semaphore(%arg14 : memref<!tpu.dma_semaphore, #tpu.memory_space<semaphore_mem>>) {add = true}
      %dma_wait3A_114 = arith.constant 0 : i32
      %dma_wait3A_115 = arith.constant 0 : i32
      %dma_wait3A_116 = tpu.memref_slice %arg9[%dma_wait3A_114, %dma_wait3A_115] : memref<256x128xf32, #tpu.memory_space<vmem>> -> memref<128x128xf32, #tpu.memory_space<vmem>>
      %dma_wait3A_117 = arith.constant 0 : i32
      %dma_wait3A_118 = arith.constant 0 : i32
      %dma_wait3A_119 = tpu.memref_slice %arg9[%dma_wait3A_117, %dma_wait3A_118] : memref<256x128xf32, #tpu.memory_space<vmem>> -> memref<128x128xf32, #tpu.memory_space<vmem>>
      tpu.wait_dma2 semaphore(%arg13 : memref<!tpu.dma_semaphore, #tpu.memory_space<semaphore_mem>>) src(%arg5 : memref<128x128xf32, #tpu.memory_space<hbm>>) dst(%dma_wait3A_119 : memref<128x128xf32, #tpu.memory_space<vmem>>)
      %dma_wait3A_120 = arith.constant 128 : i32
      %dma_wait3A_121 = arith.constant 0 : i32
      %dma_wait3A_122 = tpu.memref_slice %arg9[%dma_wait3A_120, %dma_wait3A_121] : memref<256x128xf32, #tpu.memory_space<vmem>> -> memref<128x128xf32, #tpu.memory_space<vmem>>
      %dma_wait3A_123 = arith.constant 128 : i32
      %dma_wait3A_124 = arith.constant 0 : i32
      %dma_wait3A_125 = tpu.memref_slice %arg9[%dma_wait3A_123, %dma_wait3A_124] : memref<256x128xf32, #tpu.memory_space<vmem>> -> memref<128x128xf32, #tpu.memory_space<vmem>>
      tpu.wait_dma2 semaphore(%arg14 : memref<!tpu.dma_semaphore, #tpu.memory_space<semaphore_mem>>) src(%arg5 : memref<128x128xf32, #tpu.memory_space<hbm>>) dst(%dma_wait3A_125 : memref<128x128xf32, #tpu.memory_space<vmem>>)
    }
    %scan3A_23 = arith.constant 19 : i32
    %dma_start3A = arith.constant 38 : i32
    %dma_start3A_24 = arith.constant 0 : i32
    %dma_start3A_25 = arith.constant 0 : i32
    %dma_start3A_26 = tpu.memref_slice %arg9[%dma_start3A_24, %dma_start3A_25] : memref<256x128xf32, #tpu.memory_space<vmem>> -> memref<128x128xf32, #tpu.memory_space<vmem>>
    %dma_start3A_27 = arith.constant 0 : i32
    %dma_start3A_28 = tpu.memref_slice %arg7[%dma_start3A, %dma_start3A_27] : memref<40x128xi32, #tpu.memory_space<vmem>> -> memref<1x128xi32, #tpu.memory_space<vmem>>
    %dma_start3A_29 = tpu.memref_squeeze %dma_start3A_28 : memref<1x128xi32, #tpu.memory_space<vmem>> -> memref<128xi32, #tpu.memory_space<vmem>>
    %dma_start3A_30 = arith.constant 0 : i32
    %dma_start3A_31 = arith.constant 0 : i32
    %dma_start3A_32 = tpu.memref_slice %arg2[%dma_start3A_30, %dma_start3A_31] : memref<10000x128xf32, #tpu.memory_space<hbm>> -> memref<10000x128xf32, #tpu.memory_space<hbm>>
    tpu.enqueue_indirect_dma source(%dma_start3A_32 : memref<10000x128xf32, #tpu.memory_space<hbm>>) target(%dma_start3A_26 : memref<128x128xf32, #tpu.memory_space<vmem>>) offsets(%dma_start3A_29 : memref<128xi32, #tpu.memory_space<vmem>>) semaphore(%arg11 : memref<!tpu.dma_semaphore, #tpu.memory_space<semaphore_mem>>)
    %dma_wait3A = arith.constant 0 : i32
    %dma_wait3A_33 = arith.constant 0 : i32
    %dma_wait3A_34 = tpu.memref_slice %arg9[%dma_wait3A, %dma_wait3A_33] : memref<256x128xf32, #tpu.memory_space<vmem>> -> memref<128x128xf32, #tpu.memory_space<vmem>>
    %dma_wait3A_35 = arith.constant 0 : i32
    %dma_wait3A_36 = arith.constant 0 : i32
    %dma_wait3A_37 = tpu.memref_slice %arg9[%dma_wait3A_35, %dma_wait3A_36] : memref<256x128xf32, #tpu.memory_space<vmem>> -> memref<128x128xf32, #tpu.memory_space<vmem>>
    tpu.wait_dma2 semaphore(%arg11 : memref<!tpu.dma_semaphore, #tpu.memory_space<semaphore_mem>>) src(%arg5 : memref<128x128xf32, #tpu.memory_space<hbm>>) dst(%dma_wait3A_37 : memref<128x128xf32, #tpu.memory_space<vmem>>)
    %dma_start3A_38 = arith.constant 38 : i32
    %dma_start3A_39 = arith.constant 0 : i32
    %dma_start3A_40 = arith.constant 0 : i32
    %dma_start3A_41 = tpu.memref_slice %arg9[%dma_start3A_39, %dma_start3A_40] : memref<256x128xf32, #tpu.memory_space<vmem>> -> memref<128x128xf32, #tpu.memory_space<vmem>>
    %dma_start3A_42 = arith.constant 0 : i32
    %dma_start3A_43 = tpu.memref_slice %arg8[%dma_start3A_38, %dma_start3A_42] : memref<40x128xi32, #tpu.memory_space<vmem>> -> memref<1x128xi32, #tpu.memory_space<vmem>>
    %dma_start3A_44 = tpu.memref_squeeze %dma_start3A_43 : memref<1x128xi32, #tpu.memory_space<vmem>> -> memref<128xi32, #tpu.memory_space<vmem>>
    %dma_start3A_45 = arith.constant 0 : i32
    %dma_start3A_46 = arith.constant 0 : i32
    %dma_start3A_47 = tpu.memref_slice %arg10[%dma_start3A_45, %dma_start3A_46] : memref<10240x128xf32, #tpu.memory_space<vmem_shared>> -> memref<10240x128xf32, #tpu.memory_space<vmem_shared>>
    tpu.enqueue_indirect_dma source(%dma_start3A_41 : memref<128x128xf32, #tpu.memory_space<vmem>>) target(%dma_start3A_47 : memref<10240x128xf32, #tpu.memory_space<vmem_shared>>) offsets(%dma_start3A_44 : memref<128xi32, #tpu.memory_space<vmem>>) semaphore(%arg13 : memref<!tpu.dma_semaphore, #tpu.memory_space<semaphore_mem>>) {add = true}
    %dma_wait3A_48 = arith.constant 0 : i32
    %dma_wait3A_49 = arith.constant 0 : i32
    %dma_wait3A_50 = tpu.memref_slice %arg9[%dma_wait3A_48, %dma_wait3A_49] : memref<256x128xf32, #tpu.memory_space<vmem>> -> memref<128x128xf32, #tpu.memory_space<vmem>>
    %dma_wait3A_51 = arith.constant 0 : i32
    %dma_wait3A_52 = arith.constant 0 : i32
    %dma_wait3A_53 = tpu.memref_slice %arg9[%dma_wait3A_51, %dma_wait3A_52] : memref<256x128xf32, #tpu.memory_space<vmem>> -> memref<128x128xf32, #tpu.memory_space<vmem>>
    tpu.wait_dma2 semaphore(%arg13 : memref<!tpu.dma_semaphore, #tpu.memory_space<semaphore_mem>>) src(%arg5 : memref<128x128xf32, #tpu.memory_space<hbm>>) dst(%dma_wait3A_53 : memref<128x128xf32, #tpu.memory_space<vmem>>)
    %barrier3A_54 = arith.constant 0 : index
    tpu.barrier barrier_id(%barrier3A_54)
    %mul3A_55 = arith.constant 640 : i32
    %mul3A_56 = arith.muli %arg1, %mul3A_55 : i32
    %mul3A_57 = arith.constant 640 : i32
    %mul3A_58 = arith.muli %arg1, %mul3A_57 : i32
    "tpu.region"() ({
      %run_scoped3A = tpu.sem_alloc : memref<!tpu.dma_semaphore, #tpu.memory_space<semaphore_mem>>
      %dma_start3A_59 = arith.constant 0 : i32
      %dma_start3A_60 = tpu.memref_slice %arg6[%arg0, %mul3A_58, %dma_start3A_59] : memref<2x10240x128xf32, #tpu.memory_space<hbm>> -> memref<1x640x128xf32, #tpu.memory_space<hbm>>
      %dma_start3A_61 = tpu.memref_squeeze %dma_start3A_60 : memref<1x640x128xf32, #tpu.memory_space<hbm>> -> memref<640x128xf32, #tpu.memory_space<hbm>>
      %dma_start3A_62 = arith.constant 0 : i32
      %dma_start3A_63 = tpu.memref_slice %arg10[%mul3A_56, %dma_start3A_62] : memref<10240x128xf32, #tpu.memory_space<vmem_shared>> -> memref<640x128xf32, #tpu.memory_space<vmem_shared>>
      tpu.enqueue_dma source(%dma_start3A_63 : memref<640x128xf32, #tpu.memory_space<vmem_shared>>) target(%dma_start3A_61 : memref<640x128xf32, #tpu.memory_space<hbm>>) target_semaphore(%run_scoped3A : memref<!tpu.dma_semaphore, #tpu.memory_space<semaphore_mem>>)
      %dma_wait3A_64 = arith.constant 0 : i32
      %dma_wait3A_65 = tpu.memref_slice %arg6[%arg0, %mul3A_58, %dma_wait3A_64] : memref<2x10240x128xf32, #tpu.memory_space<hbm>> -> memref<1x640x128xf32, #tpu.memory_space<hbm>>
      %dma_wait3A_66 = tpu.memref_squeeze %dma_wait3A_65 : memref<1x640x128xf32, #tpu.memory_space<hbm>> -> memref<640x128xf32, #tpu.memory_space<hbm>>
      %dma_wait3A_67 = arith.constant 0 : i32
      %dma_wait3A_68 = tpu.memref_slice %arg10[%mul3A_56, %dma_wait3A_67] : memref<10240x128xf32, #tpu.memory_space<vmem_shared>> -> memref<640x128xf32, #tpu.memory_space<vmem_shared>>
      tpu.wait_dma2 semaphore(%run_scoped3A : memref<!tpu.dma_semaphore, #tpu.memory_space<semaphore_mem>>) src(%dma_wait3A_68 : memref<640x128xf32, #tpu.memory_space<vmem_shared>>) dst(%dma_wait3A_66 : memref<640x128xf32, #tpu.memory_space<hbm>>)
      tpu.yield
    }) : () -> ()
    return
  }
}

#map = affine_map<(d0, d1) -> (0, 0)>
#map1 = affine_map<(d0, d1) -> (0, 0, 0)>
module attributes {stable_mosaic.version = 14 : i64} {
  func.func @k(%arg0: i32, %arg1: i32, %arg2: memref<10000x128xf32, #tpu.memory_space<hbm>>, %arg3: memref<32x79x128xi32, #tpu.memory_space<hbm>>, %arg4: memref<32x79x128xi32, #tpu.memory_space<hbm>>, %arg5: memref<128x128xf32, #tpu.memory_space<hbm>>, %arg6: memref<2x10240x128xf32, #tpu.memory_space<hbm>>, %arg7: memref<40x128xi32, #tpu.memory_space<vmem>>, %arg8: memref<40x128xi32, #tpu.memory_space<vmem>>, %arg9: memref<256x128xf32, #tpu.memory_space<vmem>>, %arg10: memref<10240x128xf32, #tpu.memory_space<vmem_shared>>, %arg11: memref<!tpu.dma_semaphore, #tpu.memory_space<semaphore_mem>>, %arg12: memref<!tpu.dma_semaphore, #tpu.memory_space<semaphore_mem>>, %arg13: memref<!tpu.dma_semaphore, #tpu.memory_space<semaphore_mem>>, %arg14: memref<!tpu.dma_semaphore, #tpu.memory_space<semaphore_mem>>) attributes {dimension_semantics = [#tpu.dimension_semantics<core_parallel>, #tpu.dimension_semantics<subcore_parallel>], iteration_bounds = array<i64: 2, 16>, scalar_prefetch = 0 : i64, scratch_operands = 8 : i64, tpu.core_type = #tpu.core_type<sc_vector_subcore>, window_params = [{transform_indices = #map}, {transform_indices = #map1}, {transform_indices = #map1}, {transform_indices = #map}, {transform_indices = #map1}]} {
    %mul3A = arith.constant 2 : i32
    %mul3A_0 = arith.muli %arg1, %mul3A : i32
    %add3A = arith.addi %mul3A_0, %arg0 : i32
    "tpu.region"() ({
      %run_scoped3A = tpu.sem_alloc : memref<!tpu.dma_semaphore, #tpu.memory_space<semaphore_mem>>
      %dma_start3A_59 = arith.constant 0 : i32
      %dma_start3A_60 = arith.constant 0 : i32
      %dma_start3A_61 = tpu.memref_slice %arg9[%dma_start3A_59, %dma_start3A_60] : memref<256x128xf32, #tpu.memory_space<vmem>> -> memref<128x128xf32, #tpu.memory_space<vmem>>
      %dma_start3A_62 = arith.constant 0 : i32
      %dma_start3A_63 = arith.constant 0 : i32
      %dma_start3A_64 = tpu.memref_slice %arg9[%dma_start3A_62, %dma_start3A_63] : memref<256x128xf32, #tpu.memory_space<vmem>> -> memref<128x128xf32, #tpu.memory_space<vmem>>
      tpu.enqueue_dma source(%arg5 : memref<128x128xf32, #tpu.memory_space<hbm>>) target(%dma_start3A_64 : memref<128x128xf32, #tpu.memory_space<vmem>>) target_semaphore(%run_scoped3A : memref<!tpu.dma_semaphore, #tpu.memory_space<semaphore_mem>>)
      %dma_wait3A_65 = arith.constant 0 : i32
      %dma_wait3A_66 = arith.constant 0 : i32
      %dma_wait3A_67 = tpu.memref_slice %arg9[%dma_wait3A_65, %dma_wait3A_66] : memref<256x128xf32, #tpu.memory_space<vmem>> -> memref<128x128xf32, #tpu.memory_space<vmem>>
      %dma_wait3A_68 = arith.constant 0 : i32
      %dma_wait3A_69 = arith.constant 0 : i32
      %dma_wait3A_70 = tpu.memref_slice %arg9[%dma_wait3A_68, %dma_wait3A_69] : memref<256x128xf32, #tpu.memory_space<vmem>> -> memref<128x128xf32, #tpu.memory_space<vmem>>
      tpu.wait_dma2 semaphore(%run_scoped3A : memref<!tpu.dma_semaphore, #tpu.memory_space<semaphore_mem>>) src(%arg5 : memref<128x128xf32, #tpu.memory_space<hbm>>) dst(%dma_wait3A_70 : memref<128x128xf32, #tpu.memory_space<vmem>>)
      tpu.yield
    }) : () -> ()
    %scan3A = arith.constant 0 : i32
    %scan3A_1 = arith.constant 0 : i32
    %scan3A_2 = arith.constant 5 : i32
    %scan3A_3 = arith.addi %scan3A_1, %scan3A_2 : i32
    %scan3A_4 = arith.constant 1 : i32
    scf.for %scan3A_59 = %scan3A_1 to %scan3A_3 step %scan3A_4  : i32 {
      %mul3A_60 = arith.constant 640 : i32
      %mul3A_61 = arith.muli %arg1, %mul3A_60 : i32
      %mul3A_62 = arith.constant 128 : i32
      %mul3A_63 = arith.muli %scan3A_59, %mul3A_62 : i32
      %add3A_64 = arith.addi %mul3A_61, %mul3A_63 : i32
      %dma_start3A_65 = arith.constant 0 : i32
      %dma_start3A_66 = arith.constant 0 : i32
      %dma_start3A_67 = tpu.memref_slice %arg9[%dma_start3A_65, %dma_start3A_66] : memref<256x128xf32, #tpu.memory_space<vmem>> -> memref<128x128xf32, #tpu.memory_space<vmem>>
      %dma_start3A_68 = arith.constant 0 : i32
      %dma_start3A_69 = tpu.memref_slice %arg10[%add3A_64, %dma_start3A_68] : memref<10240x128xf32, #tpu.memory_space<vmem_shared>> -> memref<128x128xf32, #tpu.memory_space<vmem_shared>>
      %dma_start3A_70 = arith.constant 0 : i32
      %dma_start3A_71 = tpu.memref_slice %arg10[%add3A_64, %dma_start3A_70] : memref<10240x128xf32, #tpu.memory_space<vmem_shared>> -> memref<128x128xf32, #tpu.memory_space<vmem_shared>>
      %dma_start3A_72 = arith.constant 0 : i32
      %dma_start3A_73 = arith.constant 0 : i32
      %dma_start3A_74 = tpu.memref_slice %arg9[%dma_start3A_72, %dma_start3A_73] : memref<256x128xf32, #tpu.memory_space<vmem>> -> memref<128x128xf32, #tpu.memory_space<vmem>>
      tpu.enqueue_dma source(%dma_start3A_74 : memref<128x128xf32, #tpu.memory_space<vmem>>) target(%dma_start3A_71 : memref<128x128xf32, #tpu.memory_space<vmem_shared>>) target_semaphore(%arg13 : memref<!tpu.dma_semaphore, #tpu.memory_space<semaphore_mem>>)
    }
    %scan3A_5 = arith.constant 5 : i32
    "tpu.region"() ({
      %run_scoped3A = tpu.sem_alloc : memref<!tpu.dma_semaphore, #tpu.memory_space<semaphore_mem>>
      %dma_start3A_59 = arith.constant 0 : i32
      %dma_start3A_60 = arith.constant 0 : i32
      %dma_start3A_61 = tpu.memref_slice %arg7[%dma_start3A_59, %dma_start3A_60] : memref<40x128xi32, #tpu.memory_space<vmem>> -> memref<40x128xi32, #tpu.memory_space<vmem>>
      %dma_start3A_62 = arith.constant 0 : i32
      %dma_start3A_63 = arith.constant 0 : i32
      %dma_start3A_64 = tpu.memref_slice %arg3[%add3A, %dma_start3A_62, %dma_start3A_63] : memref<32x79x128xi32, #tpu.memory_space<hbm>> -> memref<1x40x128xi32, #tpu.memory_space<hbm>>
      %dma_start3A_65 = tpu.memref_squeeze %dma_start3A_64 : memref<1x40x128xi32, #tpu.memory_space<hbm>> -> memref<40x128xi32, #tpu.memory_space<hbm>>
      %dma_start3A_66 = arith.constant 0 : i32
      %dma_start3A_67 = arith.constant 0 : i32
      %dma_start3A_68 = tpu.memref_slice %arg7[%dma_start3A_66, %dma_start3A_67] : memref<40x128xi32, #tpu.memory_space<vmem>> -> memref<40x128xi32, #tpu.memory_space<vmem>>
      %dma_start3A_69 = arith.constant 0 : i32
      %dma_start3A_70 = arith.constant 0 : i32
      %dma_start3A_71 = tpu.memref_slice %arg3[%add3A, %dma_start3A_69, %dma_start3A_70] : memref<32x79x128xi32, #tpu.memory_space<hbm>> -> memref<1x40x128xi32, #tpu.memory_space<hbm>>
      %dma_start3A_72 = tpu.memref_squeeze %dma_start3A_71 : memref<1x40x128xi32, #tpu.memory_space<hbm>> -> memref<40x128xi32, #tpu.memory_space<hbm>>
      tpu.enqueue_dma source(%dma_start3A_72 : memref<40x128xi32, #tpu.memory_space<hbm>>) target(%dma_start3A_68 : memref<40x128xi32, #tpu.memory_space<vmem>>) target_semaphore(%run_scoped3A : memref<!tpu.dma_semaphore, #tpu.memory_space<semaphore_mem>>)
      %dma_wait3A_73 = arith.constant 0 : i32
      %dma_wait3A_74 = arith.constant 0 : i32
      %dma_wait3A_75 = tpu.memref_slice %arg7[%dma_wait3A_73, %dma_wait3A_74] : memref<40x128xi32, #tpu.memory_space<vmem>> -> memref<40x128xi32, #tpu.memory_space<vmem>>
      %dma_wait3A_76 = arith.constant 0 : i32
      %dma_wait3A_77 = arith.constant 0 : i32
      %dma_wait3A_78 = tpu.memref_slice %arg3[%add3A, %dma_wait3A_76, %dma_wait3A_77] : memref<32x79x128xi32, #tpu.memory_space<hbm>> -> memref<1x40x128xi32, #tpu.memory_space<hbm>>
      %dma_wait3A_79 = tpu.memref_squeeze %dma_wait3A_78 : memref<1x40x128xi32, #tpu.memory_space<hbm>> -> memref<40x128xi32, #tpu.memory_space<hbm>>
      %dma_wait3A_80 = arith.constant 0 : i32
      %dma_wait3A_81 = arith.constant 0 : i32
      %dma_wait3A_82 = tpu.memref_slice %arg7[%dma_wait3A_80, %dma_wait3A_81] : memref<40x128xi32, #tpu.memory_space<vmem>> -> memref<40x128xi32, #tpu.memory_space<vmem>>
      %dma_wait3A_83 = arith.constant 0 : i32
      %dma_wait3A_84 = arith.constant 0 : i32
      %dma_wait3A_85 = tpu.memref_slice %arg3[%add3A, %dma_wait3A_83, %dma_wait3A_84] : memref<32x79x128xi32, #tpu.memory_space<hbm>> -> memref<1x40x128xi32, #tpu.memory_space<hbm>>
      %dma_wait3A_86 = tpu.memref_squeeze %dma_wait3A_85 : memref<1x40x128xi32, #tpu.memory_space<hbm>> -> memref<40x128xi32, #tpu.memory_space<hbm>>
      tpu.wait_dma2 semaphore(%run_scoped3A : memref<!tpu.dma_semaphore, #tpu.memory_space<semaphore_mem>>) src(%dma_wait3A_86 : memref<40x128xi32, #tpu.memory_space<hbm>>) dst(%dma_wait3A_82 : memref<40x128xi32, #tpu.memory_space<vmem>>)
      tpu.yield
    }) : () -> ()
    "tpu.region"() ({
      %run_scoped3A = tpu.sem_alloc : memref<!tpu.dma_semaphore, #tpu.memory_space<semaphore_mem>>
      %dma_start3A_59 = arith.constant 0 : i32
      %dma_start3A_60 = arith.constant 0 : i32
      %dma_start3A_61 = tpu.memref_slice %arg8[%dma_start3A_59, %dma_start3A_60] : memref<40x128xi32, #tpu.memory_space<vmem>> -> memref<40x128xi32, #tpu.memory_space<vmem>>
      %dma_start3A_62 = arith.constant 0 : i32
      %dma_start3A_63 = arith.constant 0 : i32
      %dma_start3A_64 = tpu.memref_slice %arg4[%add3A, %dma_start3A_62, %dma_start3A_63] : memref<32x79x128xi32, #tpu.memory_space<hbm>> -> memref<1x40x128xi32, #tpu.memory_space<hbm>>
      %dma_start3A_65 = tpu.memref_squeeze %dma_start3A_64 : memref<1x40x128xi32, #tpu.memory_space<hbm>> -> memref<40x128xi32, #tpu.memory_space<hbm>>
      %dma_start3A_66 = arith.constant 0 : i32
      %dma_start3A_67 = arith.constant 0 : i32
      %dma_start3A_68 = tpu.memref_slice %arg8[%dma_start3A_66, %dma_start3A_67] : memref<40x128xi32, #tpu.memory_space<vmem>> -> memref<40x128xi32, #tpu.memory_space<vmem>>
      %dma_start3A_69 = arith.constant 0 : i32
      %dma_start3A_70 = arith.constant 0 : i32
      %dma_start3A_71 = tpu.memref_slice %arg4[%add3A, %dma_start3A_69, %dma_start3A_70] : memref<32x79x128xi32, #tpu.memory_space<hbm>> -> memref<1x40x128xi32, #tpu.memory_space<hbm>>
      %dma_start3A_72 = tpu.memref_squeeze %dma_start3A_71 : memref<1x40x128xi32, #tpu.memory_space<hbm>> -> memref<40x128xi32, #tpu.memory_space<hbm>>
      tpu.enqueue_dma source(%dma_start3A_72 : memref<40x128xi32, #tpu.memory_space<hbm>>) target(%dma_start3A_68 : memref<40x128xi32, #tpu.memory_space<vmem>>) target_semaphore(%run_scoped3A : memref<!tpu.dma_semaphore, #tpu.memory_space<semaphore_mem>>)
      %dma_wait3A_73 = arith.constant 0 : i32
      %dma_wait3A_74 = arith.constant 0 : i32
      %dma_wait3A_75 = tpu.memref_slice %arg8[%dma_wait3A_73, %dma_wait3A_74] : memref<40x128xi32, #tpu.memory_space<vmem>> -> memref<40x128xi32, #tpu.memory_space<vmem>>
      %dma_wait3A_76 = arith.constant 0 : i32
      %dma_wait3A_77 = arith.constant 0 : i32
      %dma_wait3A_78 = tpu.memref_slice %arg4[%add3A, %dma_wait3A_76, %dma_wait3A_77] : memref<32x79x128xi32, #tpu.memory_space<hbm>> -> memref<1x40x128xi32, #tpu.memory_space<hbm>>
      %dma_wait3A_79 = tpu.memref_squeeze %dma_wait3A_78 : memref<1x40x128xi32, #tpu.memory_space<hbm>> -> memref<40x128xi32, #tpu.memory_space<hbm>>
      %dma_wait3A_80 = arith.constant 0 : i32
      %dma_wait3A_81 = arith.constant 0 : i32
      %dma_wait3A_82 = tpu.memref_slice %arg8[%dma_wait3A_80, %dma_wait3A_81] : memref<40x128xi32, #tpu.memory_space<vmem>> -> memref<40x128xi32, #tpu.memory_space<vmem>>
      %dma_wait3A_83 = arith.constant 0 : i32
      %dma_wait3A_84 = arith.constant 0 : i32
      %dma_wait3A_85 = tpu.memref_slice %arg4[%add3A, %dma_wait3A_83, %dma_wait3A_84] : memref<32x79x128xi32, #tpu.memory_space<hbm>> -> memref<1x40x128xi32, #tpu.memory_space<hbm>>
      %dma_wait3A_86 = tpu.memref_squeeze %dma_wait3A_85 : memref<1x40x128xi32, #tpu.memory_space<hbm>> -> memref<40x128xi32, #tpu.memory_space<hbm>>
      tpu.wait_dma2 semaphore(%run_scoped3A : memref<!tpu.dma_semaphore, #tpu.memory_space<semaphore_mem>>) src(%dma_wait3A_86 : memref<40x128xi32, #tpu.memory_space<hbm>>) dst(%dma_wait3A_82 : memref<40x128xi32, #tpu.memory_space<vmem>>)
      tpu.yield
    }) : () -> ()
    %scan3A_6 = arith.constant 0 : i32
    %scan3A_7 = arith.constant 0 : i32
    %scan3A_8 = arith.constant 5 : i32
    %scan3A_9 = arith.addi %scan3A_7, %scan3A_8 : i32
    %scan3A_10 = arith.constant 1 : i32
    scf.for %scan3A_59 = %scan3A_7 to %scan3A_9 step %scan3A_10  : i32 {
      %dma_wait3A_60 = arith.constant 0 : i32
      %dma_wait3A_61 = arith.constant 0 : i32
      %dma_wait3A_62 = tpu.memref_slice %arg9[%dma_wait3A_60, %dma_wait3A_61] : memref<256x128xf32, #tpu.memory_space<vmem>> -> memref<128x128xf32, #tpu.memory_space<vmem>>
      %dma_wait3A_63 = arith.constant 0 : i32
      %dma_wait3A_64 = arith.constant 0 : i32
      %dma_wait3A_65 = tpu.memref_slice %arg9[%dma_wait3A_63, %dma_wait3A_64] : memref<256x128xf32, #tpu.memory_space<vmem>> -> memref<128x128xf32, #tpu.memory_space<vmem>>
      tpu.wait_dma2 semaphore(%arg13 : memref<!tpu.dma_semaphore, #tpu.memory_space<semaphore_mem>>) src(%arg5 : memref<128x128xf32, #tpu.memory_space<hbm>>) dst(%dma_wait3A_65 : memref<128x128xf32, #tpu.memory_space<vmem>>)
    }
    %scan3A_11 = arith.constant 5 : i32
    %barrier3A = arith.constant 0 : index
    tpu.barrier barrier_id(%barrier3A)
    %scan3A_12 = arith.constant 0 : i32
    %scan3A_13 = arith.constant 0 : i32
    %scan3A_14 = arith.constant 20 : i32
    %scan3A_15 = arith.addi %scan3A_13, %scan3A_14 : i32
    %scan3A_16 = arith.constant 1 : i32
    scf.for %scan3A_59 = %scan3A_13 to %scan3A_15 step %scan3A_16  : i32 {
      %mul3A_60 = arith.constant 2 : i32
      %mul3A_61 = arith.muli %scan3A_59, %mul3A_60 : i32
      %dma_start3A_62 = arith.constant 0 : i32
      %dma_start3A_63 = arith.constant 0 : i32
      %dma_start3A_64 = tpu.memref_slice %arg9[%dma_start3A_62, %dma_start3A_63] : memref<256x128xf32, #tpu.memory_space<vmem>> -> memref<128x128xf32, #tpu.memory_space<vmem>>
      %dma_start3A_65 = arith.constant 0 : i32
      %dma_start3A_66 = tpu.memref_slice %arg7[%mul3A_61, %dma_start3A_65] : memref<40x128xi32, #tpu.memory_space<vmem>> -> memref<1x128xi32, #tpu.memory_space<vmem>>
      %dma_start3A_67 = tpu.memref_squeeze %dma_start3A_66 : memref<1x128xi32, #tpu.memory_space<vmem>> -> memref<128xi32, #tpu.memory_space<vmem>>
      %dma_start3A_68 = arith.constant 0 : i32
      %dma_start3A_69 = arith.constant 0 : i32
      %dma_start3A_70 = tpu.memref_slice %arg2[%dma_start3A_68, %dma_start3A_69] : memref<10000x128xf32, #tpu.memory_space<hbm>> -> memref<10000x128xf32, #tpu.memory_space<hbm>>
      tpu.enqueue_indirect_dma source(%dma_start3A_70 : memref<10000x128xf32, #tpu.memory_space<hbm>>) target(%dma_start3A_64 : memref<128x128xf32, #tpu.memory_space<vmem>>) offsets(%dma_start3A_67 : memref<128xi32, #tpu.memory_space<vmem>>) semaphore(%arg11 : memref<!tpu.dma_semaphore, #tpu.memory_space<semaphore_mem>>)
      %add3A_71 = arith.constant 1 : i32
      %add3A_72 = arith.addi %mul3A_61, %add3A_71 : i32
      %dma_start3A_73 = arith.constant 128 : i32
      %dma_start3A_74 = arith.constant 0 : i32
      %dma_start3A_75 = tpu.memref_slice %arg9[%dma_start3A_73, %dma_start3A_74] : memref<256x128xf32, #tpu.memory_space<vmem>> -> memref<128x128xf32, #tpu.memory_space<vmem>>
      %dma_start3A_76 = arith.constant 0 : i32
      %dma_start3A_77 = tpu.memref_slice %arg7[%add3A_72, %dma_start3A_76] : memref<40x128xi32, #tpu.memory_space<vmem>> -> memref<1x128xi32, #tpu.memory_space<vmem>>
      %dma_start3A_78 = tpu.memref_squeeze %dma_start3A_77 : memref<1x128xi32, #tpu.memory_space<vmem>> -> memref<128xi32, #tpu.memory_space<vmem>>
      %dma_start3A_79 = arith.constant 0 : i32
      %dma_start3A_80 = arith.constant 0 : i32
      %dma_start3A_81 = tpu.memref_slice %arg2[%dma_start3A_79, %dma_start3A_80] : memref<10000x128xf32, #tpu.memory_space<hbm>> -> memref<10000x128xf32, #tpu.memory_space<hbm>>
      tpu.enqueue_indirect_dma source(%dma_start3A_81 : memref<10000x128xf32, #tpu.memory_space<hbm>>) target(%dma_start3A_75 : memref<128x128xf32, #tpu.memory_space<vmem>>) offsets(%dma_start3A_78 : memref<128xi32, #tpu.memory_space<vmem>>) semaphore(%arg12 : memref<!tpu.dma_semaphore, #tpu.memory_space<semaphore_mem>>)
      %dma_wait3A_82 = arith.constant 0 : i32
      %dma_wait3A_83 = arith.constant 0 : i32
      %dma_wait3A_84 = tpu.memref_slice %arg9[%dma_wait3A_82, %dma_wait3A_83] : memref<256x128xf32, #tpu.memory_space<vmem>> -> memref<128x128xf32, #tpu.memory_space<vmem>>
      %dma_wait3A_85 = arith.constant 0 : i32
      %dma_wait3A_86 = arith.constant 0 : i32
      %dma_wait3A_87 = tpu.memref_slice %arg9[%dma_wait3A_85, %dma_wait3A_86] : memref<256x128xf32, #tpu.memory_space<vmem>> -> memref<128x128xf32, #tpu.memory_space<vmem>>
      tpu.wait_dma2 semaphore(%arg11 : memref<!tpu.dma_semaphore, #tpu.memory_space<semaphore_mem>>) src(%arg5 : memref<128x128xf32, #tpu.memory_space<hbm>>) dst(%dma_wait3A_87 : memref<128x128xf32, #tpu.memory_space<vmem>>)
      %dma_start3A_88 = arith.constant 0 : i32
      %dma_start3A_89 = arith.constant 0 : i32
      %dma_start3A_90 = tpu.memref_slice %arg9[%dma_start3A_88, %dma_start3A_89] : memref<256x128xf32, #tpu.memory_space<vmem>> -> memref<128x128xf32, #tpu.memory_space<vmem>>
      %dma_start3A_91 = arith.constant 0 : i32
      %dma_start3A_92 = tpu.memref_slice %arg8[%mul3A_61, %dma_start3A_91] : memref<40x128xi32, #tpu.memory_space<vmem>> -> memref<1x128xi32, #tpu.memory_space<vmem>>
      %dma_start3A_93 = tpu.memref_squeeze %dma_start3A_92 : memref<1x128xi32, #tpu.memory_space<vmem>> -> memref<128xi32, #tpu.memory_space<vmem>>
      %dma_start3A_94 = arith.constant 0 : i32
      %dma_start3A_95 = arith.constant 0 : i32
      %dma_start3A_96 = tpu.memref_slice %arg10[%dma_start3A_94, %dma_start3A_95] : memref<10240x128xf32, #tpu.memory_space<vmem_shared>> -> memref<10240x128xf32, #tpu.memory_space<vmem_shared>>
      tpu.enqueue_indirect_dma source(%dma_start3A_90 : memref<128x128xf32, #tpu.memory_space<vmem>>) target(%dma_start3A_96 : memref<10240x128xf32, #tpu.memory_space<vmem_shared>>) offsets(%dma_start3A_93 : memref<128xi32, #tpu.memory_space<vmem>>) semaphore(%arg13 : memref<!tpu.dma_semaphore, #tpu.memory_space<semaphore_mem>>) {add = true}
      %dma_wait3A_97 = arith.constant 128 : i32
      %dma_wait3A_98 = arith.constant 0 : i32
      %dma_wait3A_99 = tpu.memref_slice %arg9[%dma_wait3A_97, %dma_wait3A_98] : memref<256x128xf32, #tpu.memory_space<vmem>> -> memref<128x128xf32, #tpu.memory_space<vmem>>
      %dma_wait3A_100 = arith.constant 128 : i32
      %dma_wait3A_101 = arith.constant 0 : i32
      %dma_wait3A_102 = tpu.memref_slice %arg9[%dma_wait3A_100, %dma_wait3A_101] : memref<256x128xf32, #tpu.memory_space<vmem>> -> memref<128x128xf32, #tpu.memory_space<vmem>>
      tpu.wait_dma2 semaphore(%arg12 : memref<!tpu.dma_semaphore, #tpu.memory_space<semaphore_mem>>) src(%arg5 : memref<128x128xf32, #tpu.memory_space<hbm>>) dst(%dma_wait3A_102 : memref<128x128xf32, #tpu.memory_space<vmem>>)
      %add3A_103 = arith.constant 1 : i32
      %add3A_104 = arith.addi %mul3A_61, %add3A_103 : i32
      %dma_start3A_105 = arith.constant 128 : i32
      %dma_start3A_106 = arith.constant 0 : i32
      %dma_start3A_107 = tpu.memref_slice %arg9[%dma_start3A_105, %dma_start3A_106] : memref<256x128xf32, #tpu.memory_space<vmem>> -> memref<128x128xf32, #tpu.memory_space<vmem>>
      %dma_start3A_108 = arith.constant 0 : i32
      %dma_start3A_109 = tpu.memref_slice %arg8[%add3A_104, %dma_start3A_108] : memref<40x128xi32, #tpu.memory_space<vmem>> -> memref<1x128xi32, #tpu.memory_space<vmem>>
      %dma_start3A_110 = tpu.memref_squeeze %dma_start3A_109 : memref<1x128xi32, #tpu.memory_space<vmem>> -> memref<128xi32, #tpu.memory_space<vmem>>
      %dma_start3A_111 = arith.constant 0 : i32
      %dma_start3A_112 = arith.constant 0 : i32
      %dma_start3A_113 = tpu.memref_slice %arg10[%dma_start3A_111, %dma_start3A_112] : memref<10240x128xf32, #tpu.memory_space<vmem_shared>> -> memref<10240x128xf32, #tpu.memory_space<vmem_shared>>
      tpu.enqueue_indirect_dma source(%dma_start3A_107 : memref<128x128xf32, #tpu.memory_space<vmem>>) target(%dma_start3A_113 : memref<10240x128xf32, #tpu.memory_space<vmem_shared>>) offsets(%dma_start3A_110 : memref<128xi32, #tpu.memory_space<vmem>>) semaphore(%arg14 : memref<!tpu.dma_semaphore, #tpu.memory_space<semaphore_mem>>) {add = true}
      %dma_wait3A_114 = arith.constant 0 : i32
      %dma_wait3A_115 = arith.constant 0 : i32
      %dma_wait3A_116 = tpu.memref_slice %arg9[%dma_wait3A_114, %dma_wait3A_115] : memref<256x128xf32, #tpu.memory_space<vmem>> -> memref<128x128xf32, #tpu.memory_space<vmem>>
      %dma_wait3A_117 = arith.constant 0 : i32
      %dma_wait3A_118 = arith.constant 0 : i32
      %dma_wait3A_119 = tpu.memref_slice %arg9[%dma_wait3A_117, %dma_wait3A_118] : memref<256x128xf32, #tpu.memory_space<vmem>> -> memref<128x128xf32, #tpu.memory_space<vmem>>
      tpu.wait_dma2 semaphore(%arg13 : memref<!tpu.dma_semaphore, #tpu.memory_space<semaphore_mem>>) src(%arg5 : memref<128x128xf32, #tpu.memory_space<hbm>>) dst(%dma_wait3A_119 : memref<128x128xf32, #tpu.memory_space<vmem>>)
      %dma_wait3A_120 = arith.constant 128 : i32
      %dma_wait3A_121 = arith.constant 0 : i32
      %dma_wait3A_122 = tpu.memref_slice %arg9[%dma_wait3A_120, %dma_wait3A_121] : memref<256x128xf32, #tpu.memory_space<vmem>> -> memref<128x128xf32, #tpu.memory_space<vmem>>
      %dma_wait3A_123 = arith.constant 128 : i32
      %dma_wait3A_124 = arith.constant 0 : i32
      %dma_wait3A_125 = tpu.memref_slice %arg9[%dma_wait3A_123, %dma_wait3A_124] : memref<256x128xf32, #tpu.memory_space<vmem>> -> memref<128x128xf32, #tpu.memory_space<vmem>>
      tpu.wait_dma2 semaphore(%arg14 : memref<!tpu.dma_semaphore, #tpu.memory_space<semaphore_mem>>) src(%arg5 : memref<128x128xf32, #tpu.memory_space<hbm>>) dst(%dma_wait3A_125 : memref<128x128xf32, #tpu.memory_space<vmem>>)
    }
    %scan3A_17 = arith.constant 20 : i32
    "tpu.region"() ({
      %run_scoped3A = tpu.sem_alloc : memref<!tpu.dma_semaphore, #tpu.memory_space<semaphore_mem>>
      %dma_start3A_59 = arith.constant 0 : i32
      %dma_start3A_60 = arith.constant 0 : i32
      %dma_start3A_61 = tpu.memref_slice %arg7[%dma_start3A_59, %dma_start3A_60] : memref<40x128xi32, #tpu.memory_space<vmem>> -> memref<39x128xi32, #tpu.memory_space<vmem>>
      %dma_start3A_62 = arith.constant 40 : i32
      %dma_start3A_63 = arith.constant 0 : i32
      %dma_start3A_64 = tpu.memref_slice %arg3[%add3A, %dma_start3A_62, %dma_start3A_63] : memref<32x79x128xi32, #tpu.memory_space<hbm>> -> memref<1x39x128xi32, #tpu.memory_space<hbm>>
      %dma_start3A_65 = tpu.memref_squeeze %dma_start3A_64 : memref<1x39x128xi32, #tpu.memory_space<hbm>> -> memref<39x128xi32, #tpu.memory_space<hbm>>
      %dma_start3A_66 = arith.constant 0 : i32
      %dma_start3A_67 = arith.constant 0 : i32
      %dma_start3A_68 = tpu.memref_slice %arg7[%dma_start3A_66, %dma_start3A_67] : memref<40x128xi32, #tpu.memory_space<vmem>> -> memref<39x128xi32, #tpu.memory_space<vmem>>
      %dma_start3A_69 = arith.constant 40 : i32
      %dma_start3A_70 = arith.constant 0 : i32
      %dma_start3A_71 = tpu.memref_slice %arg3[%add3A, %dma_start3A_69, %dma_start3A_70] : memref<32x79x128xi32, #tpu.memory_space<hbm>> -> memref<1x39x128xi32, #tpu.memory_space<hbm>>
      %dma_start3A_72 = tpu.memref_squeeze %dma_start3A_71 : memref<1x39x128xi32, #tpu.memory_space<hbm>> -> memref<39x128xi32, #tpu.memory_space<hbm>>
      tpu.enqueue_dma source(%dma_start3A_72 : memref<39x128xi32, #tpu.memory_space<hbm>>) target(%dma_start3A_68 : memref<39x128xi32, #tpu.memory_space<vmem>>) target_semaphore(%run_scoped3A : memref<!tpu.dma_semaphore, #tpu.memory_space<semaphore_mem>>)
      %dma_wait3A_73 = arith.constant 0 : i32
      %dma_wait3A_74 = arith.constant 0 : i32
      %dma_wait3A_75 = tpu.memref_slice %arg7[%dma_wait3A_73, %dma_wait3A_74] : memref<40x128xi32, #tpu.memory_space<vmem>> -> memref<39x128xi32, #tpu.memory_space<vmem>>
      %dma_wait3A_76 = arith.constant 40 : i32
      %dma_wait3A_77 = arith.constant 0 : i32
      %dma_wait3A_78 = tpu.memref_slice %arg3[%add3A, %dma_wait3A_76, %dma_wait3A_77] : memref<32x79x128xi32, #tpu.memory_space<hbm>> -> memref<1x39x128xi32, #tpu.memory_space<hbm>>
      %dma_wait3A_79 = tpu.memref_squeeze %dma_wait3A_78 : memref<1x39x128xi32, #tpu.memory_space<hbm>> -> memref<39x128xi32, #tpu.memory_space<hbm>>
      %dma_wait3A_80 = arith.constant 0 : i32
      %dma_wait3A_81 = arith.constant 0 : i32
      %dma_wait3A_82 = tpu.memref_slice %arg7[%dma_wait3A_80, %dma_wait3A_81] : memref<40x128xi32, #tpu.memory_space<vmem>> -> memref<39x128xi32, #tpu.memory_space<vmem>>
      %dma_wait3A_83 = arith.constant 40 : i32
      %dma_wait3A_84 = arith.constant 0 : i32
      %dma_wait3A_85 = tpu.memref_slice %arg3[%add3A, %dma_wait3A_83, %dma_wait3A_84] : memref<32x79x128xi32, #tpu.memory_space<hbm>> -> memref<1x39x128xi32, #tpu.memory_space<hbm>>
      %dma_wait3A_86 = tpu.memref_squeeze %dma_wait3A_85 : memref<1x39x128xi32, #tpu.memory_space<hbm>> -> memref<39x128xi32, #tpu.memory_space<hbm>>
      tpu.wait_dma2 semaphore(%run_scoped3A : memref<!tpu.dma_semaphore, #tpu.memory_space<semaphore_mem>>) src(%dma_wait3A_86 : memref<39x128xi32, #tpu.memory_space<hbm>>) dst(%dma_wait3A_82 : memref<39x128xi32, #tpu.memory_space<vmem>>)
      tpu.yield
    }) : () -> ()
    "tpu.region"() ({
      %run_scoped3A = tpu.sem_alloc : memref<!tpu.dma_semaphore, #tpu.memory_space<semaphore_mem>>
      %dma_start3A_59 = arith.constant 0 : i32
      %dma_start3A_60 = arith.constant 0 : i32
      %dma_start3A_61 = tpu.memref_slice %arg8[%dma_start3A_59, %dma_start3A_60] : memref<40x128xi32, #tpu.memory_space<vmem>> -> memref<39x128xi32, #tpu.memory_space<vmem>>
      %dma_start3A_62 = arith.constant 40 : i32
      %dma_start3A_63 = arith.constant 0 : i32
      %dma_start3A_64 = tpu.memref_slice %arg4[%add3A, %dma_start3A_62, %dma_start3A_63] : memref<32x79x128xi32, #tpu.memory_space<hbm>> -> memref<1x39x128xi32, #tpu.memory_space<hbm>>
      %dma_start3A_65 = tpu.memref_squeeze %dma_start3A_64 : memref<1x39x128xi32, #tpu.memory_space<hbm>> -> memref<39x128xi32, #tpu.memory_space<hbm>>
      %dma_start3A_66 = arith.constant 0 : i32
      %dma_start3A_67 = arith.constant 0 : i32
      %dma_start3A_68 = tpu.memref_slice %arg8[%dma_start3A_66, %dma_start3A_67] : memref<40x128xi32, #tpu.memory_space<vmem>> -> memref<39x128xi32, #tpu.memory_space<vmem>>
      %dma_start3A_69 = arith.constant 40 : i32
      %dma_start3A_70 = arith.constant 0 : i32
      %dma_start3A_71 = tpu.memref_slice %arg4[%add3A, %dma_start3A_69, %dma_start3A_70] : memref<32x79x128xi32, #tpu.memory_space<hbm>> -> memref<1x39x128xi32, #tpu.memory_space<hbm>>
      %dma_start3A_72 = tpu.memref_squeeze %dma_start3A_71 : memref<1x39x128xi32, #tpu.memory_space<hbm>> -> memref<39x128xi32, #tpu.memory_space<hbm>>
      tpu.enqueue_dma source(%dma_start3A_72 : memref<39x128xi32, #tpu.memory_space<hbm>>) target(%dma_start3A_68 : memref<39x128xi32, #tpu.memory_space<vmem>>) target_semaphore(%run_scoped3A : memref<!tpu.dma_semaphore, #tpu.memory_space<semaphore_mem>>)
      %dma_wait3A_73 = arith.constant 0 : i32
      %dma_wait3A_74 = arith.constant 0 : i32
      %dma_wait3A_75 = tpu.memref_slice %arg8[%dma_wait3A_73, %dma_wait3A_74] : memref<40x128xi32, #tpu.memory_space<vmem>> -> memref<39x128xi32, #tpu.memory_space<vmem>>
      %dma_wait3A_76 = arith.constant 40 : i32
      %dma_wait3A_77 = arith.constant 0 : i32
      %dma_wait3A_78 = tpu.memref_slice %arg4[%add3A, %dma_wait3A_76, %dma_wait3A_77] : memref<32x79x128xi32, #tpu.memory_space<hbm>> -> memref<1x39x128xi32, #tpu.memory_space<hbm>>
      %dma_wait3A_79 = tpu.memref_squeeze %dma_wait3A_78 : memref<1x39x128xi32, #tpu.memory_space<hbm>> -> memref<39x128xi32, #tpu.memory_space<hbm>>
      %dma_wait3A_80 = arith.constant 0 : i32
      %dma_wait3A_81 = arith.constant 0 : i32
      %dma_wait3A_82 = tpu.memref_slice %arg8[%dma_wait3A_80, %dma_wait3A_81] : memref<40x128xi32, #tpu.memory_space<vmem>> -> memref<39x128xi32, #tpu.memory_space<vmem>>
      %dma_wait3A_83 = arith.constant 40 : i32
      %dma_wait3A_84 = arith.constant 0 : i32
      %dma_wait3A_85 = tpu.memref_slice %arg4[%add3A, %dma_wait3A_83, %dma_wait3A_84] : memref<32x79x128xi32, #tpu.memory_space<hbm>> -> memref<1x39x128xi32, #tpu.memory_space<hbm>>
      %dma_wait3A_86 = tpu.memref_squeeze %dma_wait3A_85 : memref<1x39x128xi32, #tpu.memory_space<hbm>> -> memref<39x128xi32, #tpu.memory_space<hbm>>
      tpu.wait_dma2 semaphore(%run_scoped3A : memref<!tpu.dma_semaphore, #tpu.memory_space<semaphore_mem>>) src(%dma_wait3A_86 : memref<39x128xi32, #tpu.memory_space<hbm>>) dst(%dma_wait3A_82 : memref<39x128xi32, #tpu.memory_space<vmem>>)
      tpu.yield
    }) : () -> ()
    %scan3A_18 = arith.constant 0 : i32
    %scan3A_19 = arith.constant 0 : i32
    %scan3A_20 = arith.constant 19 : i32
    %scan3A_21 = arith.addi %scan3A_19, %scan3A_20 : i32
    %scan3A_22 = arith.constant 1 : i32
    scf.for %scan3A_59 = %scan3A_19 to %scan3A_21 step %scan3A_22  : i32 {
      %mul3A_60 = arith.constant 2 : i32
      %mul3A_61 = arith.muli %scan3A_59, %mul3A_60 : i32
      %dma_start3A_62 = arith.constant 0 : i32
      %dma_start3A_63 = arith.constant 0 : i32
      %dma_start3A_64 = tpu.memref_slice %arg9[%dma_start3A_62, %dma_start3A_63] : memref<256x128xf32, #tpu.memory_space<vmem>> -> memref<128x128xf32, #tpu.memory_space<vmem>>
      %dma_start3A_65 = arith.constant 0 : i32
      %dma_start3A_66 = tpu.memref_slice %arg7[%mul3A_61, %dma_start3A_65] : memref<40x128xi32, #tpu.memory_space<vmem>> -> memref<1x128xi32, #tpu.memory_space<vmem>>
      %dma_start3A_67 = tpu.memref_squeeze %dma_start3A_66 : memref<1x128xi32, #tpu.memory_space<vmem>> -> memref<128xi32, #tpu.memory_space<vmem>>
      %dma_start3A_68 = arith.constant 0 : i32
      %dma_start3A_69 = arith.constant 0 : i32
      %dma_start3A_70 = tpu.memref_slice %arg2[%dma_start3A_68, %dma_start3A_69] : memref<10000x128xf32, #tpu.memory_space<hbm>> -> memref<10000x128xf32, #tpu.memory_space<hbm>>
      tpu.enqueue_indirect_dma source(%dma_start3A_70 : memref<10000x128xf32, #tpu.memory_space<hbm>>) target(%dma_start3A_64 : memref<128x128xf32, #tpu.memory_space<vmem>>) offsets(%dma_start3A_67 : memref<128xi32, #tpu.memory_space<vmem>>) semaphore(%arg11 : memref<!tpu.dma_semaphore, #tpu.memory_space<semaphore_mem>>)
      %add3A_71 = arith.constant 1 : i32
      %add3A_72 = arith.addi %mul3A_61, %add3A_71 : i32
      %dma_start3A_73 = arith.constant 128 : i32
      %dma_start3A_74 = arith.constant 0 : i32
      %dma_start3A_75 = tpu.memref_slice %arg9[%dma_start3A_73, %dma_start3A_74] : memref<256x128xf32, #tpu.memory_space<vmem>> -> memref<128x128xf32, #tpu.memory_space<vmem>>
      %dma_start3A_76 = arith.constant 0 : i32
      %dma_start3A_77 = tpu.memref_slice %arg7[%add3A_72, %dma_start3A_76] : memref<40x128xi32, #tpu.memory_space<vmem>> -> memref<1x128xi32, #tpu.memory_space<vmem>>
      %dma_start3A_78 = tpu.memref_squeeze %dma_start3A_77 : memref<1x128xi32, #tpu.memory_space<vmem>> -> memref<128xi32, #tpu.memory_space<vmem>>
      %dma_start3A_79 = arith.constant 0 : i32
      %dma_start3A_80 = arith.constant 0 : i32
      %dma_start3A_81 = tpu.memref_slice %arg2[%dma_start3A_79, %dma_start3A_80] : memref<10000x128xf32, #tpu.memory_space<hbm>> -> memref<10000x128xf32, #tpu.memory_space<hbm>>
      tpu.enqueue_indirect_dma source(%dma_start3A_81 : memref<10000x128xf32, #tpu.memory_space<hbm>>) target(%dma_start3A_75 : memref<128x128xf32, #tpu.memory_space<vmem>>) offsets(%dma_start3A_78 : memref<128xi32, #tpu.memory_space<vmem>>) semaphore(%arg12 : memref<!tpu.dma_semaphore, #tpu.memory_space<semaphore_mem>>)
      %dma_wait3A_82 = arith.constant 0 : i32
      %dma_wait3A_83 = arith.constant 0 : i32
      %dma_wait3A_84 = tpu.memref_slice %arg9[%dma_wait3A_82, %dma_wait3A_83] : memref<256x128xf32, #tpu.memory_space<vmem>> -> memref<128x128xf32, #tpu.memory_space<vmem>>
      %dma_wait3A_85 = arith.constant 0 : i32
      %dma_wait3A_86 = arith.constant 0 : i32
      %dma_wait3A_87 = tpu.memref_slice %arg9[%dma_wait3A_85, %dma_wait3A_86] : memref<256x128xf32, #tpu.memory_space<vmem>> -> memref<128x128xf32, #tpu.memory_space<vmem>>
      tpu.wait_dma2 semaphore(%arg11 : memref<!tpu.dma_semaphore, #tpu.memory_space<semaphore_mem>>) src(%arg5 : memref<128x128xf32, #tpu.memory_space<hbm>>) dst(%dma_wait3A_87 : memref<128x128xf32, #tpu.memory_space<vmem>>)
      %dma_start3A_88 = arith.constant 0 : i32
      %dma_start3A_89 = arith.constant 0 : i32
      %dma_start3A_90 = tpu.memref_slice %arg9[%dma_start3A_88, %dma_start3A_89] : memref<256x128xf32, #tpu.memory_space<vmem>> -> memref<128x128xf32, #tpu.memory_space<vmem>>
      %dma_start3A_91 = arith.constant 0 : i32
      %dma_start3A_92 = tpu.memref_slice %arg8[%mul3A_61, %dma_start3A_91] : memref<40x128xi32, #tpu.memory_space<vmem>> -> memref<1x128xi32, #tpu.memory_space<vmem>>
      %dma_start3A_93 = tpu.memref_squeeze %dma_start3A_92 : memref<1x128xi32, #tpu.memory_space<vmem>> -> memref<128xi32, #tpu.memory_space<vmem>>
      %dma_start3A_94 = arith.constant 0 : i32
      %dma_start3A_95 = arith.constant 0 : i32
      %dma_start3A_96 = tpu.memref_slice %arg10[%dma_start3A_94, %dma_start3A_95] : memref<10240x128xf32, #tpu.memory_space<vmem_shared>> -> memref<10240x128xf32, #tpu.memory_space<vmem_shared>>
      tpu.enqueue_indirect_dma source(%dma_start3A_90 : memref<128x128xf32, #tpu.memory_space<vmem>>) target(%dma_start3A_96 : memref<10240x128xf32, #tpu.memory_space<vmem_shared>>) offsets(%dma_start3A_93 : memref<128xi32, #tpu.memory_space<vmem>>) semaphore(%arg13 : memref<!tpu.dma_semaphore, #tpu.memory_space<semaphore_mem>>) {add = true}
      %dma_wait3A_97 = arith.constant 128 : i32
      %dma_wait3A_98 = arith.constant 0 : i32
      %dma_wait3A_99 = tpu.memref_slice %arg9[%dma_wait3A_97, %dma_wait3A_98] : memref<256x128xf32, #tpu.memory_space<vmem>> -> memref<128x128xf32, #tpu.memory_space<vmem>>
      %dma_wait3A_100 = arith.constant 128 : i32
      %dma_wait3A_101 = arith.constant 0 : i32
      %dma_wait3A_102 = tpu.memref_slice %arg9[%dma_wait3A_100, %dma_wait3A_101] : memref<256x128xf32, #tpu.memory_space<vmem>> -> memref<128x128xf32, #tpu.memory_space<vmem>>
      tpu.wait_dma2 semaphore(%arg12 : memref<!tpu.dma_semaphore, #tpu.memory_space<semaphore_mem>>) src(%arg5 : memref<128x128xf32, #tpu.memory_space<hbm>>) dst(%dma_wait3A_102 : memref<128x128xf32, #tpu.memory_space<vmem>>)
      %add3A_103 = arith.constant 1 : i32
      %add3A_104 = arith.addi %mul3A_61, %add3A_103 : i32
      %dma_start3A_105 = arith.constant 128 : i32
      %dma_start3A_106 = arith.constant 0 : i32
      %dma_start3A_107 = tpu.memref_slice %arg9[%dma_start3A_105, %dma_start3A_106] : memref<256x128xf32, #tpu.memory_space<vmem>> -> memref<128x128xf32, #tpu.memory_space<vmem>>
      %dma_start3A_108 = arith.constant 0 : i32
      %dma_start3A_109 = tpu.memref_slice %arg8[%add3A_104, %dma_start3A_108] : memref<40x128xi32, #tpu.memory_space<vmem>> -> memref<1x128xi32, #tpu.memory_space<vmem>>
      %dma_start3A_110 = tpu.memref_squeeze %dma_start3A_109 : memref<1x128xi32, #tpu.memory_space<vmem>> -> memref<128xi32, #tpu.memory_space<vmem>>
      %dma_start3A_111 = arith.constant 0 : i32
      %dma_start3A_112 = arith.constant 0 : i32
      %dma_start3A_113 = tpu.memref_slice %arg10[%dma_start3A_111, %dma_start3A_112] : memref<10240x128xf32, #tpu.memory_space<vmem_shared>> -> memref<10240x128xf32, #tpu.memory_space<vmem_shared>>
      tpu.enqueue_indirect_dma source(%dma_start3A_107 : memref<128x128xf32, #tpu.memory_space<vmem>>) target(%dma_start3A_113 : memref<10240x128xf32, #tpu.memory_space<vmem_shared>>) offsets(%dma_start3A_110 : memref<128xi32, #tpu.memory_space<vmem>>) semaphore(%arg14 : memref<!tpu.dma_semaphore, #tpu.memory_space<semaphore_mem>>) {add = true}
      %dma_wait3A_114 = arith.constant 0 : i32
      %dma_wait3A_115 = arith.constant 0 : i32
      %dma_wait3A_116 = tpu.memref_slice %arg9[%dma_wait3A_114, %dma_wait3A_115] : memref<256x128xf32, #tpu.memory_space<vmem>> -> memref<128x128xf32, #tpu.memory_space<vmem>>
      %dma_wait3A_117 = arith.constant 0 : i32
      %dma_wait3A_118 = arith.constant 0 : i32
      %dma_wait3A_119 = tpu.memref_slice %arg9[%dma_wait3A_117, %dma_wait3A_118] : memref<256x128xf32, #tpu.memory_space<vmem>> -> memref<128x128xf32, #tpu.memory_space<vmem>>
      tpu.wait_dma2 semaphore(%arg13 : memref<!tpu.dma_semaphore, #tpu.memory_space<semaphore_mem>>) src(%arg5 : memref<128x128xf32, #tpu.memory_space<hbm>>) dst(%dma_wait3A_119 : memref<128x128xf32, #tpu.memory_space<vmem>>)
      %dma_wait3A_120 = arith.constant 128 : i32
      %dma_wait3A_121 = arith.constant 0 : i32
      %dma_wait3A_122 = tpu.memref_slice %arg9[%dma_wait3A_120, %dma_wait3A_121] : memref<256x128xf32, #tpu.memory_space<vmem>> -> memref<128x128xf32, #tpu.memory_space<vmem>>
      %dma_wait3A_123 = arith.constant 128 : i32
      %dma_wait3A_124 = arith.constant 0 : i32
      %dma_wait3A_125 = tpu.memref_slice %arg9[%dma_wait3A_123, %dma_wait3A_124] : memref<256x128xf32, #tpu.memory_space<vmem>> -> memref<128x128xf32, #tpu.memory_space<vmem>>
      tpu.wait_dma2 semaphore(%arg14 : memref<!tpu.dma_semaphore, #tpu.memory_space<semaphore_mem>>) src(%arg5 : memref<128x128xf32, #tpu.memory_space<hbm>>) dst(%dma_wait3A_125 : memref<128x128xf32, #tpu.memory_space<vmem>>)
    }
    %scan3A_23 = arith.constant 19 : i32
    %dma_start3A = arith.constant 38 : i32
    %dma_start3A_24 = arith.constant 0 : i32
    %dma_start3A_25 = arith.constant 0 : i32
    %dma_start3A_26 = tpu.memref_slice %arg9[%dma_start3A_24, %dma_start3A_25] : memref<256x128xf32, #tpu.memory_space<vmem>> -> memref<128x128xf32, #tpu.memory_space<vmem>>
    %dma_start3A_27 = arith.constant 0 : i32
    %dma_start3A_28 = tpu.memref_slice %arg7[%dma_start3A, %dma_start3A_27] : memref<40x128xi32, #tpu.memory_space<vmem>> -> memref<1x128xi32, #tpu.memory_space<vmem>>
    %dma_start3A_29 = tpu.memref_squeeze %dma_start3A_28 : memref<1x128xi32, #tpu.memory_space<vmem>> -> memref<128xi32, #tpu.memory_space<vmem>>
    %dma_start3A_30 = arith.constant 0 : i32
    %dma_start3A_31 = arith.constant 0 : i32
    %dma_start3A_32 = tpu.memref_slice %arg2[%dma_start3A_30, %dma_start3A_31] : memref<10000x128xf32, #tpu.memory_space<hbm>> -> memref<10000x128xf32, #tpu.memory_space<hbm>>
    tpu.enqueue_indirect_dma source(%dma_start3A_32 : memref<10000x128xf32, #tpu.memory_space<hbm>>) target(%dma_start3A_26 : memref<128x128xf32, #tpu.memory_space<vmem>>) offsets(%dma_start3A_29 : memref<128xi32, #tpu.memory_space<vmem>>) semaphore(%arg11 : memref<!tpu.dma_semaphore, #tpu.memory_space<semaphore_mem>>)
    %dma_wait3A = arith.constant 0 : i32
    %dma_wait3A_33 = arith.constant 0 : i32
    %dma_wait3A_34 = tpu.memref_slice %arg9[%dma_wait3A, %dma_wait3A_33] : memref<256x128xf32, #tpu.memory_space<vmem>> -> memref<128x128xf32, #tpu.memory_space<vmem>>
    %dma_wait3A_35 = arith.constant 0 : i32
    %dma_wait3A_36 = arith.constant 0 : i32
    %dma_wait3A_37 = tpu.memref_slice %arg9[%dma_wait3A_35, %dma_wait3A_36] : memref<256x128xf32, #tpu.memory_space<vmem>> -> memref<128x128xf32, #tpu.memory_space<vmem>>
    tpu.wait_dma2 semaphore(%arg11 : memref<!tpu.dma_semaphore, #tpu.memory_space<semaphore_mem>>) src(%arg5 : memref<128x128xf32, #tpu.memory_space<hbm>>) dst(%dma_wait3A_37 : memref<128x128xf32, #tpu.memory_space<vmem>>)
    %dma_start3A_38 = arith.constant 38 : i32
    %dma_start3A_39 = arith.constant 0 : i32
    %dma_start3A_40 = arith.constant 0 : i32
    %dma_start3A_41 = tpu.memref_slice %arg9[%dma_start3A_39, %dma_start3A_40] : memref<256x128xf32, #tpu.memory_space<vmem>> -> memref<128x128xf32, #tpu.memory_space<vmem>>
    %dma_start3A_42 = arith.constant 0 : i32
    %dma_start3A_43 = tpu.memref_slice %arg8[%dma_start3A_38, %dma_start3A_42] : memref<40x128xi32, #tpu.memory_space<vmem>> -> memref<1x128xi32, #tpu.memory_space<vmem>>
    %dma_start3A_44 = tpu.memref_squeeze %dma_start3A_43 : memref<1x128xi32, #tpu.memory_space<vmem>> -> memref<128xi32, #tpu.memory_space<vmem>>
    %dma_start3A_45 = arith.constant 0 : i32
    %dma_start3A_46 = arith.constant 0 : i32
    %dma_start3A_47 = tpu.memref_slice %arg10[%dma_start3A_45, %dma_start3A_46] : memref<10240x128xf32, #tpu.memory_space<vmem_shared>> -> memref<10240x128xf32, #tpu.memory_space<vmem_shared>>
    tpu.enqueue_indirect_dma source(%dma_start3A_41 : memref<128x128xf32, #tpu.memory_space<vmem>>) target(%dma_start3A_47 : memref<10240x128xf32, #tpu.memory_space<vmem_shared>>) offsets(%dma_start3A_44 : memref<128xi32, #tpu.memory_space<vmem>>) semaphore(%arg13 : memref<!tpu.dma_semaphore, #tpu.memory_space<semaphore_mem>>) {add = true}
    %dma_wait3A_48 = arith.constant 0 : i32
    %dma_wait3A_49 = arith.constant 0 : i32
    %dma_wait3A_50 = tpu.memref_slice %arg9[%dma_wait3A_48, %dma_wait3A_49] : memref<256x128xf32, #tpu.memory_space<vmem>> -> memref<128x128xf32, #tpu.memory_space<vmem>>
    %dma_wait3A_51 = arith.constant 0 : i32
    %dma_wait3A_52 = arith.constant 0 : i32
    %dma_wait3A_53 = tpu.memref_slice %arg9[%dma_wait3A_51, %dma_wait3A_52] : memref<256x128xf32, #tpu.memory_space<vmem>> -> memref<128x128xf32, #tpu.memory_space<vmem>>
    tpu.wait_dma2 semaphore(%arg13 : memref<!tpu.dma_semaphore, #tpu.memory_space<semaphore_mem>>) src(%arg5 : memref<128x128xf32, #tpu.memory_space<hbm>>) dst(%dma_wait3A_53 : memref<128x128xf32, #tpu.memory_space<vmem>>)
    %barrier3A_54 = arith.constant 0 : index
    tpu.barrier barrier_id(%barrier3A_54)
    %mul3A_55 = arith.constant 640 : i32
    %mul3A_56 = arith.muli %arg1, %mul3A_55 : i32
    %mul3A_57 = arith.constant 640 : i32
    %mul3A_58 = arith.muli %arg1, %mul3A_57 : i32
    "tpu.region"() ({
      %run_scoped3A = tpu.sem_alloc : memref<!tpu.dma_semaphore, #tpu.memory_space<semaphore_mem>>
      %dma_start3A_59 = arith.constant 0 : i32
      %dma_start3A_60 = tpu.memref_slice %arg6[%arg0, %mul3A_58, %dma_start3A_59] : memref<2x10240x128xf32, #tpu.memory_space<hbm>> -> memref<1x640x128xf32, #tpu.memory_space<hbm>>
      %dma_start3A_61 = tpu.memref_squeeze %dma_start3A_60 : memref<1x640x128xf32, #tpu.memory_space<hbm>> -> memref<640x128xf32, #tpu.memory_space<hbm>>
      %dma_start3A_62 = arith.constant 0 : i32
      %dma_start3A_63 = tpu.memref_slice %arg10[%mul3A_56, %dma_start3A_62] : memref<10240x128xf32, #tpu.memory_space<vmem_shared>> -> memref<640x128xf32, #tpu.memory_space<vmem_shared>>
      tpu.enqueue_dma source(%dma_start3A_63 : memref<640x128xf32, #tpu.memory_space<vmem_shared>>) target(%dma_start3A_61 : memref<640x128xf32, #tpu.memory_space<hbm>>) target_semaphore(%run_scoped3A : memref<!tpu.dma_semaphore, #tpu.memory_space<semaphore_mem>>)
      %dma_wait3A_64 = arith.constant 0 : i32
      %dma_wait3A_65 = tpu.memref_slice %arg6[%arg0, %mul3A_58, %dma_wait3A_64] : memref<2x10240x128xf32, #tpu.memory_space<hbm>> -> memref<1x640x128xf32, #tpu.memory_space<hbm>>
      %dma_wait3A_66 = tpu.memref_squeeze %dma_wait3A_65 : memref<1x640x128xf32, #tpu.memory_space<hbm>> -> memref<640x128xf32, #tpu.memory_space<hbm>>
      %dma_wait3A_67 = arith.constant 0 : i32
      %dma_wait3A_68 = tpu.memref_slice %arg10[%mul3A_56, %dma_wait3A_67] : memref<10240x128xf32, #tpu.memory_space<vmem_shared>> -> memref<640x128xf32, #tpu.memory_space<vmem_shared>>
      tpu.wait_dma2 semaphore(%run_scoped3A : memref<!tpu.dma_semaphore, #tpu.memory_space<semaphore_mem>>) src(%dma_wait3A_68 : memref<640x128xf32, #tpu.memory_space<vmem_shared>>) dst(%dma_wait3A_66 : memref<640x128xf32, #tpu.memory_space<hbm>>)
      tpu.yield
    }) : () -> ()
    return
  }
}

module attributes {stable_mosaic.version = 14 : i64} {
  func.func @body(%arg0: i32, %arg1: memref<1000x128xf32, #tpu.memory_space<vmem>>, %arg2: memref<2x1000x128xf32, #tpu.memory_space<vmem>>, %arg3: memref<128x128xf32, #tpu.memory_space<vmem>>, %arg4: memref<1x128xf32, #tpu.memory_space<vmem>>, %arg5: memref<128x128xf32, #tpu.memory_space<vmem>>, %arg6: memref<1x128xf32, #tpu.memory_space<vmem>>, %arg7: memref<1000x128xf32, #tpu.memory_space<vmem>>) attributes {dimension_semantics = [#tpu.dimension_semantics<arbitrary>], iteration_bounds = array<i64: 10>, scalar_prefetch = 0 : i64, scratch_operands = 0 : i64, tpu.core_type = #tpu.core_type<tc>, window_params = [{transform_indices = @transform_0, window_bounds = array<i64: 1000, 128>}, {transform_indices = @transform_1, window_bounds = array<i64: 2, 1000, 128>}, {pipeline_mode = #tpu.pipeline_mode<synchronous>, transform_indices = @transform_2, window_bounds = array<i64: 128, 128>}, {pipeline_mode = #tpu.pipeline_mode<synchronous>, transform_indices = @transform_3, window_bounds = array<i64: 1, 128>}, {pipeline_mode = #tpu.pipeline_mode<synchronous>, transform_indices = @transform_4, window_bounds = array<i64: 128, 128>}, {pipeline_mode = #tpu.pipeline_mode<synchronous>, transform_indices = @transform_5, window_bounds = array<i64: 1, 128>}, {transform_indices = @transform_6, window_bounds = array<i64: 1000, 128>}]} {
    %get3A = arith.constant 0 : index
    %get3A_0 = arith.constant 0 : index
    %get3A_1 = vector.load %arg1[%get3A, %get3A_0] : memref<1000x128xf32, #tpu.memory_space<vmem>>, vector<1000x128xf32>
    %get3A_2 = arith.constant 0 : index
    %get3A_3 = arith.constant 0 : index
    %get3A_4 = arith.constant 0 : index
    %get3A_5 = vector.load %arg2[%get3A_2, %get3A_3, %get3A_4] : memref<2x1000x128xf32, #tpu.memory_space<vmem>>, vector<1x1000x128xf32>
    %get3A_6 = vector.shape_cast %get3A_5 : vector<1x1000x128xf32> to vector<1000x128xf32>
    %add3A = arith.addf %get3A_1, %get3A_6 : vector<1000x128xf32>
    %get3A_7 = arith.constant 1 : index
    %get3A_8 = arith.constant 0 : index
    %get3A_9 = arith.constant 0 : index
    %get3A_10 = vector.load %arg2[%get3A_7, %get3A_8, %get3A_9] : memref<2x1000x128xf32, #tpu.memory_space<vmem>>, vector<1x1000x128xf32>
    %get3A_11 = vector.shape_cast %get3A_10 : vector<1x1000x128xf32> to vector<1000x128xf32>
    %add3A_12 = arith.addf %add3A, %get3A_11 : vector<1000x128xf32>
    %get3A_13 = arith.constant 0 : index
    %get3A_14 = arith.constant 0 : index
    %get3A_15 = vector.load %arg3[%get3A_13, %get3A_14] : memref<128x128xf32, #tpu.memory_space<vmem>>, vector<128x128xf32>
    %dot_general3A = arith.constant dense<0.000000e+00> : vector<1000x128xf32>
    %dot_general3A_16 = tpu.matmul %add3A_12, %get3A_15, %dot_general3A {dimension_numbers = #tpu.dot_dimension_numbers<[1], [0], [0], [1], [0, 0, 1, 1], [], []>, transpose_lhs_hint = false} : vector<1000x128xf32>, vector<128x128xf32>, vector<1000x128xf32> -> vector<1000x128xf32>
    %get3A_17 = arith.constant 0 : index
    %get3A_18 = arith.constant 0 : index
    %get3A_19 = vector.load %arg4[%get3A_17, %get3A_18] : memref<1x128xf32, #tpu.memory_space<vmem>>, vector<1x128xf32>
    %add3A_20 = vector.broadcast %get3A_19 : vector<1x128xf32> to vector<1000x128xf32>
    %add3A_21 = arith.addf %dot_general3A_16, %add3A_20 : vector<1000x128xf32>
    %max3A = arith.constant 0.000000e+00 : f32
    %max3A_22 = vector.broadcast %max3A : f32 to vector<1000x128xf32>
    %max3A_23 = arith.maximumf %add3A_21, %max3A_22 : vector<1000x128xf32>
    %get3A_24 = arith.constant 0 : index
    %get3A_25 = arith.constant 0 : index
    %get3A_26 = vector.load %arg5[%get3A_24, %get3A_25] : memref<128x128xf32, #tpu.memory_space<vmem>>, vector<128x128xf32>
    %dot_general3A_27 = arith.constant dense<0.000000e+00> : vector<1000x128xf32>
    %dot_general3A_28 = tpu.matmul %max3A_23, %get3A_26, %dot_general3A_27 {dimension_numbers = #tpu.dot_dimension_numbers<[1], [0], [0], [1], [0, 0, 1, 1], [], []>, transpose_lhs_hint = false} : vector<1000x128xf32>, vector<128x128xf32>, vector<1000x128xf32> -> vector<1000x128xf32>
    %get3A_29 = arith.constant 0 : index
    %get3A_30 = arith.constant 0 : index
    %get3A_31 = vector.load %arg6[%get3A_29, %get3A_30] : memref<1x128xf32, #tpu.memory_space<vmem>>, vector<1x128xf32>
    %add3A_32 = vector.broadcast %get3A_31 : vector<1x128xf32> to vector<1000x128xf32>
    %add3A_33 = arith.addf %dot_general3A_28, %add3A_32 : vector<1000x128xf32>
    %max3A_34 = arith.constant 0.000000e+00 : f32
    %max3A_35 = vector.broadcast %max3A_34 : f32 to vector<1000x128xf32>
    %max3A_36 = arith.maximumf %add3A_33, %max3A_35 : vector<1000x128xf32>
    %get3A_37 = arith.constant 0 : index
    %get3A_38 = arith.constant 0 : index
    %get3A_39 = vector.load %arg1[%get3A_37, %get3A_38] : memref<1000x128xf32, #tpu.memory_space<vmem>>, vector<1000x128xf32>
    %add3A_40 = arith.addf %get3A_39, %max3A_36 : vector<1000x128xf32>
    %swap3A = arith.constant 0 : index
    %swap3A_41 = arith.constant 0 : index
    %swap3A_42 = vector.load %arg7[%swap3A, %swap3A_41] : memref<1000x128xf32, #tpu.memory_space<vmem>>, vector<1000x128xf32>
    tpu.vector_store %arg7[%swap3A, %swap3A_41], %add3A_40 {strides = array<i32>} : memref<1000x128xf32, #tpu.memory_space<vmem>>, vector<1000x128xf32>,
    return
  }
  func.func @transform_0(%arg0: i32) -> (i32, i32) {
    %c0_i32 = arith.constant 0 : i32
    %c0_i32_0 = arith.constant 0 : i32
    return %arg0, %c0_i32 : i32, i32
  }
  func.func @transform_1(%arg0: i32) -> (i32, i32, i32) {
    %c0_i32 = arith.constant 0 : i32
    %c0_i32_0 = arith.constant 0 : i32
    %c0_i32_1 = arith.constant 0 : i32
    return %c0_i32, %arg0, %c0_i32_0 : i32, i32, i32
  }
  func.func @transform_2(%arg0: i32) -> (i32, i32) {
    %c0_i32 = arith.constant 0 : i32
    %c0_i32_0 = arith.constant 0 : i32
    %c0_i32_1 = arith.constant 0 : i32
    return %c0_i32, %c0_i32_0 : i32, i32
  }
  func.func @transform_3(%arg0: i32) -> (i32, i32) {
    %c0_i32 = arith.constant 0 : i32
    %c0_i32_0 = arith.constant 0 : i32
    %c0_i32_1 = arith.constant 0 : i32
    return %c0_i32, %c0_i32_0 : i32, i32
  }
  func.func @transform_4(%arg0: i32) -> (i32, i32) {
    %c0_i32 = arith.constant 0 : i32
    %c0_i32_0 = arith.constant 0 : i32
    %c0_i32_1 = arith.constant 0 : i32
    return %c0_i32, %c0_i32_0 : i32, i32
  }
  func.func @transform_5(%arg0: i32) -> (i32, i32) {
    %c0_i32 = arith.constant 0 : i32
    %c0_i32_0 = arith.constant 0 : i32
    %c0_i32_1 = arith.constant 0 : i32
    return %c0_i32, %c0_i32_0 : i32, i32
  }
  func.func @transform_6(%arg0: i32) -> (i32, i32) {
    %c0_i32 = arith.constant 0 : i32
    %c0_i32_0 = arith.constant 0 : i32
    return %arg0, %c0_i32 : i32, i32
  }
}

module attributes {stable_mosaic.version = 14 : i64} {
  func.func @body(%arg0: i32, %arg1: memref<1000x128xf32, #tpu.memory_space<vmem>>, %arg2: memref<2x1000x128xf32, #tpu.memory_space<vmem>>, %arg3: memref<128x128xf32, #tpu.memory_space<vmem>>, %arg4: memref<1x128xf32, #tpu.memory_space<vmem>>, %arg5: memref<128x128xf32, #tpu.memory_space<vmem>>, %arg6: memref<1x128xf32, #tpu.memory_space<vmem>>, %arg7: memref<1000x1xi32, #tpu.memory_space<vmem>>, %arg8: memref<128x256xf32, #tpu.memory_space<vmem>>, %arg9: memref<1x256xf32, #tpu.memory_space<vmem>>, %arg10: memref<1000x128xf32, #tpu.memory_space<vmem>>, %arg11: memref<64x256xf32, #tpu.memory_space<vmem>>, %arg12: memref<64x128xf32, #tpu.memory_space<vmem>>, %arg13: memref<64x1xf32, #tpu.memory_space<vmem>>) attributes {dimension_semantics = [#tpu.dimension_semantics<arbitrary>], iteration_bounds = array<i64: 10>, scalar_prefetch = 0 : i64, scratch_operands = 2 : i64, tpu.core_type = #tpu.core_type<tc>, window_params = [{transform_indices = @transform_0, window_bounds = array<i64: 1000, 128>}, {transform_indices = @transform_1, window_bounds = array<i64: 2, 1000, 128>}, {pipeline_mode = #tpu.pipeline_mode<synchronous>, transform_indices = @transform_2, window_bounds = array<i64: 128, 128>}, {pipeline_mode = #tpu.pipeline_mode<synchronous>, transform_indices = @transform_3, window_bounds = array<i64: 1, 128>}, {pipeline_mode = #tpu.pipeline_mode<synchronous>, transform_indices = @transform_4, window_bounds = array<i64: 128, 128>}, {pipeline_mode = #tpu.pipeline_mode<synchronous>, transform_indices = @transform_5, window_bounds = array<i64: 1, 128>}, {transform_indices = @transform_6, window_bounds = array<i64: 1000, 1>}, {pipeline_mode = #tpu.pipeline_mode<synchronous>, transform_indices = @transform_7, window_bounds = array<i64: 128, 256>}, {pipeline_mode = #tpu.pipeline_mode<synchronous>, transform_indices = @transform_8, window_bounds = array<i64: 1, 256>}, {transform_indices = @transform_9, window_bounds = array<i64: 1000, 128>}, {pipeline_mode = #tpu.pipeline_mode<synchronous>, transform_indices = @transform_10, window_bounds = array<i64: 64, 256>}]} {
    %get3A = arith.constant 0 : index
    %get3A_0 = arith.constant 0 : index
    %get3A_1 = vector.load %arg1[%get3A, %get3A_0] : memref<1000x128xf32, #tpu.memory_space<vmem>>, vector<1000x128xf32>
    %get3A_2 = arith.constant 0 : index
    %get3A_3 = arith.constant 0 : index
    %get3A_4 = arith.constant 0 : index
    %get3A_5 = vector.load %arg2[%get3A_2, %get3A_3, %get3A_4] : memref<2x1000x128xf32, #tpu.memory_space<vmem>>, vector<1x1000x128xf32>
    %get3A_6 = vector.shape_cast %get3A_5 : vector<1x1000x128xf32> to vector<1000x128xf32>
    %add3A = arith.addf %get3A_1, %get3A_6 : vector<1000x128xf32>
    %get3A_7 = arith.constant 1 : index
    %get3A_8 = arith.constant 0 : index
    %get3A_9 = arith.constant 0 : index
    %get3A_10 = vector.load %arg2[%get3A_7, %get3A_8, %get3A_9] : memref<2x1000x128xf32, #tpu.memory_space<vmem>>, vector<1x1000x128xf32>
    %get3A_11 = vector.shape_cast %get3A_10 : vector<1x1000x128xf32> to vector<1000x128xf32>
    %add3A_12 = arith.addf %add3A, %get3A_11 : vector<1000x128xf32>
    %get3A_13 = arith.constant 0 : index
    %get3A_14 = arith.constant 0 : index
    %get3A_15 = vector.load %arg3[%get3A_13, %get3A_14] : memref<128x128xf32, #tpu.memory_space<vmem>>, vector<128x128xf32>
    %dot_general3A = arith.constant dense<0.000000e+00> : vector<1000x128xf32>
    %dot_general3A_16 = tpu.matmul %add3A_12, %get3A_15, %dot_general3A {dimension_numbers = #tpu.dot_dimension_numbers<[1], [0], [0], [1], [0, 0, 1, 1], [], []>, transpose_lhs_hint = false} : vector<1000x128xf32>, vector<128x128xf32>, vector<1000x128xf32> -> vector<1000x128xf32>
    %get3A_17 = arith.constant 0 : index
    %get3A_18 = arith.constant 0 : index
    %get3A_19 = vector.load %arg4[%get3A_17, %get3A_18] : memref<1x128xf32, #tpu.memory_space<vmem>>, vector<1x128xf32>
    %add3A_20 = vector.broadcast %get3A_19 : vector<1x128xf32> to vector<1000x128xf32>
    %add3A_21 = arith.addf %dot_general3A_16, %add3A_20 : vector<1000x128xf32>
    %max3A = arith.constant 0.000000e+00 : f32
    %max3A_22 = vector.broadcast %max3A : f32 to vector<1000x128xf32>
    %max3A_23 = arith.maximumf %add3A_21, %max3A_22 : vector<1000x128xf32>
    %get3A_24 = arith.constant 0 : index
    %get3A_25 = arith.constant 0 : index
    %get3A_26 = vector.load %arg5[%get3A_24, %get3A_25] : memref<128x128xf32, #tpu.memory_space<vmem>>, vector<128x128xf32>
    %dot_general3A_27 = arith.constant dense<0.000000e+00> : vector<1000x128xf32>
    %dot_general3A_28 = tpu.matmul %max3A_23, %get3A_26, %dot_general3A_27 {dimension_numbers = #tpu.dot_dimension_numbers<[1], [0], [0], [1], [0, 0, 1, 1], [], []>, transpose_lhs_hint = false} : vector<1000x128xf32>, vector<128x128xf32>, vector<1000x128xf32> -> vector<1000x128xf32>
    %get3A_29 = arith.constant 0 : index
    %get3A_30 = arith.constant 0 : index
    %get3A_31 = vector.load %arg6[%get3A_29, %get3A_30] : memref<1x128xf32, #tpu.memory_space<vmem>>, vector<1x128xf32>
    %add3A_32 = vector.broadcast %get3A_31 : vector<1x128xf32> to vector<1000x128xf32>
    %add3A_33 = arith.addf %dot_general3A_28, %add3A_32 : vector<1000x128xf32>
    %max3A_34 = arith.constant 0.000000e+00 : f32
    %max3A_35 = vector.broadcast %max3A_34 : f32 to vector<1000x128xf32>
    %max3A_36 = arith.maximumf %add3A_33, %max3A_35 : vector<1000x128xf32>
    %get3A_37 = arith.constant 0 : index
    %get3A_38 = arith.constant 0 : index
    %get3A_39 = vector.load %arg1[%get3A_37, %get3A_38] : memref<1000x128xf32, #tpu.memory_space<vmem>>, vector<1000x128xf32>
    %add3A_40 = arith.addf %get3A_39, %max3A_36 : vector<1000x128xf32>
    %swap3A = arith.constant 0 : index
    %swap3A_41 = arith.constant 0 : index
    %swap3A_42 = vector.load %arg10[%swap3A, %swap3A_41] : memref<1000x128xf32, #tpu.memory_space<vmem>>, vector<1000x128xf32>
    tpu.vector_store %arg10[%swap3A, %swap3A_41], %add3A_40 {strides = array<i32>} : memref<1000x128xf32, #tpu.memory_space<vmem>>, vector<1000x128xf32>,
    %get3A_43 = arith.constant 0 : index
    %get3A_44 = arith.constant 0 : index
    %get3A_45 = vector.load %arg7[%get3A_43, %get3A_44] : memref<1000x1xi32, #tpu.memory_space<vmem>>, vector<1000x1xi32>
    %iota3A = tpu.iota {dimensions = array<i32: 1>} : vector<1000x64xi32>
    %eq3A = vector.broadcast %get3A_45 : vector<1000x1xi32> to vector<1000x64xi32>
    %eq3A_46 = arith.cmpi eq, %eq3A, %iota3A : vector<1000x64xi32>
    %convert_element_type3A = arith.extui %eq3A_46 : vector<1000x64xi1> to vector<1000x64xi32>
    %convert_element_type3A_47 = arith.sitofp %convert_element_type3A : vector<1000x64xi32> to vector<1000x64xf32>
    %dot_general3A_48 = arith.constant dense<0.000000e+00> : vector<64x128xf32>
    %dot_general3A_49 = tpu.matmul %convert_element_type3A_47, %add3A_40, %dot_general3A_48 {dimension_numbers = #tpu.dot_dimension_numbers<[0], [0], [1], [1], [0, 1, 1, 1], [], []>, transpose_lhs_hint = false} : vector<1000x64xf32>, vector<1000x128xf32>, vector<64x128xf32> -> vector<64x128xf32>
    %broadcast_in_dim3A = arith.constant 1.000000e+00 : f32
    %broadcast_in_dim3A_50 = vector.broadcast %broadcast_in_dim3A : f32 to vector<1000x1xf32>
    %dot_general3A_51 = arith.constant dense<0.000000e+00> : vector<64x1xf32>
    %dot_general3A_52 = tpu.matmul %convert_element_type3A_47, %broadcast_in_dim3A_50, %dot_general3A_51 {dimension_numbers = #tpu.dot_dimension_numbers<[0], [0], [1], [1], [0, 1, 1, 1], [], []>, transpose_lhs_hint = false} : vector<1000x64xf32>, vector<1000x1xf32>, vector<64x1xf32> -> vector<64x1xf32>
    %eq3A_53 = arith.constant 0 : i32
    %eq3A_54 = arith.cmpi eq, %arg0, %eq3A_53 : i32
    %convert_element_type3A_55 = arith.extui %eq3A_54 : i1 to i32
    %cond3A = arith.constant 0 : i32
    %cond3A_56 = arith.cmpi ne, %convert_element_type3A_55, %cond3A : i32
    scf.if %cond3A_56 {
      %swap3A_66 = arith.constant 0 : index
      %swap3A_67 = arith.constant 0 : index
      %swap3A_68 = vector.load %arg12[%swap3A_66, %swap3A_67] : memref<64x128xf32, #tpu.memory_space<vmem>>, vector<64x128xf32>
      tpu.vector_store %arg12[%swap3A_66, %swap3A_67], %dot_general3A_49 {strides = array<i32>} : memref<64x128xf32, #tpu.memory_space<vmem>>, vector<64x128xf32>,
      %swap3A_69 = arith.constant 0 : index
      %swap3A_70 = arith.constant 0 : index
      %swap3A_71 = vector.load %arg13[%swap3A_69, %swap3A_70] : memref<64x1xf32, #tpu.memory_space<vmem>>, vector<64x1xf32>
      tpu.vector_store %arg13[%swap3A_69, %swap3A_70], %dot_general3A_52 {strides = array<i32>} : memref<64x1xf32, #tpu.memory_space<vmem>>, vector<64x1xf32>,
    } else {
    }
    %gt3A = arith.constant 0 : i32
    %gt3A_57 = arith.cmpi sgt, %arg0, %gt3A : i32
    %convert_element_type3A_58 = arith.extui %gt3A_57 : i1 to i32
    %cond3A_59 = arith.constant 0 : i32
    %cond3A_60 = arith.cmpi ne, %convert_element_type3A_58, %cond3A_59 : i32
    scf.if %cond3A_60 {
      %get3A_66 = arith.constant 0 : index
      %get3A_67 = arith.constant 0 : index
      %get3A_68 = vector.load %arg12[%get3A_66, %get3A_67] : memref<64x128xf32, #tpu.memory_space<vmem>>, vector<64x128xf32>
      %add3A_69 = arith.addf %get3A_68, %dot_general3A_49 : vector<64x128xf32>
      %swap3A_70 = arith.constant 0 : index
      %swap3A_71 = arith.constant 0 : index
      %swap3A_72 = vector.load %arg12[%swap3A_70, %swap3A_71] : memref<64x128xf32, #tpu.memory_space<vmem>>, vector<64x128xf32>
      tpu.vector_store %arg12[%swap3A_70, %swap3A_71], %add3A_69 {strides = array<i32>} : memref<64x128xf32, #tpu.memory_space<vmem>>, vector<64x128xf32>,
      %get3A_73 = arith.constant 0 : index
      %get3A_74 = arith.constant 0 : index
      %get3A_75 = vector.load %arg13[%get3A_73, %get3A_74] : memref<64x1xf32, #tpu.memory_space<vmem>>, vector<64x1xf32>
      %add3A_76 = arith.addf %get3A_75, %dot_general3A_52 : vector<64x1xf32>
      %swap3A_77 = arith.constant 0 : index
      %swap3A_78 = arith.constant 0 : index
      %swap3A_79 = vector.load %arg13[%swap3A_77, %swap3A_78] : memref<64x1xf32, #tpu.memory_space<vmem>>, vector<64x1xf32>
      tpu.vector_store %arg13[%swap3A_77, %swap3A_78], %add3A_76 {strides = array<i32>} : memref<64x1xf32, #tpu.memory_space<vmem>>, vector<64x1xf32>,
    } else {
    }
    %eq3A_61 = arith.constant 9 : i32
    %eq3A_62 = arith.cmpi eq, %arg0, %eq3A_61 : i32
    %convert_element_type3A_63 = arith.extui %eq3A_62 : i1 to i32
    %cond3A_64 = arith.constant 0 : i32
    %cond3A_65 = arith.cmpi ne, %convert_element_type3A_63, %cond3A_64 : i32
    scf.if %cond3A_65 {
      %get3A_66 = arith.constant 0 : index
      %get3A_67 = arith.constant 0 : index
      %get3A_68 = vector.load %arg12[%get3A_66, %get3A_67] : memref<64x128xf32, #tpu.memory_space<vmem>>, vector<64x128xf32>
      %get3A_69 = arith.constant 0 : index
      %get3A_70 = arith.constant 0 : index
      %get3A_71 = vector.load %arg13[%get3A_69, %get3A_70] : memref<64x1xf32, #tpu.memory_space<vmem>>, vector<64x1xf32>
      %max3A_72 = arith.constant 1.000000e+00 : f32
      %max3A_73 = vector.broadcast %max3A_72 : f32 to vector<64x1xf32>
      %max3A_74 = arith.maximumf %get3A_71, %max3A_73 : vector<64x1xf32>
      %div3A = vector.broadcast %max3A_74 : vector<64x1xf32> to vector<64x128xf32>
      %div3A_75 = arith.divf %get3A_68, %div3A : vector<64x128xf32>
      %get3A_76 = arith.constant 0 : index
      %get3A_77 = arith.constant 0 : index
      %get3A_78 = vector.load %arg8[%get3A_76, %get3A_77] : memref<128x256xf32, #tpu.memory_space<vmem>>, vector<128x256xf32>
      %dot_general3A_79 = arith.constant dense<0.000000e+00> : vector<64x256xf32>
      %dot_general3A_80 = tpu.matmul %div3A_75, %get3A_78, %dot_general3A_79 {dimension_numbers = #tpu.dot_dimension_numbers<[1], [0], [0], [1], [0, 0, 1, 1], [], []>, transpose_lhs_hint = false} : vector<64x128xf32>, vector<128x256xf32>, vector<64x256xf32> -> vector<64x256xf32>
      %get3A_81 = arith.constant 0 : index
      %get3A_82 = arith.constant 0 : index
      %get3A_83 = vector.load %arg9[%get3A_81, %get3A_82] : memref<1x256xf32, #tpu.memory_space<vmem>>, vector<1x256xf32>
      %add3A_84 = vector.broadcast %get3A_83 : vector<1x256xf32> to vector<64x256xf32>
      %add3A_85 = arith.addf %dot_general3A_80, %add3A_84 : vector<64x256xf32>
      %swap3A_86 = arith.constant 0 : index
      %swap3A_87 = arith.constant 0 : index
      %swap3A_88 = vector.load %arg11[%swap3A_86, %swap3A_87] : memref<64x256xf32, #tpu.memory_space<vmem>>, vector<64x256xf32>
      tpu.vector_store %arg11[%swap3A_86, %swap3A_87], %add3A_85 {strides = array<i32>} : memref<64x256xf32, #tpu.memory_space<vmem>>, vector<64x256xf32>,
    } else {
    }
    return
  }
  func.func @transform_0(%arg0: i32) -> (i32, i32) {
    %c0_i32 = arith.constant 0 : i32
    %c0_i32_0 = arith.constant 0 : i32
    return %arg0, %c0_i32 : i32, i32
  }
  func.func @transform_1(%arg0: i32) -> (i32, i32, i32) {
    %c0_i32 = arith.constant 0 : i32
    %c0_i32_0 = arith.constant 0 : i32
    %c0_i32_1 = arith.constant 0 : i32
    return %c0_i32, %arg0, %c0_i32_0 : i32, i32, i32
  }
  func.func @transform_2(%arg0: i32) -> (i32, i32) {
    %c0_i32 = arith.constant 0 : i32
    %c0_i32_0 = arith.constant 0 : i32
    %c0_i32_1 = arith.constant 0 : i32
    return %c0_i32, %c0_i32_0 : i32, i32
  }
  func.func @transform_3(%arg0: i32) -> (i32, i32) {
    %c0_i32 = arith.constant 0 : i32
    %c0_i32_0 = arith.constant 0 : i32
    %c0_i32_1 = arith.constant 0 : i32
    return %c0_i32, %c0_i32_0 : i32, i32
  }
  func.func @transform_4(%arg0: i32) -> (i32, i32) {
    %c0_i32 = arith.constant 0 : i32
    %c0_i32_0 = arith.constant 0 : i32
    %c0_i32_1 = arith.constant 0 : i32
    return %c0_i32, %c0_i32_0 : i32, i32
  }
  func.func @transform_5(%arg0: i32) -> (i32, i32) {
    %c0_i32 = arith.constant 0 : i32
    %c0_i32_0 = arith.constant 0 : i32
    %c0_i32_1 = arith.constant 0 : i32
    return %c0_i32, %c0_i32_0 : i32, i32
  }
  func.func @transform_6(%arg0: i32) -> (i32, i32) {
    %c0_i32 = arith.constant 0 : i32
    %c0_i32_0 = arith.constant 0 : i32
    return %arg0, %c0_i32 : i32, i32
  }
  func.func @transform_7(%arg0: i32) -> (i32, i32) {
    %c0_i32 = arith.constant 0 : i32
    %c0_i32_0 = arith.constant 0 : i32
    %c0_i32_1 = arith.constant 0 : i32
    return %c0_i32, %c0_i32_0 : i32, i32
  }
  func.func @transform_8(%arg0: i32) -> (i32, i32) {
    %c0_i32 = arith.constant 0 : i32
    %c0_i32_0 = arith.constant 0 : i32
    %c0_i32_1 = arith.constant 0 : i32
    return %c0_i32, %c0_i32_0 : i32, i32
  }
  func.func @transform_9(%arg0: i32) -> (i32, i32) {
    %c0_i32 = arith.constant 0 : i32
    %c0_i32_0 = arith.constant 0 : i32
    return %arg0, %c0_i32 : i32, i32
  }
  func.func @transform_10(%arg0: i32) -> (i32, i32) {
    %c0_i32 = arith.constant 0 : i32
    %c0_i32_0 = arith.constant 0 : i32
    %c0_i32_1 = arith.constant 0 : i32
    return %c0_i32, %c0_i32_0 : i32, i32
  }
}

</mosaic_0001>

<sc_bundles>
// kernel: kernel.12.cloned.1.call-start
scs
__scs_entry_jumppad:
0x0: {  	(pc) =	sbr.rel $0x88, $3  }
0x1: {  	(tag) =	ssettag $0x0;
	lr =	simm.s32 $0x1  }
0x2: {  	[smem:$0x3F74] =	sst lr;
	_ =	strace $0xD0000000  }
0x3: {  	_ = 	snop  }
0x4: {  	_ = 	snop  }
0x5: {  	_ = 	snop  }
0x6: {  	_ = 	snop  }
0x7: {  	_ = 	snop  }
__scs_overlays_trampoline_lowered:
0x8: {  	[smem:$0x3F83] =	sst s0  }
0x9: {  	[smem:$0x3F84] =	sst s1  }
0xa: {  	[smem:$0x3F85] =	sst s2  }
0xb: {  	[smem:$0x3F86] =	sst s3  }
0xc: {  	[smem:$0x3F87] =	sst s4  }
0xd: {  	[smem:$0x3F88] =	sst s5  }
0xe: {  	[smem:$0x3F89] =	sst s6  }
0xf: {  	[smem:$0x3F8A] =	sst s7  }
0x10: {  	[smem:$0x3F8B] =	sst s8  }
0x11: {  	[smem:$0x3F8C] =	sst s9;
	s0 =	simm.s32 @!p0 $0x0  }
0x12: {  	s1 =	sld [smem:$0x3F72];
	s0 =	simm.s32 @p0 $0x1  }
0x13: {  	[smem:$0x3F8D] =	sst s0;
	s0 =	simm.s32 @!p1 $0x0  }
0x14: {  	s2 =	sld [smem:$0x3F71];
	s0 =	simm.s32 @p1 $0x1  }
0x15: {  	[smem:$0x3F8E] =	sst s0;
	s0 =	simm.s32 @!p2 $0x0  }
0x16: {  	s3 =	sld [smem:$0x3FDB];
	s0 =	simm.s32 @p2 $0x1  }
0x17: {  	s4 =	simm.s32 $0x1BF5;
	[smem:$0x3F90] =	sst s0  }
0x18: {  	s0 =	sld [smem:$0x3F73];
	_ =	swait.ge [sflag:s4], $0x0  }
0x19: {  	s7 =	sld [smem:$0x3F74]  }
0x1a: {  	s8 =	sadd.s32 $0xFFFFE003, lr  }
0x1b: {  	s9 =	sadd.s32 $0xFFFFFEF7, lr;
	s5 =	simm.s32 $0xFFFFFFFF;
	p2 =	slt.u32 s8, $0xFFFFF086  }
0x1c: {  	p1 =	slt.u32 s9, $0xF7A;
	s5 =	simm.s32 @!p2 $0x0  }
0x1d: {  	s5 =	simm.s32 @p1 $0x1;
	p0 =	seq.s32 s7, s2  }
0x1e: {  	s7 =	smul.u32 @!p0 $0xF7A, s2;
	p2 =	seq.s32 @!p0 s5, $0x0  }
0x1f: {  	s9 =	smul.u32 $0xF7A, s1;
	s8 =	simm.s32 @!p0 $0x1BF5;
	p2 =	por !p2, p0  }
0x20: {  	[sflag:s8] =	ssyncset.s32 @!p0 $0xFFFFF086;
	s6 =	sadd.s32 @!p0 s3, s7;
	s7 =	simm.s32 @!p0 $0x108  }
0x21: {  	s3 =	sadd.s32 s3, s9;
	s6 =	sadd.s32 @!p0 $0x88, s6;
	s7 =	simm.s32 @p2 $0x1082  }
0x22: {  	[simem:s7], [sflag:s8] =	dma.local @!p0 [hbm:s6], $0xF7A  }
0x23: {  	s9 =	sor.u32 $0xD0000000, s2;
	s6 =	simm.s32 $0x108;
	_ =	swait.ge @!p0 [sflag:s8], $0x0  }
0x24: {  	s3 =	sadd.s32 $0x88, s3;
	s6 =	simm.s32 @!p1 $0x1082;
	[sflag:s4] =	ssyncset.s32 $0xFFFFF086  }
0x25: {  	[simem:s6], [sflag:s4] =	dma.local [hbm:s3], $0xF7A  }
0x26: {  	[smem:$0x3F74] =	sst s1;
	(tag) =	ssettag s2;
	_ =	strace s9  }
0x27: {  	s1 =	sld [smem:$0x3F84]  }
0x28: {  	s2 =	sld [smem:$0x3F85]  }
0x29: {  	s4 =	sld [smem:$0x3F87]  }
0x2a: {  	p0 =	seq.s32 s5, $0x0;
	s5 =	sld [smem:$0x3F88]  }
0x2b: {  	s6 =	sld [smem:$0x3F89]  }
0x2c: {  	s7 =	sld [smem:$0x3F8A]  }
0x2d: {  	s3 =	simm.s32 $0x108;
	s8 =	sld [smem:$0x3F8B]  }
0x2e: {  	s3 =	simm.s32 @!p0 $0x1082;
	s9 =	sld [smem:$0x3F8C]  }
0x2f: {  	lr =	sadd.s32 s0, s3;
	s0 =	sld [smem:$0x3F83]  }
0x30: {  	s3 =	sld [smem:$0x3F86]  }
0x31: {  	[smem:$0x3F8F] =	sst s10  }
0x32: {  	s10 =	sld [smem:$0x3F8D];
	_ =	sdelay $0x3  }
0x33: {  	p0 =	seq.s32 s10, $0x1;
	s10 =	sld [smem:$0x3F8F];
	_ =	sdelay $0x3  }
0x34: {  	[smem:$0x3F8F] =	sst s10  }
0x35: {  	s10 =	sld [smem:$0x3F8E];
	_ =	sdelay $0x3  }
0x36: {  	p1 =	seq.s32 s10, $0x1;
	s10 =	sld [smem:$0x3F8F];
	_ =	sdelay $0x3  }
0x37: {  	[smem:$0x3F8F] =	sst s10  }
0x38: {  	s10 =	sld [smem:$0x3F90]  }
0x39: {  	_ = 	snop;
	(pc) =	sbr.ind lr, $3  }
0x3a: {  	_ = 	snop  }
0x3b: {  	_ = 	snop  }
0x3c: {  	p2 =	seq.s32 s10, $0x1;
	s10 =	sld [smem:$0x3F8F]  }
0x3d: {  	_ =	shalt  }
0x3e: {  	_ =	shalt  }
0x3f: {  	_ =	shalt  }
0x40: {  	_ =	shalt  }
0x41: {  	_ =	shalt  }
0x42: {  	_ =	shalt  }
0x43: {  	_ =	shalt  }
0x44: {  	_ =	shalt  }
0x45: {  	_ =	shalt  }
0x46: {  	_ =	shalt  }
0x47: {  	_ =	shalt  }
0x48: {  	_ =	shalt  }
0x49: {  	_ =	shalt  }
0x4a: {  	_ =	shalt  }
0x4b: {  	_ =	shalt  }
0x4c: {  	_ =	shalt  }
0x4d: {  	_ =	shalt  }
0x4e: {  	_ =	shalt  }
0x4f: {  	_ =	shalt  }
0x50: {  	_ =	shalt  }
0x51: {  	_ =	shalt  }
0x52: {  	_ =	shalt  }
0x53: {  	_ =	shalt  }
0x54: {  	_ =	shalt  }
0x55: {  	_ =	shalt  }
0x56: {  	_ =	shalt  }
0x57: {  	_ =	shalt  }
0x58: {  	_ =	shalt  }
0x59: {  	_ =	shalt  }
0x5a: {  	_ =	shalt  }
0x5b: {  	_ =	shalt  }
0x5c: {  	_ =	shalt  }
0x5d: {  	_ =	shalt  }
0x5e: {  	_ =	shalt  }
0x5f: {  	_ =	shalt  }
0x60: {  	_ =	shalt  }
0x61: {  	_ =	shalt  }
0x62: {  	_ =	shalt  }
0x63: {  	_ =	shalt  }
0x64: {  	_ =	shalt  }
0x65: {  	_ =	shalt  }
0x66: {  	_ =	shalt  }
0x67: {  	_ =	shalt  }
0x68: {  	_ =	shalt  }
0x69: {  	_ =	shalt  }
0x6a: {  	_ =	shalt  }
0x6b: {  	_ =	shalt  }
0x6c: {  	_ =	shalt  }
0x6d: {  	_ =	shalt  }
0x6e: {  	_ =	shalt  }
0x6f: {  	_ =	shalt  }
0x70: {  	_ =	shalt  }
0x71: {  	_ =	shalt  }
0x72: {  	_ =	shalt  }
0x73: {  	_ =	shalt  }
0x74: {  	_ =	shalt  }
0x75: {  	_ =	shalt  }
0x76: {  	_ =	shalt  }
0x77: {  	_ =	shalt  }
0x78: {  	_ =	shalt  }
0x79: {  	_ =	shalt  }
0x7a: {  	_ =	shalt  }
0x7b: {  	_ =	shalt  }
0x7c: {  	_ =	shalt  }
0x7d: {  	_ =	shalt  }
0x7e: {  	_ =	shalt  }
0x7f: {  	_ =	shalt  }
0x80: {  	_ =	shalt  }
0x81: {  	_ =	shalt  }
0x82: {  	_ =	shalt  }
0x83: {  	_ =	shalt  }
0x84: {  	_ =	shalt  }
0x85: {  	_ =	shalt  }
0x86: {  	_ =	shalt  }
0x87: {  	_ =	shalt  }
.Lfunc_end0:
.L_simem_size_0:
called_computation_lowered:
.L_overlay_start_0:
0x88: {  	s2 =	sld [smem:$0x3FD9]  }
0x89: {  	s3 =	sld [smem:$0x3FFE];
	_ =	sdelay $0x1  }
0x8a: {  	s1 =	srdreg.scid  }
0x8b: {  	s0 =	sand.u32 $0x1, s1  }
0x8c: {  	s14 =	sshll.u32 s0, $0xA;
	s2 =	sadd.s32 s3, s2  }
0x8d: {  	s2 =	sadd.s32 s2, s14  }
0x8e: {  	[smem:$0x3F9B] =	sst s2  }
0x8f: {  	_ = 	snop  }
0x90: {  	s2 =	sld [smem:$0x3FD0];
	_ =	sdelay $0x2  }
0x91: {  	s4 =	simm.s32 $0xA;
	s5 =	simm.s32 $0x10;
	s15 =	sld [smem:$0x3FC9]  }
0x92: {  	[smem:s5], [sflag:s4] =	dma.local [hbm:s2], $0x1  }
0x93: {  	_ =	swait.eq [sflag:s4], $0x1  }
0x94: {  	[sflag:s4] =	ssyncset.done $0x0  }
0x95: {  	[sflag:s4] =	ssyncadd.s32 $0xFFFFFFFF  }
0x96: {  	s16 =	sld [smem:$0x10];
	(tm) =	ssettm $0x1  }
0x97: {  	s17 =	sld [smem:$0x3FFB];
	_ =	sdelay $0x3  }
0x98: {  	_ =	strace s17  }
0x99: {  	s4 =	sld [smem:$0x3FFC];
	_ =	sdelay $0x3  }
0x9a: {  	_ =	strace s4  }
0x9b: {  	s4 =	sld [smem:$0x3FFD];
	_ =	sdelay $0x3  }
0x9c: {  	_ =	strace s4  }
0x9d: {  	_ =	strace $0x8FFFFFFF  }
0x9e: {  	s18 =	sld [smem:$0x3FDB];
	_ =	sdelay $0x1  }
0x9f: {  	s19 =	simm.s32 $_scs_section_size  }
0xa0: {  	s6 =	simm.s32 $_size__tile_overlayer_lowered;
	s7 =	simm.s32 $_tile_overlayer_lowered  }
0xa1: {  	s22 =	simm.s32 $0x1BFF;
	s21 =	sshll.u32 s7, $0x1;
	s4 =	sadd.s32 s19, s18  }
0xa2: {  	s8 =	simm.s32 $0x0;
	s20 =	sshll.u32 s6, $0x1;
	s6 =	sadd.s32 s21, s4  }
0xa3: {  	[timem:s8], [sflag:s22] =	dma.local [hbm:s6], s20  }
0xa4: {  	_ =	swait.ge [sflag:s22], s20  }
0xa5: {  	s5 =	ssub.s32 $0x0, s20;
	[sflag:s22] =	ssyncset.done $0x0  }
0xa6: {  	[sflag:s22] =	ssyncadd.s32 s5;
	_ =	sdelay $0x1  }
0xa7: {  	s23 =	simm.s32 $0x1B8B  }
0xa8: {  	_ =	swait.ge [sflag:s23], $0x1  }
0xa9: {  	[sflag:s23] =	ssyncset.done $0x0  }
0xaa: {  	s25 =	simm.s32 $0x1B8E;
	s24 =	sld [smem:$0x3FFE];
	[sflag:s23] =	ssyncadd.s32 $0xFFFFFFFF  }
0xab: {  	s26 =	simm.s32 $execute0_lowered;
	[smem:$0x3FD2] =	sst s25  }
0xac: {  	s6 =	sshll.u32 s26, $0x1;
	_ =	strace $0x80000046;
	[dreg:$0x1] =	wrdreg $0xFFFFFFFF  }
0xad: {  	s28 =	simm.s32 $_size_execute0_lowered;
	s4 =	sadd.s32 s4, s6;
	[dreg:$0x0] =	wrdreg $0x0  }
0xae: {  	s6 =	sshll.u32 s28, $0x1;
	[dreg:$0x2] =	wrdreg s4  }
0xaf: {  	[dreg:$0x3] =	wrdreg s6  }
0xb0: {  	[dreg:$0x4] =	wrdreg $0xC0  }
0xb1: {  	_ =	task [dreg:s8], $0x5FFFF  }
0xb2: {  	[dreg:$0x1] =	wrdreg $0xFFFFFFFF  }
0xb3: {  	[dreg:$0x0] =	wrdreg $0x60  }
0xb4: {  	[dreg:$0x2] =	wrdreg s15  }
0xb5: {  	[dreg:$0x3] =	wrdreg s24  }
0xb6: {  	[dreg:$0x4] =	wrdreg s16  }
0xb7: {  	[dreg:$0x5] =	wrdreg $0xA8000  }
0xb8: {  	[dreg:$0x6] =	wrdreg $0x9  }
0xb9: {  	_ =	task.clear_ibuf [dreg:s8], $0x7FFFF;
	_ =	strace $0x90000046  }
0xba: {  	s29 =	simm.s32 $0x9;
	_ =	strace $0x80000048  }
0xbb: {  	_ =	swait.ge [sflag:s29], $0x1  }
0xbc: {  	[sflag:s29] =	ssyncadd.s32 $0xFFFFFFFF  }
0xbd: {  	_ =	strace $0x90000048  }
0xbe: {  	_ =	sfence  }
0xbf: {  	s30 =	sld [smem:$0x0];
	_ =	sdelay $0x2  }
0xc0: {  	s31 =	sshll.u32 s1, $0xD;
	s1 =	sshrl.u32 s1, $0x2  }
0xc1: {  	s3 =	sand.u32 $0x4000, s31;
	s1 =	sadd.s32 s1, s30  }
0xc2: {  	s0 =	sor.u32 s3, s0;
	s1 =	sshll.u32 s1, $0x11  }
0xc3: {  	s0 =	sor.u32 s1, s0  }
0xc4: {  	s0 =	sadd.s32 $0x8F2B, s0  }
0xc5: {  	[sflag:s0] =	ssyncadd.remote.s32 $0x1  }
0xc6: {  	_ =	sfence.sel $0xFFFF  }
0xc7: {  	[dreg:$0x0] =	wrdreg $0xFFFFFFFF;
	(pc) =	sbr.abs _section_cstart, $3  }
0xc8: {  	[dreg:$0x1] =	wrdreg $0xFFFFFFFF  }
0xc9: {  	_ =	task.clear_ibuf [dreg:s8], $0x2FFFF;
	_ =	strace $0x9FFFFFFF  }
0xca: {  	(tm) =	ssettm $0x7FFFFFFF  }
0xcb: {  	_ =	shalt  }
tec
execute0_lowered:
.L_overlay_start_1:
0x0: {  	(tag) =	ssettag $0x1  }
0x1: {  	s1 =	rddreg [dreg:$0x0]  }
0x2: {  	s6 =	rddreg [dreg:$0x1]  }
0x3: {  	s3 =	rddreg [dreg:$0x3];
	s4 =	srdreg.scid  }
0x4: {  	s5 =	simm.s32 $0x0;
	s17 =	simm.s32 $0x2800;
	s18 =	simm.s32 $0x5  }
0x5: {  	s19 =	simm.s32 $0x1400;
	s20 =	simm.s32 $0x3;
	s21 =	simm.s32 $0x80  }
0x6: {  	s22 =	simm.s32 $0x6800;
	s28 =	simm.s32 $0x2700;
	s29 =	simm.s32 $0x0  }
0x7: {  	s7 =	sand.u32 $0x1, s4;
	s4 =	stileid.u32;
	[smem:$0x7FF] =	sst s5  }
0x8: {  	s10 =	sadd.s32 $0x14400, s6;
	s12 =	sadd.s32 $0xA400, s6;
	s8 =	smul.u32 $0x140000, s7  }
0x9: {  	s9 =	smul.u32 $0x14000, s4;
	_ =	strace $0x80000047;
	s11 =	sshll.u32 s4, $0x1  }
0xa: {  	s24 =	smul.u32 $0x50000, s4;
	s23 =	sor.u32 s7, s11;
	s7 =	ssub.s32 $0x2, s7  }
0xb: {  	s8 =	sadd.s32 s9, s8;
	s9 =	smul.u32 $0x2800, s23;
	s25 =	sshrl.u32 s7, $0x1  }
0xc: {  	s26 =	sshrl.u32 s24, $0x2;
	s23 =	simm.s32 $0x1;
	s24 =	simm.s32 $0x2  }
0xd: {  	s8 =	sshrl.u32 s8, $0x3;
	s14 =	ssub.s32 s7, s25;
	s25 =	simm.s32 $0x4  }
0xe: {  	s13 =	sadd.s32 s8, s6;
	s30 =	sshrl.u32 s9, $0x3;
	s6 =	sadd.s32 s26, s3  }
0xf: {  	s26 =	simm.s32 $0x1300;
	s7 =	sadd.s32 s10, s30;
	s31 =	sadd.s32 $0x280, s30  }
0x10: {  	s8 =	sadd.s32 s12, s30;
	s11 =	sadd.s32 $0x1E400, s13;
	s13 =	sadd.s32 $0x4000, s6  }
0x11: {  	s15 =	sadd.s32 $0xC000, s6;
	s16 =	sadd.s32 $0x10000, s6;
	s9 =	sadd.s32 s10, s31  }
0x12: {  	s10 =	sadd.s32 s12, s31;
	s12 =	smax.u32 s14, $0x1;
	s14 =	sadd.s32 $0x8000, s6  }
.LBB2_1:
0x13: {  	s0 =	rddreg [dreg:$0x2]  }
0x14: {  	[tilespmem:s17], [sflag:$0x5] =	stream.linear.gather [hbm4b:s0+s5], $0x4000, $0x38;
	[tilespmem:$0x1E800] =	vst v63  }
0x15: {  	_ =	swait.ge [sflag:s18], $0x4000  }
0x16: {  	[sflag:s18] =	ssyncset.done $0x0  }
0x17: {  	[sflag:s18] =	ssyncadd.s32 $0xFFFFC000  }
0x18: {  	[spmem:s6] =	stream.linear.scatter [tilespmem:s17], [sflag:$0x3], $0x4000, $0x38;
	[tilespmem:$0x1E800] =	vst v63  }
0x19: {  	_ = 	snop  }
0x1a: {  	[spmem:s13] =	stream.linear.scatter [tilespmem:s17], [sflag:$0x3], $0x4000, $0x38;
	[tilespmem:$0x1E800] =	vst v63  }
0x1b: {  	_ = 	snop  }
0x1c: {  	[spmem:s14] =	stream.linear.scatter [tilespmem:s17], [sflag:$0x3], $0x4000, $0x38;
	[tilespmem:$0x1E800] =	vst v63  }
0x1d: {  	_ = 	snop  }
0x1e: {  	[spmem:s15] =	stream.linear.scatter [tilespmem:s17], [sflag:$0x3], $0x4000, $0x38;
	[tilespmem:$0x1E800] =	vst v63  }
0x1f: {  	_ = 	snop  }
0x20: {  	[spmem:s16] =	stream.linear.scatter [tilespmem:s17], [sflag:$0x3], $0x4000, $0x38;
	[tilespmem:$0x1E800] =	vst v63  }
0x21: {  	_ = 	snop  }
0x22: {  	[tilespmem:s5], [sflag:$0x5] =	stream.linear.gather [hbm4b:s7+s5], $0x1400, $0x38;
	[tilespmem:$0x1E800] =	vst v63  }
0x23: {  	_ =	swait.ge [sflag:s18], $0x1400  }
0x24: {  	[sflag:s18] =	ssyncset.done $0x0  }
0x25: {  	[sflag:s18] =	ssyncadd.s32 $0xFFFFEC00  }
0x26: {  	[tilespmem:s19], [sflag:$0x5] =	stream.linear.gather [hbm4b:s8+s5], $0x1400, $0x38;
	[tilespmem:$0x1E800] =	vst v63  }
0x27: {  	_ =	swait.ge [sflag:s18], $0x1400  }
0x28: {  	[sflag:s18] =	ssyncset.done $0x0  }
0x29: {  	[sflag:s18] =	ssyncadd.s32 $0xFFFFEC00  }
0x2a: {  	_ =	swait.ge [sflag:s20], $0x4000  }
0x2b: {  	[sflag:s20] =	ssyncset.done $0x0  }
0x2c: {  	[sflag:s20] =	ssyncadd.s32 $0xFFFFC000  }
0x2d: {  	_ =	swait.ge [sflag:s20], $0x4000  }
0x2e: {  	[sflag:s20] =	ssyncset.done $0x0  }
0x2f: {  	[sflag:s20] =	ssyncadd.s32 $0xFFFFC000  }
0x30: {  	_ =	swait.ge [sflag:s20], $0x4000  }
0x31: {  	[sflag:s20] =	ssyncset.done $0x0  }
0x32: {  	[sflag:s20] =	ssyncadd.s32 $0xFFFFC000  }
0x33: {  	_ =	swait.ge [sflag:s20], $0x4000  }
0x34: {  	[sflag:s20] =	ssyncset.done $0x0  }
0x35: {  	[sflag:s20] =	ssyncadd.s32 $0xFFFFC000  }
0x36: {  	_ =	swait.ge [sflag:s20], $0x4000  }
0x37: {  	[sflag:s20] =	ssyncset.done $0x0  }
0x38: {  	[sflag:s20] =	ssyncadd.s32 $0xFFFFC000  }
0x39: {  	s30 =	simm.s32 $0x0;
	[bflag:$0x0] =	sbarrier.arrive $0xFFFF  }
0x3a: {  	[tilespmem:s17], [sflag:$0x1] =	stream.indirect.gather [hbm4b:s1+s21], $0x80, s30, s21, $0xb8;
	[tilespmem:$0x1E800] =	vst v63  }
0x3b: {  	s30 =	simm.s32 $0x80  }
0x3c: {  	[tilespmem:s22], [sflag:$0x2] =	stream.indirect.gather [hbm4b:s1+s21], $0x80, s30, s21, $0xb8;
	[tilespmem:$0x1E800] =	vst v63  }
0x3d: {  	_ =	swait.ge [sflag:s23], $0x4000  }
0x3e: {  	[sflag:s23] =	ssyncset.done $0x0  }
0x3f: {  	s30 =	simm.s32 $0x1400;
	[sflag:s23] =	ssyncadd.s32 $0xFFFFC000  }
0x40: {  	[spmem:s3] =	stream.indirect.scatter.add.f32 [tilespmem:s17], [sflag:$0x3], $0x80, s30, s21, $0xb8;
	[tilespmem:$0x1E800] =	vst v63  }
0x41: {  	_ =	swait.ge [sflag:s24], $0x4000  }
0x42: {  	[sflag:s24] =	ssyncset.done $0x0  }
0x43: {  	s30 =	simm.s32 $0x1480;
	[sflag:s24] =	ssyncadd.s32 $0xFFFFC000  }
0x44: {  	[spmem:s3] =	stream.indirect.scatter.add.f32 [tilespmem:s22], [sflag:$0x4], $0x80, s30, s21, $0xb8;
	[tilespmem:$0x1E800] =	vst v63  }
0x45: {  	_ =	swait.ge [sflag:s20], $0x4000  }
0x46: {  	[sflag:s20] =	ssyncset.done $0x0  }
0x47: {  	[sflag:s20] =	ssyncadd.s32 $0xFFFFC000  }
0x48: {  	_ =	swait.ge [sflag:s25], $0x4000  }
0x49: {  	s31 =	simm.s32 $0x800;
	s30 =	simm.s32 $0x400;
	[sflag:s25] =	ssyncset.done $0x0  }
.LBB2_2:
0x4a: {  	s0 =	sshra.s32 s30, $0x2  }
0x4b: {  	[sflag:s25] =	ssyncadd.s32 $0xFFFFC000;
	s30 =	smov.u32 s31;
	s2 =	sadd.s32 $0x400, s31  }
0x4c: {  	[tilespmem:s17], [sflag:$0x1] =	stream.indirect.gather [hbm4b:s1+s21], $0x80, s0, s21, $0xb8;
	[tilespmem:$0x1E800] =	vst v63  }
0x4d: {  	p0 =	sne.s32 s31, $0x4C00;
	s31 =	sadd.s32 $0x80, s0  }
0x4e: {  	[tilespmem:s22], [sflag:$0x2] =	stream.indirect.gather [hbm4b:s1+s21], $0x80, s31, s21, $0xb8;
	[tilespmem:$0x1E800] =	vst v63  }
0x4f: {  	_ =	swait.ge [sflag:s23], $0x4000  }
0x50: {  	[sflag:s23] =	ssyncset.done $0x0  }
0x51: {  	s31 =	sadd.s32 $0x1400, s0;
	[sflag:s23] =	ssyncadd.s32 $0xFFFFC000  }
0x52: {  	[spmem:s3] =	stream.indirect.scatter.add.f32 [tilespmem:s17], [sflag:$0x3], $0x80, s31, s21, $0xb8;
	[tilespmem:$0x1E800] =	vst v63  }
0x53: {  	_ =	swait.ge [sflag:s24], $0x4000  }
0x54: {  	[sflag:s24] =	ssyncset.done $0x0  }
0x55: {  	s0 =	sadd.s32 $0x1480, s0;
	[sflag:s24] =	ssyncadd.s32 $0xFFFFC000  }
0x56: {  	[spmem:s3] =	stream.indirect.scatter.add.f32 [tilespmem:s22], [sflag:$0x4], $0x80, s0, s21, $0xb8;
	[tilespmem:$0x1E800] =	vst v63  }
.Ltmp0:
0x57: {  	_ =	swait.ge [sflag:s20], $0x4000;
	(pc) =	sbr.rel @p0 .LBB2_2-.Ltmp0, $4  }
0x58: {  	[sflag:s20] =	ssyncset.done $0x0  }
0x59: {  	[sflag:s20] =	ssyncadd.s32 $0xFFFFC000  }
0x5a: {  	_ =	swait.ge [sflag:s25], $0x4000  }
0x5b: {  	s31 =	smov.u32 s2;
	[sflag:s25] =	ssyncset.done $0x0  }
0x5c: {  	s0 =	sshra.s32 s30, $0x2;
	[sflag:s25] =	ssyncadd.s32 $0xFFFFC000  }
0x5d: {  	[tilespmem:s17], [sflag:$0x1] =	stream.indirect.gather [hbm4b:s1+s21], $0x80, s0, s21, $0xb8;
	[tilespmem:$0x1E800] =	vst v63  }
0x5e: {  	s2 =	sadd.s32 $0x80, s0  }
0x5f: {  	[tilespmem:s22], [sflag:$0x2] =	stream.indirect.gather [hbm4b:s1+s21], $0x80, s2, s21, $0xb8;
	[tilespmem:$0x1E800] =	vst v63  }
0x60: {  	_ =	swait.ge [sflag:s23], $0x4000  }
0x61: {  	[sflag:s23] =	ssyncset.done $0x0  }
0x62: {  	s2 =	sadd.s32 $0x1400, s0;
	[sflag:s23] =	ssyncadd.s32 $0xFFFFC000  }
0x63: {  	[spmem:s3] =	stream.indirect.scatter.add.f32 [tilespmem:s17], [sflag:$0x3], $0x80, s2, s21, $0xb8;
	[tilespmem:$0x1E800] =	vst v63  }
0x64: {  	_ =	swait.ge [sflag:s24], $0x4000  }
0x65: {  	[sflag:s24] =	ssyncset.done $0x0  }
0x66: {  	s0 =	sadd.s32 $0x1480, s0;
	[sflag:s24] =	ssyncadd.s32 $0xFFFFC000  }
0x67: {  	[spmem:s3] =	stream.indirect.scatter.add.f32 [tilespmem:s22], [sflag:$0x4], $0x80, s0, s21, $0xb8;
	[tilespmem:$0x1E800] =	vst v63  }
0x68: {  	_ =	swait.ge [sflag:s20], $0x4000  }
0x69: {  	[sflag:s20] =	ssyncset.done $0x0  }
0x6a: {  	[sflag:s20] =	ssyncadd.s32 $0xFFFFC000  }
0x6b: {  	_ =	swait.ge [sflag:s25], $0x4000  }
0x6c: {  	[sflag:s25] =	ssyncset.done $0x0  }
0x6d: {  	s2 =	simm.s32 $0x0;
	[sflag:s25] =	ssyncadd.s32 $0xFFFFC000  }
0x6e: {  	[tilespmem:s2], [sflag:$0x5] =	stream.linear.gather [hbm4b:s9+s2], $0x1380, $0x38;
	[tilespmem:$0x1E800] =	vst v63  }
0x6f: {  	_ =	swait.ge [sflag:s18], $0x1380  }
0x70: {  	[sflag:s18] =	ssyncset.done $0x0  }
0x71: {  	[sflag:s18] =	ssyncadd.s32 $0xFFFFEC80  }
0x72: {  	[tilespmem:s19], [sflag:$0x5] =	stream.linear.gather [hbm4b:s10+s2], $0x1380, $0x38;
	[tilespmem:$0x1E800] =	vst v63  }
0x73: {  	_ =	swait.ge [sflag:s18], $0x1380  }
0x74: {  	[sflag:s18] =	ssyncset.done $0x0  }
0x75: {  	s2 =	simm.s32 $0x0;
	[sflag:s18] =	ssyncadd.s32 $0xFFFFEC80  }
0x76: {  	[tilespmem:s17], [sflag:$0x1] =	stream.indirect.gather [hbm4b:s1+s21], $0x80, s2, s21, $0xb8;
	[tilespmem:$0x1E800] =	vst v63  }
0x77: {  	s2 =	simm.s32 $0x80  }
0x78: {  	[tilespmem:s22], [sflag:$0x2] =	stream.indirect.gather [hbm4b:s1+s21], $0x80, s2, s21, $0xb8;
	[tilespmem:$0x1E800] =	vst v63  }
0x79: {  	_ =	swait.ge [sflag:s23], $0x4000  }
0x7a: {  	[sflag:s23] =	ssyncset.done $0x0  }
0x7b: {  	s2 =	simm.s32 $0x1400;
	[sflag:s23] =	ssyncadd.s32 $0xFFFFC000  }
0x7c: {  	[spmem:s3] =	stream.indirect.scatter.add.f32 [tilespmem:s17], [sflag:$0x3], $0x80, s2, s21, $0xb8;
	[tilespmem:$0x1E800] =	vst v63  }
0x7d: {  	_ =	swait.ge [sflag:s24], $0x4000  }
0x7e: {  	[sflag:s24] =	ssyncset.done $0x0  }
0x7f: {  	s2 =	simm.s32 $0x1480;
	[sflag:s24] =	ssyncadd.s32 $0xFFFFC000  }
0x80: {  	[spmem:s3] =	stream.indirect.scatter.add.f32 [tilespmem:s22], [sflag:$0x4], $0x80, s2, s21, $0xb8;
	[tilespmem:$0x1E800] =	vst v63  }
0x81: {  	_ =	swait.ge [sflag:s20], $0x4000  }
0x82: {  	[sflag:s20] =	ssyncset.done $0x0  }
0x83: {  	[sflag:s20] =	ssyncadd.s32 $0xFFFFC000  }
0x84: {  	_ =	swait.ge [sflag:s25], $0x4000  }
0x85: {  	s30 =	simm.s32 $0x400;
	s31 =	simm.s32 $0x800;
	[sflag:s25] =	ssyncset.done $0x0  }
.LBB2_4:
0x86: {  	s0 =	sshra.s32 s30, $0x2  }
0x87: {  	[sflag:s25] =	ssyncadd.s32 $0xFFFFC000;
	s30 =	smov.u32 s31;
	s2 =	sadd.s32 $0x400, s31  }
0x88: {  	[tilespmem:s17], [sflag:$0x1] =	stream.indirect.gather [hbm4b:s1+s21], $0x80, s0, s21, $0xb8;
	[tilespmem:$0x1E800] =	vst v63  }
0x89: {  	p0 =	sne.s32 s31, $0x4800;
	s31 =	sadd.s32 $0x80, s0  }
0x8a: {  	[tilespmem:s22], [sflag:$0x2] =	stream.indirect.gather [hbm4b:s1+s21], $0x80, s31, s21, $0xb8;
	[tilespmem:$0x1E800] =	vst v63  }
0x8b: {  	_ =	swait.ge [sflag:s23], $0x4000  }
0x8c: {  	[sflag:s23] =	ssyncset.done $0x0  }
0x8d: {  	s31 =	sadd.s32 $0x1400, s0;
	[sflag:s23] =	ssyncadd.s32 $0xFFFFC000  }
0x8e: {  	[spmem:s3] =	stream.indirect.scatter.add.f32 [tilespmem:s17], [sflag:$0x3], $0x80, s31, s21, $0xb8;
	[tilespmem:$0x1E800] =	vst v63  }
0x8f: {  	_ =	swait.ge [sflag:s24], $0x4000  }
0x90: {  	[sflag:s24] =	ssyncset.done $0x0  }
0x91: {  	s0 =	sadd.s32 $0x1480, s0;
	[sflag:s24] =	ssyncadd.s32 $0xFFFFC000  }
0x92: {  	[spmem:s3] =	stream.indirect.scatter.add.f32 [tilespmem:s22], [sflag:$0x4], $0x80, s0, s21, $0xb8;
	[tilespmem:$0x1E800] =	vst v63  }
.Ltmp1:
0x93: {  	_ =	swait.ge [sflag:s20], $0x4000;
	(pc) =	sbr.rel @p0 .LBB2_4-.Ltmp1, $4  }
0x94: {  	[sflag:s20] =	ssyncset.done $0x0  }
0x95: {  	[sflag:s20] =	ssyncadd.s32 $0xFFFFC000  }
0x96: {  	_ =	swait.ge [sflag:s25], $0x4000  }
0x97: {  	s31 =	smov.u32 s2;
	[sflag:s25] =	ssyncset.done $0x0  }
0x98: {  	s0 =	sshra.s32 s30, $0x2;
	[sflag:s25] =	ssyncadd.s32 $0xFFFFC000  }
0x99: {  	[tilespmem:s17], [sflag:$0x1] =	stream.indirect.gather [hbm4b:s1+s21], $0x80, s0, s21, $0xb8;
	[tilespmem:$0x1E800] =	vst v63  }
0x9a: {  	s2 =	sadd.s32 $0x80, s0  }
0x9b: {  	[tilespmem:s22], [sflag:$0x2] =	stream.indirect.gather [hbm4b:s1+s21], $0x80, s2, s21, $0xb8;
	[tilespmem:$0x1E800] =	vst v63  }
0x9c: {  	_ =	swait.ge [sflag:s23], $0x4000  }
0x9d: {  	[sflag:s23] =	ssyncset.done $0x0  }
0x9e: {  	s31 =	sadd.s32 $0x1400, s0;
	[sflag:s23] =	ssyncadd.s32 $0xFFFFC000  }
0x9f: {  	[spmem:s3] =	stream.indirect.scatter.add.f32 [tilespmem:s17], [sflag:$0x3], $0x80, s31, s21, $0xb8;
	[tilespmem:$0x1E800] =	vst v63  }
0xa0: {  	_ =	swait.ge [sflag:s24], $0x4000  }
0xa1: {  	[sflag:s24] =	ssyncset.done $0x0  }
0xa2: {  	s0 =	sadd.s32 $0x1480, s0;
	[sflag:s24] =	ssyncadd.s32 $0xFFFFC000  }
0xa3: {  	[spmem:s3] =	stream.indirect.scatter.add.f32 [tilespmem:s22], [sflag:$0x4], $0x80, s0, s21, $0xb8;
	[tilespmem:$0x1E800] =	vst v63  }
0xa4: {  	_ =	swait.ge [sflag:s20], $0x4000  }
0xa5: {  	[sflag:s20] =	ssyncset.done $0x0  }
0xa6: {  	[sflag:s20] =	ssyncadd.s32 $0xFFFFC000  }
0xa7: {  	_ =	swait.ge [sflag:s25], $0x4000  }
0xa8: {  	[sflag:s25] =	ssyncset.done $0x0  }
0xa9: {  	[sflag:s25] =	ssyncadd.s32 $0xFFFFC000  }
0xaa: {  	[tilespmem:s17], [sflag:$0x1] =	stream.indirect.gather [hbm4b:s1+s21], $0x80, s26, s21, $0xb8;
	[tilespmem:$0x1E800] =	vst v63  }
0xab: {  	_ =	swait.ge [sflag:s23], $0x4000  }
0xac: {  	[sflag:s23] =	ssyncset.done $0x0  }
0xad: {  	[sflag:s23] =	ssyncadd.s32 $0xFFFFC000  }
0xae: {  	[spmem:s3] =	stream.indirect.scatter.add.f32 [tilespmem:s17], [sflag:$0x3], $0x80, s28, s21, $0xb8;
	[tilespmem:$0x1E800] =	vst v63  }
0xaf: {  	_ =	swait.ge [sflag:s20], $0x4000  }
0xb0: {  	s30 =	sshll.u32 s4, $0x6;
	s29 =	sadd.s32 $0x1, s29;
	[sflag:s20] =	ssyncset.done $0x0  }
0xb1: {  	p0 =	sne.s32 s29, s12;
	s31 =	sshrl.u32 s6, $0x3;
	[sflag:s20] =	ssyncadd.s32 $0xFFFFC000  }
.Ltmp2:
0xb2: {  	s0 =	sor.u32 $0x1C05, s30;
	[bflag:$0x0] =	sbarrier.arrive $0xFFFF;
	(pc) =	sbr.rel @p0 .LBB2_1-.Ltmp2, $4  }
0xb3: {  	[hbm:s11], [sflag:s0] =	dma.local [spmem:s31], $0x2800  }
0xb4: {  	_ =	swait.ge [sflag:s18], $0x2800  }
0xb5: {  	[sflag:s18] =	ssyncset.done $0x0  }
0xb6: {  	[sflag:s18] =	ssyncadd.s32 $0xFFFFD800  }
0xb7: {  	_ =	sfence.sel $0x180000  }
0xb8: {  	[bflag:$0x0] =	sbarrier.arrive $0xFFFF  }
0xb9: {  	_ =	strace $0x90000047  }
0xba: {  	[bflag:$0x2] =	sbarrier.arrive $0xFFFF  }
0xbb: {  	p0 =	sne.s32 s4, $0x0;
	s0 =	rddreg [dreg:$0x4]  }
0xbc: {  	s0 =	sadd.s32 @!p0 $0x100000, s0  }
0xbd: {  	[sflag:s0] =	ssyncadd.tile.s32 @!p0 $0x1;
	_ =	shalt  }
.Lfunc_end2:
_tile_overlayer_lowered:
.L_overlay_start_2:
0xbe: {  	(tag) =	ssettag $0x2  }
0xbf: {  	s0 =	rddreg [dreg:$0x0];
	s2 =	stileid.u32  }
0xc0: {  	s1 =	rddreg [dreg:$0x1];
	p0 =	sne.s32 s2, $0x0  }
0xc1: {  	s3 =	rddreg [dreg:$0x2];
	[bflag:$0x3] =	sbarrier.arrive $0xFFFF;
	s2 =	simm.s32 @!p0 $0x1C05  }
0xc2: {  	[timem:s3], [sflag:s2] =	dma.local @!p0 [hbm:s0], s1  }
0xc3: {  	s0 =	simm.s32 @!p0 $0x5  }
0xc4: {  	_ =	swait.ge @!p0 [sflag:s0], s1  }
0xc5: {  	s1 =	ssub.s32 @!p0 $0x0, s1;
	[sflag:s0] =	ssyncset.done @!p0 $0x0  }
0xc6: {  	[sflag:s0] =	ssyncadd.s32 @!p0 s1  }
0xc7: {  	[bflag:$0x3] =	sbarrier.arrive $0xFFFF  }
0xc8: {  	_ =	shalt  }

// kernel: kernel.15.cloned.1.call-start
scs
__scs_entry_jumppad:
0x0: {  	(pc) =	sbr.rel $0x88, $3  }
0x1: {  	(tag) =	ssettag $0x0;
	lr =	simm.s32 $0x1  }
0x2: {  	[smem:$0x3F74] =	sst lr;
	_ =	strace $0xD0000000  }
0x3: {  	_ = 	snop  }
0x4: {  	_ = 	snop  }
0x5: {  	_ = 	snop  }
0x6: {  	_ = 	snop  }
0x7: {  	_ = 	snop  }
__scs_overlays_trampoline_lowered:
0x8: {  	[smem:$0x3F83] =	sst s0  }
0x9: {  	[smem:$0x3F84] =	sst s1  }
0xa: {  	[smem:$0x3F85] =	sst s2  }
0xb: {  	[smem:$0x3F86] =	sst s3  }
0xc: {  	[smem:$0x3F87] =	sst s4  }
0xd: {  	[smem:$0x3F88] =	sst s5  }
0xe: {  	[smem:$0x3F89] =	sst s6  }
0xf: {  	[smem:$0x3F8A] =	sst s7  }
0x10: {  	[smem:$0x3F8B] =	sst s8  }
0x11: {  	[smem:$0x3F8C] =	sst s9;
	s0 =	simm.s32 @!p0 $0x0  }
0x12: {  	s1 =	sld [smem:$0x3F72];
	s0 =	simm.s32 @p0 $0x1  }
0x13: {  	[smem:$0x3F8D] =	sst s0;
	s0 =	simm.s32 @!p1 $0x0  }
0x14: {  	s2 =	sld [smem:$0x3F71];
	s0 =	simm.s32 @p1 $0x1  }
0x15: {  	[smem:$0x3F8E] =	sst s0;
	s0 =	simm.s32 @!p2 $0x0  }
0x16: {  	s3 =	sld [smem:$0x3FDB];
	s0 =	simm.s32 @p2 $0x1  }
0x17: {  	s4 =	simm.s32 $0x1BF5;
	[smem:$0x3F90] =	sst s0  }
0x18: {  	s0 =	sld [smem:$0x3F73];
	_ =	swait.ge [sflag:s4], $0x0  }
0x19: {  	s7 =	sld [smem:$0x3F74]  }
0x1a: {  	s8 =	sadd.s32 $0xFFFFE003, lr  }
0x1b: {  	s9 =	sadd.s32 $0xFFFFFEF7, lr;
	s5 =	simm.s32 $0xFFFFFFFF;
	p2 =	slt.u32 s8, $0xFFFFF086  }
0x1c: {  	p1 =	slt.u32 s9, $0xF7A;
	s5 =	simm.s32 @!p2 $0x0  }
0x1d: {  	s5 =	simm.s32 @p1 $0x1;
	p0 =	seq.s32 s7, s2  }
0x1e: {  	s7 =	smul.u32 @!p0 $0xF7A, s2;
	p2 =	seq.s32 @!p0 s5, $0x0  }
0x1f: {  	s9 =	smul.u32 $0xF7A, s1;
	s8 =	simm.s32 @!p0 $0x1BF5;
	p2 =	por !p2, p0  }
0x20: {  	[sflag:s8] =	ssyncset.s32 @!p0 $0xFFFFF086;
	s6 =	sadd.s32 @!p0 s3, s7;
	s7 =	simm.s32 @!p0 $0x108  }
0x21: {  	s3 =	sadd.s32 s3, s9;
	s6 =	sadd.s32 @!p0 $0x88, s6;
	s7 =	simm.s32 @p2 $0x1082  }
0x22: {  	[simem:s7], [sflag:s8] =	dma.local @!p0 [hbm:s6], $0xF7A  }
0x23: {  	s9 =	sor.u32 $0xD0000000, s2;
	s6 =	simm.s32 $0x108;
	_ =	swait.ge @!p0 [sflag:s8], $0x0  }
0x24: {  	s3 =	sadd.s32 $0x88, s3;
	s6 =	simm.s32 @!p1 $0x1082;
	[sflag:s4] =	ssyncset.s32 $0xFFFFF086  }
0x25: {  	[simem:s6], [sflag:s4] =	dma.local [hbm:s3], $0xF7A  }
0x26: {  	[smem:$0x3F74] =	sst s1;
	(tag) =	ssettag s2;
	_ =	strace s9  }
0x27: {  	s1 =	sld [smem:$0x3F84]  }
0x28: {  	s2 =	sld [smem:$0x3F85]  }
0x29: {  	s4 =	sld [smem:$0x3F87]  }
0x2a: {  	p0 =	seq.s32 s5, $0x0;
	s5 =	sld [smem:$0x3F88]  }
0x2b: {  	s6 =	sld [smem:$0x3F89]  }
0x2c: {  	s7 =	sld [smem:$0x3F8A]  }
0x2d: {  	s3 =	simm.s32 $0x108;
	s8 =	sld [smem:$0x3F8B]  }
0x2e: {  	s3 =	simm.s32 @!p0 $0x1082;
	s9 =	sld [smem:$0x3F8C]  }
0x2f: {  	lr =	sadd.s32 s0, s3;
	s0 =	sld [smem:$0x3F83]  }
0x30: {  	s3 =	sld [smem:$0x3F86]  }
0x31: {  	[smem:$0x3F8F] =	sst s10  }
0x32: {  	s10 =	sld [smem:$0x3F8D];
	_ =	sdelay $0x3  }
0x33: {  	p0 =	seq.s32 s10, $0x1;
	s10 =	sld [smem:$0x3F8F];
	_ =	sdelay $0x3  }
0x34: {  	[smem:$0x3F8F] =	sst s10  }
0x35: {  	s10 =	sld [smem:$0x3F8E];
	_ =	sdelay $0x3  }
0x36: {  	p1 =	seq.s32 s10, $0x1;
	s10 =	sld [smem:$0x3F8F];
	_ =	sdelay $0x3  }
0x37: {  	[smem:$0x3F8F] =	sst s10  }
0x38: {  	s10 =	sld [smem:$0x3F90]  }
0x39: {  	_ = 	snop;
	(pc) =	sbr.ind lr, $3  }
0x3a: {  	_ = 	snop  }
0x3b: {  	_ = 	snop  }
0x3c: {  	p2 =	seq.s32 s10, $0x1;
	s10 =	sld [smem:$0x3F8F]  }
0x3d: {  	_ =	shalt  }
0x3e: {  	_ =	shalt  }
0x3f: {  	_ =	shalt  }
0x40: {  	_ =	shalt  }
0x41: {  	_ =	shalt  }
0x42: {  	_ =	shalt  }
0x43: {  	_ =	shalt  }
0x44: {  	_ =	shalt  }
0x45: {  	_ =	shalt  }
0x46: {  	_ =	shalt  }
0x47: {  	_ =	shalt  }
0x48: {  	_ =	shalt  }
0x49: {  	_ =	shalt  }
0x4a: {  	_ =	shalt  }
0x4b: {  	_ =	shalt  }
0x4c: {  	_ =	shalt  }
0x4d: {  	_ =	shalt  }
0x4e: {  	_ =	shalt  }
0x4f: {  	_ =	shalt  }
0x50: {  	_ =	shalt  }
0x51: {  	_ =	shalt  }
0x52: {  	_ =	shalt  }
0x53: {  	_ =	shalt  }
0x54: {  	_ =	shalt  }
0x55: {  	_ =	shalt  }
0x56: {  	_ =	shalt  }
0x57: {  	_ =	shalt  }
0x58: {  	_ =	shalt  }
0x59: {  	_ =	shalt  }
0x5a: {  	_ =	shalt  }
0x5b: {  	_ =	shalt  }
0x5c: {  	_ =	shalt  }
0x5d: {  	_ =	shalt  }
0x5e: {  	_ =	shalt  }
0x5f: {  	_ =	shalt  }
0x60: {  	_ =	shalt  }
0x61: {  	_ =	shalt  }
0x62: {  	_ =	shalt  }
0x63: {  	_ =	shalt  }
0x64: {  	_ =	shalt  }
0x65: {  	_ =	shalt  }
0x66: {  	_ =	shalt  }
0x67: {  	_ =	shalt  }
0x68: {  	_ =	shalt  }
0x69: {  	_ =	shalt  }
0x6a: {  	_ =	shalt  }
0x6b: {  	_ =	shalt  }
0x6c: {  	_ =	shalt  }
0x6d: {  	_ =	shalt  }
0x6e: {  	_ =	shalt  }
0x6f: {  	_ =	shalt  }
0x70: {  	_ =	shalt  }
0x71: {  	_ =	shalt  }
0x72: {  	_ =	shalt  }
0x73: {  	_ =	shalt  }
0x74: {  	_ =	shalt  }
0x75: {  	_ =	shalt  }
0x76: {  	_ =	shalt  }
0x77: {  	_ =	shalt  }
0x78: {  	_ =	shalt  }
0x79: {  	_ =	shalt  }
0x7a: {  	_ =	shalt  }
0x7b: {  	_ =	shalt  }
0x7c: {  	_ =	shalt  }
0x7d: {  	_ =	shalt  }
0x7e: {  	_ =	shalt  }
0x7f: {  	_ =	shalt  }
0x80: {  	_ =	shalt  }
0x81: {  	_ =	shalt  }
0x82: {  	_ =	shalt  }
0x83: {  	_ =	shalt  }
0x84: {  	_ =	shalt  }
0x85: {  	_ =	shalt  }
0x86: {  	_ =	shalt  }
0x87: {  	_ =	shalt  }
.Lfunc_end0:
.L_simem_size_0:
called_computation.1_lowered:
.L_overlay_start_0:
0x88: {  	s2 =	sld [smem:$0x3FD9]  }
0x89: {  	s3 =	sld [smem:$0x3FFE];
	_ =	sdelay $0x1  }
0x8a: {  	s1 =	srdreg.scid  }
0x8b: {  	s0 =	sand.u32 $0x1, s1  }
0x8c: {  	s14 =	sshll.u32 s0, $0xA;
	s2 =	sadd.s32 s3, s2  }
0x8d: {  	s2 =	sadd.s32 s2, s14  }
0x8e: {  	[smem:$0x3F9B] =	sst s2  }
0x8f: {  	_ = 	snop  }
0x90: {  	s2 =	sld [smem:$0x3FD0];
	_ =	sdelay $0x2  }
0x91: {  	s15 =	simm.s32 $0xA;
	s4 =	simm.s32 $0x10  }
0x92: {  	[smem:s4], [sflag:s15] =	dma.local [hbm:s2], $0x1  }
0x93: {  	_ =	swait.eq [sflag:s15], $0x1  }
0x94: {  	[sflag:s15] =	ssyncset.done $0x0  }
0x95: {  	s16 =	sld [smem:$0x10];
	[sflag:s15] =	ssyncadd.s32 $0xFFFFFFFF  }
0x96: {  	s17 =	sld [smem:$0x11];
	(tm) =	ssettm $0x1  }
0x97: {  	s18 =	sld [smem:$0x3FFB];
	_ =	sdelay $0x3  }
0x98: {  	_ =	strace s18  }
0x99: {  	s4 =	sld [smem:$0x3FFC];
	_ =	sdelay $0x3  }
0x9a: {  	_ =	strace s4  }
0x9b: {  	s4 =	sld [smem:$0x3FFD];
	_ =	sdelay $0x3  }
0x9c: {  	_ =	strace s4  }
0x9d: {  	_ =	strace $0x8FFFFFFF  }
0x9e: {  	s19 =	sld [smem:$0x3FDB];
	_ =	sdelay $0x1  }
0x9f: {  	s5 =	simm.s32 $_scs_section_size  }
0xa0: {  	s6 =	simm.s32 $_size__tile_overlayer_lowered;
	s7 =	simm.s32 $_tile_overlayer_lowered  }
0xa1: {  	s22 =	simm.s32 $0x1BFF;
	s21 =	sshll.u32 s7, $0x1;
	s4 =	sadd.s32 s5, s19  }
0xa2: {  	s8 =	simm.s32 $0x0;
	s20 =	sshll.u32 s6, $0x1;
	s6 =	sadd.s32 s21, s4  }
0xa3: {  	[timem:s8], [sflag:s22] =	dma.local [hbm:s6], s20  }
0xa4: {  	_ =	swait.ge [sflag:s22], s20  }
0xa5: {  	s5 =	ssub.s32 $0x0, s20;
	[sflag:s22] =	ssyncset.done $0x0  }
0xa6: {  	[sflag:s22] =	ssyncadd.s32 s5;
	_ =	sdelay $0x1  }
0xa7: {  	s23 =	simm.s32 $0x1B8B  }
0xa8: {  	_ =	swait.ge [sflag:s23], $0x1  }
0xa9: {  	[sflag:s23] =	ssyncset.done $0x0  }
0xaa: {  	s25 =	simm.s32 $0x1B8E;
	s24 =	sld [smem:$0x3FFE];
	[sflag:s23] =	ssyncadd.s32 $0xFFFFFFFF  }
0xab: {  	s26 =	simm.s32 $execute0_lowered;
	[smem:$0x3FD2] =	sst s25  }
0xac: {  	s6 =	sshll.u32 s26, $0x1;
	_ =	strace $0x80000049;
	[dreg:$0x1] =	wrdreg $0xFFFFFFFF  }
0xad: {  	s28 =	simm.s32 $_size_execute0_lowered;
	s4 =	sadd.s32 s4, s6;
	[dreg:$0x0] =	wrdreg $0x0  }
0xae: {  	s6 =	sshll.u32 s28, $0x1;
	[dreg:$0x2] =	wrdreg s4  }
0xaf: {  	[dreg:$0x3] =	wrdreg s6  }
0xb0: {  	[dreg:$0x4] =	wrdreg $0xC0  }
0xb1: {  	_ =	task [dreg:s8], $0x5FFFF  }
0xb2: {  	[dreg:$0x1] =	wrdreg $0xFFFFFFFF  }
0xb3: {  	[dreg:$0x0] =	wrdreg $0x60  }
0xb4: {  	[dreg:$0x2] =	wrdreg s17  }
0xb5: {  	[dreg:$0x3] =	wrdreg s24  }
0xb6: {  	[dreg:$0x4] =	wrdreg s16  }
0xb7: {  	[dreg:$0x5] =	wrdreg $0xA8000  }
0xb8: {  	[dreg:$0x6] =	wrdreg $0x9  }
0xb9: {  	_ =	task.clear_ibuf [dreg:s8], $0x7FFFF;
	_ =	strace $0x90000049  }
0xba: {  	s29 =	simm.s32 $0x9;
	_ =	strace $0x8000004B  }
0xbb: {  	_ =	swait.ge [sflag:s29], $0x1  }
0xbc: {  	[sflag:s29] =	ssyncadd.s32 $0xFFFFFFFF  }
0xbd: {  	_ =	strace $0x9000004B  }
0xbe: {  	_ =	sfence  }
0xbf: {  	s30 =	sld [smem:$0x0];
	_ =	sdelay $0x2  }
0xc0: {  	s31 =	sshll.u32 s1, $0xD;
	s1 =	sshrl.u32 s1, $0x2  }
0xc1: {  	s3 =	sand.u32 $0x4000, s31;
	s1 =	sadd.s32 s1, s30  }
0xc2: {  	s0 =	sor.u32 s3, s0;
	s1 =	sshll.u32 s1, $0x11  }
0xc3: {  	s0 =	sor.u32 s1, s0  }
0xc4: {  	s0 =	sadd.s32 $0x8F2B, s0  }
0xc5: {  	[sflag:s0] =	ssyncadd.remote.s32 $0x1  }
0xc6: {  	_ =	sfence.sel $0xFFFF  }
0xc7: {  	[dreg:$0x0] =	wrdreg $0xFFFFFFFF;
	(pc) =	sbr.abs _section_cstart, $3  }
0xc8: {  	[dreg:$0x1] =	wrdreg $0xFFFFFFFF  }
0xc9: {  	_ =	task.clear_ibuf [dreg:s8], $0x2FFFF;
	_ =	strace $0x9FFFFFFF  }
0xca: {  	(tm) =	ssettm $0x7FFFFFFF  }
0xcb: {  	_ =	shalt  }
tec
execute0_lowered:
.L_overlay_start_1:
0x0: {  	(tag) =	ssettag $0x1  }
0x1: {  	s1 =	rddreg [dreg:$0x0]  }
0x2: {  	s6 =	rddreg [dreg:$0x1]  }
0x3: {  	s3 =	rddreg [dreg:$0x3];
	s4 =	srdreg.scid  }
0x4: {  	s5 =	simm.s32 $0x0;
	s17 =	simm.s32 $0x2800;
	s18 =	simm.s32 $0x5  }
0x5: {  	s19 =	simm.s32 $0x1400;
	s20 =	simm.s32 $0x3;
	s21 =	simm.s32 $0x80  }
0x6: {  	s22 =	simm.s32 $0x6800;
	s28 =	simm.s32 $0x2700;
	s29 =	simm.s32 $0x0  }
0x7: {  	s7 =	sand.u32 $0x1, s4;
	s4 =	stileid.u32;
	[smem:$0x7FF] =	sst s5  }
0x8: {  	s10 =	sadd.s32 $0x14400, s6;
	s12 =	sadd.s32 $0xA400, s6;
	s8 =	smul.u32 $0x140000, s7  }
0x9: {  	s9 =	smul.u32 $0x14000, s4;
	_ =	strace $0x8000004A;
	s11 =	sshll.u32 s4, $0x1  }
0xa: {  	s24 =	smul.u32 $0x50000, s4;
	s23 =	sor.u32 s7, s11;
	s7 =	ssub.s32 $0x2, s7  }
0xb: {  	s8 =	sadd.s32 s9, s8;
	s9 =	smul.u32 $0x2800, s23;
	s25 =	sshrl.u32 s7, $0x1  }
0xc: {  	s26 =	sshrl.u32 s24, $0x2;
	s23 =	simm.s32 $0x1;
	s24 =	simm.s32 $0x2  }
0xd: {  	s8 =	sshrl.u32 s8, $0x3;
	s14 =	ssub.s32 s7, s25;
	s25 =	simm.s32 $0x4  }
0xe: {  	s13 =	sadd.s32 s8, s6;
	s30 =	sshrl.u32 s9, $0x3;
	s6 =	sadd.s32 s26, s3  }
0xf: {  	s26 =	simm.s32 $0x1300;
	s7 =	sadd.s32 s10, s30;
	s31 =	sadd.s32 $0x280, s30  }
0x10: {  	s8 =	sadd.s32 s12, s30;
	s11 =	sadd.s32 $0x1E400, s13;
	s13 =	sadd.s32 $0x4000, s6  }
0x11: {  	s15 =	sadd.s32 $0xC000, s6;
	s16 =	sadd.s32 $0x10000, s6;
	s9 =	sadd.s32 s10, s31  }
0x12: {  	s10 =	sadd.s32 s12, s31;
	s12 =	smax.u32 s14, $0x1;
	s14 =	sadd.s32 $0x8000, s6  }
.LBB2_1:
0x13: {  	s0 =	rddreg [dreg:$0x2]  }
0x14: {  	[tilespmem:s17], [sflag:$0x5] =	stream.linear.gather [hbm4b:s0+s5], $0x4000, $0x38;
	[tilespmem:$0x1E800] =	vst v63  }
0x15: {  	_ =	swait.ge [sflag:s18], $0x4000  }
0x16: {  	[sflag:s18] =	ssyncset.done $0x0  }
0x17: {  	[sflag:s18] =	ssyncadd.s32 $0xFFFFC000  }
0x18: {  	[spmem:s6] =	stream.linear.scatter [tilespmem:s17], [sflag:$0x3], $0x4000, $0x38;
	[tilespmem:$0x1E800] =	vst v63  }
0x19: {  	_ = 	snop  }
0x1a: {  	[spmem:s13] =	stream.linear.scatter [tilespmem:s17], [sflag:$0x3], $0x4000, $0x38;
	[tilespmem:$0x1E800] =	vst v63  }
0x1b: {  	_ = 	snop  }
0x1c: {  	[spmem:s14] =	stream.linear.scatter [tilespmem:s17], [sflag:$0x3], $0x4000, $0x38;
	[tilespmem:$0x1E800] =	vst v63  }
0x1d: {  	_ = 	snop  }
0x1e: {  	[spmem:s15] =	stream.linear.scatter [tilespmem:s17], [sflag:$0x3], $0x4000, $0x38;
	[tilespmem:$0x1E800] =	vst v63  }
0x1f: {  	_ = 	snop  }
0x20: {  	[spmem:s16] =	stream.linear.scatter [tilespmem:s17], [sflag:$0x3], $0x4000, $0x38;
	[tilespmem:$0x1E800] =	vst v63  }
0x21: {  	_ = 	snop  }
0x22: {  	[tilespmem:s5], [sflag:$0x5] =	stream.linear.gather [hbm4b:s7+s5], $0x1400, $0x38;
	[tilespmem:$0x1E800] =	vst v63  }
0x23: {  	_ =	swait.ge [sflag:s18], $0x1400  }
0x24: {  	[sflag:s18] =	ssyncset.done $0x0  }
0x25: {  	[sflag:s18] =	ssyncadd.s32 $0xFFFFEC00  }
0x26: {  	[tilespmem:s19], [sflag:$0x5] =	stream.linear.gather [hbm4b:s8+s5], $0x1400, $0x38;
	[tilespmem:$0x1E800] =	vst v63  }
0x27: {  	_ =	swait.ge [sflag:s18], $0x1400  }
0x28: {  	[sflag:s18] =	ssyncset.done $0x0  }
0x29: {  	[sflag:s18] =	ssyncadd.s32 $0xFFFFEC00  }
0x2a: {  	_ =	swait.ge [sflag:s20], $0x4000  }
0x2b: {  	[sflag:s20] =	ssyncset.done $0x0  }
0x2c: {  	[sflag:s20] =	ssyncadd.s32 $0xFFFFC000  }
0x2d: {  	_ =	swait.ge [sflag:s20], $0x4000  }
0x2e: {  	[sflag:s20] =	ssyncset.done $0x0  }
0x2f: {  	[sflag:s20] =	ssyncadd.s32 $0xFFFFC000  }
0x30: {  	_ =	swait.ge [sflag:s20], $0x4000  }
0x31: {  	[sflag:s20] =	ssyncset.done $0x0  }
0x32: {  	[sflag:s20] =	ssyncadd.s32 $0xFFFFC000  }
0x33: {  	_ =	swait.ge [sflag:s20], $0x4000  }
0x34: {  	[sflag:s20] =	ssyncset.done $0x0  }
0x35: {  	[sflag:s20] =	ssyncadd.s32 $0xFFFFC000  }
0x36: {  	_ =	swait.ge [sflag:s20], $0x4000  }
0x37: {  	[sflag:s20] =	ssyncset.done $0x0  }
0x38: {  	[sflag:s20] =	ssyncadd.s32 $0xFFFFC000  }
0x39: {  	s30 =	simm.s32 $0x0;
	[bflag:$0x0] =	sbarrier.arrive $0xFFFF  }
0x3a: {  	[tilespmem:s17], [sflag:$0x1] =	stream.indirect.gather [hbm4b:s1+s21], $0x80, s30, s21, $0xb8;
	[tilespmem:$0x1E800] =	vst v63  }
0x3b: {  	s30 =	simm.s32 $0x80  }
0x3c: {  	[tilespmem:s22], [sflag:$0x2] =	stream.indirect.gather [hbm4b:s1+s21], $0x80, s30, s21, $0xb8;
	[tilespmem:$0x1E800] =	vst v63  }
0x3d: {  	_ =	swait.ge [sflag:s23], $0x4000  }
0x3e: {  	[sflag:s23] =	ssyncset.done $0x0  }
0x3f: {  	s30 =	simm.s32 $0x1400;
	[sflag:s23] =	ssyncadd.s32 $0xFFFFC000  }
0x40: {  	[spmem:s3] =	stream.indirect.scatter.add.f32 [tilespmem:s17], [sflag:$0x3], $0x80, s30, s21, $0xb8;
	[tilespmem:$0x1E800] =	vst v63  }
0x41: {  	_ =	swait.ge [sflag:s24], $0x4000  }
0x42: {  	[sflag:s24] =	ssyncset.done $0x0  }
0x43: {  	s30 =	simm.s32 $0x1480;
	[sflag:s24] =	ssyncadd.s32 $0xFFFFC000  }
0x44: {  	[spmem:s3] =	stream.indirect.scatter.add.f32 [tilespmem:s22], [sflag:$0x4], $0x80, s30, s21, $0xb8;
	[tilespmem:$0x1E800] =	vst v63  }
0x45: {  	_ =	swait.ge [sflag:s20], $0x4000  }
0x46: {  	[sflag:s20] =	ssyncset.done $0x0  }
0x47: {  	[sflag:s20] =	ssyncadd.s32 $0xFFFFC000  }
0x48: {  	_ =	swait.ge [sflag:s25], $0x4000  }
0x49: {  	s31 =	simm.s32 $0x800;
	s30 =	simm.s32 $0x400;
	[sflag:s25] =	ssyncset.done $0x0  }
.LBB2_2:
0x4a: {  	s0 =	sshra.s32 s30, $0x2  }
0x4b: {  	[sflag:s25] =	ssyncadd.s32 $0xFFFFC000;
	s30 =	smov.u32 s31;
	s2 =	sadd.s32 $0x400, s31  }
0x4c: {  	[tilespmem:s17], [sflag:$0x1] =	stream.indirect.gather [hbm4b:s1+s21], $0x80, s0, s21, $0xb8;
	[tilespmem:$0x1E800] =	vst v63  }
0x4d: {  	p0 =	sne.s32 s31, $0x4C00;
	s31 =	sadd.s32 $0x80, s0  }
0x4e: {  	[tilespmem:s22], [sflag:$0x2] =	stream.indirect.gather [hbm4b:s1+s21], $0x80, s31, s21, $0xb8;
	[tilespmem:$0x1E800] =	vst v63  }
0x4f: {  	_ =	swait.ge [sflag:s23], $0x4000  }
0x50: {  	[sflag:s23] =	ssyncset.done $0x0  }
0x51: {  	s31 =	sadd.s32 $0x1400, s0;
	[sflag:s23] =	ssyncadd.s32 $0xFFFFC000  }
0x52: {  	[spmem:s3] =	stream.indirect.scatter.add.f32 [tilespmem:s17], [sflag:$0x3], $0x80, s31, s21, $0xb8;
	[tilespmem:$0x1E800] =	vst v63  }
0x53: {  	_ =	swait.ge [sflag:s24], $0x4000  }
0x54: {  	[sflag:s24] =	ssyncset.done $0x0  }
0x55: {  	s0 =	sadd.s32 $0x1480, s0;
	[sflag:s24] =	ssyncadd.s32 $0xFFFFC000  }
0x56: {  	[spmem:s3] =	stream.indirect.scatter.add.f32 [tilespmem:s22], [sflag:$0x4], $0x80, s0, s21, $0xb8;
	[tilespmem:$0x1E800] =	vst v63  }
.Ltmp0:
0x57: {  	_ =	swait.ge [sflag:s20], $0x4000;
	(pc) =	sbr.rel @p0 .LBB2_2-.Ltmp0, $4  }
0x58: {  	[sflag:s20] =	ssyncset.done $0x0  }
0x59: {  	[sflag:s20] =	ssyncadd.s32 $0xFFFFC000  }
0x5a: {  	_ =	swait.ge [sflag:s25], $0x4000  }
0x5b: {  	s31 =	smov.u32 s2;
	[sflag:s25] =	ssyncset.done $0x0  }
0x5c: {  	s0 =	sshra.s32 s30, $0x2;
	[sflag:s25] =	ssyncadd.s32 $0xFFFFC000  }
0x5d: {  	[tilespmem:s17], [sflag:$0x1] =	stream.indirect.gather [hbm4b:s1+s21], $0x80, s0, s21, $0xb8;
	[tilespmem:$0x1E800] =	vst v63  }
0x5e: {  	s2 =	sadd.s32 $0x80, s0  }
0x5f: {  	[tilespmem:s22], [sflag:$0x2] =	stream.indirect.gather [hbm4b:s1+s21], $0x80, s2, s21, $0xb8;
	[tilespmem:$0x1E800] =	vst v63  }
0x60: {  	_ =	swait.ge [sflag:s23], $0x4000  }
0x61: {  	[sflag:s23] =	ssyncset.done $0x0  }
0x62: {  	s2 =	sadd.s32 $0x1400, s0;
	[sflag:s23] =	ssyncadd.s32 $0xFFFFC000  }
0x63: {  	[spmem:s3] =	stream.indirect.scatter.add.f32 [tilespmem:s17], [sflag:$0x3], $0x80, s2, s21, $0xb8;
	[tilespmem:$0x1E800] =	vst v63  }
0x64: {  	_ =	swait.ge [sflag:s24], $0x4000  }
0x65: {  	[sflag:s24] =	ssyncset.done $0x0  }
0x66: {  	s0 =	sadd.s32 $0x1480, s0;
	[sflag:s24] =	ssyncadd.s32 $0xFFFFC000  }
0x67: {  	[spmem:s3] =	stream.indirect.scatter.add.f32 [tilespmem:s22], [sflag:$0x4], $0x80, s0, s21, $0xb8;
	[tilespmem:$0x1E800] =	vst v63  }
0x68: {  	_ =	swait.ge [sflag:s20], $0x4000  }
0x69: {  	[sflag:s20] =	ssyncset.done $0x0  }
0x6a: {  	[sflag:s20] =	ssyncadd.s32 $0xFFFFC000  }
0x6b: {  	_ =	swait.ge [sflag:s25], $0x4000  }
0x6c: {  	[sflag:s25] =	ssyncset.done $0x0  }
0x6d: {  	s2 =	simm.s32 $0x0;
	[sflag:s25] =	ssyncadd.s32 $0xFFFFC000  }
0x6e: {  	[tilespmem:s2], [sflag:$0x5] =	stream.linear.gather [hbm4b:s9+s2], $0x1380, $0x38;
	[tilespmem:$0x1E800] =	vst v63  }
0x6f: {  	_ =	swait.ge [sflag:s18], $0x1380  }
0x70: {  	[sflag:s18] =	ssyncset.done $0x0  }
0x71: {  	[sflag:s18] =	ssyncadd.s32 $0xFFFFEC80  }
0x72: {  	[tilespmem:s19], [sflag:$0x5] =	stream.linear.gather [hbm4b:s10+s2], $0x1380, $0x38;
	[tilespmem:$0x1E800] =	vst v63  }
0x73: {  	_ =	swait.ge [sflag:s18], $0x1380  }
0x74: {  	[sflag:s18] =	ssyncset.done $0x0  }
0x75: {  	s2 =	simm.s32 $0x0;
	[sflag:s18] =	ssyncadd.s32 $0xFFFFEC80  }
0x76: {  	[tilespmem:s17], [sflag:$0x1] =	stream.indirect.gather [hbm4b:s1+s21], $0x80, s2, s21, $0xb8;
	[tilespmem:$0x1E800] =	vst v63  }
0x77: {  	s2 =	simm.s32 $0x80  }
0x78: {  	[tilespmem:s22], [sflag:$0x2] =	stream.indirect.gather [hbm4b:s1+s21], $0x80, s2, s21, $0xb8;
	[tilespmem:$0x1E800] =	vst v63  }
0x79: {  	_ =	swait.ge [sflag:s23], $0x4000  }
0x7a: {  	[sflag:s23] =	ssyncset.done $0x0  }
0x7b: {  	s2 =	simm.s32 $0x1400;
	[sflag:s23] =	ssyncadd.s32 $0xFFFFC000  }
0x7c: {  	[spmem:s3] =	stream.indirect.scatter.add.f32 [tilespmem:s17], [sflag:$0x3], $0x80, s2, s21, $0xb8;
	[tilespmem:$0x1E800] =	vst v63  }
0x7d: {  	_ =	swait.ge [sflag:s24], $0x4000  }
0x7e: {  	[sflag:s24] =	ssyncset.done $0x0  }
0x7f: {  	s2 =	simm.s32 $0x1480;
	[sflag:s24] =	ssyncadd.s32 $0xFFFFC000  }
0x80: {  	[spmem:s3] =	stream.indirect.scatter.add.f32 [tilespmem:s22], [sflag:$0x4], $0x80, s2, s21, $0xb8;
	[tilespmem:$0x1E800] =	vst v63  }
0x81: {  	_ =	swait.ge [sflag:s20], $0x4000  }
0x82: {  	[sflag:s20] =	ssyncset.done $0x0  }
0x83: {  	[sflag:s20] =	ssyncadd.s32 $0xFFFFC000  }
0x84: {  	_ =	swait.ge [sflag:s25], $0x4000  }
0x85: {  	s30 =	simm.s32 $0x400;
	s31 =	simm.s32 $0x800;
	[sflag:s25] =	ssyncset.done $0x0  }
.LBB2_4:
0x86: {  	s0 =	sshra.s32 s30, $0x2  }
0x87: {  	[sflag:s25] =	ssyncadd.s32 $0xFFFFC000;
	s30 =	smov.u32 s31;
	s2 =	sadd.s32 $0x400, s31  }
0x88: {  	[tilespmem:s17], [sflag:$0x1] =	stream.indirect.gather [hbm4b:s1+s21], $0x80, s0, s21, $0xb8;
	[tilespmem:$0x1E800] =	vst v63  }
0x89: {  	p0 =	sne.s32 s31, $0x4800;
	s31 =	sadd.s32 $0x80, s0  }
0x8a: {  	[tilespmem:s22], [sflag:$0x2] =	stream.indirect.gather [hbm4b:s1+s21], $0x80, s31, s21, $0xb8;
	[tilespmem:$0x1E800] =	vst v63  }
0x8b: {  	_ =	swait.ge [sflag:s23], $0x4000  }
0x8c: {  	[sflag:s23] =	ssyncset.done $0x0  }
0x8d: {  	s31 =	sadd.s32 $0x1400, s0;
	[sflag:s23] =	ssyncadd.s32 $0xFFFFC000  }
0x8e: {  	[spmem:s3] =	stream.indirect.scatter.add.f32 [tilespmem:s17], [sflag:$0x3], $0x80, s31, s21, $0xb8;
	[tilespmem:$0x1E800] =	vst v63  }
0x8f: {  	_ =	swait.ge [sflag:s24], $0x4000  }
0x90: {  	[sflag:s24] =	ssyncset.done $0x0  }
0x91: {  	s0 =	sadd.s32 $0x1480, s0;
	[sflag:s24] =	ssyncadd.s32 $0xFFFFC000  }
0x92: {  	[spmem:s3] =	stream.indirect.scatter.add.f32 [tilespmem:s22], [sflag:$0x4], $0x80, s0, s21, $0xb8;
	[tilespmem:$0x1E800] =	vst v63  }
.Ltmp1:
0x93: {  	_ =	swait.ge [sflag:s20], $0x4000;
	(pc) =	sbr.rel @p0 .LBB2_4-.Ltmp1, $4  }
0x94: {  	[sflag:s20] =	ssyncset.done $0x0  }
0x95: {  	[sflag:s20] =	ssyncadd.s32 $0xFFFFC000  }
0x96: {  	_ =	swait.ge [sflag:s25], $0x4000  }
0x97: {  	s31 =	smov.u32 s2;
	[sflag:s25] =	ssyncset.done $0x0  }
0x98: {  	s0 =	sshra.s32 s30, $0x2;
	[sflag:s25] =	ssyncadd.s32 $0xFFFFC000  }
0x99: {  	[tilespmem:s17], [sflag:$0x1] =	stream.indirect.gather [hbm4b:s1+s21], $0x80, s0, s21, $0xb8;
	[tilespmem:$0x1E800] =	vst v63  }
0x9a: {  	s2 =	sadd.s32 $0x80, s0  }
0x9b: {  	[tilespmem:s22], [sflag:$0x2] =	stream.indirect.gather [hbm4b:s1+s21], $0x80, s2, s21, $0xb8;
	[tilespmem:$0x1E800] =	vst v63  }
0x9c: {  	_ =	swait.ge [sflag:s23], $0x4000  }
0x9d: {  	[sflag:s23] =	ssyncset.done $0x0  }
0x9e: {  	s31 =	sadd.s32 $0x1400, s0;
	[sflag:s23] =	ssyncadd.s32 $0xFFFFC000  }
0x9f: {  	[spmem:s3] =	stream.indirect.scatter.add.f32 [tilespmem:s17], [sflag:$0x3], $0x80, s31, s21, $0xb8;
	[tilespmem:$0x1E800] =	vst v63  }
0xa0: {  	_ =	swait.ge [sflag:s24], $0x4000  }
0xa1: {  	[sflag:s24] =	ssyncset.done $0x0  }
0xa2: {  	s0 =	sadd.s32 $0x1480, s0;
	[sflag:s24] =	ssyncadd.s32 $0xFFFFC000  }
0xa3: {  	[spmem:s3] =	stream.indirect.scatter.add.f32 [tilespmem:s22], [sflag:$0x4], $0x80, s0, s21, $0xb8;
	[tilespmem:$0x1E800] =	vst v63  }
0xa4: {  	_ =	swait.ge [sflag:s20], $0x4000  }
0xa5: {  	[sflag:s20] =	ssyncset.done $0x0  }
0xa6: {  	[sflag:s20] =	ssyncadd.s32 $0xFFFFC000  }
0xa7: {  	_ =	swait.ge [sflag:s25], $0x4000  }
0xa8: {  	[sflag:s25] =	ssyncset.done $0x0  }
0xa9: {  	[sflag:s25] =	ssyncadd.s32 $0xFFFFC000  }
0xaa: {  	[tilespmem:s17], [sflag:$0x1] =	stream.indirect.gather [hbm4b:s1+s21], $0x80, s26, s21, $0xb8;
	[tilespmem:$0x1E800] =	vst v63  }
0xab: {  	_ =	swait.ge [sflag:s23], $0x4000  }
0xac: {  	[sflag:s23] =	ssyncset.done $0x0  }
0xad: {  	[sflag:s23] =	ssyncadd.s32 $0xFFFFC000  }
0xae: {  	[spmem:s3] =	stream.indirect.scatter.add.f32 [tilespmem:s17], [sflag:$0x3], $0x80, s28, s21, $0xb8;
	[tilespmem:$0x1E800] =	vst v63  }
0xaf: {  	_ =	swait.ge [sflag:s20], $0x4000  }
0xb0: {  	s30 =	sshll.u32 s4, $0x6;
	s29 =	sadd.s32 $0x1, s29;
	[sflag:s20] =	ssyncset.done $0x0  }
0xb1: {  	p0 =	sne.s32 s29, s12;
	s31 =	sshrl.u32 s6, $0x3;
	[sflag:s20] =	ssyncadd.s32 $0xFFFFC000  }
.Ltmp2:
0xb2: {  	s0 =	sor.u32 $0x1C05, s30;
	[bflag:$0x0] =	sbarrier.arrive $0xFFFF;
	(pc) =	sbr.rel @p0 .LBB2_1-.Ltmp2, $4  }
0xb3: {  	[hbm:s11], [sflag:s0] =	dma.local [spmem:s31], $0x2800  }
0xb4: {  	_ =	swait.ge [sflag:s18], $0x2800  }
0xb5: {  	[sflag:s18] =	ssyncset.done $0x0  }
0xb6: {  	[sflag:s18] =	ssyncadd.s32 $0xFFFFD800  }
0xb7: {  	_ =	sfence.sel $0x180000  }
0xb8: {  	[bflag:$0x0] =	sbarrier.arrive $0xFFFF  }
0xb9: {  	_ =	strace $0x9000004A  }
0xba: {  	[bflag:$0x2] =	sbarrier.arrive $0xFFFF  }
0xbb: {  	p0 =	sne.s32 s4, $0x0;
	s0 =	rddreg [dreg:$0x4]  }
0xbc: {  	s0 =	sadd.s32 @!p0 $0x100000, s0  }
0xbd: {  	[sflag:s0] =	ssyncadd.tile.s32 @!p0 $0x1;
	_ =	shalt  }
.Lfunc_end2:
_tile_overlayer_lowered:
.L_overlay_start_2:
0xbe: {  	(tag) =	ssettag $0x2  }
0xbf: {  	s0 =	rddreg [dreg:$0x0];
	s2 =	stileid.u32  }
0xc0: {  	s1 =	rddreg [dreg:$0x1];
	p0 =	sne.s32 s2, $0x0  }
0xc1: {  	s3 =	rddreg [dreg:$0x2];
	[bflag:$0x3] =	sbarrier.arrive $0xFFFF;
	s2 =	simm.s32 @!p0 $0x1C05  }
0xc2: {  	[timem:s3], [sflag:s2] =	dma.local @!p0 [hbm:s0], s1  }
0xc3: {  	s0 =	simm.s32 @!p0 $0x5  }
0xc4: {  	_ =	swait.ge @!p0 [sflag:s0], s1  }
0xc5: {  	s1 =	ssub.s32 @!p0 $0x0, s1;
	[sflag:s0] =	ssyncset.done @!p0 $0x0  }
0xc6: {  	[sflag:s0] =	ssyncadd.s32 @!p0 s1  }
0xc7: {  	[bflag:$0x3] =	sbarrier.arrive $0xFFFF  }
0xc8: {  	_ =	shalt  }

// kernel: kernel.18.cloned.1.call-start
scs
__scs_entry_jumppad:
0x0: {  	(pc) =	sbr.rel $0x88, $3  }
0x1: {  	(tag) =	ssettag $0x0;
	lr =	simm.s32 $0x1  }
0x2: {  	[smem:$0x3F74] =	sst lr;
	_ =	strace $0xD0000000  }
0x3: {  	_ = 	snop  }
0x4: {  	_ = 	snop  }
0x5: {  	_ = 	snop  }
0x6: {  	_ = 	snop  }
0x7: {  	_ = 	snop  }
__scs_overlays_trampoline_lowered:
0x8: {  	[smem:$0x3F83] =	sst s0  }
0x9: {  	[smem:$0x3F84] =	sst s1  }
0xa: {  	[smem:$0x3F85] =	sst s2  }
0xb: {  	[smem:$0x3F86] =	sst s3  }
0xc: {  	[smem:$0x3F87] =	sst s4  }
0xd: {  	[smem:$0x3F88] =	sst s5  }
0xe: {  	[smem:$0x3F89] =	sst s6  }
0xf: {  	[smem:$0x3F8A] =	sst s7  }
0x10: {  	[smem:$0x3F8B] =	sst s8  }
0x11: {  	[smem:$0x3F8C] =	sst s9;
	s0 =	simm.s32 @!p0 $0x0  }
0x12: {  	s1 =	sld [smem:$0x3F72];
	s0 =	simm.s32 @p0 $0x1  }
0x13: {  	[smem:$0x3F8D] =	sst s0;
	s0 =	simm.s32 @!p1 $0x0  }
0x14: {  	s2 =	sld [smem:$0x3F71];
	s0 =	simm.s32 @p1 $0x1  }
0x15: {  	[smem:$0x3F8E] =	sst s0;
	s0 =	simm.s32 @!p2 $0x0  }
0x16: {  	s3 =	sld [smem:$0x3FDB];
	s0 =	simm.s32 @p2 $0x1  }
0x17: {  	s4 =	simm.s32 $0x1BF5;
	[smem:$0x3F90] =	sst s0  }
0x18: {  	s0 =	sld [smem:$0x3F73];
	_ =	swait.ge [sflag:s4], $0x0  }
0x19: {  	s7 =	sld [smem:$0x3F74]  }
0x1a: {  	s8 =	sadd.s32 $0xFFFFE003, lr  }
0x1b: {  	s9 =	sadd.s32 $0xFFFFFEF7, lr;
	s5 =	simm.s32 $0xFFFFFFFF;
	p2 =	slt.u32 s8, $0xFFFFF086  }
0x1c: {  	p1 =	slt.u32 s9, $0xF7A;
	s5 =	simm.s32 @!p2 $0x0  }
0x1d: {  	s5 =	simm.s32 @p1 $0x1;
	p0 =	seq.s32 s7, s2  }
0x1e: {  	s7 =	smul.u32 @!p0 $0xF7A, s2;
	p2 =	seq.s32 @!p0 s5, $0x0  }
0x1f: {  	s9 =	smul.u32 $0xF7A, s1;
	s8 =	simm.s32 @!p0 $0x1BF5;
	p2 =	por !p2, p0  }
0x20: {  	[sflag:s8] =	ssyncset.s32 @!p0 $0xFFFFF086;
	s6 =	sadd.s32 @!p0 s3, s7;
	s7 =	simm.s32 @!p0 $0x108  }
0x21: {  	s3 =	sadd.s32 s3, s9;
	s6 =	sadd.s32 @!p0 $0x88, s6;
	s7 =	simm.s32 @p2 $0x1082  }
0x22: {  	[simem:s7], [sflag:s8] =	dma.local @!p0 [hbm:s6], $0xF7A  }
0x23: {  	s9 =	sor.u32 $0xD0000000, s2;
	s6 =	simm.s32 $0x108;
	_ =	swait.ge @!p0 [sflag:s8], $0x0  }
0x24: {  	s3 =	sadd.s32 $0x88, s3;
	s6 =	simm.s32 @!p1 $0x1082;
	[sflag:s4] =	ssyncset.s32 $0xFFFFF086  }
0x25: {  	[simem:s6], [sflag:s4] =	dma.local [hbm:s3], $0xF7A  }
0x26: {  	[smem:$0x3F74] =	sst s1;
	(tag) =	ssettag s2;
	_ =	strace s9  }
0x27: {  	s1 =	sld [smem:$0x3F84]  }
0x28: {  	s2 =	sld [smem:$0x3F85]  }
0x29: {  	s4 =	sld [smem:$0x3F87]  }
0x2a: {  	p0 =	seq.s32 s5, $0x0;
	s5 =	sld [smem:$0x3F88]  }
0x2b: {  	s6 =	sld [smem:$0x3F89]  }
0x2c: {  	s7 =	sld [smem:$0x3F8A]  }
0x2d: {  	s3 =	simm.s32 $0x108;
	s8 =	sld [smem:$0x3F8B]  }
0x2e: {  	s3 =	simm.s32 @!p0 $0x1082;
	s9 =	sld [smem:$0x3F8C]  }
0x2f: {  	lr =	sadd.s32 s0, s3;
	s0 =	sld [smem:$0x3F83]  }
0x30: {  	s3 =	sld [smem:$0x3F86]  }
0x31: {  	[smem:$0x3F8F] =	sst s10  }
0x32: {  	s10 =	sld [smem:$0x3F8D];
	_ =	sdelay $0x3  }
0x33: {  	p0 =	seq.s32 s10, $0x1;
	s10 =	sld [smem:$0x3F8F];
	_ =	sdelay $0x3  }
0x34: {  	[smem:$0x3F8F] =	sst s10  }
0x35: {  	s10 =	sld [smem:$0x3F8E];
	_ =	sdelay $0x3  }
0x36: {  	p1 =	seq.s32 s10, $0x1;
	s10 =	sld [smem:$0x3F8F];
	_ =	sdelay $0x3  }
0x37: {  	[smem:$0x3F8F] =	sst s10  }
0x38: {  	s10 =	sld [smem:$0x3F90]  }
0x39: {  	_ = 	snop;
	(pc) =	sbr.ind lr, $3  }
0x3a: {  	_ = 	snop  }
0x3b: {  	_ = 	snop  }
0x3c: {  	p2 =	seq.s32 s10, $0x1;
	s10 =	sld [smem:$0x3F8F]  }
0x3d: {  	_ =	shalt  }
0x3e: {  	_ =	shalt  }
0x3f: {  	_ =	shalt  }
0x40: {  	_ =	shalt  }
0x41: {  	_ =	shalt  }
0x42: {  	_ =	shalt  }
0x43: {  	_ =	shalt  }
0x44: {  	_ =	shalt  }
0x45: {  	_ =	shalt  }
0x46: {  	_ =	shalt  }
0x47: {  	_ =	shalt  }
0x48: {  	_ =	shalt  }
0x49: {  	_ =	shalt  }
0x4a: {  	_ =	shalt  }
0x4b: {  	_ =	shalt  }
0x4c: {  	_ =	shalt  }
0x4d: {  	_ =	shalt  }
0x4e: {  	_ =	shalt  }
0x4f: {  	_ =	shalt  }
0x50: {  	_ =	shalt  }
0x51: {  	_ =	shalt  }
0x52: {  	_ =	shalt  }
0x53: {  	_ =	shalt  }
0x54: {  	_ =	shalt  }
0x55: {  	_ =	shalt  }
0x56: {  	_ =	shalt  }
0x57: {  	_ =	shalt  }
0x58: {  	_ =	shalt  }
0x59: {  	_ =	shalt  }
0x5a: {  	_ =	shalt  }
0x5b: {  	_ =	shalt  }
0x5c: {  	_ =	shalt  }
0x5d: {  	_ =	shalt  }
0x5e: {  	_ =	shalt  }
0x5f: {  	_ =	shalt  }
0x60: {  	_ =	shalt  }
0x61: {  	_ =	shalt  }
0x62: {  	_ =	shalt  }
0x63: {  	_ =	shalt  }
0x64: {  	_ =	shalt  }
0x65: {  	_ =	shalt  }
0x66: {  	_ =	shalt  }
0x67: {  	_ =	shalt  }
0x68: {  	_ =	shalt  }
0x69: {  	_ =	shalt  }
0x6a: {  	_ =	shalt  }
0x6b: {  	_ =	shalt  }
0x6c: {  	_ =	shalt  }
0x6d: {  	_ =	shalt  }
0x6e: {  	_ =	shalt  }
0x6f: {  	_ =	shalt  }
0x70: {  	_ =	shalt  }
0x71: {  	_ =	shalt  }
0x72: {  	_ =	shalt  }
0x73: {  	_ =	shalt  }
0x74: {  	_ =	shalt  }
0x75: {  	_ =	shalt  }
0x76: {  	_ =	shalt  }
0x77: {  	_ =	shalt  }
0x78: {  	_ =	shalt  }
0x79: {  	_ =	shalt  }
0x7a: {  	_ =	shalt  }
0x7b: {  	_ =	shalt  }
0x7c: {  	_ =	shalt  }
0x7d: {  	_ =	shalt  }
0x7e: {  	_ =	shalt  }
0x7f: {  	_ =	shalt  }
0x80: {  	_ =	shalt  }
0x81: {  	_ =	shalt  }
0x82: {  	_ =	shalt  }
0x83: {  	_ =	shalt  }
0x84: {  	_ =	shalt  }
0x85: {  	_ =	shalt  }
0x86: {  	_ =	shalt  }
0x87: {  	_ =	shalt  }
.Lfunc_end0:
.L_simem_size_0:
called_computation.2_lowered:
.L_overlay_start_0:
0x88: {  	s2 =	sld [smem:$0x3FD9]  }
0x89: {  	s3 =	sld [smem:$0x3FFE];
	_ =	sdelay $0x1  }
0x8a: {  	s1 =	srdreg.scid  }
0x8b: {  	s0 =	sand.u32 $0x1, s1  }
0x8c: {  	s14 =	sshll.u32 s0, $0xA;
	s2 =	sadd.s32 s3, s2  }
0x8d: {  	s2 =	sadd.s32 s2, s14  }
0x8e: {  	[smem:$0x3F9B] =	sst s2  }
0x8f: {  	_ = 	snop  }
0x90: {  	s2 =	sld [smem:$0x3FD0];
	_ =	sdelay $0x2  }
0x91: {  	s15 =	simm.s32 $0xA;
	s4 =	simm.s32 $0x10  }
0x92: {  	[smem:s4], [sflag:s15] =	dma.local [hbm:s2], $0x1  }
0x93: {  	_ =	swait.eq [sflag:s15], $0x1  }
0x94: {  	[sflag:s15] =	ssyncset.done $0x0  }
0x95: {  	s16 =	sld [smem:$0x10];
	[sflag:s15] =	ssyncadd.s32 $0xFFFFFFFF  }
0x96: {  	s17 =	sld [smem:$0x11];
	(tm) =	ssettm $0x1  }
0x97: {  	s18 =	sld [smem:$0x3FFB];
	_ =	sdelay $0x3  }
0x98: {  	_ =	strace s18  }
0x99: {  	s4 =	sld [smem:$0x3FFC];
	_ =	sdelay $0x3  }
0x9a: {  	_ =	strace s4  }
0x9b: {  	s4 =	sld [smem:$0x3FFD];
	_ =	sdelay $0x3  }
0x9c: {  	_ =	strace s4  }
0x9d: {  	_ =	strace $0x8FFFFFFF  }
0x9e: {  	s19 =	sld [smem:$0x3FDB];
	_ =	sdelay $0x1  }
0x9f: {  	s5 =	simm.s32 $_scs_section_size  }
0xa0: {  	s6 =	simm.s32 $_size__tile_overlayer_lowered;
	s7 =	simm.s32 $_tile_overlayer_lowered  }
0xa1: {  	s22 =	simm.s32 $0x1BFF;
	s21 =	sshll.u32 s7, $0x1;
	s4 =	sadd.s32 s5, s19  }
0xa2: {  	s8 =	simm.s32 $0x0;
	s20 =	sshll.u32 s6, $0x1;
	s6 =	sadd.s32 s21, s4  }
0xa3: {  	[timem:s8], [sflag:s22] =	dma.local [hbm:s6], s20  }
0xa4: {  	_ =	swait.ge [sflag:s22], s20  }
0xa5: {  	s5 =	ssub.s32 $0x0, s20;
	[sflag:s22] =	ssyncset.done $0x0  }
0xa6: {  	[sflag:s22] =	ssyncadd.s32 s5;
	_ =	sdelay $0x1  }
0xa7: {  	s23 =	simm.s32 $0x1B8B  }
0xa8: {  	_ =	swait.ge [sflag:s23], $0x1  }
0xa9: {  	[sflag:s23] =	ssyncset.done $0x0  }
0xaa: {  	s25 =	simm.s32 $0x1B8E;
	s24 =	sld [smem:$0x3FFE];
	[sflag:s23] =	ssyncadd.s32 $0xFFFFFFFF  }
0xab: {  	s26 =	simm.s32 $execute0_lowered;
	[smem:$0x3FD2] =	sst s25  }
0xac: {  	s6 =	sshll.u32 s26, $0x1;
	_ =	strace $0x8000004C;
	[dreg:$0x1] =	wrdreg $0xFFFFFFFF  }
0xad: {  	s28 =	simm.s32 $_size_execute0_lowered;
	s4 =	sadd.s32 s4, s6;
	[dreg:$0x0] =	wrdreg $0x0  }
0xae: {  	s6 =	sshll.u32 s28, $0x1;
	[dreg:$0x2] =	wrdreg s4  }
0xaf: {  	[dreg:$0x3] =	wrdreg s6  }
0xb0: {  	[dreg:$0x4] =	wrdreg $0xC0  }
0xb1: {  	_ =	task [dreg:s8], $0x5FFFF  }
0xb2: {  	[dreg:$0x1] =	wrdreg $0xFFFFFFFF  }
0xb3: {  	[dreg:$0x0] =	wrdreg $0x60  }
0xb4: {  	[dreg:$0x2] =	wrdreg s17  }
0xb5: {  	[dreg:$0x3] =	wrdreg s24  }
0xb6: {  	[dreg:$0x4] =	wrdreg s16  }
0xb7: {  	[dreg:$0x5] =	wrdreg $0xA8000  }
0xb8: {  	[dreg:$0x6] =	wrdreg $0x9  }
0xb9: {  	_ =	task.clear_ibuf [dreg:s8], $0x7FFFF;
	_ =	strace $0x9000004C  }
0xba: {  	s29 =	simm.s32 $0x9;
	_ =	strace $0x8000004E  }
0xbb: {  	_ =	swait.ge [sflag:s29], $0x1  }
0xbc: {  	[sflag:s29] =	ssyncadd.s32 $0xFFFFFFFF  }
0xbd: {  	_ =	strace $0x9000004E  }
0xbe: {  	_ =	sfence  }
0xbf: {  	s30 =	sld [smem:$0x0];
	_ =	sdelay $0x2  }
0xc0: {  	s31 =	sshll.u32 s1, $0xD;
	s1 =	sshrl.u32 s1, $0x2  }
0xc1: {  	s3 =	sand.u32 $0x4000, s31;
	s1 =	sadd.s32 s1, s30  }
0xc2: {  	s0 =	sor.u32 s3, s0;
	s1 =	sshll.u32 s1, $0x11  }
0xc3: {  	s0 =	sor.u32 s1, s0  }
0xc4: {  	s0 =	sadd.s32 $0x8F2B, s0  }
0xc5: {  	[sflag:s0] =	ssyncadd.remote.s32 $0x1  }
0xc6: {  	_ =	sfence.sel $0xFFFF  }
0xc7: {  	[dreg:$0x0] =	wrdreg $0xFFFFFFFF;
	(pc) =	sbr.abs _section_cstart, $3  }
0xc8: {  	[dreg:$0x1] =	wrdreg $0xFFFFFFFF  }
0xc9: {  	_ =	task.clear_ibuf [dreg:s8], $0x2FFFF;
	_ =	strace $0x9FFFFFFF  }
0xca: {  	(tm) =	ssettm $0x7FFFFFFF  }
0xcb: {  	_ =	shalt  }
tec
execute0_lowered:
.L_overlay_start_1:
0x0: {  	(tag) =	ssettag $0x1  }
0x1: {  	s1 =	rddreg [dreg:$0x0]  }
0x2: {  	s6 =	rddreg [dreg:$0x1]  }
0x3: {  	s3 =	rddreg [dreg:$0x3];
	s4 =	srdreg.scid  }
0x4: {  	s5 =	simm.s32 $0x0;
	s17 =	simm.s32 $0x2800;
	s18 =	simm.s32 $0x5  }
0x5: {  	s19 =	simm.s32 $0x1400;
	s20 =	simm.s32 $0x3;
	s21 =	simm.s32 $0x80  }
0x6: {  	s22 =	simm.s32 $0x6800;
	s28 =	simm.s32 $0x2700;
	s29 =	simm.s32 $0x0  }
0x7: {  	s7 =	sand.u32 $0x1, s4;
	s4 =	stileid.u32;
	[smem:$0x7FF] =	sst s5  }
0x8: {  	s10 =	sadd.s32 $0x14400, s6;
	s12 =	sadd.s32 $0xA400, s6;
	s8 =	smul.u32 $0x140000, s7  }
0x9: {  	s9 =	smul.u32 $0x14000, s4;
	_ =	strace $0x8000004D;
	s11 =	sshll.u32 s4, $0x1  }
0xa: {  	s24 =	smul.u32 $0x50000, s4;
	s23 =	sor.u32 s7, s11;
	s7 =	ssub.s32 $0x2, s7  }
0xb: {  	s8 =	sadd.s32 s9, s8;
	s9 =	smul.u32 $0x2800, s23;
	s25 =	sshrl.u32 s7, $0x1  }
0xc: {  	s26 =	sshrl.u32 s24, $0x2;
	s23 =	simm.s32 $0x1;
	s24 =	simm.s32 $0x2  }
0xd: {  	s8 =	sshrl.u32 s8, $0x3;
	s14 =	ssub.s32 s7, s25;
	s25 =	simm.s32 $0x4  }
0xe: {  	s13 =	sadd.s32 s8, s6;
	s30 =	sshrl.u32 s9, $0x3;
	s6 =	sadd.s32 s26, s3  }
0xf: {  	s26 =	simm.s32 $0x1300;
	s7 =	sadd.s32 s10, s30;
	s31 =	sadd.s32 $0x280, s30  }
0x10: {  	s8 =	sadd.s32 s12, s30;
	s11 =	sadd.s32 $0x1E400, s13;
	s13 =	sadd.s32 $0x4000, s6  }
0x11: {  	s15 =	sadd.s32 $0xC000, s6;
	s16 =	sadd.s32 $0x10000, s6;
	s9 =	sadd.s32 s10, s31  }
0x12: {  	s10 =	sadd.s32 s12, s31;
	s12 =	smax.u32 s14, $0x1;
	s14 =	sadd.s32 $0x8000, s6  }
.LBB2_1:
0x13: {  	s0 =	rddreg [dreg:$0x2]  }
0x14: {  	[tilespmem:s17], [sflag:$0x5] =	stream.linear.gather [hbm4b:s0+s5], $0x4000, $0x38;
	[tilespmem:$0x1E800] =	vst v63  }
0x15: {  	_ =	swait.ge [sflag:s18], $0x4000  }
0x16: {  	[sflag:s18] =	ssyncset.done $0x0  }
0x17: {  	[sflag:s18] =	ssyncadd.s32 $0xFFFFC000  }
0x18: {  	[spmem:s6] =	stream.linear.scatter [tilespmem:s17], [sflag:$0x3], $0x4000, $0x38;
	[tilespmem:$0x1E800] =	vst v63  }
0x19: {  	_ = 	snop  }
0x1a: {  	[spmem:s13] =	stream.linear.scatter [tilespmem:s17], [sflag:$0x3], $0x4000, $0x38;
	[tilespmem:$0x1E800] =	vst v63  }
0x1b: {  	_ = 	snop  }
0x1c: {  	[spmem:s14] =	stream.linear.scatter [tilespmem:s17], [sflag:$0x3], $0x4000, $0x38;
	[tilespmem:$0x1E800] =	vst v63  }
0x1d: {  	_ = 	snop  }
0x1e: {  	[spmem:s15] =	stream.linear.scatter [tilespmem:s17], [sflag:$0x3], $0x4000, $0x38;
	[tilespmem:$0x1E800] =	vst v63  }
0x1f: {  	_ = 	snop  }
0x20: {  	[spmem:s16] =	stream.linear.scatter [tilespmem:s17], [sflag:$0x3], $0x4000, $0x38;
	[tilespmem:$0x1E800] =	vst v63  }
0x21: {  	_ = 	snop  }
0x22: {  	[tilespmem:s5], [sflag:$0x5] =	stream.linear.gather [hbm4b:s7+s5], $0x1400, $0x38;
	[tilespmem:$0x1E800] =	vst v63  }
0x23: {  	_ =	swait.ge [sflag:s18], $0x1400  }
0x24: {  	[sflag:s18] =	ssyncset.done $0x0  }
0x25: {  	[sflag:s18] =	ssyncadd.s32 $0xFFFFEC00  }
0x26: {  	[tilespmem:s19], [sflag:$0x5] =	stream.linear.gather [hbm4b:s8+s5], $0x1400, $0x38;
	[tilespmem:$0x1E800] =	vst v63  }
0x27: {  	_ =	swait.ge [sflag:s18], $0x1400  }
0x28: {  	[sflag:s18] =	ssyncset.done $0x0  }
0x29: {  	[sflag:s18] =	ssyncadd.s32 $0xFFFFEC00  }
0x2a: {  	_ =	swait.ge [sflag:s20], $0x4000  }
0x2b: {  	[sflag:s20] =	ssyncset.done $0x0  }
0x2c: {  	[sflag:s20] =	ssyncadd.s32 $0xFFFFC000  }
0x2d: {  	_ =	swait.ge [sflag:s20], $0x4000  }
0x2e: {  	[sflag:s20] =	ssyncset.done $0x0  }
0x2f: {  	[sflag:s20] =	ssyncadd.s32 $0xFFFFC000  }
0x30: {  	_ =	swait.ge [sflag:s20], $0x4000  }
0x31: {  	[sflag:s20] =	ssyncset.done $0x0  }
0x32: {  	[sflag:s20] =	ssyncadd.s32 $0xFFFFC000  }
0x33: {  	_ =	swait.ge [sflag:s20], $0x4000  }
0x34: {  	[sflag:s20] =	ssyncset.done $0x0  }
0x35: {  	[sflag:s20] =	ssyncadd.s32 $0xFFFFC000  }
0x36: {  	_ =	swait.ge [sflag:s20], $0x4000  }
0x37: {  	[sflag:s20] =	ssyncset.done $0x0  }
0x38: {  	[sflag:s20] =	ssyncadd.s32 $0xFFFFC000  }
0x39: {  	s30 =	simm.s32 $0x0;
	[bflag:$0x0] =	sbarrier.arrive $0xFFFF  }
0x3a: {  	[tilespmem:s17], [sflag:$0x1] =	stream.indirect.gather [hbm4b:s1+s21], $0x80, s30, s21, $0xb8;
	[tilespmem:$0x1E800] =	vst v63  }
0x3b: {  	s30 =	simm.s32 $0x80  }
0x3c: {  	[tilespmem:s22], [sflag:$0x2] =	stream.indirect.gather [hbm4b:s1+s21], $0x80, s30, s21, $0xb8;
	[tilespmem:$0x1E800] =	vst v63  }
0x3d: {  	_ =	swait.ge [sflag:s23], $0x4000  }
0x3e: {  	[sflag:s23] =	ssyncset.done $0x0  }
0x3f: {  	s30 =	simm.s32 $0x1400;
	[sflag:s23] =	ssyncadd.s32 $0xFFFFC000  }
0x40: {  	[spmem:s3] =	stream.indirect.scatter.add.f32 [tilespmem:s17], [sflag:$0x3], $0x80, s30, s21, $0xb8;
	[tilespmem:$0x1E800] =	vst v63  }
0x41: {  	_ =	swait.ge [sflag:s24], $0x4000  }
0x42: {  	[sflag:s24] =	ssyncset.done $0x0  }
0x43: {  	s30 =	simm.s32 $0x1480;
	[sflag:s24] =	ssyncadd.s32 $0xFFFFC000  }
0x44: {  	[spmem:s3] =	stream.indirect.scatter.add.f32 [tilespmem:s22], [sflag:$0x4], $0x80, s30, s21, $0xb8;
	[tilespmem:$0x1E800] =	vst v63  }
0x45: {  	_ =	swait.ge [sflag:s20], $0x4000  }
0x46: {  	[sflag:s20] =	ssyncset.done $0x0  }
0x47: {  	[sflag:s20] =	ssyncadd.s32 $0xFFFFC000  }
0x48: {  	_ =	swait.ge [sflag:s25], $0x4000  }
0x49: {  	s31 =	simm.s32 $0x800;
	s30 =	simm.s32 $0x400;
	[sflag:s25] =	ssyncset.done $0x0  }
.LBB2_2:
0x4a: {  	s0 =	sshra.s32 s30, $0x2  }
0x4b: {  	[sflag:s25] =	ssyncadd.s32 $0xFFFFC000;
	s30 =	smov.u32 s31;
	s2 =	sadd.s32 $0x400, s31  }
0x4c: {  	[tilespmem:s17], [sflag:$0x1] =	stream.indirect.gather [hbm4b:s1+s21], $0x80, s0, s21, $0xb8;
	[tilespmem:$0x1E800] =	vst v63  }
0x4d: {  	p0 =	sne.s32 s31, $0x4C00;
	s31 =	sadd.s32 $0x80, s0  }
0x4e: {  	[tilespmem:s22], [sflag:$0x2] =	stream.indirect.gather [hbm4b:s1+s21], $0x80, s31, s21, $0xb8;
	[tilespmem:$0x1E800] =	vst v63  }
0x4f: {  	_ =	swait.ge [sflag:s23], $0x4000  }
0x50: {  	[sflag:s23] =	ssyncset.done $0x0  }
0x51: {  	s31 =	sadd.s32 $0x1400, s0;
	[sflag:s23] =	ssyncadd.s32 $0xFFFFC000  }
0x52: {  	[spmem:s3] =	stream.indirect.scatter.add.f32 [tilespmem:s17], [sflag:$0x3], $0x80, s31, s21, $0xb8;
	[tilespmem:$0x1E800] =	vst v63  }
0x53: {  	_ =	swait.ge [sflag:s24], $0x4000  }
0x54: {  	[sflag:s24] =	ssyncset.done $0x0  }
0x55: {  	s0 =	sadd.s32 $0x1480, s0;
	[sflag:s24] =	ssyncadd.s32 $0xFFFFC000  }
0x56: {  	[spmem:s3] =	stream.indirect.scatter.add.f32 [tilespmem:s22], [sflag:$0x4], $0x80, s0, s21, $0xb8;
	[tilespmem:$0x1E800] =	vst v63  }
.Ltmp0:
0x57: {  	_ =	swait.ge [sflag:s20], $0x4000;
	(pc) =	sbr.rel @p0 .LBB2_2-.Ltmp0, $4  }
0x58: {  	[sflag:s20] =	ssyncset.done $0x0  }
0x59: {  	[sflag:s20] =	ssyncadd.s32 $0xFFFFC000  }
0x5a: {  	_ =	swait.ge [sflag:s25], $0x4000  }
0x5b: {  	s31 =	smov.u32 s2;
	[sflag:s25] =	ssyncset.done $0x0  }
0x5c: {  	s0 =	sshra.s32 s30, $0x2;
	[sflag:s25] =	ssyncadd.s32 $0xFFFFC000  }
0x5d: {  	[tilespmem:s17], [sflag:$0x1] =	stream.indirect.gather [hbm4b:s1+s21], $0x80, s0, s21, $0xb8;
	[tilespmem:$0x1E800] =	vst v63  }
0x5e: {  	s2 =	sadd.s32 $0x80, s0  }
0x5f: {  	[tilespmem:s22], [sflag:$0x2] =	stream.indirect.gather [hbm4b:s1+s21], $0x80, s2, s21, $0xb8;
	[tilespmem:$0x1E800] =	vst v63  }
0x60: {  	_ =	swait.ge [sflag:s23], $0x4000  }
0x61: {  	[sflag:s23] =	ssyncset.done $0x0  }
0x62: {  	s2 =	sadd.s32 $0x1400, s0;
	[sflag:s23] =	ssyncadd.s32 $0xFFFFC000  }
0x63: {  	[spmem:s3] =	stream.indirect.scatter.add.f32 [tilespmem:s17], [sflag:$0x3], $0x80, s2, s21, $0xb8;
	[tilespmem:$0x1E800] =	vst v63  }
0x64: {  	_ =	swait.ge [sflag:s24], $0x4000  }
0x65: {  	[sflag:s24] =	ssyncset.done $0x0  }
0x66: {  	s0 =	sadd.s32 $0x1480, s0;
	[sflag:s24] =	ssyncadd.s32 $0xFFFFC000  }
0x67: {  	[spmem:s3] =	stream.indirect.scatter.add.f32 [tilespmem:s22], [sflag:$0x4], $0x80, s0, s21, $0xb8;
	[tilespmem:$0x1E800] =	vst v63  }
0x68: {  	_ =	swait.ge [sflag:s20], $0x4000  }
0x69: {  	[sflag:s20] =	ssyncset.done $0x0  }
0x6a: {  	[sflag:s20] =	ssyncadd.s32 $0xFFFFC000  }
0x6b: {  	_ =	swait.ge [sflag:s25], $0x4000  }
0x6c: {  	[sflag:s25] =	ssyncset.done $0x0  }
0x6d: {  	s2 =	simm.s32 $0x0;
	[sflag:s25] =	ssyncadd.s32 $0xFFFFC000  }
0x6e: {  	[tilespmem:s2], [sflag:$0x5] =	stream.linear.gather [hbm4b:s9+s2], $0x1380, $0x38;
	[tilespmem:$0x1E800] =	vst v63  }
0x6f: {  	_ =	swait.ge [sflag:s18], $0x1380  }
0x70: {  	[sflag:s18] =	ssyncset.done $0x0  }
0x71: {  	[sflag:s18] =	ssyncadd.s32 $0xFFFFEC80  }
0x72: {  	[tilespmem:s19], [sflag:$0x5] =	stream.linear.gather [hbm4b:s10+s2], $0x1380, $0x38;
	[tilespmem:$0x1E800] =	vst v63  }
0x73: {  	_ =	swait.ge [sflag:s18], $0x1380  }
0x74: {  	[sflag:s18] =	ssyncset.done $0x0  }
0x75: {  	s2 =	simm.s32 $0x0;
	[sflag:s18] =	ssyncadd.s32 $0xFFFFEC80  }
0x76: {  	[tilespmem:s17], [sflag:$0x1] =	stream.indirect.gather [hbm4b:s1+s21], $0x80, s2, s21, $0xb8;
	[tilespmem:$0x1E800] =	vst v63  }
0x77: {  	s2 =	simm.s32 $0x80  }
0x78: {  	[tilespmem:s22], [sflag:$0x2] =	stream.indirect.gather [hbm4b:s1+s21], $0x80, s2, s21, $0xb8;
	[tilespmem:$0x1E800] =	vst v63  }
0x79: {  	_ =	swait.ge [sflag:s23], $0x4000  }
0x7a: {  	[sflag:s23] =	ssyncset.done $0x0  }
0x7b: {  	s2 =	simm.s32 $0x1400;
	[sflag:s23] =	ssyncadd.s32 $0xFFFFC000  }
0x7c: {  	[spmem:s3] =	stream.indirect.scatter.add.f32 [tilespmem:s17], [sflag:$0x3], $0x80, s2, s21, $0xb8;
	[tilespmem:$0x1E800] =	vst v63  }
0x7d: {  	_ =	swait.ge [sflag:s24], $0x4000  }
0x7e: {  	[sflag:s24] =	ssyncset.done $0x0  }
0x7f: {  	s2 =	simm.s32 $0x1480;
	[sflag:s24] =	ssyncadd.s32 $0xFFFFC000  }
0x80: {  	[spmem:s3] =	stream.indirect.scatter.add.f32 [tilespmem:s22], [sflag:$0x4], $0x80, s2, s21, $0xb8;
	[tilespmem:$0x1E800] =	vst v63  }
0x81: {  	_ =	swait.ge [sflag:s20], $0x4000  }
0x82: {  	[sflag:s20] =	ssyncset.done $0x0  }
0x83: {  	[sflag:s20] =	ssyncadd.s32 $0xFFFFC000  }
0x84: {  	_ =	swait.ge [sflag:s25], $0x4000  }
0x85: {  	s30 =	simm.s32 $0x400;
	s31 =	simm.s32 $0x800;
	[sflag:s25] =	ssyncset.done $0x0  }
.LBB2_4:
0x86: {  	s0 =	sshra.s32 s30, $0x2  }
0x87: {  	[sflag:s25] =	ssyncadd.s32 $0xFFFFC000;
	s30 =	smov.u32 s31;
	s2 =	sadd.s32 $0x400, s31  }
0x88: {  	[tilespmem:s17], [sflag:$0x1] =	stream.indirect.gather [hbm4b:s1+s21], $0x80, s0, s21, $0xb8;
	[tilespmem:$0x1E800] =	vst v63  }
0x89: {  	p0 =	sne.s32 s31, $0x4800;
	s31 =	sadd.s32 $0x80, s0  }
0x8a: {  	[tilespmem:s22], [sflag:$0x2] =	stream.indirect.gather [hbm4b:s1+s21], $0x80, s31, s21, $0xb8;
	[tilespmem:$0x1E800] =	vst v63  }
0x8b: {  	_ =	swait.ge [sflag:s23], $0x4000  }
0x8c: {  	[sflag:s23] =	ssyncset.done $0x0  }
0x8d: {  	s31 =	sadd.s32 $0x1400, s0;
	[sflag:s23] =	ssyncadd.s32 $0xFFFFC000  }
0x8e: {  	[spmem:s3] =	stream.indirect.scatter.add.f32 [tilespmem:s17], [sflag:$0x3], $0x80, s31, s21, $0xb8;
	[tilespmem:$0x1E800] =	vst v63  }
0x8f: {  	_ =	swait.ge [sflag:s24], $0x4000  }
0x90: {  	[sflag:s24] =	ssyncset.done $0x0  }
0x91: {  	s0 =	sadd.s32 $0x1480, s0;
	[sflag:s24] =	ssyncadd.s32 $0xFFFFC000  }
0x92: {  	[spmem:s3] =	stream.indirect.scatter.add.f32 [tilespmem:s22], [sflag:$0x4], $0x80, s0, s21, $0xb8;
	[tilespmem:$0x1E800] =	vst v63  }
.Ltmp1:
0x93: {  	_ =	swait.ge [sflag:s20], $0x4000;
	(pc) =	sbr.rel @p0 .LBB2_4-.Ltmp1, $4  }
0x94: {  	[sflag:s20] =	ssyncset.done $0x0  }
0x95: {  	[sflag:s20] =	ssyncadd.s32 $0xFFFFC000  }
0x96: {  	_ =	swait.ge [sflag:s25], $0x4000  }
0x97: {  	s31 =	smov.u32 s2;
	[sflag:s25] =	ssyncset.done $0x0  }
0x98: {  	s0 =	sshra.s32 s30, $0x2;
	[sflag:s25] =	ssyncadd.s32 $0xFFFFC000  }
0x99: {  	[tilespmem:s17], [sflag:$0x1] =	stream.indirect.gather [hbm4b:s1+s21], $0x80, s0, s21, $0xb8;
	[tilespmem:$0x1E800] =	vst v63  }
0x9a: {  	s2 =	sadd.s32 $0x80, s0  }
0x9b: {  	[tilespmem:s22], [sflag:$0x2] =	stream.indirect.gather [hbm4b:s1+s21], $0x80, s2, s21, $0xb8;
	[tilespmem:$0x1E800] =	vst v63  }
0x9c: {  	_ =	swait.ge [sflag:s23], $0x4000  }
0x9d: {  	[sflag:s23] =	ssyncset.done $0x0  }
0x9e: {  	s31 =	sadd.s32 $0x1400, s0;
	[sflag:s23] =	ssyncadd.s32 $0xFFFFC000  }
0x9f: {  	[spmem:s3] =	stream.indirect.scatter.add.f32 [tilespmem:s17], [sflag:$0x3], $0x80, s31, s21, $0xb8;
	[tilespmem:$0x1E800] =	vst v63  }
0xa0: {  	_ =	swait.ge [sflag:s24], $0x4000  }
0xa1: {  	[sflag:s24] =	ssyncset.done $0x0  }
0xa2: {  	s0 =	sadd.s32 $0x1480, s0;
	[sflag:s24] =	ssyncadd.s32 $0xFFFFC000  }
0xa3: {  	[spmem:s3] =	stream.indirect.scatter.add.f32 [tilespmem:s22], [sflag:$0x4], $0x80, s0, s21, $0xb8;
	[tilespmem:$0x1E800] =	vst v63  }
0xa4: {  	_ =	swait.ge [sflag:s20], $0x4000  }
0xa5: {  	[sflag:s20] =	ssyncset.done $0x0  }
0xa6: {  	[sflag:s20] =	ssyncadd.s32 $0xFFFFC000  }
0xa7: {  	_ =	swait.ge [sflag:s25], $0x4000  }
0xa8: {  	[sflag:s25] =	ssyncset.done $0x0  }
0xa9: {  	[sflag:s25] =	ssyncadd.s32 $0xFFFFC000  }
0xaa: {  	[tilespmem:s17], [sflag:$0x1] =	stream.indirect.gather [hbm4b:s1+s21], $0x80, s26, s21, $0xb8;
	[tilespmem:$0x1E800] =	vst v63  }
0xab: {  	_ =	swait.ge [sflag:s23], $0x4000  }
0xac: {  	[sflag:s23] =	ssyncset.done $0x0  }
0xad: {  	[sflag:s23] =	ssyncadd.s32 $0xFFFFC000  }
0xae: {  	[spmem:s3] =	stream.indirect.scatter.add.f32 [tilespmem:s17], [sflag:$0x3], $0x80, s28, s21, $0xb8;
	[tilespmem:$0x1E800] =	vst v63  }
0xaf: {  	_ =	swait.ge [sflag:s20], $0x4000  }
0xb0: {  	s30 =	sshll.u32 s4, $0x6;
	s29 =	sadd.s32 $0x1, s29;
	[sflag:s20] =	ssyncset.done $0x0  }
0xb1: {  	p0 =	sne.s32 s29, s12;
	s31 =	sshrl.u32 s6, $0x3;
	[sflag:s20] =	ssyncadd.s32 $0xFFFFC000  }
.Ltmp2:
0xb2: {  	s0 =	sor.u32 $0x1C05, s30;
	[bflag:$0x0] =	sbarrier.arrive $0xFFFF;
	(pc) =	sbr.rel @p0 .LBB2_1-.Ltmp2, $4  }
0xb3: {  	[hbm:s11], [sflag:s0] =	dma.local [spmem:s31], $0x2800  }
0xb4: {  	_ =	swait.ge [sflag:s18], $0x2800  }
0xb5: {  	[sflag:s18] =	ssyncset.done $0x0  }
0xb6: {  	[sflag:s18] =	ssyncadd.s32 $0xFFFFD800  }
0xb7: {  	_ =	sfence.sel $0x180000  }
0xb8: {  	[bflag:$0x0] =	sbarrier.arrive $0xFFFF  }
0xb9: {  	_ =	strace $0x9000004D  }
0xba: {  	[bflag:$0x2] =	sbarrier.arrive $0xFFFF  }
0xbb: {  	p0 =	sne.s32 s4, $0x0;
	s0 =	rddreg [dreg:$0x4]  }
0xbc: {  	s0 =	sadd.s32 @!p0 $0x100000, s0  }
0xbd: {  	[sflag:s0] =	ssyncadd.tile.s32 @!p0 $0x1;
	_ =	shalt  }
.Lfunc_end2:
_tile_overlayer_lowered:
.L_overlay_start_2:
0xbe: {  	(tag) =	ssettag $0x2  }
0xbf: {  	s0 =	rddreg [dreg:$0x0];
	s2 =	stileid.u32  }
0xc0: {  	s1 =	rddreg [dreg:$0x1];
	p0 =	sne.s32 s2, $0x0  }
0xc1: {  	s3 =	rddreg [dreg:$0x2];
	[bflag:$0x3] =	sbarrier.arrive $0xFFFF;
	s2 =	simm.s32 @!p0 $0x1C05  }
0xc2: {  	[timem:s3], [sflag:s2] =	dma.local @!p0 [hbm:s0], s1  }
0xc3: {  	s0 =	simm.s32 @!p0 $0x5  }
0xc4: {  	_ =	swait.ge @!p0 [sflag:s0], s1  }
0xc5: {  	s1 =	ssub.s32 @!p0 $0x0, s1;
	[sflag:s0] =	ssyncset.done @!p0 $0x0  }
0xc6: {  	[sflag:s0] =	ssyncadd.s32 @!p0 s1  }
0xc7: {  	[bflag:$0x3] =	sbarrier.arrive $0xFFFF  }
0xc8: {  	_ =	shalt  }

// kernel: kernel.21.cloned.1.call-start
scs
__scs_entry_jumppad:
0x0: {  	(pc) =	sbr.rel $0x88, $3  }
0x1: {  	(tag) =	ssettag $0x0;
	lr =	simm.s32 $0x1  }
0x2: {  	[smem:$0x3F74] =	sst lr;
	_ =	strace $0xD0000000  }
0x3: {  	_ = 	snop  }
0x4: {  	_ = 	snop  }
0x5: {  	_ = 	snop  }
0x6: {  	_ = 	snop  }
0x7: {  	_ = 	snop  }
__scs_overlays_trampoline_lowered:
0x8: {  	[smem:$0x3F83] =	sst s0  }
0x9: {  	[smem:$0x3F84] =	sst s1  }
0xa: {  	[smem:$0x3F85] =	sst s2  }
0xb: {  	[smem:$0x3F86] =	sst s3  }
0xc: {  	[smem:$0x3F87] =	sst s4  }
0xd: {  	[smem:$0x3F88] =	sst s5  }
0xe: {  	[smem:$0x3F89] =	sst s6  }
0xf: {  	[smem:$0x3F8A] =	sst s7  }
0x10: {  	[smem:$0x3F8B] =	sst s8  }
0x11: {  	[smem:$0x3F8C] =	sst s9;
	s0 =	simm.s32 @!p0 $0x0  }
0x12: {  	s1 =	sld [smem:$0x3F72];
	s0 =	simm.s32 @p0 $0x1  }
0x13: {  	[smem:$0x3F8D] =	sst s0;
	s0 =	simm.s32 @!p1 $0x0  }
0x14: {  	s2 =	sld [smem:$0x3F71];
	s0 =	simm.s32 @p1 $0x1  }
0x15: {  	[smem:$0x3F8E] =	sst s0;
	s0 =	simm.s32 @!p2 $0x0  }
0x16: {  	s3 =	sld [smem:$0x3FDB];
	s0 =	simm.s32 @p2 $0x1  }
0x17: {  	s4 =	simm.s32 $0x1BF5;
	[smem:$0x3F90] =	sst s0  }
0x18: {  	s0 =	sld [smem:$0x3F73];
	_ =	swait.ge [sflag:s4], $0x0  }
0x19: {  	s7 =	sld [smem:$0x3F74]  }
0x1a: {  	s8 =	sadd.s32 $0xFFFFE003, lr  }
0x1b: {  	s9 =	sadd.s32 $0xFFFFFEF7, lr;
	s5 =	simm.s32 $0xFFFFFFFF;
	p2 =	slt.u32 s8, $0xFFFFF086  }
0x1c: {  	p1 =	slt.u32 s9, $0xF7A;
	s5 =	simm.s32 @!p2 $0x0  }
0x1d: {  	s5 =	simm.s32 @p1 $0x1;
	p0 =	seq.s32 s7, s2  }
0x1e: {  	s7 =	smul.u32 @!p0 $0xF7A, s2;
	p2 =	seq.s32 @!p0 s5, $0x0  }
0x1f: {  	s9 =	smul.u32 $0xF7A, s1;
	s8 =	simm.s32 @!p0 $0x1BF5;
	p2 =	por !p2, p0  }
0x20: {  	[sflag:s8] =	ssyncset.s32 @!p0 $0xFFFFF086;
	s6 =	sadd.s32 @!p0 s3, s7;
	s7 =	simm.s32 @!p0 $0x108  }
0x21: {  	s3 =	sadd.s32 s3, s9;
	s6 =	sadd.s32 @!p0 $0x88, s6;
	s7 =	simm.s32 @p2 $0x1082  }
0x22: {  	[simem:s7], [sflag:s8] =	dma.local @!p0 [hbm:s6], $0xF7A  }
0x23: {  	s9 =	sor.u32 $0xD0000000, s2;
	s6 =	simm.s32 $0x108;
	_ =	swait.ge @!p0 [sflag:s8], $0x0  }
0x24: {  	s3 =	sadd.s32 $0x88, s3;
	s6 =	simm.s32 @!p1 $0x1082;
	[sflag:s4] =	ssyncset.s32 $0xFFFFF086  }
0x25: {  	[simem:s6], [sflag:s4] =	dma.local [hbm:s3], $0xF7A  }
0x26: {  	[smem:$0x3F74] =	sst s1;
	(tag) =	ssettag s2;
	_ =	strace s9  }
0x27: {  	s1 =	sld [smem:$0x3F84]  }
0x28: {  	s2 =	sld [smem:$0x3F85]  }
0x29: {  	s4 =	sld [smem:$0x3F87]  }
0x2a: {  	p0 =	seq.s32 s5, $0x0;
	s5 =	sld [smem:$0x3F88]  }
0x2b: {  	s6 =	sld [smem:$0x3F89]  }
0x2c: {  	s7 =	sld [smem:$0x3F8A]  }
0x2d: {  	s3 =	simm.s32 $0x108;
	s8 =	sld [smem:$0x3F8B]  }
0x2e: {  	s3 =	simm.s32 @!p0 $0x1082;
	s9 =	sld [smem:$0x3F8C]  }
0x2f: {  	lr =	sadd.s32 s0, s3;
	s0 =	sld [smem:$0x3F83]  }
0x30: {  	s3 =	sld [smem:$0x3F86]  }
0x31: {  	[smem:$0x3F8F] =	sst s10  }
0x32: {  	s10 =	sld [smem:$0x3F8D];
	_ =	sdelay $0x3  }
0x33: {  	p0 =	seq.s32 s10, $0x1;
	s10 =	sld [smem:$0x3F8F];
	_ =	sdelay $0x3  }
0x34: {  	[smem:$0x3F8F] =	sst s10  }
0x35: {  	s10 =	sld [smem:$0x3F8E];
	_ =	sdelay $0x3  }
0x36: {  	p1 =	seq.s32 s10, $0x1;
	s10 =	sld [smem:$0x3F8F];
	_ =	sdelay $0x3  }
0x37: {  	[smem:$0x3F8F] =	sst s10  }
0x38: {  	s10 =	sld [smem:$0x3F90]  }
0x39: {  	_ = 	snop;
	(pc) =	sbr.ind lr, $3  }
0x3a: {  	_ = 	snop  }
0x3b: {  	_ = 	snop  }
0x3c: {  	p2 =	seq.s32 s10, $0x1;
	s10 =	sld [smem:$0x3F8F]  }
0x3d: {  	_ =	shalt  }
0x3e: {  	_ =	shalt  }
0x3f: {  	_ =	shalt  }
0x40: {  	_ =	shalt  }
0x41: {  	_ =	shalt  }
0x42: {  	_ =	shalt  }
0x43: {  	_ =	shalt  }
0x44: {  	_ =	shalt  }
0x45: {  	_ =	shalt  }
0x46: {  	_ =	shalt  }
0x47: {  	_ =	shalt  }
0x48: {  	_ =	shalt  }
0x49: {  	_ =	shalt  }
0x4a: {  	_ =	shalt  }
0x4b: {  	_ =	shalt  }
0x4c: {  	_ =	shalt  }
0x4d: {  	_ =	shalt  }
0x4e: {  	_ =	shalt  }
0x4f: {  	_ =	shalt  }
0x50: {  	_ =	shalt  }
0x51: {  	_ =	shalt  }
0x52: {  	_ =	shalt  }
0x53: {  	_ =	shalt  }
0x54: {  	_ =	shalt  }
0x55: {  	_ =	shalt  }
0x56: {  	_ =	shalt  }
0x57: {  	_ =	shalt  }
0x58: {  	_ =	shalt  }
0x59: {  	_ =	shalt  }
0x5a: {  	_ =	shalt  }
0x5b: {  	_ =	shalt  }
0x5c: {  	_ =	shalt  }
0x5d: {  	_ =	shalt  }
0x5e: {  	_ =	shalt  }
0x5f: {  	_ =	shalt  }
0x60: {  	_ =	shalt  }
0x61: {  	_ =	shalt  }
0x62: {  	_ =	shalt  }
0x63: {  	_ =	shalt  }
0x64: {  	_ =	shalt  }
0x65: {  	_ =	shalt  }
0x66: {  	_ =	shalt  }
0x67: {  	_ =	shalt  }
0x68: {  	_ =	shalt  }
0x69: {  	_ =	shalt  }
0x6a: {  	_ =	shalt  }
0x6b: {  	_ =	shalt  }
0x6c: {  	_ =	shalt  }
0x6d: {  	_ =	shalt  }
0x6e: {  	_ =	shalt  }
0x6f: {  	_ =	shalt  }
0x70: {  	_ =	shalt  }
0x71: {  	_ =	shalt  }
0x72: {  	_ =	shalt  }
0x73: {  	_ =	shalt  }
0x74: {  	_ =	shalt  }
0x75: {  	_ =	shalt  }
0x76: {  	_ =	shalt  }
0x77: {  	_ =	shalt  }
0x78: {  	_ =	shalt  }
0x79: {  	_ =	shalt  }
0x7a: {  	_ =	shalt  }
0x7b: {  	_ =	shalt  }
0x7c: {  	_ =	shalt  }
0x7d: {  	_ =	shalt  }
0x7e: {  	_ =	shalt  }
0x7f: {  	_ =	shalt  }
0x80: {  	_ =	shalt  }
0x81: {  	_ =	shalt  }
0x82: {  	_ =	shalt  }
0x83: {  	_ =	shalt  }
0x84: {  	_ =	shalt  }
0x85: {  	_ =	shalt  }
0x86: {  	_ =	shalt  }
0x87: {  	_ =	shalt  }
.Lfunc_end0:
.L_simem_size_0:
called_computation.3_lowered:
.L_overlay_start_0:
0x88: {  	s2 =	sld [smem:$0x3FD9]  }
0x89: {  	s3 =	sld [smem:$0x3FFE];
	_ =	sdelay $0x1  }
0x8a: {  	s1 =	srdreg.scid  }
0x8b: {  	s0 =	sand.u32 $0x1, s1  }
0x8c: {  	s14 =	sshll.u32 s0, $0xA;
	s2 =	sadd.s32 s3, s2  }
0x8d: {  	s2 =	sadd.s32 s2, s14  }
0x8e: {  	[smem:$0x3F9B] =	sst s2  }
0x8f: {  	_ = 	snop  }
0x90: {  	s2 =	sld [smem:$0x3FD0];
	_ =	sdelay $0x2  }
0x91: {  	s15 =	simm.s32 $0xA;
	s4 =	simm.s32 $0x10  }
0x92: {  	[smem:s4], [sflag:s15] =	dma.local [hbm:s2], $0x1  }
0x93: {  	_ =	swait.eq [sflag:s15], $0x1  }
0x94: {  	[sflag:s15] =	ssyncset.done $0x0  }
0x95: {  	s16 =	sld [smem:$0x10];
	[sflag:s15] =	ssyncadd.s32 $0xFFFFFFFF  }
0x96: {  	s17 =	sld [smem:$0x11];
	(tm) =	ssettm $0x1  }
0x97: {  	s18 =	sld [smem:$0x3FFB];
	_ =	sdelay $0x3  }
0x98: {  	_ =	strace s18  }
0x99: {  	s4 =	sld [smem:$0x3FFC];
	_ =	sdelay $0x3  }
0x9a: {  	_ =	strace s4  }
0x9b: {  	s4 =	sld [smem:$0x3FFD];
	_ =	sdelay $0x3  }
0x9c: {  	_ =	strace s4  }
0x9d: {  	_ =	strace $0x8FFFFFFF  }
0x9e: {  	s19 =	sld [smem:$0x3FDB];
	_ =	sdelay $0x1  }
0x9f: {  	s5 =	simm.s32 $_scs_section_size  }
0xa0: {  	s6 =	simm.s32 $_size__tile_overlayer_lowered;
	s7 =	simm.s32 $_tile_overlayer_lowered  }
0xa1: {  	s22 =	simm.s32 $0x1BFF;
	s21 =	sshll.u32 s7, $0x1;
	s4 =	sadd.s32 s5, s19  }
0xa2: {  	s8 =	simm.s32 $0x0;
	s20 =	sshll.u32 s6, $0x1;
	s6 =	sadd.s32 s21, s4  }
0xa3: {  	[timem:s8], [sflag:s22] =	dma.local [hbm:s6], s20  }
0xa4: {  	_ =	swait.ge [sflag:s22], s20  }
0xa5: {  	s5 =	ssub.s32 $0x0, s20;
	[sflag:s22] =	ssyncset.done $0x0  }
0xa6: {  	[sflag:s22] =	ssyncadd.s32 s5;
	_ =	sdelay $0x1  }
0xa7: {  	s23 =	simm.s32 $0x1B8B  }
0xa8: {  	_ =	swait.ge [sflag:s23], $0x1  }
0xa9: {  	[sflag:s23] =	ssyncset.done $0x0  }
0xaa: {  	s25 =	simm.s32 $0x1B8E;
	s24 =	sld [smem:$0x3FFE];
	[sflag:s23] =	ssyncadd.s32 $0xFFFFFFFF  }
0xab: {  	s26 =	simm.s32 $execute0_lowered;
	[smem:$0x3FD2] =	sst s25  }
0xac: {  	s6 =	sshll.u32 s26, $0x1;
	_ =	strace $0x8000004F;
	[dreg:$0x1] =	wrdreg $0xFFFFFFFF  }
0xad: {  	s28 =	simm.s32 $_size_execute0_lowered;
	s4 =	sadd.s32 s4, s6;
	[dreg:$0x0] =	wrdreg $0x0  }
0xae: {  	s6 =	sshll.u32 s28, $0x1;
	[dreg:$0x2] =	wrdreg s4  }
0xaf: {  	[dreg:$0x3] =	wrdreg s6  }
0xb0: {  	[dreg:$0x4] =	wrdreg $0xC0  }
0xb1: {  	_ =	task [dreg:s8], $0x5FFFF  }
0xb2: {  	[dreg:$0x1] =	wrdreg $0xFFFFFFFF  }
0xb3: {  	[dreg:$0x0] =	wrdreg $0x60  }
0xb4: {  	[dreg:$0x2] =	wrdreg s17  }
0xb5: {  	[dreg:$0x3] =	wrdreg s24  }
0xb6: {  	[dreg:$0x4] =	wrdreg s16  }
0xb7: {  	[dreg:$0x5] =	wrdreg $0xA8000  }
0xb8: {  	[dreg:$0x6] =	wrdreg $0x9  }
0xb9: {  	_ =	task.clear_ibuf [dreg:s8], $0x7FFFF;
	_ =	strace $0x9000004F  }
0xba: {  	s29 =	simm.s32 $0x9;
	_ =	strace $0x80000051  }
0xbb: {  	_ =	swait.ge [sflag:s29], $0x1  }
0xbc: {  	[sflag:s29] =	ssyncadd.s32 $0xFFFFFFFF  }
0xbd: {  	_ =	strace $0x90000051  }
0xbe: {  	_ =	sfence  }
0xbf: {  	s30 =	sld [smem:$0x0];
	_ =	sdelay $0x2  }
0xc0: {  	s31 =	sshll.u32 s1, $0xD;
	s1 =	sshrl.u32 s1, $0x2  }
0xc1: {  	s3 =	sand.u32 $0x4000, s31;
	s1 =	sadd.s32 s1, s30  }
0xc2: {  	s0 =	sor.u32 s3, s0;
	s1 =	sshll.u32 s1, $0x11  }
0xc3: {  	s0 =	sor.u32 s1, s0  }
0xc4: {  	s0 =	sadd.s32 $0x8F2B, s0  }
0xc5: {  	[sflag:s0] =	ssyncadd.remote.s32 $0x1  }
0xc6: {  	_ =	sfence.sel $0xFFFF  }
0xc7: {  	[dreg:$0x0] =	wrdreg $0xFFFFFFFF;
	(pc) =	sbr.abs _section_cstart, $3  }
0xc8: {  	[dreg:$0x1] =	wrdreg $0xFFFFFFFF  }
0xc9: {  	_ =	task.clear_ibuf [dreg:s8], $0x2FFFF;
	_ =	strace $0x9FFFFFFF  }
0xca: {  	(tm) =	ssettm $0x7FFFFFFF  }
0xcb: {  	_ =	shalt  }
tec
execute0_lowered:
.L_overlay_start_1:
0x0: {  	(tag) =	ssettag $0x1  }
0x1: {  	s1 =	rddreg [dreg:$0x0]  }
0x2: {  	s6 =	rddreg [dreg:$0x1]  }
0x3: {  	s3 =	rddreg [dreg:$0x3];
	s4 =	srdreg.scid  }
0x4: {  	s5 =	simm.s32 $0x0;
	s17 =	simm.s32 $0x2800;
	s18 =	simm.s32 $0x5  }
0x5: {  	s19 =	simm.s32 $0x1400;
	s20 =	simm.s32 $0x3;
	s21 =	simm.s32 $0x80  }
0x6: {  	s22 =	simm.s32 $0x6800;
	s28 =	simm.s32 $0x2700;
	s29 =	simm.s32 $0x0  }
0x7: {  	s7 =	sand.u32 $0x1, s4;
	s4 =	stileid.u32;
	[smem:$0x7FF] =	sst s5  }
0x8: {  	s10 =	sadd.s32 $0x14400, s6;
	s12 =	sadd.s32 $0xA400, s6;
	s8 =	smul.u32 $0x140000, s7  }
0x9: {  	s9 =	smul.u32 $0x14000, s4;
	_ =	strace $0x80000050;
	s11 =	sshll.u32 s4, $0x1  }
0xa: {  	s24 =	smul.u32 $0x50000, s4;
	s23 =	sor.u32 s7, s11;
	s7 =	ssub.s32 $0x2, s7  }
0xb: {  	s8 =	sadd.s32 s9, s8;
	s9 =	smul.u32 $0x2800, s23;
	s25 =	sshrl.u32 s7, $0x1  }
0xc: {  	s26 =	sshrl.u32 s24, $0x2;
	s23 =	simm.s32 $0x1;
	s24 =	simm.s32 $0x2  }
0xd: {  	s8 =	sshrl.u32 s8, $0x3;
	s14 =	ssub.s32 s7, s25;
	s25 =	simm.s32 $0x4  }
0xe: {  	s13 =	sadd.s32 s8, s6;
	s30 =	sshrl.u32 s9, $0x3;
	s6 =	sadd.s32 s26, s3  }
0xf: {  	s26 =	simm.s32 $0x1300;
	s7 =	sadd.s32 s10, s30;
	s31 =	sadd.s32 $0x280, s30  }
0x10: {  	s8 =	sadd.s32 s12, s30;
	s11 =	sadd.s32 $0x1E400, s13;
	s13 =	sadd.s32 $0x4000, s6  }
0x11: {  	s15 =	sadd.s32 $0xC000, s6;
	s16 =	sadd.s32 $0x10000, s6;
	s9 =	sadd.s32 s10, s31  }
0x12: {  	s10 =	sadd.s32 s12, s31;
	s12 =	smax.u32 s14, $0x1;
	s14 =	sadd.s32 $0x8000, s6  }
.LBB2_1:
0x13: {  	s0 =	rddreg [dreg:$0x2]  }
0x14: {  	[tilespmem:s17], [sflag:$0x5] =	stream.linear.gather [hbm4b:s0+s5], $0x4000, $0x38;
	[tilespmem:$0x1E800] =	vst v63  }
0x15: {  	_ =	swait.ge [sflag:s18], $0x4000  }
0x16: {  	[sflag:s18] =	ssyncset.done $0x0  }
0x17: {  	[sflag:s18] =	ssyncadd.s32 $0xFFFFC000  }
0x18: {  	[spmem:s6] =	stream.linear.scatter [tilespmem:s17], [sflag:$0x3], $0x4000, $0x38;
	[tilespmem:$0x1E800] =	vst v63  }
0x19: {  	_ = 	snop  }
0x1a: {  	[spmem:s13] =	stream.linear.scatter [tilespmem:s17], [sflag:$0x3], $0x4000, $0x38;
	[tilespmem:$0x1E800] =	vst v63  }
0x1b: {  	_ = 	snop  }
0x1c: {  	[spmem:s14] =	stream.linear.scatter [tilespmem:s17], [sflag:$0x3], $0x4000, $0x38;
	[tilespmem:$0x1E800] =	vst v63  }
0x1d: {  	_ = 	snop  }
0x1e: {  	[spmem:s15] =	stream.linear.scatter [tilespmem:s17], [sflag:$0x3], $0x4000, $0x38;
	[tilespmem:$0x1E800] =	vst v63  }
0x1f: {  	_ = 	snop  }
0x20: {  	[spmem:s16] =	stream.linear.scatter [tilespmem:s17], [sflag:$0x3], $0x4000, $0x38;
	[tilespmem:$0x1E800] =	vst v63  }
0x21: {  	_ = 	snop  }
0x22: {  	[tilespmem:s5], [sflag:$0x5] =	stream.linear.gather [hbm4b:s7+s5], $0x1400, $0x38;
	[tilespmem:$0x1E800] =	vst v63  }
0x23: {  	_ =	swait.ge [sflag:s18], $0x1400  }
0x24: {  	[sflag:s18] =	ssyncset.done $0x0  }
0x25: {  	[sflag:s18] =	ssyncadd.s32 $0xFFFFEC00  }
0x26: {  	[tilespmem:s19], [sflag:$0x5] =	stream.linear.gather [hbm4b:s8+s5], $0x1400, $0x38;
	[tilespmem:$0x1E800] =	vst v63  }
0x27: {  	_ =	swait.ge [sflag:s18], $0x1400  }
0x28: {  	[sflag:s18] =	ssyncset.done $0x0  }
0x29: {  	[sflag:s18] =	ssyncadd.s32 $0xFFFFEC00  }
0x2a: {  	_ =	swait.ge [sflag:s20], $0x4000  }
0x2b: {  	[sflag:s20] =	ssyncset.done $0x0  }
0x2c: {  	[sflag:s20] =	ssyncadd.s32 $0xFFFFC000  }
0x2d: {  	_ =	swait.ge [sflag:s20], $0x4000  }
0x2e: {  	[sflag:s20] =	ssyncset.done $0x0  }
0x2f: {  	[sflag:s20] =	ssyncadd.s32 $0xFFFFC000  }
0x30: {  	_ =	swait.ge [sflag:s20], $0x4000  }
0x31: {  	[sflag:s20] =	ssyncset.done $0x0  }
0x32: {  	[sflag:s20] =	ssyncadd.s32 $0xFFFFC000  }
0x33: {  	_ =	swait.ge [sflag:s20], $0x4000  }
0x34: {  	[sflag:s20] =	ssyncset.done $0x0  }
0x35: {  	[sflag:s20] =	ssyncadd.s32 $0xFFFFC000  }
0x36: {  	_ =	swait.ge [sflag:s20], $0x4000  }
0x37: {  	[sflag:s20] =	ssyncset.done $0x0  }
0x38: {  	[sflag:s20] =	ssyncadd.s32 $0xFFFFC000  }
0x39: {  	s30 =	simm.s32 $0x0;
	[bflag:$0x0] =	sbarrier.arrive $0xFFFF  }
0x3a: {  	[tilespmem:s17], [sflag:$0x1] =	stream.indirect.gather [hbm4b:s1+s21], $0x80, s30, s21, $0xb8;
	[tilespmem:$0x1E800] =	vst v63  }
0x3b: {  	s30 =	simm.s32 $0x80  }
0x3c: {  	[tilespmem:s22], [sflag:$0x2] =	stream.indirect.gather [hbm4b:s1+s21], $0x80, s30, s21, $0xb8;
	[tilespmem:$0x1E800] =	vst v63  }
0x3d: {  	_ =	swait.ge [sflag:s23], $0x4000  }
0x3e: {  	[sflag:s23] =	ssyncset.done $0x0  }
0x3f: {  	s30 =	simm.s32 $0x1400;
	[sflag:s23] =	ssyncadd.s32 $0xFFFFC000  }
0x40: {  	[spmem:s3] =	stream.indirect.scatter.add.f32 [tilespmem:s17], [sflag:$0x3], $0x80, s30, s21, $0xb8;
	[tilespmem:$0x1E800] =	vst v63  }
0x41: {  	_ =	swait.ge [sflag:s24], $0x4000  }
0x42: {  	[sflag:s24] =	ssyncset.done $0x0  }
0x43: {  	s30 =	simm.s32 $0x1480;
	[sflag:s24] =	ssyncadd.s32 $0xFFFFC000  }
0x44: {  	[spmem:s3] =	stream.indirect.scatter.add.f32 [tilespmem:s22], [sflag:$0x4], $0x80, s30, s21, $0xb8;
	[tilespmem:$0x1E800] =	vst v63  }
0x45: {  	_ =	swait.ge [sflag:s20], $0x4000  }
0x46: {  	[sflag:s20] =	ssyncset.done $0x0  }
0x47: {  	[sflag:s20] =	ssyncadd.s32 $0xFFFFC000  }
0x48: {  	_ =	swait.ge [sflag:s25], $0x4000  }
0x49: {  	s31 =	simm.s32 $0x800;
	s30 =	simm.s32 $0x400;
	[sflag:s25] =	ssyncset.done $0x0  }
.LBB2_2:
0x4a: {  	s0 =	sshra.s32 s30, $0x2  }
0x4b: {  	[sflag:s25] =	ssyncadd.s32 $0xFFFFC000;
	s30 =	smov.u32 s31;
	s2 =	sadd.s32 $0x400, s31  }
0x4c: {  	[tilespmem:s17], [sflag:$0x1] =	stream.indirect.gather [hbm4b:s1+s21], $0x80, s0, s21, $0xb8;
	[tilespmem:$0x1E800] =	vst v63  }
0x4d: {  	p0 =	sne.s32 s31, $0x4C00;
	s31 =	sadd.s32 $0x80, s0  }
0x4e: {  	[tilespmem:s22], [sflag:$0x2] =	stream.indirect.gather [hbm4b:s1+s21], $0x80, s31, s21, $0xb8;
	[tilespmem:$0x1E800] =	vst v63  }
0x4f: {  	_ =	swait.ge [sflag:s23], $0x4000  }
0x50: {  	[sflag:s23] =	ssyncset.done $0x0  }
0x51: {  	s31 =	sadd.s32 $0x1400, s0;
	[sflag:s23] =	ssyncadd.s32 $0xFFFFC000  }
0x52: {  	[spmem:s3] =	stream.indirect.scatter.add.f32 [tilespmem:s17], [sflag:$0x3], $0x80, s31, s21, $0xb8;
	[tilespmem:$0x1E800] =	vst v63  }
0x53: {  	_ =	swait.ge [sflag:s24], $0x4000  }
0x54: {  	[sflag:s24] =	ssyncset.done $0x0  }
0x55: {  	s0 =	sadd.s32 $0x1480, s0;
	[sflag:s24] =	ssyncadd.s32 $0xFFFFC000  }
0x56: {  	[spmem:s3] =	stream.indirect.scatter.add.f32 [tilespmem:s22], [sflag:$0x4], $0x80, s0, s21, $0xb8;
	[tilespmem:$0x1E800] =	vst v63  }
.Ltmp0:
0x57: {  	_ =	swait.ge [sflag:s20], $0x4000;
	(pc) =	sbr.rel @p0 .LBB2_2-.Ltmp0, $4  }
0x58: {  	[sflag:s20] =	ssyncset.done $0x0  }
0x59: {  	[sflag:s20] =	ssyncadd.s32 $0xFFFFC000  }
0x5a: {  	_ =	swait.ge [sflag:s25], $0x4000  }
0x5b: {  	s31 =	smov.u32 s2;
	[sflag:s25] =	ssyncset.done $0x0  }
0x5c: {  	s0 =	sshra.s32 s30, $0x2;
	[sflag:s25] =	ssyncadd.s32 $0xFFFFC000  }
0x5d: {  	[tilespmem:s17], [sflag:$0x1] =	stream.indirect.gather [hbm4b:s1+s21], $0x80, s0, s21, $0xb8;
	[tilespmem:$0x1E800] =	vst v63  }
0x5e: {  	s2 =	sadd.s32 $0x80, s0  }
0x5f: {  	[tilespmem:s22], [sflag:$0x2] =	stream.indirect.gather [hbm4b:s1+s21], $0x80, s2, s21, $0xb8;
	[tilespmem:$0x1E800] =	vst v63  }
0x60: {  	_ =	swait.ge [sflag:s23], $0x4000  }
0x61: {  	[sflag:s23] =	ssyncset.done $0x0  }
0x62: {  	s2 =	sadd.s32 $0x1400, s0;
	[sflag:s23] =	ssyncadd.s32 $0xFFFFC000  }
0x63: {  	[spmem:s3] =	stream.indirect.scatter.add.f32 [tilespmem:s17], [sflag:$0x3], $0x80, s2, s21, $0xb8;
	[tilespmem:$0x1E800] =	vst v63  }
0x64: {  	_ =	swait.ge [sflag:s24], $0x4000  }
0x65: {  	[sflag:s24] =	ssyncset.done $0x0  }
0x66: {  	s0 =	sadd.s32 $0x1480, s0;
	[sflag:s24] =	ssyncadd.s32 $0xFFFFC000  }
0x67: {  	[spmem:s3] =	stream.indirect.scatter.add.f32 [tilespmem:s22], [sflag:$0x4], $0x80, s0, s21, $0xb8;
	[tilespmem:$0x1E800] =	vst v63  }
0x68: {  	_ =	swait.ge [sflag:s20], $0x4000  }
0x69: {  	[sflag:s20] =	ssyncset.done $0x0  }
0x6a: {  	[sflag:s20] =	ssyncadd.s32 $0xFFFFC000  }
0x6b: {  	_ =	swait.ge [sflag:s25], $0x4000  }
0x6c: {  	[sflag:s25] =	ssyncset.done $0x0  }
0x6d: {  	s2 =	simm.s32 $0x0;
	[sflag:s25] =	ssyncadd.s32 $0xFFFFC000  }
0x6e: {  	[tilespmem:s2], [sflag:$0x5] =	stream.linear.gather [hbm4b:s9+s2], $0x1380, $0x38;
	[tilespmem:$0x1E800] =	vst v63  }
0x6f: {  	_ =	swait.ge [sflag:s18], $0x1380  }
0x70: {  	[sflag:s18] =	ssyncset.done $0x0  }
0x71: {  	[sflag:s18] =	ssyncadd.s32 $0xFFFFEC80  }
0x72: {  	[tilespmem:s19], [sflag:$0x5] =	stream.linear.gather [hbm4b:s10+s2], $0x1380, $0x38;
	[tilespmem:$0x1E800] =	vst v63  }
0x73: {  	_ =	swait.ge [sflag:s18], $0x1380  }
0x74: {  	[sflag:s18] =	ssyncset.done $0x0  }
0x75: {  	s2 =	simm.s32 $0x0;
	[sflag:s18] =	ssyncadd.s32 $0xFFFFEC80  }
0x76: {  	[tilespmem:s17], [sflag:$0x1] =	stream.indirect.gather [hbm4b:s1+s21], $0x80, s2, s21, $0xb8;
	[tilespmem:$0x1E800] =	vst v63  }
0x77: {  	s2 =	simm.s32 $0x80  }
0x78: {  	[tilespmem:s22], [sflag:$0x2] =	stream.indirect.gather [hbm4b:s1+s21], $0x80, s2, s21, $0xb8;
	[tilespmem:$0x1E800] =	vst v63  }
0x79: {  	_ =	swait.ge [sflag:s23], $0x4000  }
0x7a: {  	[sflag:s23] =	ssyncset.done $0x0  }
0x7b: {  	s2 =	simm.s32 $0x1400;
	[sflag:s23] =	ssyncadd.s32 $0xFFFFC000  }
0x7c: {  	[spmem:s3] =	stream.indirect.scatter.add.f32 [tilespmem:s17], [sflag:$0x3], $0x80, s2, s21, $0xb8;
	[tilespmem:$0x1E800] =	vst v63  }
0x7d: {  	_ =	swait.ge [sflag:s24], $0x4000  }
0x7e: {  	[sflag:s24] =	ssyncset.done $0x0  }
0x7f: {  	s2 =	simm.s32 $0x1480;
	[sflag:s24] =	ssyncadd.s32 $0xFFFFC000  }
0x80: {  	[spmem:s3] =	stream.indirect.scatter.add.f32 [tilespmem:s22], [sflag:$0x4], $0x80, s2, s21, $0xb8;
	[tilespmem:$0x1E800] =	vst v63  }
0x81: {  	_ =	swait.ge [sflag:s20], $0x4000  }
0x82: {  	[sflag:s20] =	ssyncset.done $0x0  }
0x83: {  	[sflag:s20] =	ssyncadd.s32 $0xFFFFC000  }
0x84: {  	_ =	swait.ge [sflag:s25], $0x4000  }
0x85: {  	s30 =	simm.s32 $0x400;
	s31 =	simm.s32 $0x800;
	[sflag:s25] =	ssyncset.done $0x0  }
.LBB2_4:
0x86: {  	s0 =	sshra.s32 s30, $0x2  }
0x87: {  	[sflag:s25] =	ssyncadd.s32 $0xFFFFC000;
	s30 =	smov.u32 s31;
	s2 =	sadd.s32 $0x400, s31  }
0x88: {  	[tilespmem:s17], [sflag:$0x1] =	stream.indirect.gather [hbm4b:s1+s21], $0x80, s0, s21, $0xb8;
	[tilespmem:$0x1E800] =	vst v63  }
0x89: {  	p0 =	sne.s32 s31, $0x4800;
	s31 =	sadd.s32 $0x80, s0  }
0x8a: {  	[tilespmem:s22], [sflag:$0x2] =	stream.indirect.gather [hbm4b:s1+s21], $0x80, s31, s21, $0xb8;
	[tilespmem:$0x1E800] =	vst v63  }
0x8b: {  	_ =	swait.ge [sflag:s23], $0x4000  }
0x8c: {  	[sflag:s23] =	ssyncset.done $0x0  }
0x8d: {  	s31 =	sadd.s32 $0x1400, s0;
	[sflag:s23] =	ssyncadd.s32 $0xFFFFC000  }
0x8e: {  	[spmem:s3] =	stream.indirect.scatter.add.f32 [tilespmem:s17], [sflag:$0x3], $0x80, s31, s21, $0xb8;
	[tilespmem:$0x1E800] =	vst v63  }
0x8f: {  	_ =	swait.ge [sflag:s24], $0x4000  }
0x90: {  	[sflag:s24] =	ssyncset.done $0x0  }
0x91: {  	s0 =	sadd.s32 $0x1480, s0;
	[sflag:s24] =	ssyncadd.s32 $0xFFFFC000  }
0x92: {  	[spmem:s3] =	stream.indirect.scatter.add.f32 [tilespmem:s22], [sflag:$0x4], $0x80, s0, s21, $0xb8;
	[tilespmem:$0x1E800] =	vst v63  }
.Ltmp1:
0x93: {  	_ =	swait.ge [sflag:s20], $0x4000;
	(pc) =	sbr.rel @p0 .LBB2_4-.Ltmp1, $4  }
0x94: {  	[sflag:s20] =	ssyncset.done $0x0  }
0x95: {  	[sflag:s20] =	ssyncadd.s32 $0xFFFFC000  }
0x96: {  	_ =	swait.ge [sflag:s25], $0x4000  }
0x97: {  	s31 =	smov.u32 s2;
	[sflag:s25] =	ssyncset.done $0x0  }
0x98: {  	s0 =	sshra.s32 s30, $0x2;
	[sflag:s25] =	ssyncadd.s32 $0xFFFFC000  }
0x99: {  	[tilespmem:s17], [sflag:$0x1] =	stream.indirect.gather [hbm4b:s1+s21], $0x80, s0, s21, $0xb8;
	[tilespmem:$0x1E800] =	vst v63  }
0x9a: {  	s2 =	sadd.s32 $0x80, s0  }
0x9b: {  	[tilespmem:s22], [sflag:$0x2] =	stream.indirect.gather [hbm4b:s1+s21], $0x80, s2, s21, $0xb8;
	[tilespmem:$0x1E800] =	vst v63  }
0x9c: {  	_ =	swait.ge [sflag:s23], $0x4000  }
0x9d: {  	[sflag:s23] =	ssyncset.done $0x0  }
0x9e: {  	s31 =	sadd.s32 $0x1400, s0;
	[sflag:s23] =	ssyncadd.s32 $0xFFFFC000  }
0x9f: {  	[spmem:s3] =	stream.indirect.scatter.add.f32 [tilespmem:s17], [sflag:$0x3], $0x80, s31, s21, $0xb8;
	[tilespmem:$0x1E800] =	vst v63  }
0xa0: {  	_ =	swait.ge [sflag:s24], $0x4000  }
0xa1: {  	[sflag:s24] =	ssyncset.done $0x0  }
0xa2: {  	s0 =	sadd.s32 $0x1480, s0;
	[sflag:s24] =	ssyncadd.s32 $0xFFFFC000  }
0xa3: {  	[spmem:s3] =	stream.indirect.scatter.add.f32 [tilespmem:s22], [sflag:$0x4], $0x80, s0, s21, $0xb8;
	[tilespmem:$0x1E800] =	vst v63  }
0xa4: {  	_ =	swait.ge [sflag:s20], $0x4000  }
0xa5: {  	[sflag:s20] =	ssyncset.done $0x0  }
0xa6: {  	[sflag:s20] =	ssyncadd.s32 $0xFFFFC000  }
0xa7: {  	_ =	swait.ge [sflag:s25], $0x4000  }
0xa8: {  	[sflag:s25] =	ssyncset.done $0x0  }
0xa9: {  	[sflag:s25] =	ssyncadd.s32 $0xFFFFC000  }
0xaa: {  	[tilespmem:s17], [sflag:$0x1] =	stream.indirect.gather [hbm4b:s1+s21], $0x80, s26, s21, $0xb8;
	[tilespmem:$0x1E800] =	vst v63  }
0xab: {  	_ =	swait.ge [sflag:s23], $0x4000  }
0xac: {  	[sflag:s23] =	ssyncset.done $0x0  }
0xad: {  	[sflag:s23] =	ssyncadd.s32 $0xFFFFC000  }
0xae: {  	[spmem:s3] =	stream.indirect.scatter.add.f32 [tilespmem:s17], [sflag:$0x3], $0x80, s28, s21, $0xb8;
	[tilespmem:$0x1E800] =	vst v63  }
0xaf: {  	_ =	swait.ge [sflag:s20], $0x4000  }
0xb0: {  	s30 =	sshll.u32 s4, $0x6;
	s29 =	sadd.s32 $0x1, s29;
	[sflag:s20] =	ssyncset.done $0x0  }
0xb1: {  	p0 =	sne.s32 s29, s12;
	s31 =	sshrl.u32 s6, $0x3;
	[sflag:s20] =	ssyncadd.s32 $0xFFFFC000  }
.Ltmp2:
0xb2: {  	s0 =	sor.u32 $0x1C05, s30;
	[bflag:$0x0] =	sbarrier.arrive $0xFFFF;
	(pc) =	sbr.rel @p0 .LBB2_1-.Ltmp2, $4  }
0xb3: {  	[hbm:s11], [sflag:s0] =	dma.local [spmem:s31], $0x2800  }
0xb4: {  	_ =	swait.ge [sflag:s18], $0x2800  }
0xb5: {  	[sflag:s18] =	ssyncset.done $0x0  }
0xb6: {  	[sflag:s18] =	ssyncadd.s32 $0xFFFFD800  }
0xb7: {  	_ =	sfence.sel $0x180000  }
0xb8: {  	[bflag:$0x0] =	sbarrier.arrive $0xFFFF  }
0xb9: {  	_ =	strace $0x90000050  }
0xba: {  	[bflag:$0x2] =	sbarrier.arrive $0xFFFF  }
0xbb: {  	p0 =	sne.s32 s4, $0x0;
	s0 =	rddreg [dreg:$0x4]  }
0xbc: {  	s0 =	sadd.s32 @!p0 $0x100000, s0  }
0xbd: {  	[sflag:s0] =	ssyncadd.tile.s32 @!p0 $0x1;
	_ =	shalt  }
.Lfunc_end2:
_tile_overlayer_lowered:
.L_overlay_start_2:
0xbe: {  	(tag) =	ssettag $0x2  }
0xbf: {  	s0 =	rddreg [dreg:$0x0];
	s2 =	stileid.u32  }
0xc0: {  	s1 =	rddreg [dreg:$0x1];
	p0 =	sne.s32 s2, $0x0  }
0xc1: {  	s3 =	rddreg [dreg:$0x2];
	[bflag:$0x3] =	sbarrier.arrive $0xFFFF;
	s2 =	simm.s32 @!p0 $0x1C05  }
0xc2: {  	[timem:s3], [sflag:s2] =	dma.local @!p0 [hbm:s0], s1  }
0xc3: {  	s0 =	simm.s32 @!p0 $0x5  }
0xc4: {  	_ =	swait.ge @!p0 [sflag:s0], s1  }
0xc5: {  	s1 =	ssub.s32 @!p0 $0x0, s1;
	[sflag:s0] =	ssyncset.done @!p0 $0x0  }
0xc6: {  	[sflag:s0] =	ssyncadd.s32 @!p0 s1  }
0xc7: {  	[bflag:$0x3] =	sbarrier.arrive $0xFFFF  }
0xc8: {  	_ =	shalt  }

// kernel: kernel.24.cloned.1.call-start
scs
__scs_entry_jumppad:
0x0: {  	(pc) =	sbr.rel $0x88, $3  }
0x1: {  	(tag) =	ssettag $0x0;
	lr =	simm.s32 $0x1  }
0x2: {  	[smem:$0x3F74] =	sst lr;
	_ =	strace $0xD0000000  }
0x3: {  	_ = 	snop  }
0x4: {  	_ = 	snop  }
0x5: {  	_ = 	snop  }
0x6: {  	_ = 	snop  }
0x7: {  	_ = 	snop  }
__scs_overlays_trampoline_lowered:
0x8: {  	[smem:$0x3F83] =	sst s0  }
0x9: {  	[smem:$0x3F84] =	sst s1  }
0xa: {  	[smem:$0x3F85] =	sst s2  }
0xb: {  	[smem:$0x3F86] =	sst s3  }
0xc: {  	[smem:$0x3F87] =	sst s4  }
0xd: {  	[smem:$0x3F88] =	sst s5  }
0xe: {  	[smem:$0x3F89] =	sst s6  }
0xf: {  	[smem:$0x3F8A] =	sst s7  }
0x10: {  	[smem:$0x3F8B] =	sst s8  }
0x11: {  	[smem:$0x3F8C] =	sst s9;
	s0 =	simm.s32 @!p0 $0x0  }
0x12: {  	s1 =	sld [smem:$0x3F72];
	s0 =	simm.s32 @p0 $0x1  }
0x13: {  	[smem:$0x3F8D] =	sst s0;
	s0 =	simm.s32 @!p1 $0x0  }
0x14: {  	s2 =	sld [smem:$0x3F71];
	s0 =	simm.s32 @p1 $0x1  }
0x15: {  	[smem:$0x3F8E] =	sst s0;
	s0 =	simm.s32 @!p2 $0x0  }
0x16: {  	s3 =	sld [smem:$0x3FDB];
	s0 =	simm.s32 @p2 $0x1  }
0x17: {  	s4 =	simm.s32 $0x1BF5;
	[smem:$0x3F90] =	sst s0  }
0x18: {  	s0 =	sld [smem:$0x3F73];
	_ =	swait.ge [sflag:s4], $0x0  }
0x19: {  	s7 =	sld [smem:$0x3F74]  }
0x1a: {  	s8 =	sadd.s32 $0xFFFFE003, lr  }
0x1b: {  	s9 =	sadd.s32 $0xFFFFFEF7, lr;
	s5 =	simm.s32 $0xFFFFFFFF;
	p2 =	slt.u32 s8, $0xFFFFF086  }
0x1c: {  	p1 =	slt.u32 s9, $0xF7A;
	s5 =	simm.s32 @!p2 $0x0  }
0x1d: {  	s5 =	simm.s32 @p1 $0x1;
	p0 =	seq.s32 s7, s2  }
0x1e: {  	s7 =	smul.u32 @!p0 $0xF7A, s2;
	p2 =	seq.s32 @!p0 s5, $0x0  }
0x1f: {  	s9 =	smul.u32 $0xF7A, s1;
	s8 =	simm.s32 @!p0 $0x1BF5;
	p2 =	por !p2, p0  }
0x20: {  	[sflag:s8] =	ssyncset.s32 @!p0 $0xFFFFF086;
	s6 =	sadd.s32 @!p0 s3, s7;
	s7 =	simm.s32 @!p0 $0x108  }
0x21: {  	s3 =	sadd.s32 s3, s9;
	s6 =	sadd.s32 @!p0 $0x88, s6;
	s7 =	simm.s32 @p2 $0x1082  }
0x22: {  	[simem:s7], [sflag:s8] =	dma.local @!p0 [hbm:s6], $0xF7A  }
0x23: {  	s9 =	sor.u32 $0xD0000000, s2;
	s6 =	simm.s32 $0x108;
	_ =	swait.ge @!p0 [sflag:s8], $0x0  }
0x24: {  	s3 =	sadd.s32 $0x88, s3;
	s6 =	simm.s32 @!p1 $0x1082;
	[sflag:s4] =	ssyncset.s32 $0xFFFFF086  }
0x25: {  	[simem:s6], [sflag:s4] =	dma.local [hbm:s3], $0xF7A  }
0x26: {  	[smem:$0x3F74] =	sst s1;
	(tag) =	ssettag s2;
	_ =	strace s9  }
0x27: {  	s1 =	sld [smem:$0x3F84]  }
0x28: {  	s2 =	sld [smem:$0x3F85]  }
0x29: {  	s4 =	sld [smem:$0x3F87]  }
0x2a: {  	p0 =	seq.s32 s5, $0x0;
	s5 =	sld [smem:$0x3F88]  }
0x2b: {  	s6 =	sld [smem:$0x3F89]  }
0x2c: {  	s7 =	sld [smem:$0x3F8A]  }
0x2d: {  	s3 =	simm.s32 $0x108;
	s8 =	sld [smem:$0x3F8B]  }
0x2e: {  	s3 =	simm.s32 @!p0 $0x1082;
	s9 =	sld [smem:$0x3F8C]  }
0x2f: {  	lr =	sadd.s32 s0, s3;
	s0 =	sld [smem:$0x3F83]  }
0x30: {  	s3 =	sld [smem:$0x3F86]  }
0x31: {  	[smem:$0x3F8F] =	sst s10  }
0x32: {  	s10 =	sld [smem:$0x3F8D];
	_ =	sdelay $0x3  }
0x33: {  	p0 =	seq.s32 s10, $0x1;
	s10 =	sld [smem:$0x3F8F];
	_ =	sdelay $0x3  }
0x34: {  	[smem:$0x3F8F] =	sst s10  }
0x35: {  	s10 =	sld [smem:$0x3F8E];
	_ =	sdelay $0x3  }
0x36: {  	p1 =	seq.s32 s10, $0x1;
	s10 =	sld [smem:$0x3F8F];
	_ =	sdelay $0x3  }
0x37: {  	[smem:$0x3F8F] =	sst s10  }
0x38: {  	s10 =	sld [smem:$0x3F90]  }
0x39: {  	_ = 	snop;
	(pc) =	sbr.ind lr, $3  }
0x3a: {  	_ = 	snop  }
0x3b: {  	_ = 	snop  }
0x3c: {  	p2 =	seq.s32 s10, $0x1;
	s10 =	sld [smem:$0x3F8F]  }
0x3d: {  	_ =	shalt  }
0x3e: {  	_ =	shalt  }
0x3f: {  	_ =	shalt  }
0x40: {  	_ =	shalt  }
0x41: {  	_ =	shalt  }
0x42: {  	_ =	shalt  }
0x43: {  	_ =	shalt  }
0x44: {  	_ =	shalt  }
0x45: {  	_ =	shalt  }
0x46: {  	_ =	shalt  }
0x47: {  	_ =	shalt  }
0x48: {  	_ =	shalt  }
0x49: {  	_ =	shalt  }
0x4a: {  	_ =	shalt  }
0x4b: {  	_ =	shalt  }
0x4c: {  	_ =	shalt  }
0x4d: {  	_ =	shalt  }
0x4e: {  	_ =	shalt  }
0x4f: {  	_ =	shalt  }
0x50: {  	_ =	shalt  }
0x51: {  	_ =	shalt  }
0x52: {  	_ =	shalt  }
0x53: {  	_ =	shalt  }
0x54: {  	_ =	shalt  }
0x55: {  	_ =	shalt  }
0x56: {  	_ =	shalt  }
0x57: {  	_ =	shalt  }
0x58: {  	_ =	shalt  }
0x59: {  	_ =	shalt  }
0x5a: {  	_ =	shalt  }
0x5b: {  	_ =	shalt  }
0x5c: {  	_ =	shalt  }
0x5d: {  	_ =	shalt  }
0x5e: {  	_ =	shalt  }
0x5f: {  	_ =	shalt  }
0x60: {  	_ =	shalt  }
0x61: {  	_ =	shalt  }
0x62: {  	_ =	shalt  }
0x63: {  	_ =	shalt  }
0x64: {  	_ =	shalt  }
0x65: {  	_ =	shalt  }
0x66: {  	_ =	shalt  }
0x67: {  	_ =	shalt  }
0x68: {  	_ =	shalt  }
0x69: {  	_ =	shalt  }
0x6a: {  	_ =	shalt  }
0x6b: {  	_ =	shalt  }
0x6c: {  	_ =	shalt  }
0x6d: {  	_ =	shalt  }
0x6e: {  	_ =	shalt  }
0x6f: {  	_ =	shalt  }
0x70: {  	_ =	shalt  }
0x71: {  	_ =	shalt  }
0x72: {  	_ =	shalt  }
0x73: {  	_ =	shalt  }
0x74: {  	_ =	shalt  }
0x75: {  	_ =	shalt  }
0x76: {  	_ =	shalt  }
0x77: {  	_ =	shalt  }
0x78: {  	_ =	shalt  }
0x79: {  	_ =	shalt  }
0x7a: {  	_ =	shalt  }
0x7b: {  	_ =	shalt  }
0x7c: {  	_ =	shalt  }
0x7d: {  	_ =	shalt  }
0x7e: {  	_ =	shalt  }
0x7f: {  	_ =	shalt  }
0x80: {  	_ =	shalt  }
0x81: {  	_ =	shalt  }
0x82: {  	_ =	shalt  }
0x83: {  	_ =	shalt  }
0x84: {  	_ =	shalt  }
0x85: {  	_ =	shalt  }
0x86: {  	_ =	shalt  }
0x87: {  	_ =	shalt  }
.Lfunc_end0:
.L_simem_size_0:
called_computation.4_lowered:
.L_overlay_start_0:
0x88: {  	s2 =	sld [smem:$0x3FD9]  }
0x89: {  	s3 =	sld [smem:$0x3FFE];
	_ =	sdelay $0x1  }
0x8a: {  	s1 =	srdreg.scid  }
0x8b: {  	s0 =	sand.u32 $0x1, s1  }
0x8c: {  	s14 =	sshll.u32 s0, $0xA;
	s2 =	sadd.s32 s3, s2  }
0x8d: {  	s2 =	sadd.s32 s2, s14  }
0x8e: {  	[smem:$0x3F9B] =	sst s2  }
0x8f: {  	_ = 	snop  }
0x90: {  	s2 =	sld [smem:$0x3FD0];
	_ =	sdelay $0x2  }
0x91: {  	s15 =	simm.s32 $0xA;
	s4 =	simm.s32 $0x10  }
0x92: {  	[smem:s4], [sflag:s15] =	dma.local [hbm:s2], $0x1  }
0x93: {  	_ =	swait.eq [sflag:s15], $0x1  }
0x94: {  	[sflag:s15] =	ssyncset.done $0x0  }
0x95: {  	s16 =	sld [smem:$0x10];
	[sflag:s15] =	ssyncadd.s32 $0xFFFFFFFF  }
0x96: {  	s17 =	sld [smem:$0x11];
	(tm) =	ssettm $0x1  }
0x97: {  	s18 =	sld [smem:$0x3FFB];
	_ =	sdelay $0x3  }
0x98: {  	_ =	strace s18  }
0x99: {  	s4 =	sld [smem:$0x3FFC];
	_ =	sdelay $0x3  }
0x9a: {  	_ =	strace s4  }
0x9b: {  	s4 =	sld [smem:$0x3FFD];
	_ =	sdelay $0x3  }
0x9c: {  	_ =	strace s4  }
0x9d: {  	_ =	strace $0x8FFFFFFF  }
0x9e: {  	s19 =	sld [smem:$0x3FDB];
	_ =	sdelay $0x1  }
0x9f: {  	s5 =	simm.s32 $_scs_section_size  }
0xa0: {  	s6 =	simm.s32 $_size__tile_overlayer_lowered;
	s7 =	simm.s32 $_tile_overlayer_lowered  }
0xa1: {  	s22 =	simm.s32 $0x1BFF;
	s21 =	sshll.u32 s7, $0x1;
	s4 =	sadd.s32 s5, s19  }
0xa2: {  	s8 =	simm.s32 $0x0;
	s20 =	sshll.u32 s6, $0x1;
	s6 =	sadd.s32 s21, s4  }
0xa3: {  	[timem:s8], [sflag:s22] =	dma.local [hbm:s6], s20  }
0xa4: {  	_ =	swait.ge [sflag:s22], s20  }
0xa5: {  	s5 =	ssub.s32 $0x0, s20;
	[sflag:s22] =	ssyncset.done $0x0  }
0xa6: {  	[sflag:s22] =	ssyncadd.s32 s5;
	_ =	sdelay $0x1  }
0xa7: {  	s23 =	simm.s32 $0x1B8B  }
0xa8: {  	_ =	swait.ge [sflag:s23], $0x1  }
0xa9: {  	[sflag:s23] =	ssyncset.done $0x0  }
0xaa: {  	s25 =	simm.s32 $0x1B8E;
	s24 =	sld [smem:$0x3FFE];
	[sflag:s23] =	ssyncadd.s32 $0xFFFFFFFF  }
0xab: {  	s26 =	simm.s32 $execute0_lowered;
	[smem:$0x3FD2] =	sst s25  }
0xac: {  	s6 =	sshll.u32 s26, $0x1;
	_ =	strace $0x80000052;
	[dreg:$0x1] =	wrdreg $0xFFFFFFFF  }
0xad: {  	s28 =	simm.s32 $_size_execute0_lowered;
	s4 =	sadd.s32 s4, s6;
	[dreg:$0x0] =	wrdreg $0x0  }
0xae: {  	s6 =	sshll.u32 s28, $0x1;
	[dreg:$0x2] =	wrdreg s4  }
0xaf: {  	[dreg:$0x3] =	wrdreg s6  }
0xb0: {  	[dreg:$0x4] =	wrdreg $0xC0  }
0xb1: {  	_ =	task [dreg:s8], $0x5FFFF  }
0xb2: {  	[dreg:$0x1] =	wrdreg $0xFFFFFFFF  }
0xb3: {  	[dreg:$0x0] =	wrdreg $0x60  }
0xb4: {  	[dreg:$0x2] =	wrdreg s17  }
0xb5: {  	[dreg:$0x3] =	wrdreg s24  }
0xb6: {  	[dreg:$0x4] =	wrdreg s16  }
0xb7: {  	[dreg:$0x5] =	wrdreg $0xA8000  }
0xb8: {  	[dreg:$0x6] =	wrdreg $0x9  }
0xb9: {  	_ =	task.clear_ibuf [dreg:s8], $0x7FFFF;
	_ =	strace $0x90000052  }
0xba: {  	s29 =	simm.s32 $0x9;
	_ =	strace $0x80000054  }
0xbb: {  	_ =	swait.ge [sflag:s29], $0x1  }
0xbc: {  	[sflag:s29] =	ssyncadd.s32 $0xFFFFFFFF  }
0xbd: {  	_ =	strace $0x90000054  }
0xbe: {  	_ =	sfence  }
0xbf: {  	s30 =	sld [smem:$0x0];
	_ =	sdelay $0x2  }
0xc0: {  	s31 =	sshll.u32 s1, $0xD;
	s1 =	sshrl.u32 s1, $0x2  }
0xc1: {  	s3 =	sand.u32 $0x4000, s31;
	s1 =	sadd.s32 s1, s30  }
0xc2: {  	s0 =	sor.u32 s3, s0;
	s1 =	sshll.u32 s1, $0x11  }
0xc3: {  	s0 =	sor.u32 s1, s0  }
0xc4: {  	s0 =	sadd.s32 $0x8F2B, s0  }
0xc5: {  	[sflag:s0] =	ssyncadd.remote.s32 $0x1  }
0xc6: {  	_ =	sfence.sel $0xFFFF  }
0xc7: {  	[dreg:$0x0] =	wrdreg $0xFFFFFFFF;
	(pc) =	sbr.abs _section_cstart, $3  }
0xc8: {  	[dreg:$0x1] =	wrdreg $0xFFFFFFFF  }
0xc9: {  	_ =	task.clear_ibuf [dreg:s8], $0x2FFFF;
	_ =	strace $0x9FFFFFFF  }
0xca: {  	(tm) =	ssettm $0x7FFFFFFF  }
0xcb: {  	_ =	shalt  }
tec
execute0_lowered:
.L_overlay_start_1:
0x0: {  	(tag) =	ssettag $0x1  }
0x1: {  	s1 =	rddreg [dreg:$0x0]  }
0x2: {  	s6 =	rddreg [dreg:$0x1]  }
0x3: {  	s3 =	rddreg [dreg:$0x3];
	s4 =	srdreg.scid  }
0x4: {  	s5 =	simm.s32 $0x0;
	s17 =	simm.s32 $0x2800;
	s18 =	simm.s32 $0x5  }
0x5: {  	s19 =	simm.s32 $0x1400;
	s20 =	simm.s32 $0x3;
	s21 =	simm.s32 $0x80  }
0x6: {  	s22 =	simm.s32 $0x6800;
	s28 =	simm.s32 $0x2700;
	s29 =	simm.s32 $0x0  }
0x7: {  	s7 =	sand.u32 $0x1, s4;
	s4 =	stileid.u32;
	[smem:$0x7FF] =	sst s5  }
0x8: {  	s10 =	sadd.s32 $0x14400, s6;
	s12 =	sadd.s32 $0xA400, s6;
	s8 =	smul.u32 $0x140000, s7  }
0x9: {  	s9 =	smul.u32 $0x14000, s4;
	_ =	strace $0x80000053;
	s11 =	sshll.u32 s4, $0x1  }
0xa: {  	s24 =	smul.u32 $0x50000, s4;
	s23 =	sor.u32 s7, s11;
	s7 =	ssub.s32 $0x2, s7  }
0xb: {  	s8 =	sadd.s32 s9, s8;
	s9 =	smul.u32 $0x2800, s23;
	s25 =	sshrl.u32 s7, $0x1  }
0xc: {  	s26 =	sshrl.u32 s24, $0x2;
	s23 =	simm.s32 $0x1;
	s24 =	simm.s32 $0x2  }
0xd: {  	s8 =	sshrl.u32 s8, $0x3;
	s14 =	ssub.s32 s7, s25;
	s25 =	simm.s32 $0x4  }
0xe: {  	s13 =	sadd.s32 s8, s6;
	s30 =	sshrl.u32 s9, $0x3;
	s6 =	sadd.s32 s26, s3  }
0xf: {  	s26 =	simm.s32 $0x1300;
	s7 =	sadd.s32 s10, s30;
	s31 =	sadd.s32 $0x280, s30  }
0x10: {  	s8 =	sadd.s32 s12, s30;
	s11 =	sadd.s32 $0x1E400, s13;
	s13 =	sadd.s32 $0x4000, s6  }
0x11: {  	s15 =	sadd.s32 $0xC000, s6;
	s16 =	sadd.s32 $0x10000, s6;
	s9 =	sadd.s32 s10, s31  }
0x12: {  	s10 =	sadd.s32 s12, s31;
	s12 =	smax.u32 s14, $0x1;
	s14 =	sadd.s32 $0x8000, s6  }
.LBB2_1:
0x13: {  	s0 =	rddreg [dreg:$0x2]  }
0x14: {  	[tilespmem:s17], [sflag:$0x5] =	stream.linear.gather [hbm4b:s0+s5], $0x4000, $0x38;
	[tilespmem:$0x1E800] =	vst v63  }
0x15: {  	_ =	swait.ge [sflag:s18], $0x4000  }
0x16: {  	[sflag:s18] =	ssyncset.done $0x0  }
0x17: {  	[sflag:s18] =	ssyncadd.s32 $0xFFFFC000  }
0x18: {  	[spmem:s6] =	stream.linear.scatter [tilespmem:s17], [sflag:$0x3], $0x4000, $0x38;
	[tilespmem:$0x1E800] =	vst v63  }
0x19: {  	_ = 	snop  }
0x1a: {  	[spmem:s13] =	stream.linear.scatter [tilespmem:s17], [sflag:$0x3], $0x4000, $0x38;
	[tilespmem:$0x1E800] =	vst v63  }
0x1b: {  	_ = 	snop  }
0x1c: {  	[spmem:s14] =	stream.linear.scatter [tilespmem:s17], [sflag:$0x3], $0x4000, $0x38;
	[tilespmem:$0x1E800] =	vst v63  }
0x1d: {  	_ = 	snop  }
0x1e: {  	[spmem:s15] =	stream.linear.scatter [tilespmem:s17], [sflag:$0x3], $0x4000, $0x38;
	[tilespmem:$0x1E800] =	vst v63  }
0x1f: {  	_ = 	snop  }
0x20: {  	[spmem:s16] =	stream.linear.scatter [tilespmem:s17], [sflag:$0x3], $0x4000, $0x38;
	[tilespmem:$0x1E800] =	vst v63  }
0x21: {  	_ = 	snop  }
0x22: {  	[tilespmem:s5], [sflag:$0x5] =	stream.linear.gather [hbm4b:s7+s5], $0x1400, $0x38;
	[tilespmem:$0x1E800] =	vst v63  }
0x23: {  	_ =	swait.ge [sflag:s18], $0x1400  }
0x24: {  	[sflag:s18] =	ssyncset.done $0x0  }
0x25: {  	[sflag:s18] =	ssyncadd.s32 $0xFFFFEC00  }
0x26: {  	[tilespmem:s19], [sflag:$0x5] =	stream.linear.gather [hbm4b:s8+s5], $0x1400, $0x38;
	[tilespmem:$0x1E800] =	vst v63  }
0x27: {  	_ =	swait.ge [sflag:s18], $0x1400  }
0x28: {  	[sflag:s18] =	ssyncset.done $0x0  }
0x29: {  	[sflag:s18] =	ssyncadd.s32 $0xFFFFEC00  }
0x2a: {  	_ =	swait.ge [sflag:s20], $0x4000  }
0x2b: {  	[sflag:s20] =	ssyncset.done $0x0  }
0x2c: {  	[sflag:s20] =	ssyncadd.s32 $0xFFFFC000  }
0x2d: {  	_ =	swait.ge [sflag:s20], $0x4000  }
0x2e: {  	[sflag:s20] =	ssyncset.done $0x0  }
0x2f: {  	[sflag:s20] =	ssyncadd.s32 $0xFFFFC000  }
0x30: {  	_ =	swait.ge [sflag:s20], $0x4000  }
0x31: {  	[sflag:s20] =	ssyncset.done $0x0  }
0x32: {  	[sflag:s20] =	ssyncadd.s32 $0xFFFFC000  }
0x33: {  	_ =	swait.ge [sflag:s20], $0x4000  }
0x34: {  	[sflag:s20] =	ssyncset.done $0x0  }
0x35: {  	[sflag:s20] =	ssyncadd.s32 $0xFFFFC000  }
0x36: {  	_ =	swait.ge [sflag:s20], $0x4000  }
0x37: {  	[sflag:s20] =	ssyncset.done $0x0  }
0x38: {  	[sflag:s20] =	ssyncadd.s32 $0xFFFFC000  }
0x39: {  	s30 =	simm.s32 $0x0;
	[bflag:$0x0] =	sbarrier.arrive $0xFFFF  }
0x3a: {  	[tilespmem:s17], [sflag:$0x1] =	stream.indirect.gather [hbm4b:s1+s21], $0x80, s30, s21, $0xb8;
	[tilespmem:$0x1E800] =	vst v63  }
0x3b: {  	s30 =	simm.s32 $0x80  }
0x3c: {  	[tilespmem:s22], [sflag:$0x2] =	stream.indirect.gather [hbm4b:s1+s21], $0x80, s30, s21, $0xb8;
	[tilespmem:$0x1E800] =	vst v63  }
0x3d: {  	_ =	swait.ge [sflag:s23], $0x4000  }
0x3e: {  	[sflag:s23] =	ssyncset.done $0x0  }
0x3f: {  	s30 =	simm.s32 $0x1400;
	[sflag:s23] =	ssyncadd.s32 $0xFFFFC000  }
0x40: {  	[spmem:s3] =	stream.indirect.scatter.add.f32 [tilespmem:s17], [sflag:$0x3], $0x80, s30, s21, $0xb8;
	[tilespmem:$0x1E800] =	vst v63  }
0x41: {  	_ =	swait.ge [sflag:s24], $0x4000  }
0x42: {  	[sflag:s24] =	ssyncset.done $0x0  }
0x43: {  	s30 =	simm.s32 $0x1480;
	[sflag:s24] =	ssyncadd.s32 $0xFFFFC000  }
0x44: {  	[spmem:s3] =	stream.indirect.scatter.add.f32 [tilespmem:s22], [sflag:$0x4], $0x80, s30, s21, $0xb8;
	[tilespmem:$0x1E800] =	vst v63  }
0x45: {  	_ =	swait.ge [sflag:s20], $0x4000  }
0x46: {  	[sflag:s20] =	ssyncset.done $0x0  }
0x47: {  	[sflag:s20] =	ssyncadd.s32 $0xFFFFC000  }
0x48: {  	_ =	swait.ge [sflag:s25], $0x4000  }
0x49: {  	s31 =	simm.s32 $0x800;
	s30 =	simm.s32 $0x400;
	[sflag:s25] =	ssyncset.done $0x0  }
.LBB2_2:
0x4a: {  	s0 =	sshra.s32 s30, $0x2  }
0x4b: {  	[sflag:s25] =	ssyncadd.s32 $0xFFFFC000;
	s30 =	smov.u32 s31;
	s2 =	sadd.s32 $0x400, s31  }
0x4c: {  	[tilespmem:s17], [sflag:$0x1] =	stream.indirect.gather [hbm4b:s1+s21], $0x80, s0, s21, $0xb8;
	[tilespmem:$0x1E800] =	vst v63  }
0x4d: {  	p0 =	sne.s32 s31, $0x4C00;
	s31 =	sadd.s32 $0x80, s0  }
0x4e: {  	[tilespmem:s22], [sflag:$0x2] =	stream.indirect.gather [hbm4b:s1+s21], $0x80, s31, s21, $0xb8;
	[tilespmem:$0x1E800] =	vst v63  }
0x4f: {  	_ =	swait.ge [sflag:s23], $0x4000  }
0x50: {  	[sflag:s23] =	ssyncset.done $0x0  }
0x51: {  	s31 =	sadd.s32 $0x1400, s0;
	[sflag:s23] =	ssyncadd.s32 $0xFFFFC000  }
0x52: {  	[spmem:s3] =	stream.indirect.scatter.add.f32 [tilespmem:s17], [sflag:$0x3], $0x80, s31, s21, $0xb8;
	[tilespmem:$0x1E800] =	vst v63  }
0x53: {  	_ =	swait.ge [sflag:s24], $0x4000  }
0x54: {  	[sflag:s24] =	ssyncset.done $0x0  }
0x55: {  	s0 =	sadd.s32 $0x1480, s0;
	[sflag:s24] =	ssyncadd.s32 $0xFFFFC000  }
0x56: {  	[spmem:s3] =	stream.indirect.scatter.add.f32 [tilespmem:s22], [sflag:$0x4], $0x80, s0, s21, $0xb8;
	[tilespmem:$0x1E800] =	vst v63  }
.Ltmp0:
0x57: {  	_ =	swait.ge [sflag:s20], $0x4000;
	(pc) =	sbr.rel @p0 .LBB2_2-.Ltmp0, $4  }
0x58: {  	[sflag:s20] =	ssyncset.done $0x0  }
0x59: {  	[sflag:s20] =	ssyncadd.s32 $0xFFFFC000  }
0x5a: {  	_ =	swait.ge [sflag:s25], $0x4000  }
0x5b: {  	s31 =	smov.u32 s2;
	[sflag:s25] =	ssyncset.done $0x0  }
0x5c: {  	s0 =	sshra.s32 s30, $0x2;
	[sflag:s25] =	ssyncadd.s32 $0xFFFFC000  }
0x5d: {  	[tilespmem:s17], [sflag:$0x1] =	stream.indirect.gather [hbm4b:s1+s21], $0x80, s0, s21, $0xb8;
	[tilespmem:$0x1E800] =	vst v63  }
0x5e: {  	s2 =	sadd.s32 $0x80, s0  }
0x5f: {  	[tilespmem:s22], [sflag:$0x2] =	stream.indirect.gather [hbm4b:s1+s21], $0x80, s2, s21, $0xb8;
	[tilespmem:$0x1E800] =	vst v63  }
0x60: {  	_ =	swait.ge [sflag:s23], $0x4000  }
0x61: {  	[sflag:s23] =	ssyncset.done $0x0  }
0x62: {  	s2 =	sadd.s32 $0x1400, s0;
	[sflag:s23] =	ssyncadd.s32 $0xFFFFC000  }
0x63: {  	[spmem:s3] =	stream.indirect.scatter.add.f32 [tilespmem:s17], [sflag:$0x3], $0x80, s2, s21, $0xb8;
	[tilespmem:$0x1E800] =	vst v63  }
0x64: {  	_ =	swait.ge [sflag:s24], $0x4000  }
0x65: {  	[sflag:s24] =	ssyncset.done $0x0  }
0x66: {  	s0 =	sadd.s32 $0x1480, s0;
	[sflag:s24] =	ssyncadd.s32 $0xFFFFC000  }
0x67: {  	[spmem:s3] =	stream.indirect.scatter.add.f32 [tilespmem:s22], [sflag:$0x4], $0x80, s0, s21, $0xb8;
	[tilespmem:$0x1E800] =	vst v63  }
0x68: {  	_ =	swait.ge [sflag:s20], $0x4000  }
0x69: {  	[sflag:s20] =	ssyncset.done $0x0  }
0x6a: {  	[sflag:s20] =	ssyncadd.s32 $0xFFFFC000  }
0x6b: {  	_ =	swait.ge [sflag:s25], $0x4000  }
0x6c: {  	[sflag:s25] =	ssyncset.done $0x0  }
0x6d: {  	s2 =	simm.s32 $0x0;
	[sflag:s25] =	ssyncadd.s32 $0xFFFFC000  }
0x6e: {  	[tilespmem:s2], [sflag:$0x5] =	stream.linear.gather [hbm4b:s9+s2], $0x1380, $0x38;
	[tilespmem:$0x1E800] =	vst v63  }
0x6f: {  	_ =	swait.ge [sflag:s18], $0x1380  }
0x70: {  	[sflag:s18] =	ssyncset.done $0x0  }
0x71: {  	[sflag:s18] =	ssyncadd.s32 $0xFFFFEC80  }
0x72: {  	[tilespmem:s19], [sflag:$0x5] =	stream.linear.gather [hbm4b:s10+s2], $0x1380, $0x38;
	[tilespmem:$0x1E800] =	vst v63  }
0x73: {  	_ =	swait.ge [sflag:s18], $0x1380  }
0x74: {  	[sflag:s18] =	ssyncset.done $0x0  }
0x75: {  	s2 =	simm.s32 $0x0;
	[sflag:s18] =	ssyncadd.s32 $0xFFFFEC80  }
0x76: {  	[tilespmem:s17], [sflag:$0x1] =	stream.indirect.gather [hbm4b:s1+s21], $0x80, s2, s21, $0xb8;
	[tilespmem:$0x1E800] =	vst v63  }
0x77: {  	s2 =	simm.s32 $0x80  }
0x78: {  	[tilespmem:s22], [sflag:$0x2] =	stream.indirect.gather [hbm4b:s1+s21], $0x80, s2, s21, $0xb8;
	[tilespmem:$0x1E800] =	vst v63  }
0x79: {  	_ =	swait.ge [sflag:s23], $0x4000  }
0x7a: {  	[sflag:s23] =	ssyncset.done $0x0  }
0x7b: {  	s2 =	simm.s32 $0x1400;
	[sflag:s23] =	ssyncadd.s32 $0xFFFFC000  }
0x7c: {  	[spmem:s3] =	stream.indirect.scatter.add.f32 [tilespmem:s17], [sflag:$0x3], $0x80, s2, s21, $0xb8;
	[tilespmem:$0x1E800] =	vst v63  }
0x7d: {  	_ =	swait.ge [sflag:s24], $0x4000  }
0x7e: {  	[sflag:s24] =	ssyncset.done $0x0  }
0x7f: {  	s2 =	simm.s32 $0x1480;
	[sflag:s24] =	ssyncadd.s32 $0xFFFFC000  }
0x80: {  	[spmem:s3] =	stream.indirect.scatter.add.f32 [tilespmem:s22], [sflag:$0x4], $0x80, s2, s21, $0xb8;
	[tilespmem:$0x1E800] =	vst v63  }
0x81: {  	_ =	swait.ge [sflag:s20], $0x4000  }
0x82: {  	[sflag:s20] =	ssyncset.done $0x0  }
0x83: {  	[sflag:s20] =	ssyncadd.s32 $0xFFFFC000  }
0x84: {  	_ =	swait.ge [sflag:s25], $0x4000  }
0x85: {  	s30 =	simm.s32 $0x400;
	s31 =	simm.s32 $0x800;
	[sflag:s25] =	ssyncset.done $0x0  }
.LBB2_4:
0x86: {  	s0 =	sshra.s32 s30, $0x2  }
0x87: {  	[sflag:s25] =	ssyncadd.s32 $0xFFFFC000;
	s30 =	smov.u32 s31;
	s2 =	sadd.s32 $0x400, s31  }
0x88: {  	[tilespmem:s17], [sflag:$0x1] =	stream.indirect.gather [hbm4b:s1+s21], $0x80, s0, s21, $0xb8;
	[tilespmem:$0x1E800] =	vst v63  }
0x89: {  	p0 =	sne.s32 s31, $0x4800;
	s31 =	sadd.s32 $0x80, s0  }
0x8a: {  	[tilespmem:s22], [sflag:$0x2] =	stream.indirect.gather [hbm4b:s1+s21], $0x80, s31, s21, $0xb8;
	[tilespmem:$0x1E800] =	vst v63  }
0x8b: {  	_ =	swait.ge [sflag:s23], $0x4000  }
0x8c: {  	[sflag:s23] =	ssyncset.done $0x0  }
0x8d: {  	s31 =	sadd.s32 $0x1400, s0;
	[sflag:s23] =	ssyncadd.s32 $0xFFFFC000  }
0x8e: {  	[spmem:s3] =	stream.indirect.scatter.add.f32 [tilespmem:s17], [sflag:$0x3], $0x80, s31, s21, $0xb8;
	[tilespmem:$0x1E800] =	vst v63  }
0x8f: {  	_ =	swait.ge [sflag:s24], $0x4000  }
0x90: {  	[sflag:s24] =	ssyncset.done $0x0  }
0x91: {  	s0 =	sadd.s32 $0x1480, s0;
	[sflag:s24] =	ssyncadd.s32 $0xFFFFC000  }
0x92: {  	[spmem:s3] =	stream.indirect.scatter.add.f32 [tilespmem:s22], [sflag:$0x4], $0x80, s0, s21, $0xb8;
	[tilespmem:$0x1E800] =	vst v63  }
.Ltmp1:
0x93: {  	_ =	swait.ge [sflag:s20], $0x4000;
	(pc) =	sbr.rel @p0 .LBB2_4-.Ltmp1, $4  }
0x94: {  	[sflag:s20] =	ssyncset.done $0x0  }
0x95: {  	[sflag:s20] =	ssyncadd.s32 $0xFFFFC000  }
0x96: {  	_ =	swait.ge [sflag:s25], $0x4000  }
0x97: {  	s31 =	smov.u32 s2;
	[sflag:s25] =	ssyncset.done $0x0  }
0x98: {  	s0 =	sshra.s32 s30, $0x2;
	[sflag:s25] =	ssyncadd.s32 $0xFFFFC000  }
0x99: {  	[tilespmem:s17], [sflag:$0x1] =	stream.indirect.gather [hbm4b:s1+s21], $0x80, s0, s21, $0xb8;
	[tilespmem:$0x1E800] =	vst v63  }
0x9a: {  	s2 =	sadd.s32 $0x80, s0  }
0x9b: {  	[tilespmem:s22], [sflag:$0x2] =	stream.indirect.gather [hbm4b:s1+s21], $0x80, s2, s21, $0xb8;
	[tilespmem:$0x1E800] =	vst v63  }
0x9c: {  	_ =	swait.ge [sflag:s23], $0x4000  }
0x9d: {  	[sflag:s23] =	ssyncset.done $0x0  }
0x9e: {  	s31 =	sadd.s32 $0x1400, s0;
	[sflag:s23] =	ssyncadd.s32 $0xFFFFC000  }
0x9f: {  	[spmem:s3] =	stream.indirect.scatter.add.f32 [tilespmem:s17], [sflag:$0x3], $0x80, s31, s21, $0xb8;
	[tilespmem:$0x1E800] =	vst v63  }
0xa0: {  	_ =	swait.ge [sflag:s24], $0x4000  }
0xa1: {  	[sflag:s24] =	ssyncset.done $0x0  }
0xa2: {  	s0 =	sadd.s32 $0x1480, s0;
	[sflag:s24] =	ssyncadd.s32 $0xFFFFC000  }
0xa3: {  	[spmem:s3] =	stream.indirect.scatter.add.f32 [tilespmem:s22], [sflag:$0x4], $0x80, s0, s21, $0xb8;
	[tilespmem:$0x1E800] =	vst v63  }
0xa4: {  	_ =	swait.ge [sflag:s20], $0x4000  }
0xa5: {  	[sflag:s20] =	ssyncset.done $0x0  }
0xa6: {  	[sflag:s20] =	ssyncadd.s32 $0xFFFFC000  }
0xa7: {  	_ =	swait.ge [sflag:s25], $0x4000  }
0xa8: {  	[sflag:s25] =	ssyncset.done $0x0  }
0xa9: {  	[sflag:s25] =	ssyncadd.s32 $0xFFFFC000  }
0xaa: {  	[tilespmem:s17], [sflag:$0x1] =	stream.indirect.gather [hbm4b:s1+s21], $0x80, s26, s21, $0xb8;
	[tilespmem:$0x1E800] =	vst v63  }
0xab: {  	_ =	swait.ge [sflag:s23], $0x4000  }
0xac: {  	[sflag:s23] =	ssyncset.done $0x0  }
0xad: {  	[sflag:s23] =	ssyncadd.s32 $0xFFFFC000  }
0xae: {  	[spmem:s3] =	stream.indirect.scatter.add.f32 [tilespmem:s17], [sflag:$0x3], $0x80, s28, s21, $0xb8;
	[tilespmem:$0x1E800] =	vst v63  }
0xaf: {  	_ =	swait.ge [sflag:s20], $0x4000  }
0xb0: {  	s30 =	sshll.u32 s4, $0x6;
	s29 =	sadd.s32 $0x1, s29;
	[sflag:s20] =	ssyncset.done $0x0  }
0xb1: {  	p0 =	sne.s32 s29, s12;
	s31 =	sshrl.u32 s6, $0x3;
	[sflag:s20] =	ssyncadd.s32 $0xFFFFC000  }
.Ltmp2:
0xb2: {  	s0 =	sor.u32 $0x1C05, s30;
	[bflag:$0x0] =	sbarrier.arrive $0xFFFF;
	(pc) =	sbr.rel @p0 .LBB2_1-.Ltmp2, $4  }
0xb3: {  	[hbm:s11], [sflag:s0] =	dma.local [spmem:s31], $0x2800  }
0xb4: {  	_ =	swait.ge [sflag:s18], $0x2800  }
0xb5: {  	[sflag:s18] =	ssyncset.done $0x0  }
0xb6: {  	[sflag:s18] =	ssyncadd.s32 $0xFFFFD800  }
0xb7: {  	_ =	sfence.sel $0x180000  }
0xb8: {  	[bflag:$0x0] =	sbarrier.arrive $0xFFFF  }
0xb9: {  	_ =	strace $0x90000053  }
0xba: {  	[bflag:$0x2] =	sbarrier.arrive $0xFFFF  }
0xbb: {  	p0 =	sne.s32 s4, $0x0;
	s0 =	rddreg [dreg:$0x4]  }
0xbc: {  	s0 =	sadd.s32 @!p0 $0x100000, s0  }
0xbd: {  	[sflag:s0] =	ssyncadd.tile.s32 @!p0 $0x1;
	_ =	shalt  }
.Lfunc_end2:
_tile_overlayer_lowered:
.L_overlay_start_2:
0xbe: {  	(tag) =	ssettag $0x2  }
0xbf: {  	s0 =	rddreg [dreg:$0x0];
	s2 =	stileid.u32  }
0xc0: {  	s1 =	rddreg [dreg:$0x1];
	p0 =	sne.s32 s2, $0x0  }
0xc1: {  	s3 =	rddreg [dreg:$0x2];
	[bflag:$0x3] =	sbarrier.arrive $0xFFFF;
	s2 =	simm.s32 @!p0 $0x1C05  }
0xc2: {  	[timem:s3], [sflag:s2] =	dma.local @!p0 [hbm:s0], s1  }
0xc3: {  	s0 =	simm.s32 @!p0 $0x5  }
0xc4: {  	_ =	swait.ge @!p0 [sflag:s0], s1  }
0xc5: {  	s1 =	ssub.s32 @!p0 $0x0, s1;
	[sflag:s0] =	ssyncset.done @!p0 $0x0  }
0xc6: {  	[sflag:s0] =	ssyncadd.s32 @!p0 s1  }
0xc7: {  	[bflag:$0x3] =	sbarrier.arrive $0xFFFF  }
0xc8: {  	_ =	shalt  }

</sc_bundles>
